<compile_context>
chip_gen: v7x
topology: tpu7x:2x2x1
jax: 0.10.2.dev20260603
libtpu: 0.0.44.dev20260713+nightly
codegen_flags: <defaults>
</compile_context>

<pallas_src>
import functools

import jax
import jax.numpy as jnp
from jax import lax
from jax.experimental import pallas as pl
from jax.experimental.pallas import tpu as pltpu
from jax.experimental.pallas import tpu_sc as plsc

N = 10000
E = 320000
F = 128
NC = 2
NS = 16
NW = NC * NS
EPW = E // NW
CHUNKP = 128
NH = 4
NCHP = 20
EPWP = NH * NCHP * CHUNKP
NGRP = (NCHP * CHUNKP) // 16
GC = 64
CLEN = NCHP * CHUNKP + GC
NA = N + 16
DUMMY = N
ROWS_PER_SUB = 624
B = 5000
BPAD = 5120
BPW = BPAD // NW

_mesh = plsc.VectorSubcoreMesh(
    core_axis_name="c", subcore_axis_name="s", num_cores=NC, num_subcores=NS
)


@functools.partial(
    pl.kernel,
    out_type=(
        jax.ShapeDtypeStruct((NC, NA), jnp.float32),
        jax.ShapeDtypeStruct((NC, NA), jnp.float32),
    ),
    mesh=_mesh,
    scratch_types=[
        pltpu.VMEM((NCHP, CHUNKP), jnp.int32),
        pltpu.VMEM((2, BPW // 2), jnp.int32),
        pltpu.VMEM((CHUNKP,), jnp.float32),
        pltpu.VMEM_SHARED((NA,), jnp.float32),
        pltpu.VMEM_SHARED((NA,), jnp.float32),
    ],
)
def _deg_sc(dst_hbm, pid_hbm, zeros_hbm, cnt_hbm, pmk_hbm,
            dst_v, pid_v, ones_v, deg_sh, mask_sh):
    cid = lax.axis_index("c")
    sid = lax.axis_index("s")
    wid = cid * NS + sid
    for j in range(CHUNKP // 16):
        ones_v[pl.ds(j * 16, 16)] = jnp.ones((16,), jnp.float32)

    @pl.when(sid == 0)
    def _():
        pltpu.sync_copy(zeros_hbm, deg_sh)

    @pl.when(sid == 1)
    def _():
        pltpu.sync_copy(zeros_hbm, mask_sh)

    plsc.subcore_barrier()
    pltpu.sync_copy(pid_hbm.at[wid], pid_v)
    for j in range(2):
        pltpu.sync_copy(
            ones_v.at[pl.ds(0, BPW // 2)], mask_sh.at[pid_v.at[j]], add=True
        )
    for h in range(NH):
        pltpu.sync_copy(dst_hbm.at[wid, h], dst_v)

        @pl.loop(0, NCHP)
        def _(j):
            pltpu.sync_copy(ones_v, deg_sh.at[dst_v.at[j]], add=True)

    plsc.subcore_barrier()

    @pl.when(sid == 0)
    def _():
        pltpu.sync_copy(deg_sh, cnt_hbm.at[cid])

    @pl.when(sid == 1)
    def _():
        pltpu.sync_copy(mask_sh, pmk_hbm.at[cid])


def _gmul_body(x_ref, w_ref, cnt_ref, pmk_ref, g_ref, nf_ref):
    cnt = cnt_ref[...]
    deg = cnt[0, :N] + cnt[1, :N] + 1.0
    dinv = lax.rsqrt(deg)[:, None]
    h = jnp.dot(x_ref[...], w_ref[...], preferred_element_type=jnp.float32)
    g_ref[...] = h * dinv
    pmk = pmk_ref[...]
    need = jnp.where(pmk[0, :] + pmk[1, :] > 0.0, 1.0, 0.0)
    nf_ref[...] = need[:, None]


def _gmul(x, w, cnt, pmk):
    return pl.pallas_call(
        _gmul_body,
        out_shape=(
            jax.ShapeDtypeStruct((N, F), jnp.float32),
            jax.ShapeDtypeStruct((NA, 1), jnp.float32),
        ),
    )(x, w, cnt, pmk)


@functools.partial(
    pl.kernel,
    out_type=jax.ShapeDtypeStruct((NC, N, F), jnp.float32),
    mesh=_mesh,
    scratch_types=[
        pltpu.VMEM((NCHP, CHUNKP), jnp.int32),
        pltpu.VMEM((NCHP, CHUNKP), jnp.int32),
        pltpu.VMEM((NCHP, CHUNKP), jnp.float32),
        pltpu.VMEM((CLEN // GC, GC), jnp.int32),
        pltpu.VMEM((CLEN // GC, GC), jnp.int32),
        pltpu.VMEM((GC, F), jnp.float32),
        pltpu.VMEM((GC, F), jnp.float32),
        pltpu.VMEM_SHARED((NA, F), jnp.float32),
        pltpu.SemaphoreType.DMA,
        pltpu.SemaphoreType.DMA,
        pltpu.SemaphoreType.DMA,
    ],
    compiler_params=pltpu.CompilerParams(needs_layout_passes=False),
)
def _scat_sc(src_hbm, dst_hbm, g_hbm, nf_hbm, zeros_hbm, out_hbm,
             src_v, dst_v, mv_v, csrc_v, cdst_v, rows0_v, rows1_v,
             acc_sh, sem0, sem1, msem):
    cid = lax.axis_index("c")
    sid = lax.axis_index("s")
    wid = cid * NS + sid
    r0 = sid * ROWS_PER_SUB
    pltpu.sync_copy(
        zeros_hbm.at[pl.ds(r0, ROWS_PER_SUB)],
        acc_sh.at[pl.ds(r0, ROWS_PER_SUB)],
    )

    @pl.when(sid == NS - 1)
    def _():
        rem = NS * ROWS_PER_SUB
        pltpu.sync_copy(
            zeros_hbm.at[pl.ds(rem, N - rem)],
            acc_sh.at[pl.ds(rem, N - rem)],
        )

    plsc.subcore_barrier()

    def gstart(c, buf, sem):
        pltpu.make_async_copy(g_hbm.at[csrc_v.at[c]], buf, sem).start()

    def gwait(buf, sem):
        pltpu.make_async_copy(g_hbm.at[csrc_v.at[0]], buf, sem).wait()

    for h in range(NH):
        pltpu.sync_copy(src_hbm.at[wid, h], src_v)
        pltpu.sync_copy(dst_hbm.at[wid, h], dst_v)
        @pl.loop(0, NCHP)
        def _(j):
            pltpu.make_async_copy(
                nf_hbm.at[dst_v.at[j]], mv_v.at[j], msem
            ).start()

        @pl.loop(0, NCHP)
        def _(j):
            pltpu.make_async_copy(
                nf_hbm.at[dst_v.at[0]], mv_v.at[0], msem
            ).wait()

        def _compress(grp, cursor):
            row = grp // 8
            col = 16 * lax.rem(grp, 8)
            m = mv_v[row, pl.ds(col, 16)] > 0.5
            s = src_v[row, pl.ds(col, 16)]
            d = dst_v[row, pl.ds(col, 16)]
            mi = m.astype(jnp.int32)
            pos = cursor + plsc.cumsum(mi) - mi
            pr = pos // GC
            pc = lax.rem(pos, GC)
            plsc.store_scatter(csrc_v, [pr, pc], s, mask=m)
            plsc.store_scatter(cdst_v, [pr, pc], d, mask=m)
            return cursor + jnp.sum(mi)

        cursor = pl.loop(0, NGRP, init_carry=jnp.int32(0))(_compress)

        npad = lax.rem(GC - lax.rem(cursor, GC), GC)
        iota16 = lax.iota(jnp.int32, 16)
        for k in range(GC // 16):
            @pl.when(16 * k < npad)
            def _():
                ppos = cursor + 16 * k + iota16
                plsc.store_scatter(csrc_v, [ppos // GC, lax.rem(ppos, GC)],
                                   jnp.zeros((16,), jnp.int32))
                plsc.store_scatter(cdst_v, [ppos // GC, lax.rem(ppos, GC)],
                                   jnp.full((16,), DUMMY, jnp.int32))

        nc = (cursor + npad) // GC

        @pl.when(nc > 0)
        def _():
            gstart(0, rows0_v, sem0)

        @pl.loop(0, nc)
        def _(c):
            par = lax.rem(c, 2)
            more = c + 1 < nc

            @pl.when(jnp.logical_and(more, par == 0))
            def _():
                gstart(c + 1, rows1_v, sem1)

            @pl.when(jnp.logical_and(more, par == 1))
            def _():
                gstart(c + 1, rows0_v, sem0)

            @pl.when(par == 0)
            def _():
                gwait(rows0_v, sem0)
                pltpu.sync_copy(rows0_v, acc_sh.at[cdst_v.at[c]], add=True)

            @pl.when(par == 1)
            def _():
                gwait(rows1_v, sem1)
                pltpu.sync_copy(rows1_v, acc_sh.at[cdst_v.at[c]], add=True)

    plsc.subcore_barrier()
    pltpu.sync_copy(
        acc_sh.at[pl.ds(r0, ROWS_PER_SUB)],
        out_hbm.at[cid].at[pl.ds(r0, ROWS_PER_SUB)],
    )

    @pl.when(sid == NS - 1)
    def _():
        rem = NS * ROWS_PER_SUB
        pltpu.sync_copy(
            acc_sh.at[pl.ds(rem, N - rem)],
            out_hbm.at[cid].at[pl.ds(rem, N - rem)],
        )


def _head_body(s_ref, g_ref, cnt_ref, bgc_ref, w00_ref, b00_ref, w10_ref,
               b10_ref, w01_ref, b01_ref, w11_ref, b11_ref, y0_ref, y1_ref):
    cnt = cnt_ref[...]
    deg = cnt[0, :N] + cnt[1, :N] + 1.0
    dinv = lax.rsqrt(deg)[:, None]
    s = s_ref[0] + s_ref[1] + g_ref[...]
    dist = jnp.maximum(s * dinv + bgc_ref[...][None, :], 0.0)
    y00 = jnp.maximum(
        jnp.dot(dist, w00_ref[...], preferred_element_type=jnp.float32)
        + b00_ref[...][None, :], 0.0)
    y10 = jnp.maximum(
        jnp.dot(dist, w10_ref[...], preferred_element_type=jnp.float32)
        + b10_ref[...][None, :], 0.0)
    z0 = jnp.dot(y00, w01_ref[...], preferred_element_type=jnp.float32)
    z1 = jnp.dot(y10, w11_ref[...], preferred_element_type=jnp.float32)
    y0_ref[...] = jax.nn.sigmoid(z0 + b01_ref[...][None, :])
    y1_ref[...] = jax.nn.sigmoid(z1 + b11_ref[...][None, :])


def _head(s, g, cnt, bgc, w00, b00, w10, b10, w01, b01, w11, b11):
    return pl.pallas_call(
        _head_body,
        out_shape=(
            jax.ShapeDtypeStruct((N, 1), jnp.float32),
            jax.ShapeDtypeStruct((N, 1), jnp.float32),
        ),
    )(s, g, cnt, bgc, w00, b00, w10, b10, w01, b01, w11, b11)


@functools.partial(
    pl.kernel,
    out_type=(
        jax.ShapeDtypeStruct((BPAD,), jnp.float32),
        jax.ShapeDtypeStruct((BPAD,), jnp.float32),
        jax.ShapeDtypeStruct((BPAD,), jnp.float32),
    ),
    mesh=_mesh,
    scratch_types=[
        pltpu.VMEM((BPW,), jnp.int32),
        pltpu.VMEM((BPW,), jnp.int32),
        pltpu.VMEM((BPW,), jnp.float32),
        pltpu.VMEM((BPW,), jnp.float32),
        pltpu.VMEM((BPW,), jnp.float32),
        pltpu.SemaphoreType.DMA,
    ],
)
def _pick_sc(y0_hbm, y1_hbm, pid_hbm, t_hbm, y_out, y1_out, y0_out,
             pid_v, t_v, g0_v, g1_v, oy_v, sem):
    cid = lax.axis_index("c")
    sid = lax.axis_index("s")
    wid = cid * NS + sid
    base = wid * BPW
    pltpu.sync_copy(pid_hbm.at[pl.ds(base, BPW)], pid_v)
    pltpu.sync_copy(t_hbm.at[pl.ds(base, BPW)], t_v)
    pltpu.async_copy(y0_hbm.at[pid_v], g0_v, sem).wait()
    pltpu.async_copy(y1_hbm.at[pid_v], g1_v, sem).wait()
    for i in range(BPW // 16):
        sl = pl.ds(i * 16, 16)
        oy_v[sl] = jnp.where(t_v[sl] > 0, g1_v[sl], g0_v[sl])
    pltpu.sync_copy(oy_v, y_out.at[pl.ds(base, BPW)])
    pltpu.sync_copy(g1_v, y1_out.at[pl.ds(base, BPW)])
    pltpu.sync_copy(g0_v, y0_out.at[pl.ds(base, BPW)])


def kernel(x, edge_index, patient_ids, treatment, W_gc, b_gc, W_t00, b_t00,
           W_t10, b_t10, W_t01, b_t01, W_t11, b_t11):
    srcw = edge_index[0].astype(jnp.int32).reshape(NW, EPW)
    dstw = edge_index[1].astype(jnp.int32).reshape(NW, EPW)
    pad = EPWP - EPW
    srcp = jnp.pad(srcw, ((0, 0), (0, pad))).reshape(NW, NH, NCHP, CHUNKP)
    dstp = jnp.pad(dstw, ((0, 0), (0, pad)),
                   constant_values=DUMMY).reshape(NW, NH, NCHP, CHUNKP)
    zeros_n = jnp.zeros((NA,), jnp.float32)
    zeros_nf = jnp.zeros((N, F), jnp.float32)

    pad_i = jnp.zeros((BPAD - B,), jnp.int32)
    pid = jnp.concatenate([patient_ids.astype(jnp.int32), pad_i])
    tre = jnp.concatenate([treatment.astype(jnp.int32), pad_i])

    cnt, pmk = _deg_sc(dstp, pid.reshape(NW, 2, BPW // 2), zeros_n)
    g, needf = _gmul(x, W_gc, cnt, pmk)
    s = _scat_sc(srcp, dstp, g, needf.reshape(NA), zeros_nf)
    y0, y1 = _head(s, g, cnt, b_gc, W_t00, b_t00, W_t10, b_t10,
                   W_t01, b_t01, W_t11, b_t11)
    y0 = y0.reshape(N)
    y1 = y1.reshape(N)

    y, y1p, y0p = _pick_sc(y0, y1, pid, tre)
    return y[:B], y1p[:B], y0p[:B]

# --- scband reference (transcript-rebuilt; emitter-appended) ---
"""Pipeline reference for scband-net-deconf-6511170421729 (READ-ONLY COPY).

The authoritative reference and input builder live on the scoring server;
editing this copy changes nothing except your own understanding.
"""

import jax, jax.numpy as jnp
import numpy as np

N = 10000
E = 320000
NFEAT = 128
NHID = 128
B = 5000


def setup_inputs(seed: int = 0) -> dict:
    key = jax.random.key(seed)
    ks = [jax.random.fold_in(key, i) for i in range(16)]
    inp = {}
    inp['x'] = jax.random.normal(ks[0], (N, NFEAT), dtype=jnp.float32)
    inp['edge_index'] = jax.random.randint(ks[1], (2, E), 0, N, dtype=jnp.int64)
    inp['patient_ids'] = jax.random.randint(ks[2], (B,), 0, N, dtype=jnp.int64)
    inp['treatment'] = jax.random.randint(ks[3], (B,), 0, 2, dtype=jnp.int64)
    s = 1.0 / np.sqrt(NFEAT)
    inp['W_gc'] = jax.random.uniform(ks[4], (NFEAT, NHID), jnp.float32, -s, s)
    inp['b_gc'] = jnp.zeros((NHID,), jnp.float32)
    sh = 1.0 / np.sqrt(NHID)
    inp['W_t00'] = jax.random.uniform(ks[5], (NHID, NHID), jnp.float32, -sh, sh)
    inp['b_t00'] = jax.random.uniform(ks[6], (NHID,), jnp.float32, -sh, sh)
    inp['W_t10'] = jax.random.uniform(ks[7], (NHID, NHID), jnp.float32, -sh, sh)
    inp['b_t10'] = jax.random.uniform(ks[8], (NHID,), jnp.float32, -sh, sh)
    inp['W_t01'] = jax.random.uniform(ks[9], (NHID, 1), jnp.float32, -sh, sh)
    inp['b_t01'] = jax.random.uniform(ks[10], (1,), jnp.float32, -sh, sh)
    inp['W_t11'] = jax.random.uniform(ks[11], (NHID, 1), jnp.float32, -sh, sh)
    inp['b_t11'] = jax.random.uniform(ks[12], (1,), jnp.float32, -sh, sh)
    return inp


def _gcn_conv(x, edge_index, W, b):
    # GCNConv with add_self_loops=True, normalize=True (symmetric norm)
    src = edge_index[0]
    dst = edge_index[1]
    loop = jnp.arange(x.shape[0], dtype=edge_index.dtype)
    src2 = jnp.concatenate([src, loop])
    dst2 = jnp.concatenate([dst, loop])
    deg = jnp.zeros((x.shape[0],), jnp.float32).at[dst2].add(1.0)
    deg_inv_sqrt = jnp.where(deg > 0, deg ** -0.5, 0.0)
    norm = deg_inv_sqrt[src2] * deg_inv_sqrt[dst2]
    h = x @ W
    msg = h[src2] * norm[:, None]
    out = jnp.zeros((x.shape[0], W.shape[1]), jnp.float32).at[dst2].add(msg)
    return out + b


def reference(x, edge_index, patient_ids, treatment, W_gc, b_gc, W_t00, b_t00, W_t10, b_t10, W_t01, b_t01, W_t11, b_t11):
    # eval mode: dropout is identity (dropout=0.0)
    dist = jax.nn.relu(_gcn_conv(x, edge_index, W_gc, b_gc))
    y00 = jax.nn.relu(dist @ W_t00 + b_t00)
    y10 = jax.nn.relu(dist @ W_t10 + b_t10)
    y0 = jax.nn.sigmoid((y00 @ W_t01 + b_t01).reshape(-1))
    y1 = jax.nn.sigmoid((y10 @ W_t11 + b_t11).reshape(-1))
    y0p = y0[patient_ids]
    y1p = y1[patient_ids]
    y = jnp.where(treatment > 0, y1p, y0p)
    return (y, y1p, y0p)

if __name__ == "__main__":
    import jax
    _d = setup_inputs()
    print(jax.jit(kernel)(*tuple(_d.values())))

</pallas_src>

<mosaic_0001>
#map = affine_map<(d0, d1) -> (0)>
module attributes {stable_mosaic.version = 14 : i64} {
  func.func @_pick_sc(%arg0: i32, %arg1: i32, %arg2: memref<10000xf32, #tpu.memory_space<hbm>>, %arg3: memref<10000xf32, #tpu.memory_space<hbm>>, %arg4: memref<5120xi32, #tpu.memory_space<hbm>>, %arg5: memref<5120xi32, #tpu.memory_space<hbm>>, %arg6: memref<5120xf32, #tpu.memory_space<hbm>>, %arg7: memref<5120xf32, #tpu.memory_space<hbm>>, %arg8: memref<5120xf32, #tpu.memory_space<hbm>>, %arg9: memref<160xi32, #tpu.memory_space<vmem>>, %arg10: memref<160xi32, #tpu.memory_space<vmem>>, %arg11: memref<160xf32, #tpu.memory_space<vmem>>, %arg12: memref<160xf32, #tpu.memory_space<vmem>>, %arg13: memref<160xf32, #tpu.memory_space<vmem>>, %arg14: memref<!tpu.dma_semaphore, #tpu.memory_space<semaphore_mem>>) attributes {dimension_semantics = [#tpu.dimension_semantics<core_parallel>, #tpu.dimension_semantics<subcore_parallel>], iteration_bounds = array<i64: 2, 16>, scalar_prefetch = 0 : i64, scratch_operands = 6 : i64, tpu.core_type = #tpu.core_type<sc_vector_subcore>, window_params = [{transform_indices = #map}, {transform_indices = #map}, {transform_indices = #map}, {transform_indices = #map}, {transform_indices = #map}, {transform_indices = #map}, {transform_indices = #map}]} {
    %mul3A = arith.constant 16 : i32
    %mul3A_0 = arith.muli %arg0, %mul3A : i32
    %add3A = arith.addi %mul3A_0, %arg1 : i32
    %mul3A_1 = arith.constant 160 : i32
    %mul3A_2 = arith.muli %add3A, %mul3A_1 : i32
    "tpu.region"() ({
      %run_scoped3A = tpu.sem_alloc : memref<!tpu.dma_semaphore, #tpu.memory_space<semaphore_mem>>
      %dma_start3A_175 = tpu.memref_slice %arg4[%mul3A_2] : memref<5120xi32, #tpu.memory_space<hbm>> -> memref<160xi32, #tpu.memory_space<hbm>>
      %dma_start3A_176 = tpu.memref_slice %arg4[%mul3A_2] : memref<5120xi32, #tpu.memory_space<hbm>> -> memref<160xi32, #tpu.memory_space<hbm>>
      tpu.enqueue_dma source(%dma_start3A_176 : memref<160xi32, #tpu.memory_space<hbm>>) target(%arg9 : memref<160xi32, #tpu.memory_space<vmem>>) target_semaphore(%run_scoped3A : memref<!tpu.dma_semaphore, #tpu.memory_space<semaphore_mem>>)
      %dma_wait3A_177 = tpu.memref_slice %arg4[%mul3A_2] : memref<5120xi32, #tpu.memory_space<hbm>> -> memref<160xi32, #tpu.memory_space<hbm>>
      %dma_wait3A_178 = tpu.memref_slice %arg4[%mul3A_2] : memref<5120xi32, #tpu.memory_space<hbm>> -> memref<160xi32, #tpu.memory_space<hbm>>
      tpu.wait_dma2 semaphore(%run_scoped3A : memref<!tpu.dma_semaphore, #tpu.memory_space<semaphore_mem>>) src(%dma_wait3A_178 : memref<160xi32, #tpu.memory_space<hbm>>) dst(%arg9 : memref<160xi32, #tpu.memory_space<vmem>>)
      tpu.yield
    }) : () -> ()
    "tpu.region"() ({
      %run_scoped3A = tpu.sem_alloc : memref<!tpu.dma_semaphore, #tpu.memory_space<semaphore_mem>>
      %dma_start3A_175 = tpu.memref_slice %arg5[%mul3A_2] : memref<5120xi32, #tpu.memory_space<hbm>> -> memref<160xi32, #tpu.memory_space<hbm>>
      %dma_start3A_176 = tpu.memref_slice %arg5[%mul3A_2] : memref<5120xi32, #tpu.memory_space<hbm>> -> memref<160xi32, #tpu.memory_space<hbm>>
      tpu.enqueue_dma source(%dma_start3A_176 : memref<160xi32, #tpu.memory_space<hbm>>) target(%arg10 : memref<160xi32, #tpu.memory_space<vmem>>) target_semaphore(%run_scoped3A : memref<!tpu.dma_semaphore, #tpu.memory_space<semaphore_mem>>)
      %dma_wait3A_177 = tpu.memref_slice %arg5[%mul3A_2] : memref<5120xi32, #tpu.memory_space<hbm>> -> memref<160xi32, #tpu.memory_space<hbm>>
      %dma_wait3A_178 = tpu.memref_slice %arg5[%mul3A_2] : memref<5120xi32, #tpu.memory_space<hbm>> -> memref<160xi32, #tpu.memory_space<hbm>>
      tpu.wait_dma2 semaphore(%run_scoped3A : memref<!tpu.dma_semaphore, #tpu.memory_space<semaphore_mem>>) src(%dma_wait3A_178 : memref<160xi32, #tpu.memory_space<hbm>>) dst(%arg10 : memref<160xi32, #tpu.memory_space<vmem>>)
      tpu.yield
    }) : () -> ()
    %dma_start3A = arith.constant 0 : i32
    %dma_start3A_3 = tpu.memref_slice %arg2[%dma_start3A] : memref<10000xf32, #tpu.memory_space<hbm>> -> memref<10000xf32, #tpu.memory_space<hbm>>
    tpu.enqueue_indirect_dma source(%dma_start3A_3 : memref<10000xf32, #tpu.memory_space<hbm>>) target(%arg11 : memref<160xf32, #tpu.memory_space<vmem>>) offsets(%arg9 : memref<160xi32, #tpu.memory_space<vmem>>) semaphore(%arg14 : memref<!tpu.dma_semaphore, #tpu.memory_space<semaphore_mem>>)
    %dma_wait3A = arith.constant 0 : i32
    %dma_wait3A_4 = tpu.memref_slice %arg2[%dma_wait3A] : memref<10000xf32, #tpu.memory_space<hbm>> -> memref<10000xf32, #tpu.memory_space<hbm>>
    tpu.wait_indirect_dma semaphore(%arg14 : memref<!tpu.dma_semaphore, #tpu.memory_space<semaphore_mem>>) src(%dma_wait3A_4 : memref<10000xf32, #tpu.memory_space<hbm>>) dst(%arg11 : memref<160xf32, #tpu.memory_space<vmem>>)
    %dma_start3A_5 = arith.constant 0 : i32
    %dma_start3A_6 = tpu.memref_slice %arg3[%dma_start3A_5] : memref<10000xf32, #tpu.memory_space<hbm>> -> memref<10000xf32, #tpu.memory_space<hbm>>
    tpu.enqueue_indirect_dma source(%dma_start3A_6 : memref<10000xf32, #tpu.memory_space<hbm>>) target(%arg12 : memref<160xf32, #tpu.memory_space<vmem>>) offsets(%arg9 : memref<160xi32, #tpu.memory_space<vmem>>) semaphore(%arg14 : memref<!tpu.dma_semaphore, #tpu.memory_space<semaphore_mem>>)
    %dma_wait3A_7 = arith.constant 0 : i32
    %dma_wait3A_8 = tpu.memref_slice %arg3[%dma_wait3A_7] : memref<10000xf32, #tpu.memory_space<hbm>> -> memref<10000xf32, #tpu.memory_space<hbm>>
    tpu.wait_indirect_dma semaphore(%arg14 : memref<!tpu.dma_semaphore, #tpu.memory_space<semaphore_mem>>) src(%dma_wait3A_8 : memref<10000xf32, #tpu.memory_space<hbm>>) dst(%arg12 : memref<160xf32, #tpu.memory_space<vmem>>)
    %get3A = arith.constant 0 : index
    %get3A_9 = tpu.vector_load %arg10[%get3A] {strides = array<i32>} : memref<160xi32, #tpu.memory_space<vmem>>, vector<16xi32>,
    %get3A_10 = vector.shape_cast %get3A_9 : vector<16xi32> to vector<16xi32>
    %gt3A = arith.constant 0 : i32
    %gt3A_11 = vector.broadcast %gt3A : i32 to vector<16xi32>
    %gt3A_12 = arith.cmpi sgt, %get3A_10, %gt3A_11 : vector<16xi32>
    %get3A_13 = arith.constant 0 : index
    %get3A_14 = tpu.vector_load %arg12[%get3A_13] {strides = array<i32>} : memref<160xf32, #tpu.memory_space<vmem>>, vector<16xf32>,
    %get3A_15 = vector.shape_cast %get3A_14 : vector<16xf32> to vector<16xf32>
    %get3A_16 = arith.constant 0 : index
    %get3A_17 = tpu.vector_load %arg11[%get3A_16] {strides = array<i32>} : memref<160xf32, #tpu.memory_space<vmem>>, vector<16xf32>,
    %get3A_18 = vector.shape_cast %get3A_17 : vector<16xf32> to vector<16xf32>
    %select_n3A = arith.select %gt3A_12, %get3A_15, %get3A_18 : vector<16xi1>, vector<16xf32>
    %swap3A = arith.constant 0 : index
    %swap3A_19 = tpu.vector_load %arg13[%swap3A] {strides = array<i32>} : memref<160xf32, #tpu.memory_space<vmem>>, vector<16xf32>,
    %swap3A_20 = vector.shape_cast %swap3A_19 : vector<16xf32> to vector<16xf32>
    %swap3A_21 = vector.shape_cast %select_n3A : vector<16xf32> to vector<16xf32>
    tpu.vector_store %arg13[%swap3A], %swap3A_21 {strides = array<i32>} : memref<160xf32, #tpu.memory_space<vmem>>, vector<16xf32>,
    %get3A_22 = arith.constant 16 : index
    %get3A_23 = tpu.vector_load %arg10[%get3A_22] {strides = array<i32>} : memref<160xi32, #tpu.memory_space<vmem>>, vector<16xi32>,
    %get3A_24 = vector.shape_cast %get3A_23 : vector<16xi32> to vector<16xi32>
    %gt3A_25 = arith.constant 0 : i32
    %gt3A_26 = vector.broadcast %gt3A_25 : i32 to vector<16xi32>
    %gt3A_27 = arith.cmpi sgt, %get3A_24, %gt3A_26 : vector<16xi32>
    %get3A_28 = arith.constant 16 : index
    %get3A_29 = tpu.vector_load %arg12[%get3A_28] {strides = array<i32>} : memref<160xf32, #tpu.memory_space<vmem>>, vector<16xf32>,
    %get3A_30 = vector.shape_cast %get3A_29 : vector<16xf32> to vector<16xf32>
    %get3A_31 = arith.constant 16 : index
    %get3A_32 = tpu.vector_load %arg11[%get3A_31] {strides = array<i32>} : memref<160xf32, #tpu.memory_space<vmem>>, vector<16xf32>,
    %get3A_33 = vector.shape_cast %get3A_32 : vector<16xf32> to vector<16xf32>
    %select_n3A_34 = arith.select %gt3A_27, %get3A_30, %get3A_33 : vector<16xi1>, vector<16xf32>
    %swap3A_35 = arith.constant 16 : index
    %swap3A_36 = tpu.vector_load %arg13[%swap3A_35] {strides = array<i32>} : memref<160xf32, #tpu.memory_space<vmem>>, vector<16xf32>,
    %swap3A_37 = vector.shape_cast %swap3A_36 : vector<16xf32> to vector<16xf32>
    %swap3A_38 = vector.shape_cast %select_n3A_34 : vector<16xf32> to vector<16xf32>
    tpu.vector_store %arg13[%swap3A_35], %swap3A_38 {strides = array<i32>} : memref<160xf32, #tpu.memory_space<vmem>>, vector<16xf32>,
    %get3A_39 = arith.constant 32 : index
    %get3A_40 = tpu.vector_load %arg10[%get3A_39] {strides = array<i32>} : memref<160xi32, #tpu.memory_space<vmem>>, vector<16xi32>,
    %get3A_41 = vector.shape_cast %get3A_40 : vector<16xi32> to vector<16xi32>
    %gt3A_42 = arith.constant 0 : i32
    %gt3A_43 = vector.broadcast %gt3A_42 : i32 to vector<16xi32>
    %gt3A_44 = arith.cmpi sgt, %get3A_41, %gt3A_43 : vector<16xi32>
    %get3A_45 = arith.constant 32 : index
    %get3A_46 = tpu.vector_load %arg12[%get3A_45] {strides = array<i32>} : memref<160xf32, #tpu.memory_space<vmem>>, vector<16xf32>,
    %get3A_47 = vector.shape_cast %get3A_46 : vector<16xf32> to vector<16xf32>
    %get3A_48 = arith.constant 32 : index
    %get3A_49 = tpu.vector_load %arg11[%get3A_48] {strides = array<i32>} : memref<160xf32, #tpu.memory_space<vmem>>, vector<16xf32>,
    %get3A_50 = vector.shape_cast %get3A_49 : vector<16xf32> to vector<16xf32>
    %select_n3A_51 = arith.select %gt3A_44, %get3A_47, %get3A_50 : vector<16xi1>, vector<16xf32>
    %swap3A_52 = arith.constant 32 : index
    %swap3A_53 = tpu.vector_load %arg13[%swap3A_52] {strides = array<i32>} : memref<160xf32, #tpu.memory_space<vmem>>, vector<16xf32>,
    %swap3A_54 = vector.shape_cast %swap3A_53 : vector<16xf32> to vector<16xf32>
    %swap3A_55 = vector.shape_cast %select_n3A_51 : vector<16xf32> to vector<16xf32>
    tpu.vector_store %arg13[%swap3A_52], %swap3A_55 {strides = array<i32>} : memref<160xf32, #tpu.memory_space<vmem>>, vector<16xf32>,
    %get3A_56 = arith.constant 48 : index
    %get3A_57 = tpu.vector_load %arg10[%get3A_56] {strides = array<i32>} : memref<160xi32, #tpu.memory_space<vmem>>, vector<16xi32>,
    %get3A_58 = vector.shape_cast %get3A_57 : vector<16xi32> to vector<16xi32>
    %gt3A_59 = arith.constant 0 : i32
    %gt3A_60 = vector.broadcast %gt3A_59 : i32 to vector<16xi32>
    %gt3A_61 = arith.cmpi sgt, %get3A_58, %gt3A_60 : vector<16xi32>
    %get3A_62 = arith.constant 48 : index
    %get3A_63 = tpu.vector_load %arg12[%get3A_62] {strides = array<i32>} : memref<160xf32, #tpu.memory_space<vmem>>, vector<16xf32>,
    %get3A_64 = vector.shape_cast %get3A_63 : vector<16xf32> to vector<16xf32>
    %get3A_65 = arith.constant 48 : index
    %get3A_66 = tpu.vector_load %arg11[%get3A_65] {strides = array<i32>} : memref<160xf32, #tpu.memory_space<vmem>>, vector<16xf32>,
    %get3A_67 = vector.shape_cast %get3A_66 : vector<16xf32> to vector<16xf32>
    %select_n3A_68 = arith.select %gt3A_61, %get3A_64, %get3A_67 : vector<16xi1>, vector<16xf32>
    %swap3A_69 = arith.constant 48 : index
    %swap3A_70 = tpu.vector_load %arg13[%swap3A_69] {strides = array<i32>} : memref<160xf32, #tpu.memory_space<vmem>>, vector<16xf32>,
    %swap3A_71 = vector.shape_cast %swap3A_70 : vector<16xf32> to vector<16xf32>
    %swap3A_72 = vector.shape_cast %select_n3A_68 : vector<16xf32> to vector<16xf32>
    tpu.vector_store %arg13[%swap3A_69], %swap3A_72 {strides = array<i32>} : memref<160xf32, #tpu.memory_space<vmem>>, vector<16xf32>,
    %get3A_73 = arith.constant 64 : index
    %get3A_74 = tpu.vector_load %arg10[%get3A_73] {strides = array<i32>} : memref<160xi32, #tpu.memory_space<vmem>>, vector<16xi32>,
    %get3A_75 = vector.shape_cast %get3A_74 : vector<16xi32> to vector<16xi32>
    %gt3A_76 = arith.constant 0 : i32
    %gt3A_77 = vector.broadcast %gt3A_76 : i32 to vector<16xi32>
    %gt3A_78 = arith.cmpi sgt, %get3A_75, %gt3A_77 : vector<16xi32>
    %get3A_79 = arith.constant 64 : index
    %get3A_80 = tpu.vector_load %arg12[%get3A_79] {strides = array<i32>} : memref<160xf32, #tpu.memory_space<vmem>>, vector<16xf32>,
    %get3A_81 = vector.shape_cast %get3A_80 : vector<16xf32> to vector<16xf32>
    %get3A_82 = arith.constant 64 : index
    %get3A_83 = tpu.vector_load %arg11[%get3A_82] {strides = array<i32>} : memref<160xf32, #tpu.memory_space<vmem>>, vector<16xf32>,
    %get3A_84 = vector.shape_cast %get3A_83 : vector<16xf32> to vector<16xf32>
    %select_n3A_85 = arith.select %gt3A_78, %get3A_81, %get3A_84 : vector<16xi1>, vector<16xf32>
    %swap3A_86 = arith.constant 64 : index
    %swap3A_87 = tpu.vector_load %arg13[%swap3A_86] {strides = array<i32>} : memref<160xf32, #tpu.memory_space<vmem>>, vector<16xf32>,
    %swap3A_88 = vector.shape_cast %swap3A_87 : vector<16xf32> to vector<16xf32>
    %swap3A_89 = vector.shape_cast %select_n3A_85 : vector<16xf32> to vector<16xf32>
    tpu.vector_store %arg13[%swap3A_86], %swap3A_89 {strides = array<i32>} : memref<160xf32, #tpu.memory_space<vmem>>, vector<16xf32>,
    %get3A_90 = arith.constant 80 : index
    %get3A_91 = tpu.vector_load %arg10[%get3A_90] {strides = array<i32>} : memref<160xi32, #tpu.memory_space<vmem>>, vector<16xi32>,
    %get3A_92 = vector.shape_cast %get3A_91 : vector<16xi32> to vector<16xi32>
    %gt3A_93 = arith.constant 0 : i32
    %gt3A_94 = vector.broadcast %gt3A_93 : i32 to vector<16xi32>
    %gt3A_95 = arith.cmpi sgt, %get3A_92, %gt3A_94 : vector<16xi32>
    %get3A_96 = arith.constant 80 : index
    %get3A_97 = tpu.vector_load %arg12[%get3A_96] {strides = array<i32>} : memref<160xf32, #tpu.memory_space<vmem>>, vector<16xf32>,
    %get3A_98 = vector.shape_cast %get3A_97 : vector<16xf32> to vector<16xf32>
    %get3A_99 = arith.constant 80 : index
    %get3A_100 = tpu.vector_load %arg11[%get3A_99] {strides = array<i32>} : memref<160xf32, #tpu.memory_space<vmem>>, vector<16xf32>,
    %get3A_101 = vector.shape_cast %get3A_100 : vector<16xf32> to vector<16xf32>
    %select_n3A_102 = arith.select %gt3A_95, %get3A_98, %get3A_101 : vector<16xi1>, vector<16xf32>
    %swap3A_103 = arith.constant 80 : index
    %swap3A_104 = tpu.vector_load %arg13[%swap3A_103] {strides = array<i32>} : memref<160xf32, #tpu.memory_space<vmem>>, vector<16xf32>,
    %swap3A_105 = vector.shape_cast %swap3A_104 : vector<16xf32> to vector<16xf32>
    %swap3A_106 = vector.shape_cast %select_n3A_102 : vector<16xf32> to vector<16xf32>
    tpu.vector_store %arg13[%swap3A_103], %swap3A_106 {strides = array<i32>} : memref<160xf32, #tpu.memory_space<vmem>>, vector<16xf32>,
    %get3A_107 = arith.constant 96 : index
    %get3A_108 = tpu.vector_load %arg10[%get3A_107] {strides = array<i32>} : memref<160xi32, #tpu.memory_space<vmem>>, vector<16xi32>,
    %get3A_109 = vector.shape_cast %get3A_108 : vector<16xi32> to vector<16xi32>
    %gt3A_110 = arith.constant 0 : i32
    %gt3A_111 = vector.broadcast %gt3A_110 : i32 to vector<16xi32>
    %gt3A_112 = arith.cmpi sgt, %get3A_109, %gt3A_111 : vector<16xi32>
    %get3A_113 = arith.constant 96 : index
    %get3A_114 = tpu.vector_load %arg12[%get3A_113] {strides = array<i32>} : memref<160xf32, #tpu.memory_space<vmem>>, vector<16xf32>,
    %get3A_115 = vector.shape_cast %get3A_114 : vector<16xf32> to vector<16xf32>
    %get3A_116 = arith.constant 96 : index
    %get3A_117 = tpu.vector_load %arg11[%get3A_116] {strides = array<i32>} : memref<160xf32, #tpu.memory_space<vmem>>, vector<16xf32>,
    %get3A_118 = vector.shape_cast %get3A_117 : vector<16xf32> to vector<16xf32>
    %select_n3A_119 = arith.select %gt3A_112, %get3A_115, %get3A_118 : vector<16xi1>, vector<16xf32>
    %swap3A_120 = arith.constant 96 : index
    %swap3A_121 = tpu.vector_load %arg13[%swap3A_120] {strides = array<i32>} : memref<160xf32, #tpu.memory_space<vmem>>, vector<16xf32>,
    %swap3A_122 = vector.shape_cast %swap3A_121 : vector<16xf32> to vector<16xf32>
    %swap3A_123 = vector.shape_cast %select_n3A_119 : vector<16xf32> to vector<16xf32>
    tpu.vector_store %arg13[%swap3A_120], %swap3A_123 {strides = array<i32>} : memref<160xf32, #tpu.memory_space<vmem>>, vector<16xf32>,
    %get3A_124 = arith.constant 112 : index
    %get3A_125 = tpu.vector_load %arg10[%get3A_124] {strides = array<i32>} : memref<160xi32, #tpu.memory_space<vmem>>, vector<16xi32>,
    %get3A_126 = vector.shape_cast %get3A_125 : vector<16xi32> to vector<16xi32>
    %gt3A_127 = arith.constant 0 : i32
    %gt3A_128 = vector.broadcast %gt3A_127 : i32 to vector<16xi32>
    %gt3A_129 = arith.cmpi sgt, %get3A_126, %gt3A_128 : vector<16xi32>
    %get3A_130 = arith.constant 112 : index
    %get3A_131 = tpu.vector_load %arg12[%get3A_130] {strides = array<i32>} : memref<160xf32, #tpu.memory_space<vmem>>, vector<16xf32>,
    %get3A_132 = vector.shape_cast %get3A_131 : vector<16xf32> to vector<16xf32>
    %get3A_133 = arith.constant 112 : index
    %get3A_134 = tpu.vector_load %arg11[%get3A_133] {strides = array<i32>} : memref<160xf32, #tpu.memory_space<vmem>>, vector<16xf32>,
    %get3A_135 = vector.shape_cast %get3A_134 : vector<16xf32> to vector<16xf32>
    %select_n3A_136 = arith.select %gt3A_129, %get3A_132, %get3A_135 : vector<16xi1>, vector<16xf32>
    %swap3A_137 = arith.constant 112 : index
    %swap3A_138 = tpu.vector_load %arg13[%swap3A_137] {strides = array<i32>} : memref<160xf32, #tpu.memory_space<vmem>>, vector<16xf32>,
    %swap3A_139 = vector.shape_cast %swap3A_138 : vector<16xf32> to vector<16xf32>
    %swap3A_140 = vector.shape_cast %select_n3A_136 : vector<16xf32> to vector<16xf32>
    tpu.vector_store %arg13[%swap3A_137], %swap3A_140 {strides = array<i32>} : memref<160xf32, #tpu.memory_space<vmem>>, vector<16xf32>,
    %get3A_141 = arith.constant 128 : index
    %get3A_142 = tpu.vector_load %arg10[%get3A_141] {strides = array<i32>} : memref<160xi32, #tpu.memory_space<vmem>>, vector<16xi32>,
    %get3A_143 = vector.shape_cast %get3A_142 : vector<16xi32> to vector<16xi32>
    %gt3A_144 = arith.constant 0 : i32
    %gt3A_145 = vector.broadcast %gt3A_144 : i32 to vector<16xi32>
    %gt3A_146 = arith.cmpi sgt, %get3A_143, %gt3A_145 : vector<16xi32>
    %get3A_147 = arith.constant 128 : index
    %get3A_148 = tpu.vector_load %arg12[%get3A_147] {strides = array<i32>} : memref<160xf32, #tpu.memory_space<vmem>>, vector<16xf32>,
    %get3A_149 = vector.shape_cast %get3A_148 : vector<16xf32> to vector<16xf32>
    %get3A_150 = arith.constant 128 : index
    %get3A_151 = tpu.vector_load %arg11[%get3A_150] {strides = array<i32>} : memref<160xf32, #tpu.memory_space<vmem>>, vector<16xf32>,
    %get3A_152 = vector.shape_cast %get3A_151 : vector<16xf32> to vector<16xf32>
    %select_n3A_153 = arith.select %gt3A_146, %get3A_149, %get3A_152 : vector<16xi1>, vector<16xf32>
    %swap3A_154 = arith.constant 128 : index
    %swap3A_155 = tpu.vector_load %arg13[%swap3A_154] {strides = array<i32>} : memref<160xf32, #tpu.memory_space<vmem>>, vector<16xf32>,
    %swap3A_156 = vector.shape_cast %swap3A_155 : vector<16xf32> to vector<16xf32>
    %swap3A_157 = vector.shape_cast %select_n3A_153 : vector<16xf32> to vector<16xf32>
    tpu.vector_store %arg13[%swap3A_154], %swap3A_157 {strides = array<i32>} : memref<160xf32, #tpu.memory_space<vmem>>, vector<16xf32>,
    %get3A_158 = arith.constant 144 : index
    %get3A_159 = tpu.vector_load %arg10[%get3A_158] {strides = array<i32>} : memref<160xi32, #tpu.memory_space<vmem>>, vector<16xi32>,
    %get3A_160 = vector.shape_cast %get3A_159 : vector<16xi32> to vector<16xi32>
    %gt3A_161 = arith.constant 0 : i32
    %gt3A_162 = vector.broadcast %gt3A_161 : i32 to vector<16xi32>
    %gt3A_163 = arith.cmpi sgt, %get3A_160, %gt3A_162 : vector<16xi32>
    %get3A_164 = arith.constant 144 : index
    %get3A_165 = tpu.vector_load %arg12[%get3A_164] {strides = array<i32>} : memref<160xf32, #tpu.memory_space<vmem>>, vector<16xf32>,
    %get3A_166 = vector.shape_cast %get3A_165 : vector<16xf32> to vector<16xf32>
    %get3A_167 = arith.constant 144 : index
    %get3A_168 = tpu.vector_load %arg11[%get3A_167] {strides = array<i32>} : memref<160xf32, #tpu.memory_space<vmem>>, vector<16xf32>,
    %get3A_169 = vector.shape_cast %get3A_168 : vector<16xf32> to vector<16xf32>
    %select_n3A_170 = arith.select %gt3A_163, %get3A_166, %get3A_169 : vector<16xi1>, vector<16xf32>
    %swap3A_171 = arith.constant 144 : index
    %swap3A_172 = tpu.vector_load %arg13[%swap3A_171] {strides = array<i32>} : memref<160xf32, #tpu.memory_space<vmem>>, vector<16xf32>,
    %swap3A_173 = vector.shape_cast %swap3A_172 : vector<16xf32> to vector<16xf32>
    %swap3A_174 = vector.shape_cast %select_n3A_170 : vector<16xf32> to vector<16xf32>
    tpu.vector_store %arg13[%swap3A_171], %swap3A_174 {strides = array<i32>} : memref<160xf32, #tpu.memory_space<vmem>>, vector<16xf32>,
    "tpu.region"() ({
      %run_scoped3A = tpu.sem_alloc : memref<!tpu.dma_semaphore, #tpu.memory_space<semaphore_mem>>
      %dma_start3A_175 = tpu.memref_slice %arg6[%mul3A_2] : memref<5120xf32, #tpu.memory_space<hbm>> -> memref<160xf32, #tpu.memory_space<hbm>>
      %dma_start3A_176 = tpu.memref_slice %arg6[%mul3A_2] : memref<5120xf32, #tpu.memory_space<hbm>> -> memref<160xf32, #tpu.memory_space<hbm>>
      tpu.enqueue_dma source(%arg13 : memref<160xf32, #tpu.memory_space<vmem>>) target(%dma_start3A_176 : memref<160xf32, #tpu.memory_space<hbm>>) target_semaphore(%run_scoped3A : memref<!tpu.dma_semaphore, #tpu.memory_space<semaphore_mem>>)
      %dma_wait3A_177 = tpu.memref_slice %arg6[%mul3A_2] : memref<5120xf32, #tpu.memory_space<hbm>> -> memref<160xf32, #tpu.memory_space<hbm>>
      %dma_wait3A_178 = tpu.memref_slice %arg6[%mul3A_2] : memref<5120xf32, #tpu.memory_space<hbm>> -> memref<160xf32, #tpu.memory_space<hbm>>
      tpu.wait_dma2 semaphore(%run_scoped3A : memref<!tpu.dma_semaphore, #tpu.memory_space<semaphore_mem>>) src(%arg13 : memref<160xf32, #tpu.memory_space<vmem>>) dst(%dma_wait3A_178 : memref<160xf32, #tpu.memory_space<hbm>>)
      tpu.yield
    }) : () -> ()
    "tpu.region"() ({
      %run_scoped3A = tpu.sem_alloc : memref<!tpu.dma_semaphore, #tpu.memory_space<semaphore_mem>>
      %dma_start3A_175 = tpu.memref_slice %arg7[%mul3A_2] : memref<5120xf32, #tpu.memory_space<hbm>> -> memref<160xf32, #tpu.memory_space<hbm>>
      %dma_start3A_176 = tpu.memref_slice %arg7[%mul3A_2] : memref<5120xf32, #tpu.memory_space<hbm>> -> memref<160xf32, #tpu.memory_space<hbm>>
      tpu.enqueue_dma source(%arg12 : memref<160xf32, #tpu.memory_space<vmem>>) target(%dma_start3A_176 : memref<160xf32, #tpu.memory_space<hbm>>) target_semaphore(%run_scoped3A : memref<!tpu.dma_semaphore, #tpu.memory_space<semaphore_mem>>)
      %dma_wait3A_177 = tpu.memref_slice %arg7[%mul3A_2] : memref<5120xf32, #tpu.memory_space<hbm>> -> memref<160xf32, #tpu.memory_space<hbm>>
      %dma_wait3A_178 = tpu.memref_slice %arg7[%mul3A_2] : memref<5120xf32, #tpu.memory_space<hbm>> -> memref<160xf32, #tpu.memory_space<hbm>>
      tpu.wait_dma2 semaphore(%run_scoped3A : memref<!tpu.dma_semaphore, #tpu.memory_space<semaphore_mem>>) src(%arg12 : memref<160xf32, #tpu.memory_space<vmem>>) dst(%dma_wait3A_178 : memref<160xf32, #tpu.memory_space<hbm>>)
      tpu.yield
    }) : () -> ()
    "tpu.region"() ({
      %run_scoped3A = tpu.sem_alloc : memref<!tpu.dma_semaphore, #tpu.memory_space<semaphore_mem>>
      %dma_start3A_175 = tpu.memref_slice %arg8[%mul3A_2] : memref<5120xf32, #tpu.memory_space<hbm>> -> memref<160xf32, #tpu.memory_space<hbm>>
      %dma_start3A_176 = tpu.memref_slice %arg8[%mul3A_2] : memref<5120xf32, #tpu.memory_space<hbm>> -> memref<160xf32, #tpu.memory_space<hbm>>
      tpu.enqueue_dma source(%arg11 : memref<160xf32, #tpu.memory_space<vmem>>) target(%dma_start3A_176 : memref<160xf32, #tpu.memory_space<hbm>>) target_semaphore(%run_scoped3A : memref<!tpu.dma_semaphore, #tpu.memory_space<semaphore_mem>>)
      %dma_wait3A_177 = tpu.memref_slice %arg8[%mul3A_2] : memref<5120xf32, #tpu.memory_space<hbm>> -> memref<160xf32, #tpu.memory_space<hbm>>
      %dma_wait3A_178 = tpu.memref_slice %arg8[%mul3A_2] : memref<5120xf32, #tpu.memory_space<hbm>> -> memref<160xf32, #tpu.memory_space<hbm>>
      tpu.wait_dma2 semaphore(%run_scoped3A : memref<!tpu.dma_semaphore, #tpu.memory_space<semaphore_mem>>) src(%arg11 : memref<160xf32, #tpu.memory_space<vmem>>) dst(%dma_wait3A_178 : memref<160xf32, #tpu.memory_space<hbm>>)
      tpu.yield
    }) : () -> ()
    return
  }
}

#map = affine_map<(d0, d1) -> (0, 0, 0, 0)>
#map1 = affine_map<(d0, d1) -> (0, 0)>
#map2 = affine_map<(d0, d1) -> (0)>
#map3 = affine_map<(d0, d1) -> (0, 0, 0)>
module attributes {stable_mosaic.version = 14 : i64} {
  func.func @_scat_sc(%arg0: i32, %arg1: i32, %arg2: memref<32x4x20x128xi32, #tpu.memory_space<hbm>>, %arg3: memref<32x4x20x128xi32, #tpu.memory_space<hbm>>, %arg4: memref<10000x128xf32, #tpu.memory_space<hbm>>, %arg5: memref<10016xf32, #tpu.memory_space<hbm>>, %arg6: memref<10000x128xf32, #tpu.memory_space<hbm>>, %arg7: memref<2x10000x128xf32, #tpu.memory_space<hbm>>, %arg8: memref<20x128xi32, #tpu.memory_space<vmem>>, %arg9: memref<20x128xi32, #tpu.memory_space<vmem>>, %arg10: memref<20x128xf32, #tpu.memory_space<vmem>>, %arg11: memref<41x64xi32, #tpu.memory_space<vmem>>, %arg12: memref<41x64xi32, #tpu.memory_space<vmem>>, %arg13: memref<64x128xf32, #tpu.memory_space<vmem>>, %arg14: memref<64x128xf32, #tpu.memory_space<vmem>>, %arg15: memref<10016x128xf32, #tpu.memory_space<vmem_shared>>, %arg16: memref<!tpu.dma_semaphore, #tpu.memory_space<semaphore_mem>>, %arg17: memref<!tpu.dma_semaphore, #tpu.memory_space<semaphore_mem>>, %arg18: memref<!tpu.dma_semaphore, #tpu.memory_space<semaphore_mem>>) attributes {dimension_semantics = [#tpu.dimension_semantics<core_parallel>, #tpu.dimension_semantics<subcore_parallel>], iteration_bounds = array<i64: 2, 16>, scalar_prefetch = 0 : i64, scratch_operands = 11 : i64, tpu.core_type = #tpu.core_type<sc_vector_subcore>, window_params = [{transform_indices = #map}, {transform_indices = #map}, {transform_indices = #map1}, {transform_indices = #map2}, {transform_indices = #map1}, {transform_indices = #map3}]} {
    %mul3A = arith.constant 16 : i32
    %mul3A_0 = arith.muli %arg0, %mul3A : i32
    %add3A = arith.addi %mul3A_0, %arg1 : i32
    %mul3A_1 = arith.constant 624 : i32
    %mul3A_2 = arith.muli %arg1, %mul3A_1 : i32
    "tpu.region"() ({
      %run_scoped3A_378 = tpu.sem_alloc : memref<!tpu.dma_semaphore, #tpu.memory_space<semaphore_mem>>
      %dma_start3A = arith.constant 0 : i32
      %dma_start3A_379 = tpu.memref_slice %arg15[%mul3A_2, %dma_start3A] : memref<10016x128xf32, #tpu.memory_space<vmem_shared>> -> memref<624x128xf32, #tpu.memory_space<vmem_shared>>
      %dma_start3A_380 = arith.constant 0 : i32
      %dma_start3A_381 = tpu.memref_slice %arg6[%mul3A_2, %dma_start3A_380] : memref<10000x128xf32, #tpu.memory_space<hbm>> -> memref<624x128xf32, #tpu.memory_space<hbm>>
      tpu.enqueue_dma source(%dma_start3A_381 : memref<624x128xf32, #tpu.memory_space<hbm>>) target(%dma_start3A_379 : memref<624x128xf32, #tpu.memory_space<vmem_shared>>) target_semaphore(%run_scoped3A_378 : memref<!tpu.dma_semaphore, #tpu.memory_space<semaphore_mem>>)
      %dma_wait3A = arith.constant 0 : i32
      %dma_wait3A_382 = tpu.memref_slice %arg15[%mul3A_2, %dma_wait3A] : memref<10016x128xf32, #tpu.memory_space<vmem_shared>> -> memref<624x128xf32, #tpu.memory_space<vmem_shared>>
      %dma_wait3A_383 = arith.constant 0 : i32
      %dma_wait3A_384 = tpu.memref_slice %arg6[%mul3A_2, %dma_wait3A_383] : memref<10000x128xf32, #tpu.memory_space<hbm>> -> memref<624x128xf32, #tpu.memory_space<hbm>>
      tpu.wait_dma2 semaphore(%run_scoped3A_378 : memref<!tpu.dma_semaphore, #tpu.memory_space<semaphore_mem>>) src(%dma_wait3A_384 : memref<624x128xf32, #tpu.memory_space<hbm>>) dst(%dma_wait3A_382 : memref<624x128xf32, #tpu.memory_space<vmem_shared>>)
      tpu.yield
    }) : () -> ()
    %eq3A = arith.constant 15 : i32
    %eq3A_3 = arith.cmpi eq, %arg1, %eq3A : i32
    %convert_element_type3A = arith.extui %eq3A_3 : i1 to i32
    %cond3A = arith.constant 0 : i32
    %cond3A_4 = arith.cmpi ne, %convert_element_type3A, %cond3A : i32
    scf.if %cond3A_4 {
      "tpu.region"() ({
        %run_scoped3A_378 = tpu.sem_alloc : memref<!tpu.dma_semaphore, #tpu.memory_space<semaphore_mem>>
        %dma_start3A = arith.constant 9984 : i32
        %dma_start3A_379 = arith.constant 0 : i32
        %dma_start3A_380 = tpu.memref_slice %arg15[%dma_start3A, %dma_start3A_379] : memref<10016x128xf32, #tpu.memory_space<vmem_shared>> -> memref<16x128xf32, #tpu.memory_space<vmem_shared>>
        %dma_start3A_381 = arith.constant 9984 : i32
        %dma_start3A_382 = arith.constant 0 : i32
        %dma_start3A_383 = tpu.memref_slice %arg6[%dma_start3A_381, %dma_start3A_382] : memref<10000x128xf32, #tpu.memory_space<hbm>> -> memref<16x128xf32, #tpu.memory_space<hbm>>
        tpu.enqueue_dma source(%dma_start3A_383 : memref<16x128xf32, #tpu.memory_space<hbm>>) target(%dma_start3A_380 : memref<16x128xf32, #tpu.memory_space<vmem_shared>>) target_semaphore(%run_scoped3A_378 : memref<!tpu.dma_semaphore, #tpu.memory_space<semaphore_mem>>)
        %dma_wait3A = arith.constant 9984 : i32
        %dma_wait3A_384 = arith.constant 0 : i32
        %dma_wait3A_385 = tpu.memref_slice %arg15[%dma_wait3A, %dma_wait3A_384] : memref<10016x128xf32, #tpu.memory_space<vmem_shared>> -> memref<16x128xf32, #tpu.memory_space<vmem_shared>>
        %dma_wait3A_386 = arith.constant 9984 : i32
        %dma_wait3A_387 = arith.constant 0 : i32
        %dma_wait3A_388 = tpu.memref_slice %arg6[%dma_wait3A_386, %dma_wait3A_387] : memref<10000x128xf32, #tpu.memory_space<hbm>> -> memref<16x128xf32, #tpu.memory_space<hbm>>
        tpu.wait_dma2 semaphore(%run_scoped3A_378 : memref<!tpu.dma_semaphore, #tpu.memory_space<semaphore_mem>>) src(%dma_wait3A_388 : memref<16x128xf32, #tpu.memory_space<hbm>>) dst(%dma_wait3A_385 : memref<16x128xf32, #tpu.memory_space<vmem_shared>>)
        tpu.yield
      }) : () -> ()
    } else {
    }
    %barrier3A = arith.constant 0 : index
    tpu.barrier barrier_id(%barrier3A)
    %run_scoped3A = arith.constant 0 : i32
    "tpu.region"() ({
      %run_scoped3A_378 = tpu.sem_alloc : memref<!tpu.dma_semaphore, #tpu.memory_space<semaphore_mem>>
      %dma_start3A = arith.constant 0 : i32
      %dma_start3A_379 = arith.constant 0 : i32
      %dma_start3A_380 = tpu.memref_slice %arg2[%add3A, %run_scoped3A, %dma_start3A, %dma_start3A_379] : memref<32x4x20x128xi32, #tpu.memory_space<hbm>> -> memref<1x1x20x128xi32, #tpu.memory_space<hbm>>
      %dma_start3A_381 = tpu.memref_squeeze %dma_start3A_380 : memref<1x1x20x128xi32, #tpu.memory_space<hbm>> -> memref<20x128xi32, #tpu.memory_space<hbm>>
      %dma_start3A_382 = arith.constant 0 : i32
      %dma_start3A_383 = arith.constant 0 : i32
      %dma_start3A_384 = tpu.memref_slice %arg2[%add3A, %run_scoped3A, %dma_start3A_382, %dma_start3A_383] : memref<32x4x20x128xi32, #tpu.memory_space<hbm>> -> memref<1x1x20x128xi32, #tpu.memory_space<hbm>>
      %dma_start3A_385 = tpu.memref_squeeze %dma_start3A_384 : memref<1x1x20x128xi32, #tpu.memory_space<hbm>> -> memref<20x128xi32, #tpu.memory_space<hbm>>
      tpu.enqueue_dma source(%dma_start3A_385 : memref<20x128xi32, #tpu.memory_space<hbm>>) target(%arg8 : memref<20x128xi32, #tpu.memory_space<vmem>>) target_semaphore(%run_scoped3A_378 : memref<!tpu.dma_semaphore, #tpu.memory_space<semaphore_mem>>)
      %dma_wait3A = arith.constant 0 : i32
      %dma_wait3A_386 = arith.constant 0 : i32
      %dma_wait3A_387 = tpu.memref_slice %arg2[%add3A, %run_scoped3A, %dma_wait3A, %dma_wait3A_386] : memref<32x4x20x128xi32, #tpu.memory_space<hbm>> -> memref<1x1x20x128xi32, #tpu.memory_space<hbm>>
      %dma_wait3A_388 = tpu.memref_squeeze %dma_wait3A_387 : memref<1x1x20x128xi32, #tpu.memory_space<hbm>> -> memref<20x128xi32, #tpu.memory_space<hbm>>
      %dma_wait3A_389 = arith.constant 0 : i32
      %dma_wait3A_390 = arith.constant 0 : i32
      %dma_wait3A_391 = tpu.memref_slice %arg2[%add3A, %run_scoped3A, %dma_wait3A_389, %dma_wait3A_390] : memref<32x4x20x128xi32, #tpu.memory_space<hbm>> -> memref<1x1x20x128xi32, #tpu.memory_space<hbm>>
      %dma_wait3A_392 = tpu.memref_squeeze %dma_wait3A_391 : memref<1x1x20x128xi32, #tpu.memory_space<hbm>> -> memref<20x128xi32, #tpu.memory_space<hbm>>
      tpu.wait_dma2 semaphore(%run_scoped3A_378 : memref<!tpu.dma_semaphore, #tpu.memory_space<semaphore_mem>>) src(%dma_wait3A_392 : memref<20x128xi32, #tpu.memory_space<hbm>>) dst(%arg8 : memref<20x128xi32, #tpu.memory_space<vmem>>)
      tpu.yield
    }) : () -> ()
    %run_scoped3A_5 = arith.constant 0 : i32
    "tpu.region"() ({
      %run_scoped3A_378 = tpu.sem_alloc : memref<!tpu.dma_semaphore, #tpu.memory_space<semaphore_mem>>
      %dma_start3A = arith.constant 0 : i32
      %dma_start3A_379 = arith.constant 0 : i32
      %dma_start3A_380 = tpu.memref_slice %arg3[%add3A, %run_scoped3A_5, %dma_start3A, %dma_start3A_379] : memref<32x4x20x128xi32, #tpu.memory_space<hbm>> -> memref<1x1x20x128xi32, #tpu.memory_space<hbm>>
      %dma_start3A_381 = tpu.memref_squeeze %dma_start3A_380 : memref<1x1x20x128xi32, #tpu.memory_space<hbm>> -> memref<20x128xi32, #tpu.memory_space<hbm>>
      %dma_start3A_382 = arith.constant 0 : i32
      %dma_start3A_383 = arith.constant 0 : i32
      %dma_start3A_384 = tpu.memref_slice %arg3[%add3A, %run_scoped3A_5, %dma_start3A_382, %dma_start3A_383] : memref<32x4x20x128xi32, #tpu.memory_space<hbm>> -> memref<1x1x20x128xi32, #tpu.memory_space<hbm>>
      %dma_start3A_385 = tpu.memref_squeeze %dma_start3A_384 : memref<1x1x20x128xi32, #tpu.memory_space<hbm>> -> memref<20x128xi32, #tpu.memory_space<hbm>>
      tpu.enqueue_dma source(%dma_start3A_385 : memref<20x128xi32, #tpu.memory_space<hbm>>) target(%arg9 : memref<20x128xi32, #tpu.memory_space<vmem>>) target_semaphore(%run_scoped3A_378 : memref<!tpu.dma_semaphore, #tpu.memory_space<semaphore_mem>>)
      %dma_wait3A = arith.constant 0 : i32
      %dma_wait3A_386 = arith.constant 0 : i32
      %dma_wait3A_387 = tpu.memref_slice %arg3[%add3A, %run_scoped3A_5, %dma_wait3A, %dma_wait3A_386] : memref<32x4x20x128xi32, #tpu.memory_space<hbm>> -> memref<1x1x20x128xi32, #tpu.memory_space<hbm>>
      %dma_wait3A_388 = tpu.memref_squeeze %dma_wait3A_387 : memref<1x1x20x128xi32, #tpu.memory_space<hbm>> -> memref<20x128xi32, #tpu.memory_space<hbm>>
      %dma_wait3A_389 = arith.constant 0 : i32
      %dma_wait3A_390 = arith.constant 0 : i32
      %dma_wait3A_391 = tpu.memref_slice %arg3[%add3A, %run_scoped3A_5, %dma_wait3A_389, %dma_wait3A_390] : memref<32x4x20x128xi32, #tpu.memory_space<hbm>> -> memref<1x1x20x128xi32, #tpu.memory_space<hbm>>
      %dma_wait3A_392 = tpu.memref_squeeze %dma_wait3A_391 : memref<1x1x20x128xi32, #tpu.memory_space<hbm>> -> memref<20x128xi32, #tpu.memory_space<hbm>>
      tpu.wait_dma2 semaphore(%run_scoped3A_378 : memref<!tpu.dma_semaphore, #tpu.memory_space<semaphore_mem>>) src(%dma_wait3A_392 : memref<20x128xi32, #tpu.memory_space<hbm>>) dst(%arg9 : memref<20x128xi32, #tpu.memory_space<vmem>>)
      tpu.yield
    }) : () -> ()
    %scan3A = arith.constant 0 : i32
    %scan3A_6 = arith.constant 20 : i32
    %scan3A_7 = arith.addi %scan3A, %scan3A_6 : i32
    %scan3A_8 = arith.constant 1 : i32
    scf.for %scan3A_378 = %scan3A to %scan3A_7 step %scan3A_8  : i32 {
      %mul3A_379 = arith.constant 1 : i32
      %mul3A_380 = arith.muli %scan3A_378, %mul3A_379 : i32
      %add3A_381 = arith.constant 0 : i32
      %add3A_382 = arith.addi %add3A_381, %mul3A_380 : i32
      %dma_start3A = arith.constant 0 : i32
      %dma_start3A_383 = tpu.memref_slice %arg10[%add3A_382, %dma_start3A] : memref<20x128xf32, #tpu.memory_space<vmem>> -> memref<1x128xf32, #tpu.memory_space<vmem>>
      %dma_start3A_384 = tpu.memref_squeeze %dma_start3A_383 : memref<1x128xf32, #tpu.memory_space<vmem>> -> memref<128xf32, #tpu.memory_space<vmem>>
      %dma_start3A_385 = arith.constant 0 : i32
      %dma_start3A_386 = tpu.memref_slice %arg9[%add3A_382, %dma_start3A_385] : memref<20x128xi32, #tpu.memory_space<vmem>> -> memref<1x128xi32, #tpu.memory_space<vmem>>
      %dma_start3A_387 = tpu.memref_squeeze %dma_start3A_386 : memref<1x128xi32, #tpu.memory_space<vmem>> -> memref<128xi32, #tpu.memory_space<vmem>>
      %dma_start3A_388 = arith.constant 0 : i32
      %dma_start3A_389 = tpu.memref_slice %arg5[%dma_start3A_388] : memref<10016xf32, #tpu.memory_space<hbm>> -> memref<10016xf32, #tpu.memory_space<hbm>>
      tpu.enqueue_indirect_dma source(%dma_start3A_389 : memref<10016xf32, #tpu.memory_space<hbm>>) target(%dma_start3A_384 : memref<128xf32, #tpu.memory_space<vmem>>) offsets(%dma_start3A_387 : memref<128xi32, #tpu.memory_space<vmem>>) semaphore(%arg18 : memref<!tpu.dma_semaphore, #tpu.memory_space<semaphore_mem>>)
    }
    %scan3A_9 = arith.constant 20 : i32
    %scan3A_10 = arith.constant 0 : i32
    %scan3A_11 = arith.constant 20 : i32
    %scan3A_12 = arith.addi %scan3A_10, %scan3A_11 : i32
    %scan3A_13 = arith.constant 1 : i32
    scf.for %scan3A_378 = %scan3A_10 to %scan3A_12 step %scan3A_13  : i32 {
      %mul3A_379 = arith.constant 1 : i32
      %mul3A_380 = arith.muli %scan3A_378, %mul3A_379 : i32
      %add3A_381 = arith.constant 0 : i32
      %add3A_382 = arith.addi %add3A_381, %mul3A_380 : i32
      %dma_wait3A = arith.constant 0 : i32
      %dma_wait3A_383 = arith.constant 0 : i32
      %dma_wait3A_384 = arith.constant 0 : i32
      %dma_wait3A_385 = tpu.memref_slice %arg10[%dma_wait3A_383, %dma_wait3A_384] : memref<20x128xf32, #tpu.memory_space<vmem>> -> memref<1x128xf32, #tpu.memory_space<vmem>>
      %dma_wait3A_386 = tpu.memref_squeeze %dma_wait3A_385 : memref<1x128xf32, #tpu.memory_space<vmem>> -> memref<128xf32, #tpu.memory_space<vmem>>
      %dma_wait3A_387 = arith.constant 0 : i32
      %dma_wait3A_388 = tpu.memref_slice %arg9[%dma_wait3A, %dma_wait3A_387] : memref<20x128xi32, #tpu.memory_space<vmem>> -> memref<1x128xi32, #tpu.memory_space<vmem>>
      %dma_wait3A_389 = tpu.memref_squeeze %dma_wait3A_388 : memref<1x128xi32, #tpu.memory_space<vmem>> -> memref<128xi32, #tpu.memory_space<vmem>>
      %dma_wait3A_390 = arith.constant 0 : i32
      %dma_wait3A_391 = tpu.memref_slice %arg5[%dma_wait3A_390] : memref<10016xf32, #tpu.memory_space<hbm>> -> memref<10016xf32, #tpu.memory_space<hbm>>
      tpu.wait_indirect_dma semaphore(%arg18 : memref<!tpu.dma_semaphore, #tpu.memory_space<semaphore_mem>>) src(%dma_wait3A_391 : memref<10016xf32, #tpu.memory_space<hbm>>) dst(%dma_wait3A_386 : memref<128xf32, #tpu.memory_space<vmem>>)
    }
    %scan3A_14 = arith.constant 20 : i32
    %scan3A_15 = arith.constant 0 : i32
    %scan3A_16 = arith.constant 0 : i32
    %scan3A_17 = arith.constant 160 : i32
    %scan3A_18 = arith.addi %scan3A_16, %scan3A_17 : i32
    %scan3A_19 = arith.constant 1 : i32
    %scan3A_20 = scf.for %scan3A_378 = %scan3A_16 to %scan3A_18 step %scan3A_19 iter_args(%scan3A_379 = %scan3A_15) -> (i32)  : i32 {
      %mul3A_380 = arith.constant 1 : i32
      %mul3A_381 = arith.muli %scan3A_378, %mul3A_380 : i32
      %add3A_382 = arith.constant 0 : i32
      %add3A_383 = arith.addi %add3A_382, %mul3A_381 : i32
      %jit3A_384 = arith.constant 8 : i32
      %div3A_385 = arith.divsi %add3A_383, %jit3A_384 : i32
      %sign3A_386 = arith.constant 0 : i32
      %sign3A_387 = arith.cmpi sgt, %add3A_383, %sign3A_386 : i32
      %sign3A_388 = arith.extui %sign3A_387 : i1 to i32
      %sign3A_389 = arith.constant 0 : i32
      %sign3A_390 = arith.cmpi slt, %add3A_383, %sign3A_389 : i32
      %sign3A_391 = arith.extui %sign3A_390 : i1 to i32
      %sign3A_392 = arith.subi %sign3A_388, %sign3A_391 : i32
      %sign3A_393 = arith.constant 0 : i32
      %sign3A_394 = arith.cmpi sgt, %jit3A_384, %sign3A_393 : i32
      %sign3A_395 = arith.extui %sign3A_394 : i1 to i32
      %sign3A_396 = arith.constant 0 : i32
      %sign3A_397 = arith.cmpi slt, %jit3A_384, %sign3A_396 : i32
      %sign3A_398 = arith.extui %sign3A_397 : i1 to i32
      %sign3A_399 = arith.subi %sign3A_395, %sign3A_398 : i32
      %ne3A_400 = arith.cmpi ne, %sign3A_392, %sign3A_399 : i32
      %rem3A_401 = arith.remsi %add3A_383, %jit3A_384 : i32
      %ne3A_402 = arith.constant 0 : i32
      %ne3A_403 = arith.cmpi ne, %rem3A_401, %ne3A_402 : i32
      %and3A_404 = arith.andi %ne3A_400, %ne3A_403 : i1
      %sub3A_405 = arith.constant 1 : i32
      %sub3A_406 = arith.subi %div3A_385, %sub3A_405 : i32
      %select_n3A_407 = arith.select %and3A_404, %sub3A_406, %div3A_385 : i32
      %rem3A_408 = arith.constant 8 : i32
      %rem3A_409 = arith.remsi %add3A_383, %rem3A_408 : i32
      %mul3A_410 = arith.constant 16 : i32
      %mul3A_411 = arith.muli %mul3A_410, %rem3A_409 : i32
      %get3A = arith.index_cast %select_n3A_407 : i32 to index
      %get3A_412 = arith.index_cast %mul3A_411 : i32 to index
      %get3A_413 = tpu.vector_load %arg10[%get3A, %get3A_412] {strides = array<i32>} : memref<20x128xf32, #tpu.memory_space<vmem>>, vector<16xf32>,
      %gt3A_414 = arith.constant 5.000000e-01 : f32
      %gt3A_415 = vector.broadcast %gt3A_414 : f32 to vector<16xf32>
      %gt3A_416 = arith.cmpf ogt, %get3A_413, %gt3A_415 : vector<16xf32>
      %get3A_417 = arith.index_cast %select_n3A_407 : i32 to index
      %get3A_418 = arith.index_cast %mul3A_411 : i32 to index
      %get3A_419 = tpu.vector_load %arg8[%get3A_417, %get3A_418] {strides = array<i32>} : memref<20x128xi32, #tpu.memory_space<vmem>>, vector<16xi32>,
      %get3A_420 = arith.index_cast %select_n3A_407 : i32 to index
      %get3A_421 = arith.index_cast %mul3A_411 : i32 to index
      %get3A_422 = tpu.vector_load %arg9[%get3A_420, %get3A_421] {strides = array<i32>} : memref<20x128xi32, #tpu.memory_space<vmem>>, vector<16xi32>,
      %convert_element_type3A_423 = arith.extui %gt3A_416 : vector<16xi1> to vector<16xi32>
      %broadcast_in_dim3A = arith.constant true
      %broadcast_in_dim3A_424 = vector.broadcast %broadcast_in_dim3A : i1 to vector<16xi1>
      %masked_cumsum3A = tpu.scan <sum>, %convert_element_type3A_423 masked %broadcast_in_dim3A_424 : vector<16xi32>, vector<16xi1> -> vector<16xi32>
      %add3A_425 = vector.broadcast %scan3A_379 : i32 to vector<16xi32>
      %add3A_426 = arith.addi %add3A_425, %masked_cumsum3A : vector<16xi32>
      %sub3A_427 = arith.subi %add3A_426, %convert_element_type3A_423 : vector<16xi32>
      %jit3A_428 = arith.constant 64 : i32
      %div3A_429 = vector.broadcast %jit3A_428 : i32 to vector<16xi32>
      %div3A_430 = arith.divsi %sub3A_427, %div3A_429 : vector<16xi32>
      %sign3A_431 = arith.constant 0 : i32
      %sign3A_432 = vector.broadcast %sign3A_431 : i32 to vector<16xi32>
      %sign3A_433 = arith.cmpi sgt, %sub3A_427, %sign3A_432 : vector<16xi32>
      %sign3A_434 = arith.extui %sign3A_433 : vector<16xi1> to vector<16xi32>
      %sign3A_435 = arith.constant 0 : i32
      %sign3A_436 = vector.broadcast %sign3A_435 : i32 to vector<16xi32>
      %sign3A_437 = arith.cmpi slt, %sub3A_427, %sign3A_436 : vector<16xi32>
      %sign3A_438 = arith.extui %sign3A_437 : vector<16xi1> to vector<16xi32>
      %sign3A_439 = arith.subi %sign3A_434, %sign3A_438 : vector<16xi32>
      %sign3A_440 = arith.constant 0 : i32
      %sign3A_441 = arith.cmpi sgt, %jit3A_428, %sign3A_440 : i32
      %sign3A_442 = arith.extui %sign3A_441 : i1 to i32
      %sign3A_443 = arith.constant 0 : i32
      %sign3A_444 = arith.cmpi slt, %jit3A_428, %sign3A_443 : i32
      %sign3A_445 = arith.extui %sign3A_444 : i1 to i32
      %sign3A_446 = arith.subi %sign3A_442, %sign3A_445 : i32
      %ne3A_447 = vector.broadcast %sign3A_446 : i32 to vector<16xi32>
      %ne3A_448 = arith.cmpi ne, %sign3A_439, %ne3A_447 : vector<16xi32>
      %rem3A_449 = vector.broadcast %jit3A_428 : i32 to vector<16xi32>
      %rem3A_450 = arith.remsi %sub3A_427, %rem3A_449 : vector<16xi32>
      %ne3A_451 = arith.constant 0 : i32
      %ne3A_452 = vector.broadcast %ne3A_451 : i32 to vector<16xi32>
      %ne3A_453 = arith.cmpi ne, %rem3A_450, %ne3A_452 : vector<16xi32>
      %and3A_454 = arith.andi %ne3A_448, %ne3A_453 : vector<16xi1>
      %sub3A_455 = arith.constant 1 : i32
      %sub3A_456 = vector.broadcast %sub3A_455 : i32 to vector<16xi32>
      %sub3A_457 = arith.subi %div3A_430, %sub3A_456 : vector<16xi32>
      %select_n3A_458 = arith.select %and3A_454, %sub3A_457, %div3A_430 : vector<16xi1>, vector<16xi32>
      %rem3A_459 = arith.constant 64 : i32
      %rem3A_460 = vector.broadcast %rem3A_459 : i32 to vector<16xi32>
      %rem3A_461 = arith.remsi %sub3A_427, %rem3A_460 : vector<16xi32>
      tpu.vector_store_idx %arg11[%select_n3A_458, %rem3A_461], %get3A_419 masked %gt3A_416 : memref<41x64xi32, #tpu.memory_space<vmem>>[vector<16xi32>, vector<16xi32>], vector<16xi32>, vector<16xi1>
      tpu.vector_store_idx %arg12[%select_n3A_458, %rem3A_461], %get3A_422 masked %gt3A_416 : memref<41x64xi32, #tpu.memory_space<vmem>>[vector<16xi32>, vector<16xi32>], vector<16xi32>, vector<16xi1>
      %reduce_sum3A = arith.constant true
      %reduce_sum3A_462 = vector.broadcast %reduce_sum3A : i1 to vector<16xi1>
      %reduce_sum3A_463 = tpu.scan <sum>, %convert_element_type3A_423 masked %reduce_sum3A_462 : vector<16xi32>, vector<16xi1> -> vector<16xi32>
      %reduce_sum3A_464 = vector.extract %reduce_sum3A_463[15] : i32 from vector<16xi32>
      %add3A_465 = arith.addi %scan3A_379, %reduce_sum3A_464 : i32
      scf.yield %add3A_465 : i32
    }
    %scan3A_21 = arith.constant 160 : i32
    %rem3A = arith.constant 64 : i32
    %rem3A_22 = arith.remsi %scan3A_20, %rem3A : i32
    %sub3A = arith.constant 64 : i32
    %sub3A_23 = arith.subi %sub3A, %rem3A_22 : i32
    %rem3A_24 = arith.constant 64 : i32
    %rem3A_25 = arith.remsi %sub3A_23, %rem3A_24 : i32
    %iota3A = tpu.iota {dimensions = array<i32: 0>} : vector<16xi32>
    %gt3A = arith.constant 0 : i32
    %gt3A_26 = arith.cmpi sgt, %rem3A_25, %gt3A : i32
    %convert_element_type3A_27 = arith.extui %gt3A_26 : i1 to i32
    %cond3A_28 = arith.constant 0 : i32
    %cond3A_29 = arith.cmpi ne, %convert_element_type3A_27, %cond3A_28 : i32
    scf.if %cond3A_29 {
      %add3A_378 = arith.constant 0 : i32
      %add3A_379 = arith.addi %scan3A_20, %add3A_378 : i32
      %add3A_380 = vector.broadcast %add3A_379 : i32 to vector<16xi32>
      %add3A_381 = arith.addi %add3A_380, %iota3A : vector<16xi32>
      %jit3A_382 = arith.constant 64 : i32
      %div3A_383 = vector.broadcast %jit3A_382 : i32 to vector<16xi32>
      %div3A_384 = arith.divsi %add3A_381, %div3A_383 : vector<16xi32>
      %sign3A_385 = arith.constant 0 : i32
      %sign3A_386 = vector.broadcast %sign3A_385 : i32 to vector<16xi32>
      %sign3A_387 = arith.cmpi sgt, %add3A_381, %sign3A_386 : vector<16xi32>
      %sign3A_388 = arith.extui %sign3A_387 : vector<16xi1> to vector<16xi32>
      %sign3A_389 = arith.constant 0 : i32
      %sign3A_390 = vector.broadcast %sign3A_389 : i32 to vector<16xi32>
      %sign3A_391 = arith.cmpi slt, %add3A_381, %sign3A_390 : vector<16xi32>
      %sign3A_392 = arith.extui %sign3A_391 : vector<16xi1> to vector<16xi32>
      %sign3A_393 = arith.subi %sign3A_388, %sign3A_392 : vector<16xi32>
      %sign3A_394 = arith.constant 0 : i32
      %sign3A_395 = arith.cmpi sgt, %jit3A_382, %sign3A_394 : i32
      %sign3A_396 = arith.extui %sign3A_395 : i1 to i32
      %sign3A_397 = arith.constant 0 : i32
      %sign3A_398 = arith.cmpi slt, %jit3A_382, %sign3A_397 : i32
      %sign3A_399 = arith.extui %sign3A_398 : i1 to i32
      %sign3A_400 = arith.subi %sign3A_396, %sign3A_399 : i32
      %ne3A_401 = vector.broadcast %sign3A_400 : i32 to vector<16xi32>
      %ne3A_402 = arith.cmpi ne, %sign3A_393, %ne3A_401 : vector<16xi32>
      %rem3A_403 = vector.broadcast %jit3A_382 : i32 to vector<16xi32>
      %rem3A_404 = arith.remsi %add3A_381, %rem3A_403 : vector<16xi32>
      %ne3A_405 = arith.constant 0 : i32
      %ne3A_406 = vector.broadcast %ne3A_405 : i32 to vector<16xi32>
      %ne3A_407 = arith.cmpi ne, %rem3A_404, %ne3A_406 : vector<16xi32>
      %and3A_408 = arith.andi %ne3A_402, %ne3A_407 : vector<16xi1>
      %sub3A_409 = arith.constant 1 : i32
      %sub3A_410 = vector.broadcast %sub3A_409 : i32 to vector<16xi32>
      %sub3A_411 = arith.subi %div3A_384, %sub3A_410 : vector<16xi32>
      %select_n3A_412 = arith.select %and3A_408, %sub3A_411, %div3A_384 : vector<16xi1>, vector<16xi32>
      %rem3A_413 = arith.constant 64 : i32
      %rem3A_414 = vector.broadcast %rem3A_413 : i32 to vector<16xi32>
      %rem3A_415 = arith.remsi %add3A_381, %rem3A_414 : vector<16xi32>
      %broadcast_in_dim3A = arith.constant 0 : i32
      %broadcast_in_dim3A_416 = vector.broadcast %broadcast_in_dim3A : i32 to vector<16xi32>
      tpu.vector_store_idx %arg11[%select_n3A_412, %rem3A_415], %broadcast_in_dim3A_416 : memref<41x64xi32, #tpu.memory_space<vmem>>[vector<16xi32>, vector<16xi32>], vector<16xi32>,
      %jit3A_417 = arith.constant 64 : i32
      %div3A_418 = vector.broadcast %jit3A_417 : i32 to vector<16xi32>
      %div3A_419 = arith.divsi %add3A_381, %div3A_418 : vector<16xi32>
      %sign3A_420 = arith.constant 0 : i32
      %sign3A_421 = vector.broadcast %sign3A_420 : i32 to vector<16xi32>
      %sign3A_422 = arith.cmpi sgt, %add3A_381, %sign3A_421 : vector<16xi32>
      %sign3A_423 = arith.extui %sign3A_422 : vector<16xi1> to vector<16xi32>
      %sign3A_424 = arith.constant 0 : i32
      %sign3A_425 = vector.broadcast %sign3A_424 : i32 to vector<16xi32>
      %sign3A_426 = arith.cmpi slt, %add3A_381, %sign3A_425 : vector<16xi32>
      %sign3A_427 = arith.extui %sign3A_426 : vector<16xi1> to vector<16xi32>
      %sign3A_428 = arith.subi %sign3A_423, %sign3A_427 : vector<16xi32>
      %sign3A_429 = arith.constant 0 : i32
      %sign3A_430 = arith.cmpi sgt, %jit3A_417, %sign3A_429 : i32
      %sign3A_431 = arith.extui %sign3A_430 : i1 to i32
      %sign3A_432 = arith.constant 0 : i32
      %sign3A_433 = arith.cmpi slt, %jit3A_417, %sign3A_432 : i32
      %sign3A_434 = arith.extui %sign3A_433 : i1 to i32
      %sign3A_435 = arith.subi %sign3A_431, %sign3A_434 : i32
      %ne3A_436 = vector.broadcast %sign3A_435 : i32 to vector<16xi32>
      %ne3A_437 = arith.cmpi ne, %sign3A_428, %ne3A_436 : vector<16xi32>
      %rem3A_438 = vector.broadcast %jit3A_417 : i32 to vector<16xi32>
      %rem3A_439 = arith.remsi %add3A_381, %rem3A_438 : vector<16xi32>
      %ne3A_440 = arith.constant 0 : i32
      %ne3A_441 = vector.broadcast %ne3A_440 : i32 to vector<16xi32>
      %ne3A_442 = arith.cmpi ne, %rem3A_439, %ne3A_441 : vector<16xi32>
      %and3A_443 = arith.andi %ne3A_437, %ne3A_442 : vector<16xi1>
      %sub3A_444 = arith.constant 1 : i32
      %sub3A_445 = vector.broadcast %sub3A_444 : i32 to vector<16xi32>
      %sub3A_446 = arith.subi %div3A_419, %sub3A_445 : vector<16xi32>
      %select_n3A_447 = arith.select %and3A_443, %sub3A_446, %div3A_419 : vector<16xi1>, vector<16xi32>
      %rem3A_448 = arith.constant 64 : i32
      %rem3A_449 = vector.broadcast %rem3A_448 : i32 to vector<16xi32>
      %rem3A_450 = arith.remsi %add3A_381, %rem3A_449 : vector<16xi32>
      %broadcast_in_dim3A_451 = arith.constant 10000 : i32
      %broadcast_in_dim3A_452 = vector.broadcast %broadcast_in_dim3A_451 : i32 to vector<16xi32>
      tpu.vector_store_idx %arg12[%select_n3A_447, %rem3A_450], %broadcast_in_dim3A_452 : memref<41x64xi32, #tpu.memory_space<vmem>>[vector<16xi32>, vector<16xi32>], vector<16xi32>,
    } else {
    }
    %gt3A_30 = arith.constant 16 : i32
    %gt3A_31 = arith.cmpi sgt, %rem3A_25, %gt3A_30 : i32
    %convert_element_type3A_32 = arith.extui %gt3A_31 : i1 to i32
    %cond3A_33 = arith.constant 0 : i32
    %cond3A_34 = arith.cmpi ne, %convert_element_type3A_32, %cond3A_33 : i32
    scf.if %cond3A_34 {
      %add3A_378 = arith.constant 16 : i32
      %add3A_379 = arith.addi %scan3A_20, %add3A_378 : i32
      %add3A_380 = vector.broadcast %add3A_379 : i32 to vector<16xi32>
      %add3A_381 = arith.addi %add3A_380, %iota3A : vector<16xi32>
      %jit3A_382 = arith.constant 64 : i32
      %div3A_383 = vector.broadcast %jit3A_382 : i32 to vector<16xi32>
      %div3A_384 = arith.divsi %add3A_381, %div3A_383 : vector<16xi32>
      %sign3A_385 = arith.constant 0 : i32
      %sign3A_386 = vector.broadcast %sign3A_385 : i32 to vector<16xi32>
      %sign3A_387 = arith.cmpi sgt, %add3A_381, %sign3A_386 : vector<16xi32>
      %sign3A_388 = arith.extui %sign3A_387 : vector<16xi1> to vector<16xi32>
      %sign3A_389 = arith.constant 0 : i32
      %sign3A_390 = vector.broadcast %sign3A_389 : i32 to vector<16xi32>
      %sign3A_391 = arith.cmpi slt, %add3A_381, %sign3A_390 : vector<16xi32>
      %sign3A_392 = arith.extui %sign3A_391 : vector<16xi1> to vector<16xi32>
      %sign3A_393 = arith.subi %sign3A_388, %sign3A_392 : vector<16xi32>
      %sign3A_394 = arith.constant 0 : i32
      %sign3A_395 = arith.cmpi sgt, %jit3A_382, %sign3A_394 : i32
      %sign3A_396 = arith.extui %sign3A_395 : i1 to i32
      %sign3A_397 = arith.constant 0 : i32
      %sign3A_398 = arith.cmpi slt, %jit3A_382, %sign3A_397 : i32
      %sign3A_399 = arith.extui %sign3A_398 : i1 to i32
      %sign3A_400 = arith.subi %sign3A_396, %sign3A_399 : i32
      %ne3A_401 = vector.broadcast %sign3A_400 : i32 to vector<16xi32>
      %ne3A_402 = arith.cmpi ne, %sign3A_393, %ne3A_401 : vector<16xi32>
      %rem3A_403 = vector.broadcast %jit3A_382 : i32 to vector<16xi32>
      %rem3A_404 = arith.remsi %add3A_381, %rem3A_403 : vector<16xi32>
      %ne3A_405 = arith.constant 0 : i32
      %ne3A_406 = vector.broadcast %ne3A_405 : i32 to vector<16xi32>
      %ne3A_407 = arith.cmpi ne, %rem3A_404, %ne3A_406 : vector<16xi32>
      %and3A_408 = arith.andi %ne3A_402, %ne3A_407 : vector<16xi1>
      %sub3A_409 = arith.constant 1 : i32
      %sub3A_410 = vector.broadcast %sub3A_409 : i32 to vector<16xi32>
      %sub3A_411 = arith.subi %div3A_384, %sub3A_410 : vector<16xi32>
      %select_n3A_412 = arith.select %and3A_408, %sub3A_411, %div3A_384 : vector<16xi1>, vector<16xi32>
      %rem3A_413 = arith.constant 64 : i32
      %rem3A_414 = vector.broadcast %rem3A_413 : i32 to vector<16xi32>
      %rem3A_415 = arith.remsi %add3A_381, %rem3A_414 : vector<16xi32>
      %broadcast_in_dim3A = arith.constant 0 : i32
      %broadcast_in_dim3A_416 = vector.broadcast %broadcast_in_dim3A : i32 to vector<16xi32>
      tpu.vector_store_idx %arg11[%select_n3A_412, %rem3A_415], %broadcast_in_dim3A_416 : memref<41x64xi32, #tpu.memory_space<vmem>>[vector<16xi32>, vector<16xi32>], vector<16xi32>,
      %jit3A_417 = arith.constant 64 : i32
      %div3A_418 = vector.broadcast %jit3A_417 : i32 to vector<16xi32>
      %div3A_419 = arith.divsi %add3A_381, %div3A_418 : vector<16xi32>
      %sign3A_420 = arith.constant 0 : i32
      %sign3A_421 = vector.broadcast %sign3A_420 : i32 to vector<16xi32>
      %sign3A_422 = arith.cmpi sgt, %add3A_381, %sign3A_421 : vector<16xi32>
      %sign3A_423 = arith.extui %sign3A_422 : vector<16xi1> to vector<16xi32>
      %sign3A_424 = arith.constant 0 : i32
      %sign3A_425 = vector.broadcast %sign3A_424 : i32 to vector<16xi32>
      %sign3A_426 = arith.cmpi slt, %add3A_381, %sign3A_425 : vector<16xi32>
      %sign3A_427 = arith.extui %sign3A_426 : vector<16xi1> to vector<16xi32>
      %sign3A_428 = arith.subi %sign3A_423, %sign3A_427 : vector<16xi32>
      %sign3A_429 = arith.constant 0 : i32
      %sign3A_430 = arith.cmpi sgt, %jit3A_417, %sign3A_429 : i32
      %sign3A_431 = arith.extui %sign3A_430 : i1 to i32
      %sign3A_432 = arith.constant 0 : i32
      %sign3A_433 = arith.cmpi slt, %jit3A_417, %sign3A_432 : i32
      %sign3A_434 = arith.extui %sign3A_433 : i1 to i32
      %sign3A_435 = arith.subi %sign3A_431, %sign3A_434 : i32
      %ne3A_436 = vector.broadcast %sign3A_435 : i32 to vector<16xi32>
      %ne3A_437 = arith.cmpi ne, %sign3A_428, %ne3A_436 : vector<16xi32>
      %rem3A_438 = vector.broadcast %jit3A_417 : i32 to vector<16xi32>
      %rem3A_439 = arith.remsi %add3A_381, %rem3A_438 : vector<16xi32>
      %ne3A_440 = arith.constant 0 : i32
      %ne3A_441 = vector.broadcast %ne3A_440 : i32 to vector<16xi32>
      %ne3A_442 = arith.cmpi ne, %rem3A_439, %ne3A_441 : vector<16xi32>
      %and3A_443 = arith.andi %ne3A_437, %ne3A_442 : vector<16xi1>
      %sub3A_444 = arith.constant 1 : i32
      %sub3A_445 = vector.broadcast %sub3A_444 : i32 to vector<16xi32>
      %sub3A_446 = arith.subi %div3A_419, %sub3A_445 : vector<16xi32>
      %select_n3A_447 = arith.select %and3A_443, %sub3A_446, %div3A_419 : vector<16xi1>, vector<16xi32>
      %rem3A_448 = arith.constant 64 : i32
      %rem3A_449 = vector.broadcast %rem3A_448 : i32 to vector<16xi32>
      %rem3A_450 = arith.remsi %add3A_381, %rem3A_449 : vector<16xi32>
      %broadcast_in_dim3A_451 = arith.constant 10000 : i32
      %broadcast_in_dim3A_452 = vector.broadcast %broadcast_in_dim3A_451 : i32 to vector<16xi32>
      tpu.vector_store_idx %arg12[%select_n3A_447, %rem3A_450], %broadcast_in_dim3A_452 : memref<41x64xi32, #tpu.memory_space<vmem>>[vector<16xi32>, vector<16xi32>], vector<16xi32>,
    } else {
    }
    %gt3A_35 = arith.constant 32 : i32
    %gt3A_36 = arith.cmpi sgt, %rem3A_25, %gt3A_35 : i32
    %convert_element_type3A_37 = arith.extui %gt3A_36 : i1 to i32
    %cond3A_38 = arith.constant 0 : i32
    %cond3A_39 = arith.cmpi ne, %convert_element_type3A_37, %cond3A_38 : i32
    scf.if %cond3A_39 {
      %add3A_378 = arith.constant 32 : i32
      %add3A_379 = arith.addi %scan3A_20, %add3A_378 : i32
      %add3A_380 = vector.broadcast %add3A_379 : i32 to vector<16xi32>
      %add3A_381 = arith.addi %add3A_380, %iota3A : vector<16xi32>
      %jit3A_382 = arith.constant 64 : i32
      %div3A_383 = vector.broadcast %jit3A_382 : i32 to vector<16xi32>
      %div3A_384 = arith.divsi %add3A_381, %div3A_383 : vector<16xi32>
      %sign3A_385 = arith.constant 0 : i32
      %sign3A_386 = vector.broadcast %sign3A_385 : i32 to vector<16xi32>
      %sign3A_387 = arith.cmpi sgt, %add3A_381, %sign3A_386 : vector<16xi32>
      %sign3A_388 = arith.extui %sign3A_387 : vector<16xi1> to vector<16xi32>
      %sign3A_389 = arith.constant 0 : i32
      %sign3A_390 = vector.broadcast %sign3A_389 : i32 to vector<16xi32>
      %sign3A_391 = arith.cmpi slt, %add3A_381, %sign3A_390 : vector<16xi32>
      %sign3A_392 = arith.extui %sign3A_391 : vector<16xi1> to vector<16xi32>
      %sign3A_393 = arith.subi %sign3A_388, %sign3A_392 : vector<16xi32>
      %sign3A_394 = arith.constant 0 : i32
      %sign3A_395 = arith.cmpi sgt, %jit3A_382, %sign3A_394 : i32
      %sign3A_396 = arith.extui %sign3A_395 : i1 to i32
      %sign3A_397 = arith.constant 0 : i32
      %sign3A_398 = arith.cmpi slt, %jit3A_382, %sign3A_397 : i32
      %sign3A_399 = arith.extui %sign3A_398 : i1 to i32
      %sign3A_400 = arith.subi %sign3A_396, %sign3A_399 : i32
      %ne3A_401 = vector.broadcast %sign3A_400 : i32 to vector<16xi32>
      %ne3A_402 = arith.cmpi ne, %sign3A_393, %ne3A_401 : vector<16xi32>
      %rem3A_403 = vector.broadcast %jit3A_382 : i32 to vector<16xi32>
      %rem3A_404 = arith.remsi %add3A_381, %rem3A_403 : vector<16xi32>
      %ne3A_405 = arith.constant 0 : i32
      %ne3A_406 = vector.broadcast %ne3A_405 : i32 to vector<16xi32>
      %ne3A_407 = arith.cmpi ne, %rem3A_404, %ne3A_406 : vector<16xi32>
      %and3A_408 = arith.andi %ne3A_402, %ne3A_407 : vector<16xi1>
      %sub3A_409 = arith.constant 1 : i32
      %sub3A_410 = vector.broadcast %sub3A_409 : i32 to vector<16xi32>
      %sub3A_411 = arith.subi %div3A_384, %sub3A_410 : vector<16xi32>
      %select_n3A_412 = arith.select %and3A_408, %sub3A_411, %div3A_384 : vector<16xi1>, vector<16xi32>
      %rem3A_413 = arith.constant 64 : i32
      %rem3A_414 = vector.broadcast %rem3A_413 : i32 to vector<16xi32>
      %rem3A_415 = arith.remsi %add3A_381, %rem3A_414 : vector<16xi32>
      %broadcast_in_dim3A = arith.constant 0 : i32
      %broadcast_in_dim3A_416 = vector.broadcast %broadcast_in_dim3A : i32 to vector<16xi32>
      tpu.vector_store_idx %arg11[%select_n3A_412, %rem3A_415], %broadcast_in_dim3A_416 : memref<41x64xi32, #tpu.memory_space<vmem>>[vector<16xi32>, vector<16xi32>], vector<16xi32>,
      %jit3A_417 = arith.constant 64 : i32
      %div3A_418 = vector.broadcast %jit3A_417 : i32 to vector<16xi32>
      %div3A_419 = arith.divsi %add3A_381, %div3A_418 : vector<16xi32>
      %sign3A_420 = arith.constant 0 : i32
      %sign3A_421 = vector.broadcast %sign3A_420 : i32 to vector<16xi32>
      %sign3A_422 = arith.cmpi sgt, %add3A_381, %sign3A_421 : vector<16xi32>
      %sign3A_423 = arith.extui %sign3A_422 : vector<16xi1> to vector<16xi32>
      %sign3A_424 = arith.constant 0 : i32
      %sign3A_425 = vector.broadcast %sign3A_424 : i32 to vector<16xi32>
      %sign3A_426 = arith.cmpi slt, %add3A_381, %sign3A_425 : vector<16xi32>
      %sign3A_427 = arith.extui %sign3A_426 : vector<16xi1> to vector<16xi32>
      %sign3A_428 = arith.subi %sign3A_423, %sign3A_427 : vector<16xi32>
      %sign3A_429 = arith.constant 0 : i32
      %sign3A_430 = arith.cmpi sgt, %jit3A_417, %sign3A_429 : i32
      %sign3A_431 = arith.extui %sign3A_430 : i1 to i32
      %sign3A_432 = arith.constant 0 : i32
      %sign3A_433 = arith.cmpi slt, %jit3A_417, %sign3A_432 : i32
      %sign3A_434 = arith.extui %sign3A_433 : i1 to i32
      %sign3A_435 = arith.subi %sign3A_431, %sign3A_434 : i32
      %ne3A_436 = vector.broadcast %sign3A_435 : i32 to vector<16xi32>
      %ne3A_437 = arith.cmpi ne, %sign3A_428, %ne3A_436 : vector<16xi32>
      %rem3A_438 = vector.broadcast %jit3A_417 : i32 to vector<16xi32>
      %rem3A_439 = arith.remsi %add3A_381, %rem3A_438 : vector<16xi32>
      %ne3A_440 = arith.constant 0 : i32
      %ne3A_441 = vector.broadcast %ne3A_440 : i32 to vector<16xi32>
      %ne3A_442 = arith.cmpi ne, %rem3A_439, %ne3A_441 : vector<16xi32>
      %and3A_443 = arith.andi %ne3A_437, %ne3A_442 : vector<16xi1>
      %sub3A_444 = arith.constant 1 : i32
      %sub3A_445 = vector.broadcast %sub3A_444 : i32 to vector<16xi32>
      %sub3A_446 = arith.subi %div3A_419, %sub3A_445 : vector<16xi32>
      %select_n3A_447 = arith.select %and3A_443, %sub3A_446, %div3A_419 : vector<16xi1>, vector<16xi32>
      %rem3A_448 = arith.constant 64 : i32
      %rem3A_449 = vector.broadcast %rem3A_448 : i32 to vector<16xi32>
      %rem3A_450 = arith.remsi %add3A_381, %rem3A_449 : vector<16xi32>
      %broadcast_in_dim3A_451 = arith.constant 10000 : i32
      %broadcast_in_dim3A_452 = vector.broadcast %broadcast_in_dim3A_451 : i32 to vector<16xi32>
      tpu.vector_store_idx %arg12[%select_n3A_447, %rem3A_450], %broadcast_in_dim3A_452 : memref<41x64xi32, #tpu.memory_space<vmem>>[vector<16xi32>, vector<16xi32>], vector<16xi32>,
    } else {
    }
    %gt3A_40 = arith.constant 48 : i32
    %gt3A_41 = arith.cmpi sgt, %rem3A_25, %gt3A_40 : i32
    %convert_element_type3A_42 = arith.extui %gt3A_41 : i1 to i32
    %cond3A_43 = arith.constant 0 : i32
    %cond3A_44 = arith.cmpi ne, %convert_element_type3A_42, %cond3A_43 : i32
    scf.if %cond3A_44 {
      %add3A_378 = arith.constant 48 : i32
      %add3A_379 = arith.addi %scan3A_20, %add3A_378 : i32
      %add3A_380 = vector.broadcast %add3A_379 : i32 to vector<16xi32>
      %add3A_381 = arith.addi %add3A_380, %iota3A : vector<16xi32>
      %jit3A_382 = arith.constant 64 : i32
      %div3A_383 = vector.broadcast %jit3A_382 : i32 to vector<16xi32>
      %div3A_384 = arith.divsi %add3A_381, %div3A_383 : vector<16xi32>
      %sign3A_385 = arith.constant 0 : i32
      %sign3A_386 = vector.broadcast %sign3A_385 : i32 to vector<16xi32>
      %sign3A_387 = arith.cmpi sgt, %add3A_381, %sign3A_386 : vector<16xi32>
      %sign3A_388 = arith.extui %sign3A_387 : vector<16xi1> to vector<16xi32>
      %sign3A_389 = arith.constant 0 : i32
      %sign3A_390 = vector.broadcast %sign3A_389 : i32 to vector<16xi32>
      %sign3A_391 = arith.cmpi slt, %add3A_381, %sign3A_390 : vector<16xi32>
      %sign3A_392 = arith.extui %sign3A_391 : vector<16xi1> to vector<16xi32>
      %sign3A_393 = arith.subi %sign3A_388, %sign3A_392 : vector<16xi32>
      %sign3A_394 = arith.constant 0 : i32
      %sign3A_395 = arith.cmpi sgt, %jit3A_382, %sign3A_394 : i32
      %sign3A_396 = arith.extui %sign3A_395 : i1 to i32
      %sign3A_397 = arith.constant 0 : i32
      %sign3A_398 = arith.cmpi slt, %jit3A_382, %sign3A_397 : i32
      %sign3A_399 = arith.extui %sign3A_398 : i1 to i32
      %sign3A_400 = arith.subi %sign3A_396, %sign3A_399 : i32
      %ne3A_401 = vector.broadcast %sign3A_400 : i32 to vector<16xi32>
      %ne3A_402 = arith.cmpi ne, %sign3A_393, %ne3A_401 : vector<16xi32>
      %rem3A_403 = vector.broadcast %jit3A_382 : i32 to vector<16xi32>
      %rem3A_404 = arith.remsi %add3A_381, %rem3A_403 : vector<16xi32>
      %ne3A_405 = arith.constant 0 : i32
      %ne3A_406 = vector.broadcast %ne3A_405 : i32 to vector<16xi32>
      %ne3A_407 = arith.cmpi ne, %rem3A_404, %ne3A_406 : vector<16xi32>
      %and3A_408 = arith.andi %ne3A_402, %ne3A_407 : vector<16xi1>
      %sub3A_409 = arith.constant 1 : i32
      %sub3A_410 = vector.broadcast %sub3A_409 : i32 to vector<16xi32>
      %sub3A_411 = arith.subi %div3A_384, %sub3A_410 : vector<16xi32>
      %select_n3A_412 = arith.select %and3A_408, %sub3A_411, %div3A_384 : vector<16xi1>, vector<16xi32>
      %rem3A_413 = arith.constant 64 : i32
      %rem3A_414 = vector.broadcast %rem3A_413 : i32 to vector<16xi32>
      %rem3A_415 = arith.remsi %add3A_381, %rem3A_414 : vector<16xi32>
      %broadcast_in_dim3A = arith.constant 0 : i32
      %broadcast_in_dim3A_416 = vector.broadcast %broadcast_in_dim3A : i32 to vector<16xi32>
      tpu.vector_store_idx %arg11[%select_n3A_412, %rem3A_415], %broadcast_in_dim3A_416 : memref<41x64xi32, #tpu.memory_space<vmem>>[vector<16xi32>, vector<16xi32>], vector<16xi32>,
      %jit3A_417 = arith.constant 64 : i32
      %div3A_418 = vector.broadcast %jit3A_417 : i32 to vector<16xi32>
      %div3A_419 = arith.divsi %add3A_381, %div3A_418 : vector<16xi32>
      %sign3A_420 = arith.constant 0 : i32
      %sign3A_421 = vector.broadcast %sign3A_420 : i32 to vector<16xi32>
      %sign3A_422 = arith.cmpi sgt, %add3A_381, %sign3A_421 : vector<16xi32>
      %sign3A_423 = arith.extui %sign3A_422 : vector<16xi1> to vector<16xi32>
      %sign3A_424 = arith.constant 0 : i32
      %sign3A_425 = vector.broadcast %sign3A_424 : i32 to vector<16xi32>
      %sign3A_426 = arith.cmpi slt, %add3A_381, %sign3A_425 : vector<16xi32>
      %sign3A_427 = arith.extui %sign3A_426 : vector<16xi1> to vector<16xi32>
      %sign3A_428 = arith.subi %sign3A_423, %sign3A_427 : vector<16xi32>
      %sign3A_429 = arith.constant 0 : i32
      %sign3A_430 = arith.cmpi sgt, %jit3A_417, %sign3A_429 : i32
      %sign3A_431 = arith.extui %sign3A_430 : i1 to i32
      %sign3A_432 = arith.constant 0 : i32
      %sign3A_433 = arith.cmpi slt, %jit3A_417, %sign3A_432 : i32
      %sign3A_434 = arith.extui %sign3A_433 : i1 to i32
      %sign3A_435 = arith.subi %sign3A_431, %sign3A_434 : i32
      %ne3A_436 = vector.broadcast %sign3A_435 : i32 to vector<16xi32>
      %ne3A_437 = arith.cmpi ne, %sign3A_428, %ne3A_436 : vector<16xi32>
      %rem3A_438 = vector.broadcast %jit3A_417 : i32 to vector<16xi32>
      %rem3A_439 = arith.remsi %add3A_381, %rem3A_438 : vector<16xi32>
      %ne3A_440 = arith.constant 0 : i32
      %ne3A_441 = vector.broadcast %ne3A_440 : i32 to vector<16xi32>
      %ne3A_442 = arith.cmpi ne, %rem3A_439, %ne3A_441 : vector<16xi32>
      %and3A_443 = arith.andi %ne3A_437, %ne3A_442 : vector<16xi1>
      %sub3A_444 = arith.constant 1 : i32
      %sub3A_445 = vector.broadcast %sub3A_444 : i32 to vector<16xi32>
      %sub3A_446 = arith.subi %div3A_419, %sub3A_445 : vector<16xi32>
      %select_n3A_447 = arith.select %and3A_443, %sub3A_446, %div3A_419 : vector<16xi1>, vector<16xi32>
      %rem3A_448 = arith.constant 64 : i32
      %rem3A_449 = vector.broadcast %rem3A_448 : i32 to vector<16xi32>
      %rem3A_450 = arith.remsi %add3A_381, %rem3A_449 : vector<16xi32>
      %broadcast_in_dim3A_451 = arith.constant 10000 : i32
      %broadcast_in_dim3A_452 = vector.broadcast %broadcast_in_dim3A_451 : i32 to vector<16xi32>
      tpu.vector_store_idx %arg12[%select_n3A_447, %rem3A_450], %broadcast_in_dim3A_452 : memref<41x64xi32, #tpu.memory_space<vmem>>[vector<16xi32>, vector<16xi32>], vector<16xi32>,
    } else {
    }
    %add3A_45 = arith.addi %scan3A_20, %rem3A_25 : i32
    %jit3A = arith.constant 64 : i32
    %div3A = arith.divsi %add3A_45, %jit3A : i32
    %sign3A = arith.constant 0 : i32
    %sign3A_46 = arith.cmpi sgt, %add3A_45, %sign3A : i32
    %sign3A_47 = arith.extui %sign3A_46 : i1 to i32
    %sign3A_48 = arith.constant 0 : i32
    %sign3A_49 = arith.cmpi slt, %add3A_45, %sign3A_48 : i32
    %sign3A_50 = arith.extui %sign3A_49 : i1 to i32
    %sign3A_51 = arith.subi %sign3A_47, %sign3A_50 : i32
    %sign3A_52 = arith.constant 0 : i32
    %sign3A_53 = arith.cmpi sgt, %jit3A, %sign3A_52 : i32
    %sign3A_54 = arith.extui %sign3A_53 : i1 to i32
    %sign3A_55 = arith.constant 0 : i32
    %sign3A_56 = arith.cmpi slt, %jit3A, %sign3A_55 : i32
    %sign3A_57 = arith.extui %sign3A_56 : i1 to i32
    %sign3A_58 = arith.subi %sign3A_54, %sign3A_57 : i32
    %ne3A = arith.cmpi ne, %sign3A_51, %sign3A_58 : i32
    %rem3A_59 = arith.remsi %add3A_45, %jit3A : i32
    %ne3A_60 = arith.constant 0 : i32
    %ne3A_61 = arith.cmpi ne, %rem3A_59, %ne3A_60 : i32
    %and3A = arith.andi %ne3A, %ne3A_61 : i1
    %sub3A_62 = arith.constant 1 : i32
    %sub3A_63 = arith.subi %div3A, %sub3A_62 : i32
    %select_n3A = arith.select %and3A, %sub3A_63, %div3A : i32
    %gt3A_64 = arith.constant 0 : i32
    %gt3A_65 = arith.cmpi sgt, %select_n3A, %gt3A_64 : i32
    %convert_element_type3A_66 = arith.extui %gt3A_65 : i1 to i32
    %cond3A_67 = arith.constant 0 : i32
    %cond3A_68 = arith.cmpi ne, %convert_element_type3A_66, %cond3A_67 : i32
    scf.if %cond3A_68 {
      %dma_start3A = arith.constant 0 : i32
      %dma_start3A_378 = arith.constant 0 : i32
      %dma_start3A_379 = tpu.memref_slice %arg11[%dma_start3A, %dma_start3A_378] : memref<41x64xi32, #tpu.memory_space<vmem>> -> memref<1x64xi32, #tpu.memory_space<vmem>>
      %dma_start3A_380 = tpu.memref_squeeze %dma_start3A_379 : memref<1x64xi32, #tpu.memory_space<vmem>> -> memref<64xi32, #tpu.memory_space<vmem>>
      %dma_start3A_381 = arith.constant 0 : i32
      %dma_start3A_382 = arith.constant 0 : i32
      %dma_start3A_383 = tpu.memref_slice %arg4[%dma_start3A_381, %dma_start3A_382] : memref<10000x128xf32, #tpu.memory_space<hbm>> -> memref<10000x128xf32, #tpu.memory_space<hbm>>
      tpu.enqueue_indirect_dma source(%dma_start3A_383 : memref<10000x128xf32, #tpu.memory_space<hbm>>) target(%arg13 : memref<64x128xf32, #tpu.memory_space<vmem>>) offsets(%dma_start3A_380 : memref<64xi32, #tpu.memory_space<vmem>>) semaphore(%arg16 : memref<!tpu.dma_semaphore, #tpu.memory_space<semaphore_mem>>)
    } else {
    }
    %sub3A_69 = arith.constant 0 : i32
    %sub3A_70 = arith.subi %select_n3A, %sub3A_69 : i32
    %sub3A_71 = arith.constant 1 : i32
    %sub3A_72 = arith.constant 1 : i32
    %sub3A_73 = arith.subi %sub3A_71, %sub3A_72 : i32
    %add3A_74 = arith.addi %sub3A_70, %sub3A_73 : i32
    %div3A_75 = arith.constant 1 : i32
    %div3A_76 = arith.divsi %add3A_74, %div3A_75 : i32
    %while3A = arith.constant 1 : i32
    %while3A_77 = arith.constant 0 : i32
    %while3A_78 = arith.constant 0 : i32
    %while3A_79 = arith.subi %div3A_76, %while3A_78 : i32
    %while3A_80 = arith.addi %while3A_78, %while3A_79 : i32
    %while3A_81 = arith.constant 1 : i32
    %while3A_82 = arith.divsi %while3A_79, %while3A_81 : i32
    %while3A_83 = arith.muli %while3A_82, %while3A_81 : i32
    %while3A_84 = arith.addi %while3A_78, %while3A_83 : i32
    %while3A_85 = arith.constant 1 : i32
    scf.for %while3A_378 = %while3A_78 to %while3A_84 step %while3A_85  : i32 {
      %mul3A_379 = arith.muli %while3A_378, %while3A : i32
      %add3A_380 = arith.addi %while3A_77, %mul3A_379 : i32
      %rem3A_381 = arith.constant 2 : i32
      %rem3A_382 = arith.remsi %add3A_380, %rem3A_381 : i32
      %add3A_383 = arith.constant 1 : i32
      %add3A_384 = arith.addi %add3A_380, %add3A_383 : i32
      %lt3A = arith.cmpi slt, %add3A_384, %select_n3A : i32
      %eq3A_385 = arith.constant 0 : i32
      %eq3A_386 = arith.cmpi eq, %rem3A_382, %eq3A_385 : i32
      %and3A_387 = arith.andi %lt3A, %eq3A_386 : i1
      %convert_element_type3A_388 = arith.extui %and3A_387 : i1 to i32
      %cond3A_389 = arith.constant 0 : i32
      %cond3A_390 = arith.cmpi ne, %convert_element_type3A_388, %cond3A_389 : i32
      scf.if %cond3A_390 {
        %add3A_407 = arith.constant 1 : i32
        %add3A_408 = arith.addi %add3A_380, %add3A_407 : i32
        %dma_start3A = arith.constant 0 : i32
        %dma_start3A_409 = tpu.memref_slice %arg11[%add3A_408, %dma_start3A] : memref<41x64xi32, #tpu.memory_space<vmem>> -> memref<1x64xi32, #tpu.memory_space<vmem>>
        %dma_start3A_410 = tpu.memref_squeeze %dma_start3A_409 : memref<1x64xi32, #tpu.memory_space<vmem>> -> memref<64xi32, #tpu.memory_space<vmem>>
        %dma_start3A_411 = arith.constant 0 : i32
        %dma_start3A_412 = arith.constant 0 : i32
        %dma_start3A_413 = tpu.memref_slice %arg4[%dma_start3A_411, %dma_start3A_412] : memref<10000x128xf32, #tpu.memory_space<hbm>> -> memref<10000x128xf32, #tpu.memory_space<hbm>>
        tpu.enqueue_indirect_dma source(%dma_start3A_413 : memref<10000x128xf32, #tpu.memory_space<hbm>>) target(%arg14 : memref<64x128xf32, #tpu.memory_space<vmem>>) offsets(%dma_start3A_410 : memref<64xi32, #tpu.memory_space<vmem>>) semaphore(%arg17 : memref<!tpu.dma_semaphore, #tpu.memory_space<semaphore_mem>>)
      } else {
      }
      %eq3A_391 = arith.constant 1 : i32
      %eq3A_392 = arith.cmpi eq, %rem3A_382, %eq3A_391 : i32
      %and3A_393 = arith.andi %lt3A, %eq3A_392 : i1
      %convert_element_type3A_394 = arith.extui %and3A_393 : i1 to i32
      %cond3A_395 = arith.constant 0 : i32
      %cond3A_396 = arith.cmpi ne, %convert_element_type3A_394, %cond3A_395 : i32
      scf.if %cond3A_396 {
        %add3A_407 = arith.constant 1 : i32
        %add3A_408 = arith.addi %add3A_380, %add3A_407 : i32
        %dma_start3A = arith.constant 0 : i32
        %dma_start3A_409 = tpu.memref_slice %arg11[%add3A_408, %dma_start3A] : memref<41x64xi32, #tpu.memory_space<vmem>> -> memref<1x64xi32, #tpu.memory_space<vmem>>
        %dma_start3A_410 = tpu.memref_squeeze %dma_start3A_409 : memref<1x64xi32, #tpu.memory_space<vmem>> -> memref<64xi32, #tpu.memory_space<vmem>>
        %dma_start3A_411 = arith.constant 0 : i32
        %dma_start3A_412 = arith.constant 0 : i32
        %dma_start3A_413 = tpu.memref_slice %arg4[%dma_start3A_411, %dma_start3A_412] : memref<10000x128xf32, #tpu.memory_space<hbm>> -> memref<10000x128xf32, #tpu.memory_space<hbm>>
        tpu.enqueue_indirect_dma source(%dma_start3A_413 : memref<10000x128xf32, #tpu.memory_space<hbm>>) target(%arg13 : memref<64x128xf32, #tpu.memory_space<vmem>>) offsets(%dma_start3A_410 : memref<64xi32, #tpu.memory_space<vmem>>) semaphore(%arg16 : memref<!tpu.dma_semaphore, #tpu.memory_space<semaphore_mem>>)
      } else {
      }
      %eq3A_397 = arith.constant 0 : i32
      %eq3A_398 = arith.cmpi eq, %rem3A_382, %eq3A_397 : i32
      %convert_element_type3A_399 = arith.extui %eq3A_398 : i1 to i32
      %cond3A_400 = arith.constant 0 : i32
      %cond3A_401 = arith.cmpi ne, %convert_element_type3A_399, %cond3A_400 : i32
      scf.if %cond3A_401 {
        %dma_wait3A = arith.constant 0 : i32
        %dma_wait3A_407 = arith.constant 0 : i32
        %dma_wait3A_408 = tpu.memref_slice %arg11[%dma_wait3A, %dma_wait3A_407] : memref<41x64xi32, #tpu.memory_space<vmem>> -> memref<1x64xi32, #tpu.memory_space<vmem>>
        %dma_wait3A_409 = tpu.memref_squeeze %dma_wait3A_408 : memref<1x64xi32, #tpu.memory_space<vmem>> -> memref<64xi32, #tpu.memory_space<vmem>>
        %dma_wait3A_410 = arith.constant 0 : i32
        %dma_wait3A_411 = arith.constant 0 : i32
        %dma_wait3A_412 = tpu.memref_slice %arg4[%dma_wait3A_410, %dma_wait3A_411] : memref<10000x128xf32, #tpu.memory_space<hbm>> -> memref<10000x128xf32, #tpu.memory_space<hbm>>
        tpu.wait_indirect_dma semaphore(%arg16 : memref<!tpu.dma_semaphore, #tpu.memory_space<semaphore_mem>>) src(%dma_wait3A_412 : memref<10000x128xf32, #tpu.memory_space<hbm>>) dst(%arg13 : memref<64x128xf32, #tpu.memory_space<vmem>>)
        "tpu.region"() ({
          %run_scoped3A_413 = tpu.sem_alloc : memref<!tpu.dma_semaphore, #tpu.memory_space<semaphore_mem>>
          %dma_start3A = arith.constant 0 : i32
          %dma_start3A_414 = tpu.memref_slice %arg12[%add3A_380, %dma_start3A] : memref<41x64xi32, #tpu.memory_space<vmem>> -> memref<1x64xi32, #tpu.memory_space<vmem>>
          %dma_start3A_415 = tpu.memref_squeeze %dma_start3A_414 : memref<1x64xi32, #tpu.memory_space<vmem>> -> memref<64xi32, #tpu.memory_space<vmem>>
          %dma_start3A_416 = arith.constant 0 : i32
          %dma_start3A_417 = arith.constant 0 : i32
          %dma_start3A_418 = tpu.memref_slice %arg15[%dma_start3A_416, %dma_start3A_417] : memref<10016x128xf32, #tpu.memory_space<vmem_shared>> -> memref<10016x128xf32, #tpu.memory_space<vmem_shared>>
          tpu.enqueue_indirect_dma source(%arg13 : memref<64x128xf32, #tpu.memory_space<vmem>>) target(%dma_start3A_418 : memref<10016x128xf32, #tpu.memory_space<vmem_shared>>) offsets(%dma_start3A_415 : memref<64xi32, #tpu.memory_space<vmem>>) semaphore(%run_scoped3A_413 : memref<!tpu.dma_semaphore, #tpu.memory_space<semaphore_mem>>) {add = true}
          %dma_wait3A_419 = arith.constant 0 : i32
          %dma_wait3A_420 = tpu.memref_slice %arg12[%add3A_380, %dma_wait3A_419] : memref<41x64xi32, #tpu.memory_space<vmem>> -> memref<1x64xi32, #tpu.memory_space<vmem>>
          %dma_wait3A_421 = tpu.memref_squeeze %dma_wait3A_420 : memref<1x64xi32, #tpu.memory_space<vmem>> -> memref<64xi32, #tpu.memory_space<vmem>>
          %dma_wait3A_422 = arith.constant 0 : i32
          %dma_wait3A_423 = arith.constant 0 : i32
          %dma_wait3A_424 = tpu.memref_slice %arg15[%dma_wait3A_422, %dma_wait3A_423] : memref<10016x128xf32, #tpu.memory_space<vmem_shared>> -> memref<10016x128xf32, #tpu.memory_space<vmem_shared>>
          tpu.wait_indirect_dma semaphore(%run_scoped3A_413 : memref<!tpu.dma_semaphore, #tpu.memory_space<semaphore_mem>>) src(%arg13 : memref<64x128xf32, #tpu.memory_space<vmem>>) dst(%dma_wait3A_424 : memref<10016x128xf32, #tpu.memory_space<vmem_shared>>)
          tpu.yield
        }) : () -> ()
      } else {
      }
      %eq3A_402 = arith.constant 1 : i32
      %eq3A_403 = arith.cmpi eq, %rem3A_382, %eq3A_402 : i32
      %convert_element_type3A_404 = arith.extui %eq3A_403 : i1 to i32
      %cond3A_405 = arith.constant 0 : i32
      %cond3A_406 = arith.cmpi ne, %convert_element_type3A_404, %cond3A_405 : i32
      scf.if %cond3A_406 {
        %dma_wait3A = arith.constant 0 : i32
        %dma_wait3A_407 = arith.constant 0 : i32
        %dma_wait3A_408 = tpu.memref_slice %arg11[%dma_wait3A, %dma_wait3A_407] : memref<41x64xi32, #tpu.memory_space<vmem>> -> memref<1x64xi32, #tpu.memory_space<vmem>>
        %dma_wait3A_409 = tpu.memref_squeeze %dma_wait3A_408 : memref<1x64xi32, #tpu.memory_space<vmem>> -> memref<64xi32, #tpu.memory_space<vmem>>
        %dma_wait3A_410 = arith.constant 0 : i32
        %dma_wait3A_411 = arith.constant 0 : i32
        %dma_wait3A_412 = tpu.memref_slice %arg4[%dma_wait3A_410, %dma_wait3A_411] : memref<10000x128xf32, #tpu.memory_space<hbm>> -> memref<10000x128xf32, #tpu.memory_space<hbm>>
        tpu.wait_indirect_dma semaphore(%arg17 : memref<!tpu.dma_semaphore, #tpu.memory_space<semaphore_mem>>) src(%dma_wait3A_412 : memref<10000x128xf32, #tpu.memory_space<hbm>>) dst(%arg14 : memref<64x128xf32, #tpu.memory_space<vmem>>)
        "tpu.region"() ({
          %run_scoped3A_413 = tpu.sem_alloc : memref<!tpu.dma_semaphore, #tpu.memory_space<semaphore_mem>>
          %dma_start3A = arith.constant 0 : i32
          %dma_start3A_414 = tpu.memref_slice %arg12[%add3A_380, %dma_start3A] : memref<41x64xi32, #tpu.memory_space<vmem>> -> memref<1x64xi32, #tpu.memory_space<vmem>>
          %dma_start3A_415 = tpu.memref_squeeze %dma_start3A_414 : memref<1x64xi32, #tpu.memory_space<vmem>> -> memref<64xi32, #tpu.memory_space<vmem>>
          %dma_start3A_416 = arith.constant 0 : i32
          %dma_start3A_417 = arith.constant 0 : i32
          %dma_start3A_418 = tpu.memref_slice %arg15[%dma_start3A_416, %dma_start3A_417] : memref<10016x128xf32, #tpu.memory_space<vmem_shared>> -> memref<10016x128xf32, #tpu.memory_space<vmem_shared>>
          tpu.enqueue_indirect_dma source(%arg14 : memref<64x128xf32, #tpu.memory_space<vmem>>) target(%dma_start3A_418 : memref<10016x128xf32, #tpu.memory_space<vmem_shared>>) offsets(%dma_start3A_415 : memref<64xi32, #tpu.memory_space<vmem>>) semaphore(%run_scoped3A_413 : memref<!tpu.dma_semaphore, #tpu.memory_space<semaphore_mem>>) {add = true}
          %dma_wait3A_419 = arith.constant 0 : i32
          %dma_wait3A_420 = tpu.memref_slice %arg12[%add3A_380, %dma_wait3A_419] : memref<41x64xi32, #tpu.memory_space<vmem>> -> memref<1x64xi32, #tpu.memory_space<vmem>>
          %dma_wait3A_421 = tpu.memref_squeeze %dma_wait3A_420 : memref<1x64xi32, #tpu.memory_space<vmem>> -> memref<64xi32, #tpu.memory_space<vmem>>
          %dma_wait3A_422 = arith.constant 0 : i32
          %dma_wait3A_423 = arith.constant 0 : i32
          %dma_wait3A_424 = tpu.memref_slice %arg15[%dma_wait3A_422, %dma_wait3A_423] : memref<10016x128xf32, #tpu.memory_space<vmem_shared>> -> memref<10016x128xf32, #tpu.memory_space<vmem_shared>>
          tpu.wait_indirect_dma semaphore(%run_scoped3A_413 : memref<!tpu.dma_semaphore, #tpu.memory_space<semaphore_mem>>) src(%arg14 : memref<64x128xf32, #tpu.memory_space<vmem>>) dst(%dma_wait3A_424 : memref<10016x128xf32, #tpu.memory_space<vmem_shared>>)
          tpu.yield
        }) : () -> ()
      } else {
      }
    }
    %while3A_86 = arith.constant 1 : i32
    scf.for %while3A_378 = %while3A_84 to %while3A_80 step %while3A_86  : i32 {
      %mul3A_379 = arith.muli %while3A_378, %while3A : i32
      %add3A_380 = arith.addi %while3A_77, %mul3A_379 : i32
      %rem3A_381 = arith.constant 2 : i32
      %rem3A_382 = arith.remsi %add3A_380, %rem3A_381 : i32
      %add3A_383 = arith.constant 1 : i32
      %add3A_384 = arith.addi %add3A_380, %add3A_383 : i32
      %lt3A = arith.cmpi slt, %add3A_384, %select_n3A : i32
      %eq3A_385 = arith.constant 0 : i32
      %eq3A_386 = arith.cmpi eq, %rem3A_382, %eq3A_385 : i32
      %and3A_387 = arith.andi %lt3A, %eq3A_386 : i1
      %convert_element_type3A_388 = arith.extui %and3A_387 : i1 to i32
      %cond3A_389 = arith.constant 0 : i32
      %cond3A_390 = arith.cmpi ne, %convert_element_type3A_388, %cond3A_389 : i32
      scf.if %cond3A_390 {
        %add3A_407 = arith.constant 1 : i32
        %add3A_408 = arith.addi %add3A_380, %add3A_407 : i32
        %dma_start3A = arith.constant 0 : i32
        %dma_start3A_409 = tpu.memref_slice %arg11[%add3A_408, %dma_start3A] : memref<41x64xi32, #tpu.memory_space<vmem>> -> memref<1x64xi32, #tpu.memory_space<vmem>>
        %dma_start3A_410 = tpu.memref_squeeze %dma_start3A_409 : memref<1x64xi32, #tpu.memory_space<vmem>> -> memref<64xi32, #tpu.memory_space<vmem>>
        %dma_start3A_411 = arith.constant 0 : i32
        %dma_start3A_412 = arith.constant 0 : i32
        %dma_start3A_413 = tpu.memref_slice %arg4[%dma_start3A_411, %dma_start3A_412] : memref<10000x128xf32, #tpu.memory_space<hbm>> -> memref<10000x128xf32, #tpu.memory_space<hbm>>
        tpu.enqueue_indirect_dma source(%dma_start3A_413 : memref<10000x128xf32, #tpu.memory_space<hbm>>) target(%arg14 : memref<64x128xf32, #tpu.memory_space<vmem>>) offsets(%dma_start3A_410 : memref<64xi32, #tpu.memory_space<vmem>>) semaphore(%arg17 : memref<!tpu.dma_semaphore, #tpu.memory_space<semaphore_mem>>)
      } else {
      }
      %eq3A_391 = arith.constant 1 : i32
      %eq3A_392 = arith.cmpi eq, %rem3A_382, %eq3A_391 : i32
      %and3A_393 = arith.andi %lt3A, %eq3A_392 : i1
      %convert_element_type3A_394 = arith.extui %and3A_393 : i1 to i32
      %cond3A_395 = arith.constant 0 : i32
      %cond3A_396 = arith.cmpi ne, %convert_element_type3A_394, %cond3A_395 : i32
      scf.if %cond3A_396 {
        %add3A_407 = arith.constant 1 : i32
        %add3A_408 = arith.addi %add3A_380, %add3A_407 : i32
        %dma_start3A = arith.constant 0 : i32
        %dma_start3A_409 = tpu.memref_slice %arg11[%add3A_408, %dma_start3A] : memref<41x64xi32, #tpu.memory_space<vmem>> -> memref<1x64xi32, #tpu.memory_space<vmem>>
        %dma_start3A_410 = tpu.memref_squeeze %dma_start3A_409 : memref<1x64xi32, #tpu.memory_space<vmem>> -> memref<64xi32, #tpu.memory_space<vmem>>
        %dma_start3A_411 = arith.constant 0 : i32
        %dma_start3A_412 = arith.constant 0 : i32
        %dma_start3A_413 = tpu.memref_slice %arg4[%dma_start3A_411, %dma_start3A_412] : memref<10000x128xf32, #tpu.memory_space<hbm>> -> memref<10000x128xf32, #tpu.memory_space<hbm>>
        tpu.enqueue_indirect_dma source(%dma_start3A_413 : memref<10000x128xf32, #tpu.memory_space<hbm>>) target(%arg13 : memref<64x128xf32, #tpu.memory_space<vmem>>) offsets(%dma_start3A_410 : memref<64xi32, #tpu.memory_space<vmem>>) semaphore(%arg16 : memref<!tpu.dma_semaphore, #tpu.memory_space<semaphore_mem>>)
      } else {
      }
      %eq3A_397 = arith.constant 0 : i32
      %eq3A_398 = arith.cmpi eq, %rem3A_382, %eq3A_397 : i32
      %convert_element_type3A_399 = arith.extui %eq3A_398 : i1 to i32
      %cond3A_400 = arith.constant 0 : i32
      %cond3A_401 = arith.cmpi ne, %convert_element_type3A_399, %cond3A_400 : i32
      scf.if %cond3A_401 {
        %dma_wait3A = arith.constant 0 : i32
        %dma_wait3A_407 = arith.constant 0 : i32
        %dma_wait3A_408 = tpu.memref_slice %arg11[%dma_wait3A, %dma_wait3A_407] : memref<41x64xi32, #tpu.memory_space<vmem>> -> memref<1x64xi32, #tpu.memory_space<vmem>>
        %dma_wait3A_409 = tpu.memref_squeeze %dma_wait3A_408 : memref<1x64xi32, #tpu.memory_space<vmem>> -> memref<64xi32, #tpu.memory_space<vmem>>
        %dma_wait3A_410 = arith.constant 0 : i32
        %dma_wait3A_411 = arith.constant 0 : i32
        %dma_wait3A_412 = tpu.memref_slice %arg4[%dma_wait3A_410, %dma_wait3A_411] : memref<10000x128xf32, #tpu.memory_space<hbm>> -> memref<10000x128xf32, #tpu.memory_space<hbm>>
        tpu.wait_indirect_dma semaphore(%arg16 : memref<!tpu.dma_semaphore, #tpu.memory_space<semaphore_mem>>) src(%dma_wait3A_412 : memref<10000x128xf32, #tpu.memory_space<hbm>>) dst(%arg13 : memref<64x128xf32, #tpu.memory_space<vmem>>)
        "tpu.region"() ({
          %run_scoped3A_413 = tpu.sem_alloc : memref<!tpu.dma_semaphore, #tpu.memory_space<semaphore_mem>>
          %dma_start3A = arith.constant 0 : i32
          %dma_start3A_414 = tpu.memref_slice %arg12[%add3A_380, %dma_start3A] : memref<41x64xi32, #tpu.memory_space<vmem>> -> memref<1x64xi32, #tpu.memory_space<vmem>>
          %dma_start3A_415 = tpu.memref_squeeze %dma_start3A_414 : memref<1x64xi32, #tpu.memory_space<vmem>> -> memref<64xi32, #tpu.memory_space<vmem>>
          %dma_start3A_416 = arith.constant 0 : i32
          %dma_start3A_417 = arith.constant 0 : i32
          %dma_start3A_418 = tpu.memref_slice %arg15[%dma_start3A_416, %dma_start3A_417] : memref<10016x128xf32, #tpu.memory_space<vmem_shared>> -> memref<10016x128xf32, #tpu.memory_space<vmem_shared>>
          tpu.enqueue_indirect_dma source(%arg13 : memref<64x128xf32, #tpu.memory_space<vmem>>) target(%dma_start3A_418 : memref<10016x128xf32, #tpu.memory_space<vmem_shared>>) offsets(%dma_start3A_415 : memref<64xi32, #tpu.memory_space<vmem>>) semaphore(%run_scoped3A_413 : memref<!tpu.dma_semaphore, #tpu.memory_space<semaphore_mem>>) {add = true}
          %dma_wait3A_419 = arith.constant 0 : i32
          %dma_wait3A_420 = tpu.memref_slice %arg12[%add3A_380, %dma_wait3A_419] : memref<41x64xi32, #tpu.memory_space<vmem>> -> memref<1x64xi32, #tpu.memory_space<vmem>>
          %dma_wait3A_421 = tpu.memref_squeeze %dma_wait3A_420 : memref<1x64xi32, #tpu.memory_space<vmem>> -> memref<64xi32, #tpu.memory_space<vmem>>
          %dma_wait3A_422 = arith.constant 0 : i32
          %dma_wait3A_423 = arith.constant 0 : i32
          %dma_wait3A_424 = tpu.memref_slice %arg15[%dma_wait3A_422, %dma_wait3A_423] : memref<10016x128xf32, #tpu.memory_space<vmem_shared>> -> memref<10016x128xf32, #tpu.memory_space<vmem_shared>>
          tpu.wait_indirect_dma semaphore(%run_scoped3A_413 : memref<!tpu.dma_semaphore, #tpu.memory_space<semaphore_mem>>) src(%arg13 : memref<64x128xf32, #tpu.memory_space<vmem>>) dst(%dma_wait3A_424 : memref<10016x128xf32, #tpu.memory_space<vmem_shared>>)
          tpu.yield
        }) : () -> ()
      } else {
      }
      %eq3A_402 = arith.constant 1 : i32
      %eq3A_403 = arith.cmpi eq, %rem3A_382, %eq3A_402 : i32
      %convert_element_type3A_404 = arith.extui %eq3A_403 : i1 to i32
      %cond3A_405 = arith.constant 0 : i32
      %cond3A_406 = arith.cmpi ne, %convert_element_type3A_404, %cond3A_405 : i32
      scf.if %cond3A_406 {
        %dma_wait3A = arith.constant 0 : i32
        %dma_wait3A_407 = arith.constant 0 : i32
        %dma_wait3A_408 = tpu.memref_slice %arg11[%dma_wait3A, %dma_wait3A_407] : memref<41x64xi32, #tpu.memory_space<vmem>> -> memref<1x64xi32, #tpu.memory_space<vmem>>
        %dma_wait3A_409 = tpu.memref_squeeze %dma_wait3A_408 : memref<1x64xi32, #tpu.memory_space<vmem>> -> memref<64xi32, #tpu.memory_space<vmem>>
        %dma_wait3A_410 = arith.constant 0 : i32
        %dma_wait3A_411 = arith.constant 0 : i32
        %dma_wait3A_412 = tpu.memref_slice %arg4[%dma_wait3A_410, %dma_wait3A_411] : memref<10000x128xf32, #tpu.memory_space<hbm>> -> memref<10000x128xf32, #tpu.memory_space<hbm>>
        tpu.wait_indirect_dma semaphore(%arg17 : memref<!tpu.dma_semaphore, #tpu.memory_space<semaphore_mem>>) src(%dma_wait3A_412 : memref<10000x128xf32, #tpu.memory_space<hbm>>) dst(%arg14 : memref<64x128xf32, #tpu.memory_space<vmem>>)
        "tpu.region"() ({
          %run_scoped3A_413 = tpu.sem_alloc : memref<!tpu.dma_semaphore, #tpu.memory_space<semaphore_mem>>
          %dma_start3A = arith.constant 0 : i32
          %dma_start3A_414 = tpu.memref_slice %arg12[%add3A_380, %dma_start3A] : memref<41x64xi32, #tpu.memory_space<vmem>> -> memref<1x64xi32, #tpu.memory_space<vmem>>
          %dma_start3A_415 = tpu.memref_squeeze %dma_start3A_414 : memref<1x64xi32, #tpu.memory_space<vmem>> -> memref<64xi32, #tpu.memory_space<vmem>>
          %dma_start3A_416 = arith.constant 0 : i32
          %dma_start3A_417 = arith.constant 0 : i32
          %dma_start3A_418 = tpu.memref_slice %arg15[%dma_start3A_416, %dma_start3A_417] : memref<10016x128xf32, #tpu.memory_space<vmem_shared>> -> memref<10016x128xf32, #tpu.memory_space<vmem_shared>>
          tpu.enqueue_indirect_dma source(%arg14 : memref<64x128xf32, #tpu.memory_space<vmem>>) target(%dma_start3A_418 : memref<10016x128xf32, #tpu.memory_space<vmem_shared>>) offsets(%dma_start3A_415 : memref<64xi32, #tpu.memory_space<vmem>>) semaphore(%run_scoped3A_413 : memref<!tpu.dma_semaphore, #tpu.memory_space<semaphore_mem>>) {add = true}
          %dma_wait3A_419 = arith.constant 0 : i32
          %dma_wait3A_420 = tpu.memref_slice %arg12[%add3A_380, %dma_wait3A_419] : memref<41x64xi32, #tpu.memory_space<vmem>> -> memref<1x64xi32, #tpu.memory_space<vmem>>
          %dma_wait3A_421 = tpu.memref_squeeze %dma_wait3A_420 : memref<1x64xi32, #tpu.memory_space<vmem>> -> memref<64xi32, #tpu.memory_space<vmem>>
          %dma_wait3A_422 = arith.constant 0 : i32
          %dma_wait3A_423 = arith.constant 0 : i32
          %dma_wait3A_424 = tpu.memref_slice %arg15[%dma_wait3A_422, %dma_wait3A_423] : memref<10016x128xf32, #tpu.memory_space<vmem_shared>> -> memref<10016x128xf32, #tpu.memory_space<vmem_shared>>
          tpu.wait_indirect_dma semaphore(%run_scoped3A_413 : memref<!tpu.dma_semaphore, #tpu.memory_space<semaphore_mem>>) src(%arg14 : memref<64x128xf32, #tpu.memory_space<vmem>>) dst(%dma_wait3A_424 : memref<10016x128xf32, #tpu.memory_space<vmem_shared>>)
          tpu.yield
        }) : () -> ()
      } else {
      }
    }
    %run_scoped3A_87 = arith.constant 1 : i32
    "tpu.region"() ({
      %run_scoped3A_378 = tpu.sem_alloc : memref<!tpu.dma_semaphore, #tpu.memory_space<semaphore_mem>>
      %dma_start3A = arith.constant 0 : i32
      %dma_start3A_379 = arith.constant 0 : i32
      %dma_start3A_380 = tpu.memref_slice %arg2[%add3A, %run_scoped3A_87, %dma_start3A, %dma_start3A_379] : memref<32x4x20x128xi32, #tpu.memory_space<hbm>> -> memref<1x1x20x128xi32, #tpu.memory_space<hbm>>
      %dma_start3A_381 = tpu.memref_squeeze %dma_start3A_380 : memref<1x1x20x128xi32, #tpu.memory_space<hbm>> -> memref<20x128xi32, #tpu.memory_space<hbm>>
      %dma_start3A_382 = arith.constant 0 : i32
      %dma_start3A_383 = arith.constant 0 : i32
      %dma_start3A_384 = tpu.memref_slice %arg2[%add3A, %run_scoped3A_87, %dma_start3A_382, %dma_start3A_383] : memref<32x4x20x128xi32, #tpu.memory_space<hbm>> -> memref<1x1x20x128xi32, #tpu.memory_space<hbm>>
      %dma_start3A_385 = tpu.memref_squeeze %dma_start3A_384 : memref<1x1x20x128xi32, #tpu.memory_space<hbm>> -> memref<20x128xi32, #tpu.memory_space<hbm>>
      tpu.enqueue_dma source(%dma_start3A_385 : memref<20x128xi32, #tpu.memory_space<hbm>>) target(%arg8 : memref<20x128xi32, #tpu.memory_space<vmem>>) target_semaphore(%run_scoped3A_378 : memref<!tpu.dma_semaphore, #tpu.memory_space<semaphore_mem>>)
      %dma_wait3A = arith.constant 0 : i32
      %dma_wait3A_386 = arith.constant 0 : i32
      %dma_wait3A_387 = tpu.memref_slice %arg2[%add3A, %run_scoped3A_87, %dma_wait3A, %dma_wait3A_386] : memref<32x4x20x128xi32, #tpu.memory_space<hbm>> -> memref<1x1x20x128xi32, #tpu.memory_space<hbm>>
      %dma_wait3A_388 = tpu.memref_squeeze %dma_wait3A_387 : memref<1x1x20x128xi32, #tpu.memory_space<hbm>> -> memref<20x128xi32, #tpu.memory_space<hbm>>
      %dma_wait3A_389 = arith.constant 0 : i32
      %dma_wait3A_390 = arith.constant 0 : i32
      %dma_wait3A_391 = tpu.memref_slice %arg2[%add3A, %run_scoped3A_87, %dma_wait3A_389, %dma_wait3A_390] : memref<32x4x20x128xi32, #tpu.memory_space<hbm>> -> memref<1x1x20x128xi32, #tpu.memory_space<hbm>>
      %dma_wait3A_392 = tpu.memref_squeeze %dma_wait3A_391 : memref<1x1x20x128xi32, #tpu.memory_space<hbm>> -> memref<20x128xi32, #tpu.memory_space<hbm>>
      tpu.wait_dma2 semaphore(%run_scoped3A_378 : memref<!tpu.dma_semaphore, #tpu.memory_space<semaphore_mem>>) src(%dma_wait3A_392 : memref<20x128xi32, #tpu.memory_space<hbm>>) dst(%arg8 : memref<20x128xi32, #tpu.memory_space<vmem>>)
      tpu.yield
    }) : () -> ()
    %run_scoped3A_88 = arith.constant 1 : i32
    "tpu.region"() ({
      %run_scoped3A_378 = tpu.sem_alloc : memref<!tpu.dma_semaphore, #tpu.memory_space<semaphore_mem>>
      %dma_start3A = arith.constant 0 : i32
      %dma_start3A_379 = arith.constant 0 : i32
      %dma_start3A_380 = tpu.memref_slice %arg3[%add3A, %run_scoped3A_88, %dma_start3A, %dma_start3A_379] : memref<32x4x20x128xi32, #tpu.memory_space<hbm>> -> memref<1x1x20x128xi32, #tpu.memory_space<hbm>>
      %dma_start3A_381 = tpu.memref_squeeze %dma_start3A_380 : memref<1x1x20x128xi32, #tpu.memory_space<hbm>> -> memref<20x128xi32, #tpu.memory_space<hbm>>
      %dma_start3A_382 = arith.constant 0 : i32
      %dma_start3A_383 = arith.constant 0 : i32
      %dma_start3A_384 = tpu.memref_slice %arg3[%add3A, %run_scoped3A_88, %dma_start3A_382, %dma_start3A_383] : memref<32x4x20x128xi32, #tpu.memory_space<hbm>> -> memref<1x1x20x128xi32, #tpu.memory_space<hbm>>
      %dma_start3A_385 = tpu.memref_squeeze %dma_start3A_384 : memref<1x1x20x128xi32, #tpu.memory_space<hbm>> -> memref<20x128xi32, #tpu.memory_space<hbm>>
      tpu.enqueue_dma source(%dma_start3A_385 : memref<20x128xi32, #tpu.memory_space<hbm>>) target(%arg9 : memref<20x128xi32, #tpu.memory_space<vmem>>) target_semaphore(%run_scoped3A_378 : memref<!tpu.dma_semaphore, #tpu.memory_space<semaphore_mem>>)
      %dma_wait3A = arith.constant 0 : i32
      %dma_wait3A_386 = arith.constant 0 : i32
      %dma_wait3A_387 = tpu.memref_slice %arg3[%add3A, %run_scoped3A_88, %dma_wait3A, %dma_wait3A_386] : memref<32x4x20x128xi32, #tpu.memory_space<hbm>> -> memref<1x1x20x128xi32, #tpu.memory_space<hbm>>
      %dma_wait3A_388 = tpu.memref_squeeze %dma_wait3A_387 : memref<1x1x20x128xi32, #tpu.memory_space<hbm>> -> memref<20x128xi32, #tpu.memory_space<hbm>>
      %dma_wait3A_389 = arith.constant 0 : i32
      %dma_wait3A_390 = arith.constant 0 : i32
      %dma_wait3A_391 = tpu.memref_slice %arg3[%add3A, %run_scoped3A_88, %dma_wait3A_389, %dma_wait3A_390] : memref<32x4x20x128xi32, #tpu.memory_space<hbm>> -> memref<1x1x20x128xi32, #tpu.memory_space<hbm>>
      %dma_wait3A_392 = tpu.memref_squeeze %dma_wait3A_391 : memref<1x1x20x128xi32, #tpu.memory_space<hbm>> -> memref<20x128xi32, #tpu.memory_space<hbm>>
      tpu.wait_dma2 semaphore(%run_scoped3A_378 : memref<!tpu.dma_semaphore, #tpu.memory_space<semaphore_mem>>) src(%dma_wait3A_392 : memref<20x128xi32, #tpu.memory_space<hbm>>) dst(%arg9 : memref<20x128xi32, #tpu.memory_space<vmem>>)
      tpu.yield
    }) : () -> ()
    %scan3A_89 = arith.constant 0 : i32
    %scan3A_90 = arith.constant 20 : i32
    %scan3A_91 = arith.addi %scan3A_89, %scan3A_90 : i32
    %scan3A_92 = arith.constant 1 : i32
    scf.for %scan3A_378 = %scan3A_89 to %scan3A_91 step %scan3A_92  : i32 {
      %mul3A_379 = arith.constant 1 : i32
      %mul3A_380 = arith.muli %scan3A_378, %mul3A_379 : i32
      %add3A_381 = arith.constant 0 : i32
      %add3A_382 = arith.addi %add3A_381, %mul3A_380 : i32
      %dma_start3A = arith.constant 0 : i32
      %dma_start3A_383 = tpu.memref_slice %arg10[%add3A_382, %dma_start3A] : memref<20x128xf32, #tpu.memory_space<vmem>> -> memref<1x128xf32, #tpu.memory_space<vmem>>
      %dma_start3A_384 = tpu.memref_squeeze %dma_start3A_383 : memref<1x128xf32, #tpu.memory_space<vmem>> -> memref<128xf32, #tpu.memory_space<vmem>>
      %dma_start3A_385 = arith.constant 0 : i32
      %dma_start3A_386 = tpu.memref_slice %arg9[%add3A_382, %dma_start3A_385] : memref<20x128xi32, #tpu.memory_space<vmem>> -> memref<1x128xi32, #tpu.memory_space<vmem>>
      %dma_start3A_387 = tpu.memref_squeeze %dma_start3A_386 : memref<1x128xi32, #tpu.memory_space<vmem>> -> memref<128xi32, #tpu.memory_space<vmem>>
      %dma_start3A_388 = arith.constant 0 : i32
      %dma_start3A_389 = tpu.memref_slice %arg5[%dma_start3A_388] : memref<10016xf32, #tpu.memory_space<hbm>> -> memref<10016xf32, #tpu.memory_space<hbm>>
      tpu.enqueue_indirect_dma source(%dma_start3A_389 : memref<10016xf32, #tpu.memory_space<hbm>>) target(%dma_start3A_384 : memref<128xf32, #tpu.memory_space<vmem>>) offsets(%dma_start3A_387 : memref<128xi32, #tpu.memory_space<vmem>>) semaphore(%arg18 : memref<!tpu.dma_semaphore, #tpu.memory_space<semaphore_mem>>)
    }
    %scan3A_93 = arith.constant 20 : i32
    %scan3A_94 = arith.constant 0 : i32
    %scan3A_95 = arith.constant 20 : i32
    %scan3A_96 = arith.addi %scan3A_94, %scan3A_95 : i32
    %scan3A_97 = arith.constant 1 : i32
    scf.for %scan3A_378 = %scan3A_94 to %scan3A_96 step %scan3A_97  : i32 {
      %mul3A_379 = arith.constant 1 : i32
      %mul3A_380 = arith.muli %scan3A_378, %mul3A_379 : i32
      %add3A_381 = arith.constant 0 : i32
      %add3A_382 = arith.addi %add3A_381, %mul3A_380 : i32
      %dma_wait3A = arith.constant 0 : i32
      %dma_wait3A_383 = arith.constant 0 : i32
      %dma_wait3A_384 = arith.constant 0 : i32
      %dma_wait3A_385 = tpu.memref_slice %arg10[%dma_wait3A_383, %dma_wait3A_384] : memref<20x128xf32, #tpu.memory_space<vmem>> -> memref<1x128xf32, #tpu.memory_space<vmem>>
      %dma_wait3A_386 = tpu.memref_squeeze %dma_wait3A_385 : memref<1x128xf32, #tpu.memory_space<vmem>> -> memref<128xf32, #tpu.memory_space<vmem>>
      %dma_wait3A_387 = arith.constant 0 : i32
      %dma_wait3A_388 = tpu.memref_slice %arg9[%dma_wait3A, %dma_wait3A_387] : memref<20x128xi32, #tpu.memory_space<vmem>> -> memref<1x128xi32, #tpu.memory_space<vmem>>
      %dma_wait3A_389 = tpu.memref_squeeze %dma_wait3A_388 : memref<1x128xi32, #tpu.memory_space<vmem>> -> memref<128xi32, #tpu.memory_space<vmem>>
      %dma_wait3A_390 = arith.constant 0 : i32
      %dma_wait3A_391 = tpu.memref_slice %arg5[%dma_wait3A_390] : memref<10016xf32, #tpu.memory_space<hbm>> -> memref<10016xf32, #tpu.memory_space<hbm>>
      tpu.wait_indirect_dma semaphore(%arg18 : memref<!tpu.dma_semaphore, #tpu.memory_space<semaphore_mem>>) src(%dma_wait3A_391 : memref<10016xf32, #tpu.memory_space<hbm>>) dst(%dma_wait3A_386 : memref<128xf32, #tpu.memory_space<vmem>>)
    }
    %scan3A_98 = arith.constant 20 : i32
    %scan3A_99 = arith.constant 0 : i32
    %scan3A_100 = arith.constant 0 : i32
    %scan3A_101 = arith.constant 160 : i32
    %scan3A_102 = arith.addi %scan3A_100, %scan3A_101 : i32
    %scan3A_103 = arith.constant 1 : i32
    %scan3A_104 = scf.for %scan3A_378 = %scan3A_100 to %scan3A_102 step %scan3A_103 iter_args(%scan3A_379 = %scan3A_99) -> (i32)  : i32 {
      %mul3A_380 = arith.constant 1 : i32
      %mul3A_381 = arith.muli %scan3A_378, %mul3A_380 : i32
      %add3A_382 = arith.constant 0 : i32
      %add3A_383 = arith.addi %add3A_382, %mul3A_381 : i32
      %jit3A_384 = arith.constant 8 : i32
      %div3A_385 = arith.divsi %add3A_383, %jit3A_384 : i32
      %sign3A_386 = arith.constant 0 : i32
      %sign3A_387 = arith.cmpi sgt, %add3A_383, %sign3A_386 : i32
      %sign3A_388 = arith.extui %sign3A_387 : i1 to i32
      %sign3A_389 = arith.constant 0 : i32
      %sign3A_390 = arith.cmpi slt, %add3A_383, %sign3A_389 : i32
      %sign3A_391 = arith.extui %sign3A_390 : i1 to i32
      %sign3A_392 = arith.subi %sign3A_388, %sign3A_391 : i32
      %sign3A_393 = arith.constant 0 : i32
      %sign3A_394 = arith.cmpi sgt, %jit3A_384, %sign3A_393 : i32
      %sign3A_395 = arith.extui %sign3A_394 : i1 to i32
      %sign3A_396 = arith.constant 0 : i32
      %sign3A_397 = arith.cmpi slt, %jit3A_384, %sign3A_396 : i32
      %sign3A_398 = arith.extui %sign3A_397 : i1 to i32
      %sign3A_399 = arith.subi %sign3A_395, %sign3A_398 : i32
      %ne3A_400 = arith.cmpi ne, %sign3A_392, %sign3A_399 : i32
      %rem3A_401 = arith.remsi %add3A_383, %jit3A_384 : i32
      %ne3A_402 = arith.constant 0 : i32
      %ne3A_403 = arith.cmpi ne, %rem3A_401, %ne3A_402 : i32
      %and3A_404 = arith.andi %ne3A_400, %ne3A_403 : i1
      %sub3A_405 = arith.constant 1 : i32
      %sub3A_406 = arith.subi %div3A_385, %sub3A_405 : i32
      %select_n3A_407 = arith.select %and3A_404, %sub3A_406, %div3A_385 : i32
      %rem3A_408 = arith.constant 8 : i32
      %rem3A_409 = arith.remsi %add3A_383, %rem3A_408 : i32
      %mul3A_410 = arith.constant 16 : i32
      %mul3A_411 = arith.muli %mul3A_410, %rem3A_409 : i32
      %get3A = arith.index_cast %select_n3A_407 : i32 to index
      %get3A_412 = arith.index_cast %mul3A_411 : i32 to index
      %get3A_413 = tpu.vector_load %arg10[%get3A, %get3A_412] {strides = array<i32>} : memref<20x128xf32, #tpu.memory_space<vmem>>, vector<16xf32>,
      %gt3A_414 = arith.constant 5.000000e-01 : f32
      %gt3A_415 = vector.broadcast %gt3A_414 : f32 to vector<16xf32>
      %gt3A_416 = arith.cmpf ogt, %get3A_413, %gt3A_415 : vector<16xf32>
      %get3A_417 = arith.index_cast %select_n3A_407 : i32 to index
      %get3A_418 = arith.index_cast %mul3A_411 : i32 to index
      %get3A_419 = tpu.vector_load %arg8[%get3A_417, %get3A_418] {strides = array<i32>} : memref<20x128xi32, #tpu.memory_space<vmem>>, vector<16xi32>,
      %get3A_420 = arith.index_cast %select_n3A_407 : i32 to index
      %get3A_421 = arith.index_cast %mul3A_411 : i32 to index
      %get3A_422 = tpu.vector_load %arg9[%get3A_420, %get3A_421] {strides = array<i32>} : memref<20x128xi32, #tpu.memory_space<vmem>>, vector<16xi32>,
      %convert_element_type3A_423 = arith.extui %gt3A_416 : vector<16xi1> to vector<16xi32>
      %broadcast_in_dim3A = arith.constant true
      %broadcast_in_dim3A_424 = vector.broadcast %broadcast_in_dim3A : i1 to vector<16xi1>
      %masked_cumsum3A = tpu.scan <sum>, %convert_element_type3A_423 masked %broadcast_in_dim3A_424 : vector<16xi32>, vector<16xi1> -> vector<16xi32>
      %add3A_425 = vector.broadcast %scan3A_379 : i32 to vector<16xi32>
      %add3A_426 = arith.addi %add3A_425, %masked_cumsum3A : vector<16xi32>
      %sub3A_427 = arith.subi %add3A_426, %convert_element_type3A_423 : vector<16xi32>
      %jit3A_428 = arith.constant 64 : i32
      %div3A_429 = vector.broadcast %jit3A_428 : i32 to vector<16xi32>
      %div3A_430 = arith.divsi %sub3A_427, %div3A_429 : vector<16xi32>
      %sign3A_431 = arith.constant 0 : i32
      %sign3A_432 = vector.broadcast %sign3A_431 : i32 to vector<16xi32>
      %sign3A_433 = arith.cmpi sgt, %sub3A_427, %sign3A_432 : vector<16xi32>
      %sign3A_434 = arith.extui %sign3A_433 : vector<16xi1> to vector<16xi32>
      %sign3A_435 = arith.constant 0 : i32
      %sign3A_436 = vector.broadcast %sign3A_435 : i32 to vector<16xi32>
      %sign3A_437 = arith.cmpi slt, %sub3A_427, %sign3A_436 : vector<16xi32>
      %sign3A_438 = arith.extui %sign3A_437 : vector<16xi1> to vector<16xi32>
      %sign3A_439 = arith.subi %sign3A_434, %sign3A_438 : vector<16xi32>
      %sign3A_440 = arith.constant 0 : i32
      %sign3A_441 = arith.cmpi sgt, %jit3A_428, %sign3A_440 : i32
      %sign3A_442 = arith.extui %sign3A_441 : i1 to i32
      %sign3A_443 = arith.constant 0 : i32
      %sign3A_444 = arith.cmpi slt, %jit3A_428, %sign3A_443 : i32
      %sign3A_445 = arith.extui %sign3A_444 : i1 to i32
      %sign3A_446 = arith.subi %sign3A_442, %sign3A_445 : i32
      %ne3A_447 = vector.broadcast %sign3A_446 : i32 to vector<16xi32>
      %ne3A_448 = arith.cmpi ne, %sign3A_439, %ne3A_447 : vector<16xi32>
      %rem3A_449 = vector.broadcast %jit3A_428 : i32 to vector<16xi32>
      %rem3A_450 = arith.remsi %sub3A_427, %rem3A_449 : vector<16xi32>
      %ne3A_451 = arith.constant 0 : i32
      %ne3A_452 = vector.broadcast %ne3A_451 : i32 to vector<16xi32>
      %ne3A_453 = arith.cmpi ne, %rem3A_450, %ne3A_452 : vector<16xi32>
      %and3A_454 = arith.andi %ne3A_448, %ne3A_453 : vector<16xi1>
      %sub3A_455 = arith.constant 1 : i32
      %sub3A_456 = vector.broadcast %sub3A_455 : i32 to vector<16xi32>
      %sub3A_457 = arith.subi %div3A_430, %sub3A_456 : vector<16xi32>
      %select_n3A_458 = arith.select %and3A_454, %sub3A_457, %div3A_430 : vector<16xi1>, vector<16xi32>
      %rem3A_459 = arith.constant 64 : i32
      %rem3A_460 = vector.broadcast %rem3A_459 : i32 to vector<16xi32>
      %rem3A_461 = arith.remsi %sub3A_427, %rem3A_460 : vector<16xi32>
      tpu.vector_store_idx %arg11[%select_n3A_458, %rem3A_461], %get3A_419 masked %gt3A_416 : memref<41x64xi32, #tpu.memory_space<vmem>>[vector<16xi32>, vector<16xi32>], vector<16xi32>, vector<16xi1>
      tpu.vector_store_idx %arg12[%select_n3A_458, %rem3A_461], %get3A_422 masked %gt3A_416 : memref<41x64xi32, #tpu.memory_space<vmem>>[vector<16xi32>, vector<16xi32>], vector<16xi32>, vector<16xi1>
      %reduce_sum3A = arith.constant true
      %reduce_sum3A_462 = vector.broadcast %reduce_sum3A : i1 to vector<16xi1>
      %reduce_sum3A_463 = tpu.scan <sum>, %convert_element_type3A_423 masked %reduce_sum3A_462 : vector<16xi32>, vector<16xi1> -> vector<16xi32>
      %reduce_sum3A_464 = vector.extract %reduce_sum3A_463[15] : i32 from vector<16xi32>
      %add3A_465 = arith.addi %scan3A_379, %reduce_sum3A_464 : i32
      scf.yield %add3A_465 : i32
    }
    %scan3A_105 = arith.constant 160 : i32
    %rem3A_106 = arith.constant 64 : i32
    %rem3A_107 = arith.remsi %scan3A_104, %rem3A_106 : i32
    %sub3A_108 = arith.constant 64 : i32
    %sub3A_109 = arith.subi %sub3A_108, %rem3A_107 : i32
    %rem3A_110 = arith.constant 64 : i32
    %rem3A_111 = arith.remsi %sub3A_109, %rem3A_110 : i32
    %iota3A_112 = tpu.iota {dimensions = array<i32: 0>} : vector<16xi32>
    %gt3A_113 = arith.constant 0 : i32
    %gt3A_114 = arith.cmpi sgt, %rem3A_111, %gt3A_113 : i32
    %convert_element_type3A_115 = arith.extui %gt3A_114 : i1 to i32
    %cond3A_116 = arith.constant 0 : i32
    %cond3A_117 = arith.cmpi ne, %convert_element_type3A_115, %cond3A_116 : i32
    scf.if %cond3A_117 {
      %add3A_378 = arith.constant 0 : i32
      %add3A_379 = arith.addi %scan3A_104, %add3A_378 : i32
      %add3A_380 = vector.broadcast %add3A_379 : i32 to vector<16xi32>
      %add3A_381 = arith.addi %add3A_380, %iota3A_112 : vector<16xi32>
      %jit3A_382 = arith.constant 64 : i32
      %div3A_383 = vector.broadcast %jit3A_382 : i32 to vector<16xi32>
      %div3A_384 = arith.divsi %add3A_381, %div3A_383 : vector<16xi32>
      %sign3A_385 = arith.constant 0 : i32
      %sign3A_386 = vector.broadcast %sign3A_385 : i32 to vector<16xi32>
      %sign3A_387 = arith.cmpi sgt, %add3A_381, %sign3A_386 : vector<16xi32>
      %sign3A_388 = arith.extui %sign3A_387 : vector<16xi1> to vector<16xi32>
      %sign3A_389 = arith.constant 0 : i32
      %sign3A_390 = vector.broadcast %sign3A_389 : i32 to vector<16xi32>
      %sign3A_391 = arith.cmpi slt, %add3A_381, %sign3A_390 : vector<16xi32>
      %sign3A_392 = arith.extui %sign3A_391 : vector<16xi1> to vector<16xi32>
      %sign3A_393 = arith.subi %sign3A_388, %sign3A_392 : vector<16xi32>
      %sign3A_394 = arith.constant 0 : i32
      %sign3A_395 = arith.cmpi sgt, %jit3A_382, %sign3A_394 : i32
      %sign3A_396 = arith.extui %sign3A_395 : i1 to i32
      %sign3A_397 = arith.constant 0 : i32
      %sign3A_398 = arith.cmpi slt, %jit3A_382, %sign3A_397 : i32
      %sign3A_399 = arith.extui %sign3A_398 : i1 to i32
      %sign3A_400 = arith.subi %sign3A_396, %sign3A_399 : i32
      %ne3A_401 = vector.broadcast %sign3A_400 : i32 to vector<16xi32>
      %ne3A_402 = arith.cmpi ne, %sign3A_393, %ne3A_401 : vector<16xi32>
      %rem3A_403 = vector.broadcast %jit3A_382 : i32 to vector<16xi32>
      %rem3A_404 = arith.remsi %add3A_381, %rem3A_403 : vector<16xi32>
      %ne3A_405 = arith.constant 0 : i32
      %ne3A_406 = vector.broadcast %ne3A_405 : i32 to vector<16xi32>
      %ne3A_407 = arith.cmpi ne, %rem3A_404, %ne3A_406 : vector<16xi32>
      %and3A_408 = arith.andi %ne3A_402, %ne3A_407 : vector<16xi1>
      %sub3A_409 = arith.constant 1 : i32
      %sub3A_410 = vector.broadcast %sub3A_409 : i32 to vector<16xi32>
      %sub3A_411 = arith.subi %div3A_384, %sub3A_410 : vector<16xi32>
      %select_n3A_412 = arith.select %and3A_408, %sub3A_411, %div3A_384 : vector<16xi1>, vector<16xi32>
      %rem3A_413 = arith.constant 64 : i32
      %rem3A_414 = vector.broadcast %rem3A_413 : i32 to vector<16xi32>
      %rem3A_415 = arith.remsi %add3A_381, %rem3A_414 : vector<16xi32>
      %broadcast_in_dim3A = arith.constant 0 : i32
      %broadcast_in_dim3A_416 = vector.broadcast %broadcast_in_dim3A : i32 to vector<16xi32>
      tpu.vector_store_idx %arg11[%select_n3A_412, %rem3A_415], %broadcast_in_dim3A_416 : memref<41x64xi32, #tpu.memory_space<vmem>>[vector<16xi32>, vector<16xi32>], vector<16xi32>,
      %jit3A_417 = arith.constant 64 : i32
      %div3A_418 = vector.broadcast %jit3A_417 : i32 to vector<16xi32>
      %div3A_419 = arith.divsi %add3A_381, %div3A_418 : vector<16xi32>
      %sign3A_420 = arith.constant 0 : i32
      %sign3A_421 = vector.broadcast %sign3A_420 : i32 to vector<16xi32>
      %sign3A_422 = arith.cmpi sgt, %add3A_381, %sign3A_421 : vector<16xi32>
      %sign3A_423 = arith.extui %sign3A_422 : vector<16xi1> to vector<16xi32>
      %sign3A_424 = arith.constant 0 : i32
      %sign3A_425 = vector.broadcast %sign3A_424 : i32 to vector<16xi32>
      %sign3A_426 = arith.cmpi slt, %add3A_381, %sign3A_425 : vector<16xi32>
      %sign3A_427 = arith.extui %sign3A_426 : vector<16xi1> to vector<16xi32>
      %sign3A_428 = arith.subi %sign3A_423, %sign3A_427 : vector<16xi32>
      %sign3A_429 = arith.constant 0 : i32
      %sign3A_430 = arith.cmpi sgt, %jit3A_417, %sign3A_429 : i32
      %sign3A_431 = arith.extui %sign3A_430 : i1 to i32
      %sign3A_432 = arith.constant 0 : i32
      %sign3A_433 = arith.cmpi slt, %jit3A_417, %sign3A_432 : i32
      %sign3A_434 = arith.extui %sign3A_433 : i1 to i32
      %sign3A_435 = arith.subi %sign3A_431, %sign3A_434 : i32
      %ne3A_436 = vector.broadcast %sign3A_435 : i32 to vector<16xi32>
      %ne3A_437 = arith.cmpi ne, %sign3A_428, %ne3A_436 : vector<16xi32>
      %rem3A_438 = vector.broadcast %jit3A_417 : i32 to vector<16xi32>
      %rem3A_439 = arith.remsi %add3A_381, %rem3A_438 : vector<16xi32>
      %ne3A_440 = arith.constant 0 : i32
      %ne3A_441 = vector.broadcast %ne3A_440 : i32 to vector<16xi32>
      %ne3A_442 = arith.cmpi ne, %rem3A_439, %ne3A_441 : vector<16xi32>
      %and3A_443 = arith.andi %ne3A_437, %ne3A_442 : vector<16xi1>
      %sub3A_444 = arith.constant 1 : i32
      %sub3A_445 = vector.broadcast %sub3A_444 : i32 to vector<16xi32>
      %sub3A_446 = arith.subi %div3A_419, %sub3A_445 : vector<16xi32>
      %select_n3A_447 = arith.select %and3A_443, %sub3A_446, %div3A_419 : vector<16xi1>, vector<16xi32>
      %rem3A_448 = arith.constant 64 : i32
      %rem3A_449 = vector.broadcast %rem3A_448 : i32 to vector<16xi32>
      %rem3A_450 = arith.remsi %add3A_381, %rem3A_449 : vector<16xi32>
      %broadcast_in_dim3A_451 = arith.constant 10000 : i32
      %broadcast_in_dim3A_452 = vector.broadcast %broadcast_in_dim3A_451 : i32 to vector<16xi32>
      tpu.vector_store_idx %arg12[%select_n3A_447, %rem3A_450], %broadcast_in_dim3A_452 : memref<41x64xi32, #tpu.memory_space<vmem>>[vector<16xi32>, vector<16xi32>], vector<16xi32>,
    } else {
    }
    %gt3A_118 = arith.constant 16 : i32
    %gt3A_119 = arith.cmpi sgt, %rem3A_111, %gt3A_118 : i32
    %convert_element_type3A_120 = arith.extui %gt3A_119 : i1 to i32
    %cond3A_121 = arith.constant 0 : i32
    %cond3A_122 = arith.cmpi ne, %convert_element_type3A_120, %cond3A_121 : i32
    scf.if %cond3A_122 {
      %add3A_378 = arith.constant 16 : i32
      %add3A_379 = arith.addi %scan3A_104, %add3A_378 : i32
      %add3A_380 = vector.broadcast %add3A_379 : i32 to vector<16xi32>
      %add3A_381 = arith.addi %add3A_380, %iota3A_112 : vector<16xi32>
      %jit3A_382 = arith.constant 64 : i32
      %div3A_383 = vector.broadcast %jit3A_382 : i32 to vector<16xi32>
      %div3A_384 = arith.divsi %add3A_381, %div3A_383 : vector<16xi32>
      %sign3A_385 = arith.constant 0 : i32
      %sign3A_386 = vector.broadcast %sign3A_385 : i32 to vector<16xi32>
      %sign3A_387 = arith.cmpi sgt, %add3A_381, %sign3A_386 : vector<16xi32>
      %sign3A_388 = arith.extui %sign3A_387 : vector<16xi1> to vector<16xi32>
      %sign3A_389 = arith.constant 0 : i32
      %sign3A_390 = vector.broadcast %sign3A_389 : i32 to vector<16xi32>
      %sign3A_391 = arith.cmpi slt, %add3A_381, %sign3A_390 : vector<16xi32>
      %sign3A_392 = arith.extui %sign3A_391 : vector<16xi1> to vector<16xi32>
      %sign3A_393 = arith.subi %sign3A_388, %sign3A_392 : vector<16xi32>
      %sign3A_394 = arith.constant 0 : i32
      %sign3A_395 = arith.cmpi sgt, %jit3A_382, %sign3A_394 : i32
      %sign3A_396 = arith.extui %sign3A_395 : i1 to i32
      %sign3A_397 = arith.constant 0 : i32
      %sign3A_398 = arith.cmpi slt, %jit3A_382, %sign3A_397 : i32
      %sign3A_399 = arith.extui %sign3A_398 : i1 to i32
      %sign3A_400 = arith.subi %sign3A_396, %sign3A_399 : i32
      %ne3A_401 = vector.broadcast %sign3A_400 : i32 to vector<16xi32>
      %ne3A_402 = arith.cmpi ne, %sign3A_393, %ne3A_401 : vector<16xi32>
      %rem3A_403 = vector.broadcast %jit3A_382 : i32 to vector<16xi32>
      %rem3A_404 = arith.remsi %add3A_381, %rem3A_403 : vector<16xi32>
      %ne3A_405 = arith.constant 0 : i32
      %ne3A_406 = vector.broadcast %ne3A_405 : i32 to vector<16xi32>
      %ne3A_407 = arith.cmpi ne, %rem3A_404, %ne3A_406 : vector<16xi32>
      %and3A_408 = arith.andi %ne3A_402, %ne3A_407 : vector<16xi1>
      %sub3A_409 = arith.constant 1 : i32
      %sub3A_410 = vector.broadcast %sub3A_409 : i32 to vector<16xi32>
      %sub3A_411 = arith.subi %div3A_384, %sub3A_410 : vector<16xi32>
      %select_n3A_412 = arith.select %and3A_408, %sub3A_411, %div3A_384 : vector<16xi1>, vector<16xi32>
      %rem3A_413 = arith.constant 64 : i32
      %rem3A_414 = vector.broadcast %rem3A_413 : i32 to vector<16xi32>
      %rem3A_415 = arith.remsi %add3A_381, %rem3A_414 : vector<16xi32>
      %broadcast_in_dim3A = arith.constant 0 : i32
      %broadcast_in_dim3A_416 = vector.broadcast %broadcast_in_dim3A : i32 to vector<16xi32>
      tpu.vector_store_idx %arg11[%select_n3A_412, %rem3A_415], %broadcast_in_dim3A_416 : memref<41x64xi32, #tpu.memory_space<vmem>>[vector<16xi32>, vector<16xi32>], vector<16xi32>,
      %jit3A_417 = arith.constant 64 : i32
      %div3A_418 = vector.broadcast %jit3A_417 : i32 to vector<16xi32>
      %div3A_419 = arith.divsi %add3A_381, %div3A_418 : vector<16xi32>
      %sign3A_420 = arith.constant 0 : i32
      %sign3A_421 = vector.broadcast %sign3A_420 : i32 to vector<16xi32>
      %sign3A_422 = arith.cmpi sgt, %add3A_381, %sign3A_421 : vector<16xi32>
      %sign3A_423 = arith.extui %sign3A_422 : vector<16xi1> to vector<16xi32>
      %sign3A_424 = arith.constant 0 : i32
      %sign3A_425 = vector.broadcast %sign3A_424 : i32 to vector<16xi32>
      %sign3A_426 = arith.cmpi slt, %add3A_381, %sign3A_425 : vector<16xi32>
      %sign3A_427 = arith.extui %sign3A_426 : vector<16xi1> to vector<16xi32>
      %sign3A_428 = arith.subi %sign3A_423, %sign3A_427 : vector<16xi32>
      %sign3A_429 = arith.constant 0 : i32
      %sign3A_430 = arith.cmpi sgt, %jit3A_417, %sign3A_429 : i32
      %sign3A_431 = arith.extui %sign3A_430 : i1 to i32
      %sign3A_432 = arith.constant 0 : i32
      %sign3A_433 = arith.cmpi slt, %jit3A_417, %sign3A_432 : i32
      %sign3A_434 = arith.extui %sign3A_433 : i1 to i32
      %sign3A_435 = arith.subi %sign3A_431, %sign3A_434 : i32
      %ne3A_436 = vector.broadcast %sign3A_435 : i32 to vector<16xi32>
      %ne3A_437 = arith.cmpi ne, %sign3A_428, %ne3A_436 : vector<16xi32>
      %rem3A_438 = vector.broadcast %jit3A_417 : i32 to vector<16xi32>
      %rem3A_439 = arith.remsi %add3A_381, %rem3A_438 : vector<16xi32>
      %ne3A_440 = arith.constant 0 : i32
      %ne3A_441 = vector.broadcast %ne3A_440 : i32 to vector<16xi32>
      %ne3A_442 = arith.cmpi ne, %rem3A_439, %ne3A_441 : vector<16xi32>
      %and3A_443 = arith.andi %ne3A_437, %ne3A_442 : vector<16xi1>
      %sub3A_444 = arith.constant 1 : i32
      %sub3A_445 = vector.broadcast %sub3A_444 : i32 to vector<16xi32>
      %sub3A_446 = arith.subi %div3A_419, %sub3A_445 : vector<16xi32>
      %select_n3A_447 = arith.select %and3A_443, %sub3A_446, %div3A_419 : vector<16xi1>, vector<16xi32>
      %rem3A_448 = arith.constant 64 : i32
      %rem3A_449 = vector.broadcast %rem3A_448 : i32 to vector<16xi32>
      %rem3A_450 = arith.remsi %add3A_381, %rem3A_449 : vector<16xi32>
      %broadcast_in_dim3A_451 = arith.constant 10000 : i32
      %broadcast_in_dim3A_452 = vector.broadcast %broadcast_in_dim3A_451 : i32 to vector<16xi32>
      tpu.vector_store_idx %arg12[%select_n3A_447, %rem3A_450], %broadcast_in_dim3A_452 : memref<41x64xi32, #tpu.memory_space<vmem>>[vector<16xi32>, vector<16xi32>], vector<16xi32>,
    } else {
    }
    %gt3A_123 = arith.constant 32 : i32
    %gt3A_124 = arith.cmpi sgt, %rem3A_111, %gt3A_123 : i32
    %convert_element_type3A_125 = arith.extui %gt3A_124 : i1 to i32
    %cond3A_126 = arith.constant 0 : i32
    %cond3A_127 = arith.cmpi ne, %convert_element_type3A_125, %cond3A_126 : i32
    scf.if %cond3A_127 {
      %add3A_378 = arith.constant 32 : i32
      %add3A_379 = arith.addi %scan3A_104, %add3A_378 : i32
      %add3A_380 = vector.broadcast %add3A_379 : i32 to vector<16xi32>
      %add3A_381 = arith.addi %add3A_380, %iota3A_112 : vector<16xi32>
      %jit3A_382 = arith.constant 64 : i32
      %div3A_383 = vector.broadcast %jit3A_382 : i32 to vector<16xi32>
      %div3A_384 = arith.divsi %add3A_381, %div3A_383 : vector<16xi32>
      %sign3A_385 = arith.constant 0 : i32
      %sign3A_386 = vector.broadcast %sign3A_385 : i32 to vector<16xi32>
      %sign3A_387 = arith.cmpi sgt, %add3A_381, %sign3A_386 : vector<16xi32>
      %sign3A_388 = arith.extui %sign3A_387 : vector<16xi1> to vector<16xi32>
      %sign3A_389 = arith.constant 0 : i32
      %sign3A_390 = vector.broadcast %sign3A_389 : i32 to vector<16xi32>
      %sign3A_391 = arith.cmpi slt, %add3A_381, %sign3A_390 : vector<16xi32>
      %sign3A_392 = arith.extui %sign3A_391 : vector<16xi1> to vector<16xi32>
      %sign3A_393 = arith.subi %sign3A_388, %sign3A_392 : vector<16xi32>
      %sign3A_394 = arith.constant 0 : i32
      %sign3A_395 = arith.cmpi sgt, %jit3A_382, %sign3A_394 : i32
      %sign3A_396 = arith.extui %sign3A_395 : i1 to i32
      %sign3A_397 = arith.constant 0 : i32
      %sign3A_398 = arith.cmpi slt, %jit3A_382, %sign3A_397 : i32
      %sign3A_399 = arith.extui %sign3A_398 : i1 to i32
      %sign3A_400 = arith.subi %sign3A_396, %sign3A_399 : i32
      %ne3A_401 = vector.broadcast %sign3A_400 : i32 to vector<16xi32>
      %ne3A_402 = arith.cmpi ne, %sign3A_393, %ne3A_401 : vector<16xi32>
      %rem3A_403 = vector.broadcast %jit3A_382 : i32 to vector<16xi32>
      %rem3A_404 = arith.remsi %add3A_381, %rem3A_403 : vector<16xi32>
      %ne3A_405 = arith.constant 0 : i32
      %ne3A_406 = vector.broadcast %ne3A_405 : i32 to vector<16xi32>
      %ne3A_407 = arith.cmpi ne, %rem3A_404, %ne3A_406 : vector<16xi32>
      %and3A_408 = arith.andi %ne3A_402, %ne3A_407 : vector<16xi1>
      %sub3A_409 = arith.constant 1 : i32
      %sub3A_410 = vector.broadcast %sub3A_409 : i32 to vector<16xi32>
      %sub3A_411 = arith.subi %div3A_384, %sub3A_410 : vector<16xi32>
      %select_n3A_412 = arith.select %and3A_408, %sub3A_411, %div3A_384 : vector<16xi1>, vector<16xi32>
      %rem3A_413 = arith.constant 64 : i32
      %rem3A_414 = vector.broadcast %rem3A_413 : i32 to vector<16xi32>
      %rem3A_415 = arith.remsi %add3A_381, %rem3A_414 : vector<16xi32>
      %broadcast_in_dim3A = arith.constant 0 : i32
      %broadcast_in_dim3A_416 = vector.broadcast %broadcast_in_dim3A : i32 to vector<16xi32>
      tpu.vector_store_idx %arg11[%select_n3A_412, %rem3A_415], %broadcast_in_dim3A_416 : memref<41x64xi32, #tpu.memory_space<vmem>>[vector<16xi32>, vector<16xi32>], vector<16xi32>,
      %jit3A_417 = arith.constant 64 : i32
      %div3A_418 = vector.broadcast %jit3A_417 : i32 to vector<16xi32>
      %div3A_419 = arith.divsi %add3A_381, %div3A_418 : vector<16xi32>
      %sign3A_420 = arith.constant 0 : i32
      %sign3A_421 = vector.broadcast %sign3A_420 : i32 to vector<16xi32>
      %sign3A_422 = arith.cmpi sgt, %add3A_381, %sign3A_421 : vector<16xi32>
      %sign3A_423 = arith.extui %sign3A_422 : vector<16xi1> to vector<16xi32>
      %sign3A_424 = arith.constant 0 : i32
      %sign3A_425 = vector.broadcast %sign3A_424 : i32 to vector<16xi32>
      %sign3A_426 = arith.cmpi slt, %add3A_381, %sign3A_425 : vector<16xi32>
      %sign3A_427 = arith.extui %sign3A_426 : vector<16xi1> to vector<16xi32>
      %sign3A_428 = arith.subi %sign3A_423, %sign3A_427 : vector<16xi32>
      %sign3A_429 = arith.constant 0 : i32
      %sign3A_430 = arith.cmpi sgt, %jit3A_417, %sign3A_429 : i32
      %sign3A_431 = arith.extui %sign3A_430 : i1 to i32
      %sign3A_432 = arith.constant 0 : i32
      %sign3A_433 = arith.cmpi slt, %jit3A_417, %sign3A_432 : i32
      %sign3A_434 = arith.extui %sign3A_433 : i1 to i32
      %sign3A_435 = arith.subi %sign3A_431, %sign3A_434 : i32
      %ne3A_436 = vector.broadcast %sign3A_435 : i32 to vector<16xi32>
      %ne3A_437 = arith.cmpi ne, %sign3A_428, %ne3A_436 : vector<16xi32>
      %rem3A_438 = vector.broadcast %jit3A_417 : i32 to vector<16xi32>
      %rem3A_439 = arith.remsi %add3A_381, %rem3A_438 : vector<16xi32>
      %ne3A_440 = arith.constant 0 : i32
      %ne3A_441 = vector.broadcast %ne3A_440 : i32 to vector<16xi32>
      %ne3A_442 = arith.cmpi ne, %rem3A_439, %ne3A_441 : vector<16xi32>
      %and3A_443 = arith.andi %ne3A_437, %ne3A_442 : vector<16xi1>
      %sub3A_444 = arith.constant 1 : i32
      %sub3A_445 = vector.broadcast %sub3A_444 : i32 to vector<16xi32>
      %sub3A_446 = arith.subi %div3A_419, %sub3A_445 : vector<16xi32>
      %select_n3A_447 = arith.select %and3A_443, %sub3A_446, %div3A_419 : vector<16xi1>, vector<16xi32>
      %rem3A_448 = arith.constant 64 : i32
      %rem3A_449 = vector.broadcast %rem3A_448 : i32 to vector<16xi32>
      %rem3A_450 = arith.remsi %add3A_381, %rem3A_449 : vector<16xi32>
      %broadcast_in_dim3A_451 = arith.constant 10000 : i32
      %broadcast_in_dim3A_452 = vector.broadcast %broadcast_in_dim3A_451 : i32 to vector<16xi32>
      tpu.vector_store_idx %arg12[%select_n3A_447, %rem3A_450], %broadcast_in_dim3A_452 : memref<41x64xi32, #tpu.memory_space<vmem>>[vector<16xi32>, vector<16xi32>], vector<16xi32>,
    } else {
    }
    %gt3A_128 = arith.constant 48 : i32
    %gt3A_129 = arith.cmpi sgt, %rem3A_111, %gt3A_128 : i32
    %convert_element_type3A_130 = arith.extui %gt3A_129 : i1 to i32
    %cond3A_131 = arith.constant 0 : i32
    %cond3A_132 = arith.cmpi ne, %convert_element_type3A_130, %cond3A_131 : i32
    scf.if %cond3A_132 {
      %add3A_378 = arith.constant 48 : i32
      %add3A_379 = arith.addi %scan3A_104, %add3A_378 : i32
      %add3A_380 = vector.broadcast %add3A_379 : i32 to vector<16xi32>
      %add3A_381 = arith.addi %add3A_380, %iota3A_112 : vector<16xi32>
      %jit3A_382 = arith.constant 64 : i32
      %div3A_383 = vector.broadcast %jit3A_382 : i32 to vector<16xi32>
      %div3A_384 = arith.divsi %add3A_381, %div3A_383 : vector<16xi32>
      %sign3A_385 = arith.constant 0 : i32
      %sign3A_386 = vector.broadcast %sign3A_385 : i32 to vector<16xi32>
      %sign3A_387 = arith.cmpi sgt, %add3A_381, %sign3A_386 : vector<16xi32>
      %sign3A_388 = arith.extui %sign3A_387 : vector<16xi1> to vector<16xi32>
      %sign3A_389 = arith.constant 0 : i32
      %sign3A_390 = vector.broadcast %sign3A_389 : i32 to vector<16xi32>
      %sign3A_391 = arith.cmpi slt, %add3A_381, %sign3A_390 : vector<16xi32>
      %sign3A_392 = arith.extui %sign3A_391 : vector<16xi1> to vector<16xi32>
      %sign3A_393 = arith.subi %sign3A_388, %sign3A_392 : vector<16xi32>
      %sign3A_394 = arith.constant 0 : i32
      %sign3A_395 = arith.cmpi sgt, %jit3A_382, %sign3A_394 : i32
      %sign3A_396 = arith.extui %sign3A_395 : i1 to i32
      %sign3A_397 = arith.constant 0 : i32
      %sign3A_398 = arith.cmpi slt, %jit3A_382, %sign3A_397 : i32
      %sign3A_399 = arith.extui %sign3A_398 : i1 to i32
      %sign3A_400 = arith.subi %sign3A_396, %sign3A_399 : i32
      %ne3A_401 = vector.broadcast %sign3A_400 : i32 to vector<16xi32>
      %ne3A_402 = arith.cmpi ne, %sign3A_393, %ne3A_401 : vector<16xi32>
      %rem3A_403 = vector.broadcast %jit3A_382 : i32 to vector<16xi32>
      %rem3A_404 = arith.remsi %add3A_381, %rem3A_403 : vector<16xi32>
      %ne3A_405 = arith.constant 0 : i32
      %ne3A_406 = vector.broadcast %ne3A_405 : i32 to vector<16xi32>
      %ne3A_407 = arith.cmpi ne, %rem3A_404, %ne3A_406 : vector<16xi32>
      %and3A_408 = arith.andi %ne3A_402, %ne3A_407 : vector<16xi1>
      %sub3A_409 = arith.constant 1 : i32
      %sub3A_410 = vector.broadcast %sub3A_409 : i32 to vector<16xi32>
      %sub3A_411 = arith.subi %div3A_384, %sub3A_410 : vector<16xi32>
      %select_n3A_412 = arith.select %and3A_408, %sub3A_411, %div3A_384 : vector<16xi1>, vector<16xi32>
      %rem3A_413 = arith.constant 64 : i32
      %rem3A_414 = vector.broadcast %rem3A_413 : i32 to vector<16xi32>
      %rem3A_415 = arith.remsi %add3A_381, %rem3A_414 : vector<16xi32>
      %broadcast_in_dim3A = arith.constant 0 : i32
      %broadcast_in_dim3A_416 = vector.broadcast %broadcast_in_dim3A : i32 to vector<16xi32>
      tpu.vector_store_idx %arg11[%select_n3A_412, %rem3A_415], %broadcast_in_dim3A_416 : memref<41x64xi32, #tpu.memory_space<vmem>>[vector<16xi32>, vector<16xi32>], vector<16xi32>,
      %jit3A_417 = arith.constant 64 : i32
      %div3A_418 = vector.broadcast %jit3A_417 : i32 to vector<16xi32>
      %div3A_419 = arith.divsi %add3A_381, %div3A_418 : vector<16xi32>
      %sign3A_420 = arith.constant 0 : i32
      %sign3A_421 = vector.broadcast %sign3A_420 : i32 to vector<16xi32>
      %sign3A_422 = arith.cmpi sgt, %add3A_381, %sign3A_421 : vector<16xi32>
      %sign3A_423 = arith.extui %sign3A_422 : vector<16xi1> to vector<16xi32>
      %sign3A_424 = arith.constant 0 : i32
      %sign3A_425 = vector.broadcast %sign3A_424 : i32 to vector<16xi32>
      %sign3A_426 = arith.cmpi slt, %add3A_381, %sign3A_425 : vector<16xi32>
      %sign3A_427 = arith.extui %sign3A_426 : vector<16xi1> to vector<16xi32>
      %sign3A_428 = arith.subi %sign3A_423, %sign3A_427 : vector<16xi32>
      %sign3A_429 = arith.constant 0 : i32
      %sign3A_430 = arith.cmpi sgt, %jit3A_417, %sign3A_429 : i32
      %sign3A_431 = arith.extui %sign3A_430 : i1 to i32
      %sign3A_432 = arith.constant 0 : i32
      %sign3A_433 = arith.cmpi slt, %jit3A_417, %sign3A_432 : i32
      %sign3A_434 = arith.extui %sign3A_433 : i1 to i32
      %sign3A_435 = arith.subi %sign3A_431, %sign3A_434 : i32
      %ne3A_436 = vector.broadcast %sign3A_435 : i32 to vector<16xi32>
      %ne3A_437 = arith.cmpi ne, %sign3A_428, %ne3A_436 : vector<16xi32>
      %rem3A_438 = vector.broadcast %jit3A_417 : i32 to vector<16xi32>
      %rem3A_439 = arith.remsi %add3A_381, %rem3A_438 : vector<16xi32>
      %ne3A_440 = arith.constant 0 : i32
      %ne3A_441 = vector.broadcast %ne3A_440 : i32 to vector<16xi32>
      %ne3A_442 = arith.cmpi ne, %rem3A_439, %ne3A_441 : vector<16xi32>
      %and3A_443 = arith.andi %ne3A_437, %ne3A_442 : vector<16xi1>
      %sub3A_444 = arith.constant 1 : i32
      %sub3A_445 = vector.broadcast %sub3A_444 : i32 to vector<16xi32>
      %sub3A_446 = arith.subi %div3A_419, %sub3A_445 : vector<16xi32>
      %select_n3A_447 = arith.select %and3A_443, %sub3A_446, %div3A_419 : vector<16xi1>, vector<16xi32>
      %rem3A_448 = arith.constant 64 : i32
      %rem3A_449 = vector.broadcast %rem3A_448 : i32 to vector<16xi32>
      %rem3A_450 = arith.remsi %add3A_381, %rem3A_449 : vector<16xi32>
      %broadcast_in_dim3A_451 = arith.constant 10000 : i32
      %broadcast_in_dim3A_452 = vector.broadcast %broadcast_in_dim3A_451 : i32 to vector<16xi32>
      tpu.vector_store_idx %arg12[%select_n3A_447, %rem3A_450], %broadcast_in_dim3A_452 : memref<41x64xi32, #tpu.memory_space<vmem>>[vector<16xi32>, vector<16xi32>], vector<16xi32>,
    } else {
    }
    %add3A_133 = arith.addi %scan3A_104, %rem3A_111 : i32
    %jit3A_134 = arith.constant 64 : i32
    %div3A_135 = arith.divsi %add3A_133, %jit3A_134 : i32
    %sign3A_136 = arith.constant 0 : i32
    %sign3A_137 = arith.cmpi sgt, %add3A_133, %sign3A_136 : i32
    %sign3A_138 = arith.extui %sign3A_137 : i1 to i32
    %sign3A_139 = arith.constant 0 : i32
    %sign3A_140 = arith.cmpi slt, %add3A_133, %sign3A_139 : i32
    %sign3A_141 = arith.extui %sign3A_140 : i1 to i32
    %sign3A_142 = arith.subi %sign3A_138, %sign3A_141 : i32
    %sign3A_143 = arith.constant 0 : i32
    %sign3A_144 = arith.cmpi sgt, %jit3A_134, %sign3A_143 : i32
    %sign3A_145 = arith.extui %sign3A_144 : i1 to i32
    %sign3A_146 = arith.constant 0 : i32
    %sign3A_147 = arith.cmpi slt, %jit3A_134, %sign3A_146 : i32
    %sign3A_148 = arith.extui %sign3A_147 : i1 to i32
    %sign3A_149 = arith.subi %sign3A_145, %sign3A_148 : i32
    %ne3A_150 = arith.cmpi ne, %sign3A_142, %sign3A_149 : i32
    %rem3A_151 = arith.remsi %add3A_133, %jit3A_134 : i32
    %ne3A_152 = arith.constant 0 : i32
    %ne3A_153 = arith.cmpi ne, %rem3A_151, %ne3A_152 : i32
    %and3A_154 = arith.andi %ne3A_150, %ne3A_153 : i1
    %sub3A_155 = arith.constant 1 : i32
    %sub3A_156 = arith.subi %div3A_135, %sub3A_155 : i32
    %select_n3A_157 = arith.select %and3A_154, %sub3A_156, %div3A_135 : i32
    %gt3A_158 = arith.constant 0 : i32
    %gt3A_159 = arith.cmpi sgt, %select_n3A_157, %gt3A_158 : i32
    %convert_element_type3A_160 = arith.extui %gt3A_159 : i1 to i32
    %cond3A_161 = arith.constant 0 : i32
    %cond3A_162 = arith.cmpi ne, %convert_element_type3A_160, %cond3A_161 : i32
    scf.if %cond3A_162 {
      %dma_start3A = arith.constant 0 : i32
      %dma_start3A_378 = arith.constant 0 : i32
      %dma_start3A_379 = tpu.memref_slice %arg11[%dma_start3A, %dma_start3A_378] : memref<41x64xi32, #tpu.memory_space<vmem>> -> memref<1x64xi32, #tpu.memory_space<vmem>>
      %dma_start3A_380 = tpu.memref_squeeze %dma_start3A_379 : memref<1x64xi32, #tpu.memory_space<vmem>> -> memref<64xi32, #tpu.memory_space<vmem>>
      %dma_start3A_381 = arith.constant 0 : i32
      %dma_start3A_382 = arith.constant 0 : i32
      %dma_start3A_383 = tpu.memref_slice %arg4[%dma_start3A_381, %dma_start3A_382] : memref<10000x128xf32, #tpu.memory_space<hbm>> -> memref<10000x128xf32, #tpu.memory_space<hbm>>
      tpu.enqueue_indirect_dma source(%dma_start3A_383 : memref<10000x128xf32, #tpu.memory_space<hbm>>) target(%arg13 : memref<64x128xf32, #tpu.memory_space<vmem>>) offsets(%dma_start3A_380 : memref<64xi32, #tpu.memory_space<vmem>>) semaphore(%arg16 : memref<!tpu.dma_semaphore, #tpu.memory_space<semaphore_mem>>)
    } else {
    }
    %sub3A_163 = arith.constant 0 : i32
    %sub3A_164 = arith.subi %select_n3A_157, %sub3A_163 : i32
    %sub3A_165 = arith.constant 1 : i32
    %sub3A_166 = arith.constant 1 : i32
    %sub3A_167 = arith.subi %sub3A_165, %sub3A_166 : i32
    %add3A_168 = arith.addi %sub3A_164, %sub3A_167 : i32
    %div3A_169 = arith.constant 1 : i32
    %div3A_170 = arith.divsi %add3A_168, %div3A_169 : i32
    %while3A_171 = arith.constant 1 : i32
    %while3A_172 = arith.constant 0 : i32
    %while3A_173 = arith.constant 0 : i32
    %while3A_174 = arith.subi %div3A_170, %while3A_173 : i32
    %while3A_175 = arith.addi %while3A_173, %while3A_174 : i32
    %while3A_176 = arith.constant 1 : i32
    %while3A_177 = arith.divsi %while3A_174, %while3A_176 : i32
    %while3A_178 = arith.muli %while3A_177, %while3A_176 : i32
    %while3A_179 = arith.addi %while3A_173, %while3A_178 : i32
    %while3A_180 = arith.constant 1 : i32
    scf.for %while3A_378 = %while3A_173 to %while3A_179 step %while3A_180  : i32 {
      %mul3A_379 = arith.muli %while3A_378, %while3A_171 : i32
      %add3A_380 = arith.addi %while3A_172, %mul3A_379 : i32
      %rem3A_381 = arith.constant 2 : i32
      %rem3A_382 = arith.remsi %add3A_380, %rem3A_381 : i32
      %add3A_383 = arith.constant 1 : i32
      %add3A_384 = arith.addi %add3A_380, %add3A_383 : i32
      %lt3A = arith.cmpi slt, %add3A_384, %select_n3A_157 : i32
      %eq3A_385 = arith.constant 0 : i32
      %eq3A_386 = arith.cmpi eq, %rem3A_382, %eq3A_385 : i32
      %and3A_387 = arith.andi %lt3A, %eq3A_386 : i1
      %convert_element_type3A_388 = arith.extui %and3A_387 : i1 to i32
      %cond3A_389 = arith.constant 0 : i32
      %cond3A_390 = arith.cmpi ne, %convert_element_type3A_388, %cond3A_389 : i32
      scf.if %cond3A_390 {
        %add3A_407 = arith.constant 1 : i32
        %add3A_408 = arith.addi %add3A_380, %add3A_407 : i32
        %dma_start3A = arith.constant 0 : i32
        %dma_start3A_409 = tpu.memref_slice %arg11[%add3A_408, %dma_start3A] : memref<41x64xi32, #tpu.memory_space<vmem>> -> memref<1x64xi32, #tpu.memory_space<vmem>>
        %dma_start3A_410 = tpu.memref_squeeze %dma_start3A_409 : memref<1x64xi32, #tpu.memory_space<vmem>> -> memref<64xi32, #tpu.memory_space<vmem>>
        %dma_start3A_411 = arith.constant 0 : i32
        %dma_start3A_412 = arith.constant 0 : i32
        %dma_start3A_413 = tpu.memref_slice %arg4[%dma_start3A_411, %dma_start3A_412] : memref<10000x128xf32, #tpu.memory_space<hbm>> -> memref<10000x128xf32, #tpu.memory_space<hbm>>
        tpu.enqueue_indirect_dma source(%dma_start3A_413 : memref<10000x128xf32, #tpu.memory_space<hbm>>) target(%arg14 : memref<64x128xf32, #tpu.memory_space<vmem>>) offsets(%dma_start3A_410 : memref<64xi32, #tpu.memory_space<vmem>>) semaphore(%arg17 : memref<!tpu.dma_semaphore, #tpu.memory_space<semaphore_mem>>)
      } else {
      }
      %eq3A_391 = arith.constant 1 : i32
      %eq3A_392 = arith.cmpi eq, %rem3A_382, %eq3A_391 : i32
      %and3A_393 = arith.andi %lt3A, %eq3A_392 : i1
      %convert_element_type3A_394 = arith.extui %and3A_393 : i1 to i32
      %cond3A_395 = arith.constant 0 : i32
      %cond3A_396 = arith.cmpi ne, %convert_element_type3A_394, %cond3A_395 : i32
      scf.if %cond3A_396 {
        %add3A_407 = arith.constant 1 : i32
        %add3A_408 = arith.addi %add3A_380, %add3A_407 : i32
        %dma_start3A = arith.constant 0 : i32
        %dma_start3A_409 = tpu.memref_slice %arg11[%add3A_408, %dma_start3A] : memref<41x64xi32, #tpu.memory_space<vmem>> -> memref<1x64xi32, #tpu.memory_space<vmem>>
        %dma_start3A_410 = tpu.memref_squeeze %dma_start3A_409 : memref<1x64xi32, #tpu.memory_space<vmem>> -> memref<64xi32, #tpu.memory_space<vmem>>
        %dma_start3A_411 = arith.constant 0 : i32
        %dma_start3A_412 = arith.constant 0 : i32
        %dma_start3A_413 = tpu.memref_slice %arg4[%dma_start3A_411, %dma_start3A_412] : memref<10000x128xf32, #tpu.memory_space<hbm>> -> memref<10000x128xf32, #tpu.memory_space<hbm>>
        tpu.enqueue_indirect_dma source(%dma_start3A_413 : memref<10000x128xf32, #tpu.memory_space<hbm>>) target(%arg13 : memref<64x128xf32, #tpu.memory_space<vmem>>) offsets(%dma_start3A_410 : memref<64xi32, #tpu.memory_space<vmem>>) semaphore(%arg16 : memref<!tpu.dma_semaphore, #tpu.memory_space<semaphore_mem>>)
      } else {
      }
      %eq3A_397 = arith.constant 0 : i32
      %eq3A_398 = arith.cmpi eq, %rem3A_382, %eq3A_397 : i32
      %convert_element_type3A_399 = arith.extui %eq3A_398 : i1 to i32
      %cond3A_400 = arith.constant 0 : i32
      %cond3A_401 = arith.cmpi ne, %convert_element_type3A_399, %cond3A_400 : i32
      scf.if %cond3A_401 {
        %dma_wait3A = arith.constant 0 : i32
        %dma_wait3A_407 = arith.constant 0 : i32
        %dma_wait3A_408 = tpu.memref_slice %arg11[%dma_wait3A, %dma_wait3A_407] : memref<41x64xi32, #tpu.memory_space<vmem>> -> memref<1x64xi32, #tpu.memory_space<vmem>>
        %dma_wait3A_409 = tpu.memref_squeeze %dma_wait3A_408 : memref<1x64xi32, #tpu.memory_space<vmem>> -> memref<64xi32, #tpu.memory_space<vmem>>
        %dma_wait3A_410 = arith.constant 0 : i32
        %dma_wait3A_411 = arith.constant 0 : i32
        %dma_wait3A_412 = tpu.memref_slice %arg4[%dma_wait3A_410, %dma_wait3A_411] : memref<10000x128xf32, #tpu.memory_space<hbm>> -> memref<10000x128xf32, #tpu.memory_space<hbm>>
        tpu.wait_indirect_dma semaphore(%arg16 : memref<!tpu.dma_semaphore, #tpu.memory_space<semaphore_mem>>) src(%dma_wait3A_412 : memref<10000x128xf32, #tpu.memory_space<hbm>>) dst(%arg13 : memref<64x128xf32, #tpu.memory_space<vmem>>)
        "tpu.region"() ({
          %run_scoped3A_413 = tpu.sem_alloc : memref<!tpu.dma_semaphore, #tpu.memory_space<semaphore_mem>>
          %dma_start3A = arith.constant 0 : i32
          %dma_start3A_414 = tpu.memref_slice %arg12[%add3A_380, %dma_start3A] : memref<41x64xi32, #tpu.memory_space<vmem>> -> memref<1x64xi32, #tpu.memory_space<vmem>>
          %dma_start3A_415 = tpu.memref_squeeze %dma_start3A_414 : memref<1x64xi32, #tpu.memory_space<vmem>> -> memref<64xi32, #tpu.memory_space<vmem>>
          %dma_start3A_416 = arith.constant 0 : i32
          %dma_start3A_417 = arith.constant 0 : i32
          %dma_start3A_418 = tpu.memref_slice %arg15[%dma_start3A_416, %dma_start3A_417] : memref<10016x128xf32, #tpu.memory_space<vmem_shared>> -> memref<10016x128xf32, #tpu.memory_space<vmem_shared>>
          tpu.enqueue_indirect_dma source(%arg13 : memref<64x128xf32, #tpu.memory_space<vmem>>) target(%dma_start3A_418 : memref<10016x128xf32, #tpu.memory_space<vmem_shared>>) offsets(%dma_start3A_415 : memref<64xi32, #tpu.memory_space<vmem>>) semaphore(%run_scoped3A_413 : memref<!tpu.dma_semaphore, #tpu.memory_space<semaphore_mem>>) {add = true}
          %dma_wait3A_419 = arith.constant 0 : i32
          %dma_wait3A_420 = tpu.memref_slice %arg12[%add3A_380, %dma_wait3A_419] : memref<41x64xi32, #tpu.memory_space<vmem>> -> memref<1x64xi32, #tpu.memory_space<vmem>>
          %dma_wait3A_421 = tpu.memref_squeeze %dma_wait3A_420 : memref<1x64xi32, #tpu.memory_space<vmem>> -> memref<64xi32, #tpu.memory_space<vmem>>
          %dma_wait3A_422 = arith.constant 0 : i32
          %dma_wait3A_423 = arith.constant 0 : i32
          %dma_wait3A_424 = tpu.memref_slice %arg15[%dma_wait3A_422, %dma_wait3A_423] : memref<10016x128xf32, #tpu.memory_space<vmem_shared>> -> memref<10016x128xf32, #tpu.memory_space<vmem_shared>>
          tpu.wait_indirect_dma semaphore(%run_scoped3A_413 : memref<!tpu.dma_semaphore, #tpu.memory_space<semaphore_mem>>) src(%arg13 : memref<64x128xf32, #tpu.memory_space<vmem>>) dst(%dma_wait3A_424 : memref<10016x128xf32, #tpu.memory_space<vmem_shared>>)
          tpu.yield
        }) : () -> ()
      } else {
      }
      %eq3A_402 = arith.constant 1 : i32
      %eq3A_403 = arith.cmpi eq, %rem3A_382, %eq3A_402 : i32
      %convert_element_type3A_404 = arith.extui %eq3A_403 : i1 to i32
      %cond3A_405 = arith.constant 0 : i32
      %cond3A_406 = arith.cmpi ne, %convert_element_type3A_404, %cond3A_405 : i32
      scf.if %cond3A_406 {
        %dma_wait3A = arith.constant 0 : i32
        %dma_wait3A_407 = arith.constant 0 : i32
        %dma_wait3A_408 = tpu.memref_slice %arg11[%dma_wait3A, %dma_wait3A_407] : memref<41x64xi32, #tpu.memory_space<vmem>> -> memref<1x64xi32, #tpu.memory_space<vmem>>
        %dma_wait3A_409 = tpu.memref_squeeze %dma_wait3A_408 : memref<1x64xi32, #tpu.memory_space<vmem>> -> memref<64xi32, #tpu.memory_space<vmem>>
        %dma_wait3A_410 = arith.constant 0 : i32
        %dma_wait3A_411 = arith.constant 0 : i32
        %dma_wait3A_412 = tpu.memref_slice %arg4[%dma_wait3A_410, %dma_wait3A_411] : memref<10000x128xf32, #tpu.memory_space<hbm>> -> memref<10000x128xf32, #tpu.memory_space<hbm>>
        tpu.wait_indirect_dma semaphore(%arg17 : memref<!tpu.dma_semaphore, #tpu.memory_space<semaphore_mem>>) src(%dma_wait3A_412 : memref<10000x128xf32, #tpu.memory_space<hbm>>) dst(%arg14 : memref<64x128xf32, #tpu.memory_space<vmem>>)
        "tpu.region"() ({
          %run_scoped3A_413 = tpu.sem_alloc : memref<!tpu.dma_semaphore, #tpu.memory_space<semaphore_mem>>
          %dma_start3A = arith.constant 0 : i32
          %dma_start3A_414 = tpu.memref_slice %arg12[%add3A_380, %dma_start3A] : memref<41x64xi32, #tpu.memory_space<vmem>> -> memref<1x64xi32, #tpu.memory_space<vmem>>
          %dma_start3A_415 = tpu.memref_squeeze %dma_start3A_414 : memref<1x64xi32, #tpu.memory_space<vmem>> -> memref<64xi32, #tpu.memory_space<vmem>>
          %dma_start3A_416 = arith.constant 0 : i32
          %dma_start3A_417 = arith.constant 0 : i32
          %dma_start3A_418 = tpu.memref_slice %arg15[%dma_start3A_416, %dma_start3A_417] : memref<10016x128xf32, #tpu.memory_space<vmem_shared>> -> memref<10016x128xf32, #tpu.memory_space<vmem_shared>>
          tpu.enqueue_indirect_dma source(%arg14 : memref<64x128xf32, #tpu.memory_space<vmem>>) target(%dma_start3A_418 : memref<10016x128xf32, #tpu.memory_space<vmem_shared>>) offsets(%dma_start3A_415 : memref<64xi32, #tpu.memory_space<vmem>>) semaphore(%run_scoped3A_413 : memref<!tpu.dma_semaphore, #tpu.memory_space<semaphore_mem>>) {add = true}
          %dma_wait3A_419 = arith.constant 0 : i32
          %dma_wait3A_420 = tpu.memref_slice %arg12[%add3A_380, %dma_wait3A_419] : memref<41x64xi32, #tpu.memory_space<vmem>> -> memref<1x64xi32, #tpu.memory_space<vmem>>
          %dma_wait3A_421 = tpu.memref_squeeze %dma_wait3A_420 : memref<1x64xi32, #tpu.memory_space<vmem>> -> memref<64xi32, #tpu.memory_space<vmem>>
          %dma_wait3A_422 = arith.constant 0 : i32
          %dma_wait3A_423 = arith.constant 0 : i32
          %dma_wait3A_424 = tpu.memref_slice %arg15[%dma_wait3A_422, %dma_wait3A_423] : memref<10016x128xf32, #tpu.memory_space<vmem_shared>> -> memref<10016x128xf32, #tpu.memory_space<vmem_shared>>
          tpu.wait_indirect_dma semaphore(%run_scoped3A_413 : memref<!tpu.dma_semaphore, #tpu.memory_space<semaphore_mem>>) src(%arg14 : memref<64x128xf32, #tpu.memory_space<vmem>>) dst(%dma_wait3A_424 : memref<10016x128xf32, #tpu.memory_space<vmem_shared>>)
          tpu.yield
        }) : () -> ()
      } else {
      }
    }
    %while3A_181 = arith.constant 1 : i32
    scf.for %while3A_378 = %while3A_179 to %while3A_175 step %while3A_181  : i32 {
      %mul3A_379 = arith.muli %while3A_378, %while3A_171 : i32
      %add3A_380 = arith.addi %while3A_172, %mul3A_379 : i32
      %rem3A_381 = arith.constant 2 : i32
      %rem3A_382 = arith.remsi %add3A_380, %rem3A_381 : i32
      %add3A_383 = arith.constant 1 : i32
      %add3A_384 = arith.addi %add3A_380, %add3A_383 : i32
      %lt3A = arith.cmpi slt, %add3A_384, %select_n3A_157 : i32
      %eq3A_385 = arith.constant 0 : i32
      %eq3A_386 = arith.cmpi eq, %rem3A_382, %eq3A_385 : i32
      %and3A_387 = arith.andi %lt3A, %eq3A_386 : i1
      %convert_element_type3A_388 = arith.extui %and3A_387 : i1 to i32
      %cond3A_389 = arith.constant 0 : i32
      %cond3A_390 = arith.cmpi ne, %convert_element_type3A_388, %cond3A_389 : i32
      scf.if %cond3A_390 {
        %add3A_407 = arith.constant 1 : i32
        %add3A_408 = arith.addi %add3A_380, %add3A_407 : i32
        %dma_start3A = arith.constant 0 : i32
        %dma_start3A_409 = tpu.memref_slice %arg11[%add3A_408, %dma_start3A] : memref<41x64xi32, #tpu.memory_space<vmem>> -> memref<1x64xi32, #tpu.memory_space<vmem>>
        %dma_start3A_410 = tpu.memref_squeeze %dma_start3A_409 : memref<1x64xi32, #tpu.memory_space<vmem>> -> memref<64xi32, #tpu.memory_space<vmem>>
        %dma_start3A_411 = arith.constant 0 : i32
        %dma_start3A_412 = arith.constant 0 : i32
        %dma_start3A_413 = tpu.memref_slice %arg4[%dma_start3A_411, %dma_start3A_412] : memref<10000x128xf32, #tpu.memory_space<hbm>> -> memref<10000x128xf32, #tpu.memory_space<hbm>>
        tpu.enqueue_indirect_dma source(%dma_start3A_413 : memref<10000x128xf32, #tpu.memory_space<hbm>>) target(%arg14 : memref<64x128xf32, #tpu.memory_space<vmem>>) offsets(%dma_start3A_410 : memref<64xi32, #tpu.memory_space<vmem>>) semaphore(%arg17 : memref<!tpu.dma_semaphore, #tpu.memory_space<semaphore_mem>>)
      } else {
      }
      %eq3A_391 = arith.constant 1 : i32
      %eq3A_392 = arith.cmpi eq, %rem3A_382, %eq3A_391 : i32
      %and3A_393 = arith.andi %lt3A, %eq3A_392 : i1
      %convert_element_type3A_394 = arith.extui %and3A_393 : i1 to i32
      %cond3A_395 = arith.constant 0 : i32
      %cond3A_396 = arith.cmpi ne, %convert_element_type3A_394, %cond3A_395 : i32
      scf.if %cond3A_396 {
        %add3A_407 = arith.constant 1 : i32
        %add3A_408 = arith.addi %add3A_380, %add3A_407 : i32
        %dma_start3A = arith.constant 0 : i32
        %dma_start3A_409 = tpu.memref_slice %arg11[%add3A_408, %dma_start3A] : memref<41x64xi32, #tpu.memory_space<vmem>> -> memref<1x64xi32, #tpu.memory_space<vmem>>
        %dma_start3A_410 = tpu.memref_squeeze %dma_start3A_409 : memref<1x64xi32, #tpu.memory_space<vmem>> -> memref<64xi32, #tpu.memory_space<vmem>>
        %dma_start3A_411 = arith.constant 0 : i32
        %dma_start3A_412 = arith.constant 0 : i32
        %dma_start3A_413 = tpu.memref_slice %arg4[%dma_start3A_411, %dma_start3A_412] : memref<10000x128xf32, #tpu.memory_space<hbm>> -> memref<10000x128xf32, #tpu.memory_space<hbm>>
        tpu.enqueue_indirect_dma source(%dma_start3A_413 : memref<10000x128xf32, #tpu.memory_space<hbm>>) target(%arg13 : memref<64x128xf32, #tpu.memory_space<vmem>>) offsets(%dma_start3A_410 : memref<64xi32, #tpu.memory_space<vmem>>) semaphore(%arg16 : memref<!tpu.dma_semaphore, #tpu.memory_space<semaphore_mem>>)
      } else {
      }
      %eq3A_397 = arith.constant 0 : i32
      %eq3A_398 = arith.cmpi eq, %rem3A_382, %eq3A_397 : i32
      %convert_element_type3A_399 = arith.extui %eq3A_398 : i1 to i32
      %cond3A_400 = arith.constant 0 : i32
      %cond3A_401 = arith.cmpi ne, %convert_element_type3A_399, %cond3A_400 : i32
      scf.if %cond3A_401 {
        %dma_wait3A = arith.constant 0 : i32
        %dma_wait3A_407 = arith.constant 0 : i32
        %dma_wait3A_408 = tpu.memref_slice %arg11[%dma_wait3A, %dma_wait3A_407] : memref<41x64xi32, #tpu.memory_space<vmem>> -> memref<1x64xi32, #tpu.memory_space<vmem>>
        %dma_wait3A_409 = tpu.memref_squeeze %dma_wait3A_408 : memref<1x64xi32, #tpu.memory_space<vmem>> -> memref<64xi32, #tpu.memory_space<vmem>>
        %dma_wait3A_410 = arith.constant 0 : i32
        %dma_wait3A_411 = arith.constant 0 : i32
        %dma_wait3A_412 = tpu.memref_slice %arg4[%dma_wait3A_410, %dma_wait3A_411] : memref<10000x128xf32, #tpu.memory_space<hbm>> -> memref<10000x128xf32, #tpu.memory_space<hbm>>
        tpu.wait_indirect_dma semaphore(%arg16 : memref<!tpu.dma_semaphore, #tpu.memory_space<semaphore_mem>>) src(%dma_wait3A_412 : memref<10000x128xf32, #tpu.memory_space<hbm>>) dst(%arg13 : memref<64x128xf32, #tpu.memory_space<vmem>>)
        "tpu.region"() ({
          %run_scoped3A_413 = tpu.sem_alloc : memref<!tpu.dma_semaphore, #tpu.memory_space<semaphore_mem>>
          %dma_start3A = arith.constant 0 : i32
          %dma_start3A_414 = tpu.memref_slice %arg12[%add3A_380, %dma_start3A] : memref<41x64xi32, #tpu.memory_space<vmem>> -> memref<1x64xi32, #tpu.memory_space<vmem>>
          %dma_start3A_415 = tpu.memref_squeeze %dma_start3A_414 : memref<1x64xi32, #tpu.memory_space<vmem>> -> memref<64xi32, #tpu.memory_space<vmem>>
          %dma_start3A_416 = arith.constant 0 : i32
          %dma_start3A_417 = arith.constant 0 : i32
          %dma_start3A_418 = tpu.memref_slice %arg15[%dma_start3A_416, %dma_start3A_417] : memref<10016x128xf32, #tpu.memory_space<vmem_shared>> -> memref<10016x128xf32, #tpu.memory_space<vmem_shared>>
          tpu.enqueue_indirect_dma source(%arg13 : memref<64x128xf32, #tpu.memory_space<vmem>>) target(%dma_start3A_418 : memref<10016x128xf32, #tpu.memory_space<vmem_shared>>) offsets(%dma_start3A_415 : memref<64xi32, #tpu.memory_space<vmem>>) semaphore(%run_scoped3A_413 : memref<!tpu.dma_semaphore, #tpu.memory_space<semaphore_mem>>) {add = true}
          %dma_wait3A_419 = arith.constant 0 : i32
          %dma_wait3A_420 = tpu.memref_slice %arg12[%add3A_380, %dma_wait3A_419] : memref<41x64xi32, #tpu.memory_space<vmem>> -> memref<1x64xi32, #tpu.memory_space<vmem>>
          %dma_wait3A_421 = tpu.memref_squeeze %dma_wait3A_420 : memref<1x64xi32, #tpu.memory_space<vmem>> -> memref<64xi32, #tpu.memory_space<vmem>>
          %dma_wait3A_422 = arith.constant 0 : i32
          %dma_wait3A_423 = arith.constant 0 : i32
          %dma_wait3A_424 = tpu.memref_slice %arg15[%dma_wait3A_422, %dma_wait3A_423] : memref<10016x128xf32, #tpu.memory_space<vmem_shared>> -> memref<10016x128xf32, #tpu.memory_space<vmem_shared>>
          tpu.wait_indirect_dma semaphore(%run_scoped3A_413 : memref<!tpu.dma_semaphore, #tpu.memory_space<semaphore_mem>>) src(%arg13 : memref<64x128xf32, #tpu.memory_space<vmem>>) dst(%dma_wait3A_424 : memref<10016x128xf32, #tpu.memory_space<vmem_shared>>)
          tpu.yield
        }) : () -> ()
      } else {
      }
      %eq3A_402 = arith.constant 1 : i32
      %eq3A_403 = arith.cmpi eq, %rem3A_382, %eq3A_402 : i32
      %convert_element_type3A_404 = arith.extui %eq3A_403 : i1 to i32
      %cond3A_405 = arith.constant 0 : i32
      %cond3A_406 = arith.cmpi ne, %convert_element_type3A_404, %cond3A_405 : i32
      scf.if %cond3A_406 {
        %dma_wait3A = arith.constant 0 : i32
        %dma_wait3A_407 = arith.constant 0 : i32
        %dma_wait3A_408 = tpu.memref_slice %arg11[%dma_wait3A, %dma_wait3A_407] : memref<41x64xi32, #tpu.memory_space<vmem>> -> memref<1x64xi32, #tpu.memory_space<vmem>>
        %dma_wait3A_409 = tpu.memref_squeeze %dma_wait3A_408 : memref<1x64xi32, #tpu.memory_space<vmem>> -> memref<64xi32, #tpu.memory_space<vmem>>
        %dma_wait3A_410 = arith.constant 0 : i32
        %dma_wait3A_411 = arith.constant 0 : i32
        %dma_wait3A_412 = tpu.memref_slice %arg4[%dma_wait3A_410, %dma_wait3A_411] : memref<10000x128xf32, #tpu.memory_space<hbm>> -> memref<10000x128xf32, #tpu.memory_space<hbm>>
        tpu.wait_indirect_dma semaphore(%arg17 : memref<!tpu.dma_semaphore, #tpu.memory_space<semaphore_mem>>) src(%dma_wait3A_412 : memref<10000x128xf32, #tpu.memory_space<hbm>>) dst(%arg14 : memref<64x128xf32, #tpu.memory_space<vmem>>)
        "tpu.region"() ({
          %run_scoped3A_413 = tpu.sem_alloc : memref<!tpu.dma_semaphore, #tpu.memory_space<semaphore_mem>>
          %dma_start3A = arith.constant 0 : i32
          %dma_start3A_414 = tpu.memref_slice %arg12[%add3A_380, %dma_start3A] : memref<41x64xi32, #tpu.memory_space<vmem>> -> memref<1x64xi32, #tpu.memory_space<vmem>>
          %dma_start3A_415 = tpu.memref_squeeze %dma_start3A_414 : memref<1x64xi32, #tpu.memory_space<vmem>> -> memref<64xi32, #tpu.memory_space<vmem>>
          %dma_start3A_416 = arith.constant 0 : i32
          %dma_start3A_417 = arith.constant 0 : i32
          %dma_start3A_418 = tpu.memref_slice %arg15[%dma_start3A_416, %dma_start3A_417] : memref<10016x128xf32, #tpu.memory_space<vmem_shared>> -> memref<10016x128xf32, #tpu.memory_space<vmem_shared>>
          tpu.enqueue_indirect_dma source(%arg14 : memref<64x128xf32, #tpu.memory_space<vmem>>) target(%dma_start3A_418 : memref<10016x128xf32, #tpu.memory_space<vmem_shared>>) offsets(%dma_start3A_415 : memref<64xi32, #tpu.memory_space<vmem>>) semaphore(%run_scoped3A_413 : memref<!tpu.dma_semaphore, #tpu.memory_space<semaphore_mem>>) {add = true}
          %dma_wait3A_419 = arith.constant 0 : i32
          %dma_wait3A_420 = tpu.memref_slice %arg12[%add3A_380, %dma_wait3A_419] : memref<41x64xi32, #tpu.memory_space<vmem>> -> memref<1x64xi32, #tpu.memory_space<vmem>>
          %dma_wait3A_421 = tpu.memref_squeeze %dma_wait3A_420 : memref<1x64xi32, #tpu.memory_space<vmem>> -> memref<64xi32, #tpu.memory_space<vmem>>
          %dma_wait3A_422 = arith.constant 0 : i32
          %dma_wait3A_423 = arith.constant 0 : i32
          %dma_wait3A_424 = tpu.memref_slice %arg15[%dma_wait3A_422, %dma_wait3A_423] : memref<10016x128xf32, #tpu.memory_space<vmem_shared>> -> memref<10016x128xf32, #tpu.memory_space<vmem_shared>>
          tpu.wait_indirect_dma semaphore(%run_scoped3A_413 : memref<!tpu.dma_semaphore, #tpu.memory_space<semaphore_mem>>) src(%arg14 : memref<64x128xf32, #tpu.memory_space<vmem>>) dst(%dma_wait3A_424 : memref<10016x128xf32, #tpu.memory_space<vmem_shared>>)
          tpu.yield
        }) : () -> ()
      } else {
      }
    }
    %run_scoped3A_182 = arith.constant 2 : i32
    "tpu.region"() ({
      %run_scoped3A_378 = tpu.sem_alloc : memref<!tpu.dma_semaphore, #tpu.memory_space<semaphore_mem>>
      %dma_start3A = arith.constant 0 : i32
      %dma_start3A_379 = arith.constant 0 : i32
      %dma_start3A_380 = tpu.memref_slice %arg2[%add3A, %run_scoped3A_182, %dma_start3A, %dma_start3A_379] : memref<32x4x20x128xi32, #tpu.memory_space<hbm>> -> memref<1x1x20x128xi32, #tpu.memory_space<hbm>>
      %dma_start3A_381 = tpu.memref_squeeze %dma_start3A_380 : memref<1x1x20x128xi32, #tpu.memory_space<hbm>> -> memref<20x128xi32, #tpu.memory_space<hbm>>
      %dma_start3A_382 = arith.constant 0 : i32
      %dma_start3A_383 = arith.constant 0 : i32
      %dma_start3A_384 = tpu.memref_slice %arg2[%add3A, %run_scoped3A_182, %dma_start3A_382, %dma_start3A_383] : memref<32x4x20x128xi32, #tpu.memory_space<hbm>> -> memref<1x1x20x128xi32, #tpu.memory_space<hbm>>
      %dma_start3A_385 = tpu.memref_squeeze %dma_start3A_384 : memref<1x1x20x128xi32, #tpu.memory_space<hbm>> -> memref<20x128xi32, #tpu.memory_space<hbm>>
      tpu.enqueue_dma source(%dma_start3A_385 : memref<20x128xi32, #tpu.memory_space<hbm>>) target(%arg8 : memref<20x128xi32, #tpu.memory_space<vmem>>) target_semaphore(%run_scoped3A_378 : memref<!tpu.dma_semaphore, #tpu.memory_space<semaphore_mem>>)
      %dma_wait3A = arith.constant 0 : i32
      %dma_wait3A_386 = arith.constant 0 : i32
      %dma_wait3A_387 = tpu.memref_slice %arg2[%add3A, %run_scoped3A_182, %dma_wait3A, %dma_wait3A_386] : memref<32x4x20x128xi32, #tpu.memory_space<hbm>> -> memref<1x1x20x128xi32, #tpu.memory_space<hbm>>
      %dma_wait3A_388 = tpu.memref_squeeze %dma_wait3A_387 : memref<1x1x20x128xi32, #tpu.memory_space<hbm>> -> memref<20x128xi32, #tpu.memory_space<hbm>>
      %dma_wait3A_389 = arith.constant 0 : i32
      %dma_wait3A_390 = arith.constant 0 : i32
      %dma_wait3A_391 = tpu.memref_slice %arg2[%add3A, %run_scoped3A_182, %dma_wait3A_389, %dma_wait3A_390] : memref<32x4x20x128xi32, #tpu.memory_space<hbm>> -> memref<1x1x20x128xi32, #tpu.memory_space<hbm>>
      %dma_wait3A_392 = tpu.memref_squeeze %dma_wait3A_391 : memref<1x1x20x128xi32, #tpu.memory_space<hbm>> -> memref<20x128xi32, #tpu.memory_space<hbm>>
      tpu.wait_dma2 semaphore(%run_scoped3A_378 : memref<!tpu.dma_semaphore, #tpu.memory_space<semaphore_mem>>) src(%dma_wait3A_392 : memref<20x128xi32, #tpu.memory_space<hbm>>) dst(%arg8 : memref<20x128xi32, #tpu.memory_space<vmem>>)
      tpu.yield
    }) : () -> ()
    %run_scoped3A_183 = arith.constant 2 : i32
    "tpu.region"() ({
      %run_scoped3A_378 = tpu.sem_alloc : memref<!tpu.dma_semaphore, #tpu.memory_space<semaphore_mem>>
      %dma_start3A = arith.constant 0 : i32
      %dma_start3A_379 = arith.constant 0 : i32
      %dma_start3A_380 = tpu.memref_slice %arg3[%add3A, %run_scoped3A_183, %dma_start3A, %dma_start3A_379] : memref<32x4x20x128xi32, #tpu.memory_space<hbm>> -> memref<1x1x20x128xi32, #tpu.memory_space<hbm>>
      %dma_start3A_381 = tpu.memref_squeeze %dma_start3A_380 : memref<1x1x20x128xi32, #tpu.memory_space<hbm>> -> memref<20x128xi32, #tpu.memory_space<hbm>>
      %dma_start3A_382 = arith.constant 0 : i32
      %dma_start3A_383 = arith.constant 0 : i32
      %dma_start3A_384 = tpu.memref_slice %arg3[%add3A, %run_scoped3A_183, %dma_start3A_382, %dma_start3A_383] : memref<32x4x20x128xi32, #tpu.memory_space<hbm>> -> memref<1x1x20x128xi32, #tpu.memory_space<hbm>>
      %dma_start3A_385 = tpu.memref_squeeze %dma_start3A_384 : memref<1x1x20x128xi32, #tpu.memory_space<hbm>> -> memref<20x128xi32, #tpu.memory_space<hbm>>
      tpu.enqueue_dma source(%dma_start3A_385 : memref<20x128xi32, #tpu.memory_space<hbm>>) target(%arg9 : memref<20x128xi32, #tpu.memory_space<vmem>>) target_semaphore(%run_scoped3A_378 : memref<!tpu.dma_semaphore, #tpu.memory_space<semaphore_mem>>)
      %dma_wait3A = arith.constant 0 : i32
      %dma_wait3A_386 = arith.constant 0 : i32
      %dma_wait3A_387 = tpu.memref_slice %arg3[%add3A, %run_scoped3A_183, %dma_wait3A, %dma_wait3A_386] : memref<32x4x20x128xi32, #tpu.memory_space<hbm>> -> memref<1x1x20x128xi32, #tpu.memory_space<hbm>>
      %dma_wait3A_388 = tpu.memref_squeeze %dma_wait3A_387 : memref<1x1x20x128xi32, #tpu.memory_space<hbm>> -> memref<20x128xi32, #tpu.memory_space<hbm>>
      %dma_wait3A_389 = arith.constant 0 : i32
      %dma_wait3A_390 = arith.constant 0 : i32
      %dma_wait3A_391 = tpu.memref_slice %arg3[%add3A, %run_scoped3A_183, %dma_wait3A_389, %dma_wait3A_390] : memref<32x4x20x128xi32, #tpu.memory_space<hbm>> -> memref<1x1x20x128xi32, #tpu.memory_space<hbm>>
      %dma_wait3A_392 = tpu.memref_squeeze %dma_wait3A_391 : memref<1x1x20x128xi32, #tpu.memory_space<hbm>> -> memref<20x128xi32, #tpu.memory_space<hbm>>
      tpu.wait_dma2 semaphore(%run_scoped3A_378 : memref<!tpu.dma_semaphore, #tpu.memory_space<semaphore_mem>>) src(%dma_wait3A_392 : memref<20x128xi32, #tpu.memory_space<hbm>>) dst(%arg9 : memref<20x128xi32, #tpu.memory_space<vmem>>)
      tpu.yield
    }) : () -> ()
    %scan3A_184 = arith.constant 0 : i32
    %scan3A_185 = arith.constant 20 : i32
    %scan3A_186 = arith.addi %scan3A_184, %scan3A_185 : i32
    %scan3A_187 = arith.constant 1 : i32
    scf.for %scan3A_378 = %scan3A_184 to %scan3A_186 step %scan3A_187  : i32 {
      %mul3A_379 = arith.constant 1 : i32
      %mul3A_380 = arith.muli %scan3A_378, %mul3A_379 : i32
      %add3A_381 = arith.constant 0 : i32
      %add3A_382 = arith.addi %add3A_381, %mul3A_380 : i32
      %dma_start3A = arith.constant 0 : i32
      %dma_start3A_383 = tpu.memref_slice %arg10[%add3A_382, %dma_start3A] : memref<20x128xf32, #tpu.memory_space<vmem>> -> memref<1x128xf32, #tpu.memory_space<vmem>>
      %dma_start3A_384 = tpu.memref_squeeze %dma_start3A_383 : memref<1x128xf32, #tpu.memory_space<vmem>> -> memref<128xf32, #tpu.memory_space<vmem>>
      %dma_start3A_385 = arith.constant 0 : i32
      %dma_start3A_386 = tpu.memref_slice %arg9[%add3A_382, %dma_start3A_385] : memref<20x128xi32, #tpu.memory_space<vmem>> -> memref<1x128xi32, #tpu.memory_space<vmem>>
      %dma_start3A_387 = tpu.memref_squeeze %dma_start3A_386 : memref<1x128xi32, #tpu.memory_space<vmem>> -> memref<128xi32, #tpu.memory_space<vmem>>
      %dma_start3A_388 = arith.constant 0 : i32
      %dma_start3A_389 = tpu.memref_slice %arg5[%dma_start3A_388] : memref<10016xf32, #tpu.memory_space<hbm>> -> memref<10016xf32, #tpu.memory_space<hbm>>
      tpu.enqueue_indirect_dma source(%dma_start3A_389 : memref<10016xf32, #tpu.memory_space<hbm>>) target(%dma_start3A_384 : memref<128xf32, #tpu.memory_space<vmem>>) offsets(%dma_start3A_387 : memref<128xi32, #tpu.memory_space<vmem>>) semaphore(%arg18 : memref<!tpu.dma_semaphore, #tpu.memory_space<semaphore_mem>>)
    }
    %scan3A_188 = arith.constant 20 : i32
    %scan3A_189 = arith.constant 0 : i32
    %scan3A_190 = arith.constant 20 : i32
    %scan3A_191 = arith.addi %scan3A_189, %scan3A_190 : i32
    %scan3A_192 = arith.constant 1 : i32
    scf.for %scan3A_378 = %scan3A_189 to %scan3A_191 step %scan3A_192  : i32 {
      %mul3A_379 = arith.constant 1 : i32
      %mul3A_380 = arith.muli %scan3A_378, %mul3A_379 : i32
      %add3A_381 = arith.constant 0 : i32
      %add3A_382 = arith.addi %add3A_381, %mul3A_380 : i32
      %dma_wait3A = arith.constant 0 : i32
      %dma_wait3A_383 = arith.constant 0 : i32
      %dma_wait3A_384 = arith.constant 0 : i32
      %dma_wait3A_385 = tpu.memref_slice %arg10[%dma_wait3A_383, %dma_wait3A_384] : memref<20x128xf32, #tpu.memory_space<vmem>> -> memref<1x128xf32, #tpu.memory_space<vmem>>
      %dma_wait3A_386 = tpu.memref_squeeze %dma_wait3A_385 : memref<1x128xf32, #tpu.memory_space<vmem>> -> memref<128xf32, #tpu.memory_space<vmem>>
      %dma_wait3A_387 = arith.constant 0 : i32
      %dma_wait3A_388 = tpu.memref_slice %arg9[%dma_wait3A, %dma_wait3A_387] : memref<20x128xi32, #tpu.memory_space<vmem>> -> memref<1x128xi32, #tpu.memory_space<vmem>>
      %dma_wait3A_389 = tpu.memref_squeeze %dma_wait3A_388 : memref<1x128xi32, #tpu.memory_space<vmem>> -> memref<128xi32, #tpu.memory_space<vmem>>
      %dma_wait3A_390 = arith.constant 0 : i32
      %dma_wait3A_391 = tpu.memref_slice %arg5[%dma_wait3A_390] : memref<10016xf32, #tpu.memory_space<hbm>> -> memref<10016xf32, #tpu.memory_space<hbm>>
      tpu.wait_indirect_dma semaphore(%arg18 : memref<!tpu.dma_semaphore, #tpu.memory_space<semaphore_mem>>) src(%dma_wait3A_391 : memref<10016xf32, #tpu.memory_space<hbm>>) dst(%dma_wait3A_386 : memref<128xf32, #tpu.memory_space<vmem>>)
    }
    %scan3A_193 = arith.constant 20 : i32
    %scan3A_194 = arith.constant 0 : i32
    %scan3A_195 = arith.constant 0 : i32
    %scan3A_196 = arith.constant 160 : i32
    %scan3A_197 = arith.addi %scan3A_195, %scan3A_196 : i32
    %scan3A_198 = arith.constant 1 : i32
    %scan3A_199 = scf.for %scan3A_378 = %scan3A_195 to %scan3A_197 step %scan3A_198 iter_args(%scan3A_379 = %scan3A_194) -> (i32)  : i32 {
      %mul3A_380 = arith.constant 1 : i32
      %mul3A_381 = arith.muli %scan3A_378, %mul3A_380 : i32
      %add3A_382 = arith.constant 0 : i32
      %add3A_383 = arith.addi %add3A_382, %mul3A_381 : i32
      %jit3A_384 = arith.constant 8 : i32
      %div3A_385 = arith.divsi %add3A_383, %jit3A_384 : i32
      %sign3A_386 = arith.constant 0 : i32
      %sign3A_387 = arith.cmpi sgt, %add3A_383, %sign3A_386 : i32
      %sign3A_388 = arith.extui %sign3A_387 : i1 to i32
      %sign3A_389 = arith.constant 0 : i32
      %sign3A_390 = arith.cmpi slt, %add3A_383, %sign3A_389 : i32
      %sign3A_391 = arith.extui %sign3A_390 : i1 to i32
      %sign3A_392 = arith.subi %sign3A_388, %sign3A_391 : i32
      %sign3A_393 = arith.constant 0 : i32
      %sign3A_394 = arith.cmpi sgt, %jit3A_384, %sign3A_393 : i32
      %sign3A_395 = arith.extui %sign3A_394 : i1 to i32
      %sign3A_396 = arith.constant 0 : i32
      %sign3A_397 = arith.cmpi slt, %jit3A_384, %sign3A_396 : i32
      %sign3A_398 = arith.extui %sign3A_397 : i1 to i32
      %sign3A_399 = arith.subi %sign3A_395, %sign3A_398 : i32
      %ne3A_400 = arith.cmpi ne, %sign3A_392, %sign3A_399 : i32
      %rem3A_401 = arith.remsi %add3A_383, %jit3A_384 : i32
      %ne3A_402 = arith.constant 0 : i32
      %ne3A_403 = arith.cmpi ne, %rem3A_401, %ne3A_402 : i32
      %and3A_404 = arith.andi %ne3A_400, %ne3A_403 : i1
      %sub3A_405 = arith.constant 1 : i32
      %sub3A_406 = arith.subi %div3A_385, %sub3A_405 : i32
      %select_n3A_407 = arith.select %and3A_404, %sub3A_406, %div3A_385 : i32
      %rem3A_408 = arith.constant 8 : i32
      %rem3A_409 = arith.remsi %add3A_383, %rem3A_408 : i32
      %mul3A_410 = arith.constant 16 : i32
      %mul3A_411 = arith.muli %mul3A_410, %rem3A_409 : i32
      %get3A = arith.index_cast %select_n3A_407 : i32 to index
      %get3A_412 = arith.index_cast %mul3A_411 : i32 to index
      %get3A_413 = tpu.vector_load %arg10[%get3A, %get3A_412] {strides = array<i32>} : memref<20x128xf32, #tpu.memory_space<vmem>>, vector<16xf32>,
      %gt3A_414 = arith.constant 5.000000e-01 : f32
      %gt3A_415 = vector.broadcast %gt3A_414 : f32 to vector<16xf32>
      %gt3A_416 = arith.cmpf ogt, %get3A_413, %gt3A_415 : vector<16xf32>
      %get3A_417 = arith.index_cast %select_n3A_407 : i32 to index
      %get3A_418 = arith.index_cast %mul3A_411 : i32 to index
      %get3A_419 = tpu.vector_load %arg8[%get3A_417, %get3A_418] {strides = array<i32>} : memref<20x128xi32, #tpu.memory_space<vmem>>, vector<16xi32>,
      %get3A_420 = arith.index_cast %select_n3A_407 : i32 to index
      %get3A_421 = arith.index_cast %mul3A_411 : i32 to index
      %get3A_422 = tpu.vector_load %arg9[%get3A_420, %get3A_421] {strides = array<i32>} : memref<20x128xi32, #tpu.memory_space<vmem>>, vector<16xi32>,
      %convert_element_type3A_423 = arith.extui %gt3A_416 : vector<16xi1> to vector<16xi32>
      %broadcast_in_dim3A = arith.constant true
      %broadcast_in_dim3A_424 = vector.broadcast %broadcast_in_dim3A : i1 to vector<16xi1>
      %masked_cumsum3A = tpu.scan <sum>, %convert_element_type3A_423 masked %broadcast_in_dim3A_424 : vector<16xi32>, vector<16xi1> -> vector<16xi32>
      %add3A_425 = vector.broadcast %scan3A_379 : i32 to vector<16xi32>
      %add3A_426 = arith.addi %add3A_425, %masked_cumsum3A : vector<16xi32>
      %sub3A_427 = arith.subi %add3A_426, %convert_element_type3A_423 : vector<16xi32>
      %jit3A_428 = arith.constant 64 : i32
      %div3A_429 = vector.broadcast %jit3A_428 : i32 to vector<16xi32>
      %div3A_430 = arith.divsi %sub3A_427, %div3A_429 : vector<16xi32>
      %sign3A_431 = arith.constant 0 : i32
      %sign3A_432 = vector.broadcast %sign3A_431 : i32 to vector<16xi32>
      %sign3A_433 = arith.cmpi sgt, %sub3A_427, %sign3A_432 : vector<16xi32>
      %sign3A_434 = arith.extui %sign3A_433 : vector<16xi1> to vector<16xi32>
      %sign3A_435 = arith.constant 0 : i32
      %sign3A_436 = vector.broadcast %sign3A_435 : i32 to vector<16xi32>
      %sign3A_437 = arith.cmpi slt, %sub3A_427, %sign3A_436 : vector<16xi32>
      %sign3A_438 = arith.extui %sign3A_437 : vector<16xi1> to vector<16xi32>
      %sign3A_439 = arith.subi %sign3A_434, %sign3A_438 : vector<16xi32>
      %sign3A_440 = arith.constant 0 : i32
      %sign3A_441 = arith.cmpi sgt, %jit3A_428, %sign3A_440 : i32
      %sign3A_442 = arith.extui %sign3A_441 : i1 to i32
      %sign3A_443 = arith.constant 0 : i32
      %sign3A_444 = arith.cmpi slt, %jit3A_428, %sign3A_443 : i32
      %sign3A_445 = arith.extui %sign3A_444 : i1 to i32
      %sign3A_446 = arith.subi %sign3A_442, %sign3A_445 : i32
      %ne3A_447 = vector.broadcast %sign3A_446 : i32 to vector<16xi32>
      %ne3A_448 = arith.cmpi ne, %sign3A_439, %ne3A_447 : vector<16xi32>
      %rem3A_449 = vector.broadcast %jit3A_428 : i32 to vector<16xi32>
      %rem3A_450 = arith.remsi %sub3A_427, %rem3A_449 : vector<16xi32>
      %ne3A_451 = arith.constant 0 : i32
      %ne3A_452 = vector.broadcast %ne3A_451 : i32 to vector<16xi32>
      %ne3A_453 = arith.cmpi ne, %rem3A_450, %ne3A_452 : vector<16xi32>
      %and3A_454 = arith.andi %ne3A_448, %ne3A_453 : vector<16xi1>
      %sub3A_455 = arith.constant 1 : i32
      %sub3A_456 = vector.broadcast %sub3A_455 : i32 to vector<16xi32>
      %sub3A_457 = arith.subi %div3A_430, %sub3A_456 : vector<16xi32>
      %select_n3A_458 = arith.select %and3A_454, %sub3A_457, %div3A_430 : vector<16xi1>, vector<16xi32>
      %rem3A_459 = arith.constant 64 : i32
      %rem3A_460 = vector.broadcast %rem3A_459 : i32 to vector<16xi32>
      %rem3A_461 = arith.remsi %sub3A_427, %rem3A_460 : vector<16xi32>
      tpu.vector_store_idx %arg11[%select_n3A_458, %rem3A_461], %get3A_419 masked %gt3A_416 : memref<41x64xi32, #tpu.memory_space<vmem>>[vector<16xi32>, vector<16xi32>], vector<16xi32>, vector<16xi1>
      tpu.vector_store_idx %arg12[%select_n3A_458, %rem3A_461], %get3A_422 masked %gt3A_416 : memref<41x64xi32, #tpu.memory_space<vmem>>[vector<16xi32>, vector<16xi32>], vector<16xi32>, vector<16xi1>
      %reduce_sum3A = arith.constant true
      %reduce_sum3A_462 = vector.broadcast %reduce_sum3A : i1 to vector<16xi1>
      %reduce_sum3A_463 = tpu.scan <sum>, %convert_element_type3A_423 masked %reduce_sum3A_462 : vector<16xi32>, vector<16xi1> -> vector<16xi32>
      %reduce_sum3A_464 = vector.extract %reduce_sum3A_463[15] : i32 from vector<16xi32>
      %add3A_465 = arith.addi %scan3A_379, %reduce_sum3A_464 : i32
      scf.yield %add3A_465 : i32
    }
    %scan3A_200 = arith.constant 160 : i32
    %rem3A_201 = arith.constant 64 : i32
    %rem3A_202 = arith.remsi %scan3A_199, %rem3A_201 : i32
    %sub3A_203 = arith.constant 64 : i32
    %sub3A_204 = arith.subi %sub3A_203, %rem3A_202 : i32
    %rem3A_205 = arith.constant 64 : i32
    %rem3A_206 = arith.remsi %sub3A_204, %rem3A_205 : i32
    %iota3A_207 = tpu.iota {dimensions = array<i32: 0>} : vector<16xi32>
    %gt3A_208 = arith.constant 0 : i32
    %gt3A_209 = arith.cmpi sgt, %rem3A_206, %gt3A_208 : i32
    %convert_element_type3A_210 = arith.extui %gt3A_209 : i1 to i32
    %cond3A_211 = arith.constant 0 : i32
    %cond3A_212 = arith.cmpi ne, %convert_element_type3A_210, %cond3A_211 : i32
    scf.if %cond3A_212 {
      %add3A_378 = arith.constant 0 : i32
      %add3A_379 = arith.addi %scan3A_199, %add3A_378 : i32
      %add3A_380 = vector.broadcast %add3A_379 : i32 to vector<16xi32>
      %add3A_381 = arith.addi %add3A_380, %iota3A_207 : vector<16xi32>
      %jit3A_382 = arith.constant 64 : i32
      %div3A_383 = vector.broadcast %jit3A_382 : i32 to vector<16xi32>
      %div3A_384 = arith.divsi %add3A_381, %div3A_383 : vector<16xi32>
      %sign3A_385 = arith.constant 0 : i32
      %sign3A_386 = vector.broadcast %sign3A_385 : i32 to vector<16xi32>
      %sign3A_387 = arith.cmpi sgt, %add3A_381, %sign3A_386 : vector<16xi32>
      %sign3A_388 = arith.extui %sign3A_387 : vector<16xi1> to vector<16xi32>
      %sign3A_389 = arith.constant 0 : i32
      %sign3A_390 = vector.broadcast %sign3A_389 : i32 to vector<16xi32>
      %sign3A_391 = arith.cmpi slt, %add3A_381, %sign3A_390 : vector<16xi32>
      %sign3A_392 = arith.extui %sign3A_391 : vector<16xi1> to vector<16xi32>
      %sign3A_393 = arith.subi %sign3A_388, %sign3A_392 : vector<16xi32>
      %sign3A_394 = arith.constant 0 : i32
      %sign3A_395 = arith.cmpi sgt, %jit3A_382, %sign3A_394 : i32
      %sign3A_396 = arith.extui %sign3A_395 : i1 to i32
      %sign3A_397 = arith.constant 0 : i32
      %sign3A_398 = arith.cmpi slt, %jit3A_382, %sign3A_397 : i32
      %sign3A_399 = arith.extui %sign3A_398 : i1 to i32
      %sign3A_400 = arith.subi %sign3A_396, %sign3A_399 : i32
      %ne3A_401 = vector.broadcast %sign3A_400 : i32 to vector<16xi32>
      %ne3A_402 = arith.cmpi ne, %sign3A_393, %ne3A_401 : vector<16xi32>
      %rem3A_403 = vector.broadcast %jit3A_382 : i32 to vector<16xi32>
      %rem3A_404 = arith.remsi %add3A_381, %rem3A_403 : vector<16xi32>
      %ne3A_405 = arith.constant 0 : i32
      %ne3A_406 = vector.broadcast %ne3A_405 : i32 to vector<16xi32>
      %ne3A_407 = arith.cmpi ne, %rem3A_404, %ne3A_406 : vector<16xi32>
      %and3A_408 = arith.andi %ne3A_402, %ne3A_407 : vector<16xi1>
      %sub3A_409 = arith.constant 1 : i32
      %sub3A_410 = vector.broadcast %sub3A_409 : i32 to vector<16xi32>
      %sub3A_411 = arith.subi %div3A_384, %sub3A_410 : vector<16xi32>
      %select_n3A_412 = arith.select %and3A_408, %sub3A_411, %div3A_384 : vector<16xi1>, vector<16xi32>
      %rem3A_413 = arith.constant 64 : i32
      %rem3A_414 = vector.broadcast %rem3A_413 : i32 to vector<16xi32>
      %rem3A_415 = arith.remsi %add3A_381, %rem3A_414 : vector<16xi32>
      %broadcast_in_dim3A = arith.constant 0 : i32
      %broadcast_in_dim3A_416 = vector.broadcast %broadcast_in_dim3A : i32 to vector<16xi32>
      tpu.vector_store_idx %arg11[%select_n3A_412, %rem3A_415], %broadcast_in_dim3A_416 : memref<41x64xi32, #tpu.memory_space<vmem>>[vector<16xi32>, vector<16xi32>], vector<16xi32>,
      %jit3A_417 = arith.constant 64 : i32
      %div3A_418 = vector.broadcast %jit3A_417 : i32 to vector<16xi32>
      %div3A_419 = arith.divsi %add3A_381, %div3A_418 : vector<16xi32>
      %sign3A_420 = arith.constant 0 : i32
      %sign3A_421 = vector.broadcast %sign3A_420 : i32 to vector<16xi32>
      %sign3A_422 = arith.cmpi sgt, %add3A_381, %sign3A_421 : vector<16xi32>
      %sign3A_423 = arith.extui %sign3A_422 : vector<16xi1> to vector<16xi32>
      %sign3A_424 = arith.constant 0 : i32
      %sign3A_425 = vector.broadcast %sign3A_424 : i32 to vector<16xi32>
      %sign3A_426 = arith.cmpi slt, %add3A_381, %sign3A_425 : vector<16xi32>
      %sign3A_427 = arith.extui %sign3A_426 : vector<16xi1> to vector<16xi32>
      %sign3A_428 = arith.subi %sign3A_423, %sign3A_427 : vector<16xi32>
      %sign3A_429 = arith.constant 0 : i32
      %sign3A_430 = arith.cmpi sgt, %jit3A_417, %sign3A_429 : i32
      %sign3A_431 = arith.extui %sign3A_430 : i1 to i32
      %sign3A_432 = arith.constant 0 : i32
      %sign3A_433 = arith.cmpi slt, %jit3A_417, %sign3A_432 : i32
      %sign3A_434 = arith.extui %sign3A_433 : i1 to i32
      %sign3A_435 = arith.subi %sign3A_431, %sign3A_434 : i32
      %ne3A_436 = vector.broadcast %sign3A_435 : i32 to vector<16xi32>
      %ne3A_437 = arith.cmpi ne, %sign3A_428, %ne3A_436 : vector<16xi32>
      %rem3A_438 = vector.broadcast %jit3A_417 : i32 to vector<16xi32>
      %rem3A_439 = arith.remsi %add3A_381, %rem3A_438 : vector<16xi32>
      %ne3A_440 = arith.constant 0 : i32
      %ne3A_441 = vector.broadcast %ne3A_440 : i32 to vector<16xi32>
      %ne3A_442 = arith.cmpi ne, %rem3A_439, %ne3A_441 : vector<16xi32>
      %and3A_443 = arith.andi %ne3A_437, %ne3A_442 : vector<16xi1>
      %sub3A_444 = arith.constant 1 : i32
      %sub3A_445 = vector.broadcast %sub3A_444 : i32 to vector<16xi32>
      %sub3A_446 = arith.subi %div3A_419, %sub3A_445 : vector<16xi32>
      %select_n3A_447 = arith.select %and3A_443, %sub3A_446, %div3A_419 : vector<16xi1>, vector<16xi32>
      %rem3A_448 = arith.constant 64 : i32
      %rem3A_449 = vector.broadcast %rem3A_448 : i32 to vector<16xi32>
      %rem3A_450 = arith.remsi %add3A_381, %rem3A_449 : vector<16xi32>
      %broadcast_in_dim3A_451 = arith.constant 10000 : i32
      %broadcast_in_dim3A_452 = vector.broadcast %broadcast_in_dim3A_451 : i32 to vector<16xi32>
      tpu.vector_store_idx %arg12[%select_n3A_447, %rem3A_450], %broadcast_in_dim3A_452 : memref<41x64xi32, #tpu.memory_space<vmem>>[vector<16xi32>, vector<16xi32>], vector<16xi32>,
    } else {
    }
    %gt3A_213 = arith.constant 16 : i32
    %gt3A_214 = arith.cmpi sgt, %rem3A_206, %gt3A_213 : i32
    %convert_element_type3A_215 = arith.extui %gt3A_214 : i1 to i32
    %cond3A_216 = arith.constant 0 : i32
    %cond3A_217 = arith.cmpi ne, %convert_element_type3A_215, %cond3A_216 : i32
    scf.if %cond3A_217 {
      %add3A_378 = arith.constant 16 : i32
      %add3A_379 = arith.addi %scan3A_199, %add3A_378 : i32
      %add3A_380 = vector.broadcast %add3A_379 : i32 to vector<16xi32>
      %add3A_381 = arith.addi %add3A_380, %iota3A_207 : vector<16xi32>
      %jit3A_382 = arith.constant 64 : i32
      %div3A_383 = vector.broadcast %jit3A_382 : i32 to vector<16xi32>
      %div3A_384 = arith.divsi %add3A_381, %div3A_383 : vector<16xi32>
      %sign3A_385 = arith.constant 0 : i32
      %sign3A_386 = vector.broadcast %sign3A_385 : i32 to vector<16xi32>
      %sign3A_387 = arith.cmpi sgt, %add3A_381, %sign3A_386 : vector<16xi32>
      %sign3A_388 = arith.extui %sign3A_387 : vector<16xi1> to vector<16xi32>
      %sign3A_389 = arith.constant 0 : i32
      %sign3A_390 = vector.broadcast %sign3A_389 : i32 to vector<16xi32>
      %sign3A_391 = arith.cmpi slt, %add3A_381, %sign3A_390 : vector<16xi32>
      %sign3A_392 = arith.extui %sign3A_391 : vector<16xi1> to vector<16xi32>
      %sign3A_393 = arith.subi %sign3A_388, %sign3A_392 : vector<16xi32>
      %sign3A_394 = arith.constant 0 : i32
      %sign3A_395 = arith.cmpi sgt, %jit3A_382, %sign3A_394 : i32
      %sign3A_396 = arith.extui %sign3A_395 : i1 to i32
      %sign3A_397 = arith.constant 0 : i32
      %sign3A_398 = arith.cmpi slt, %jit3A_382, %sign3A_397 : i32
      %sign3A_399 = arith.extui %sign3A_398 : i1 to i32
      %sign3A_400 = arith.subi %sign3A_396, %sign3A_399 : i32
      %ne3A_401 = vector.broadcast %sign3A_400 : i32 to vector<16xi32>
      %ne3A_402 = arith.cmpi ne, %sign3A_393, %ne3A_401 : vector<16xi32>
      %rem3A_403 = vector.broadcast %jit3A_382 : i32 to vector<16xi32>
      %rem3A_404 = arith.remsi %add3A_381, %rem3A_403 : vector<16xi32>
      %ne3A_405 = arith.constant 0 : i32
      %ne3A_406 = vector.broadcast %ne3A_405 : i32 to vector<16xi32>
      %ne3A_407 = arith.cmpi ne, %rem3A_404, %ne3A_406 : vector<16xi32>
      %and3A_408 = arith.andi %ne3A_402, %ne3A_407 : vector<16xi1>
      %sub3A_409 = arith.constant 1 : i32
      %sub3A_410 = vector.broadcast %sub3A_409 : i32 to vector<16xi32>
      %sub3A_411 = arith.subi %div3A_384, %sub3A_410 : vector<16xi32>
      %select_n3A_412 = arith.select %and3A_408, %sub3A_411, %div3A_384 : vector<16xi1>, vector<16xi32>
      %rem3A_413 = arith.constant 64 : i32
      %rem3A_414 = vector.broadcast %rem3A_413 : i32 to vector<16xi32>
      %rem3A_415 = arith.remsi %add3A_381, %rem3A_414 : vector<16xi32>
      %broadcast_in_dim3A = arith.constant 0 : i32
      %broadcast_in_dim3A_416 = vector.broadcast %broadcast_in_dim3A : i32 to vector<16xi32>
      tpu.vector_store_idx %arg11[%select_n3A_412, %rem3A_415], %broadcast_in_dim3A_416 : memref<41x64xi32, #tpu.memory_space<vmem>>[vector<16xi32>, vector<16xi32>], vector<16xi32>,
      %jit3A_417 = arith.constant 64 : i32
      %div3A_418 = vector.broadcast %jit3A_417 : i32 to vector<16xi32>
      %div3A_419 = arith.divsi %add3A_381, %div3A_418 : vector<16xi32>
      %sign3A_420 = arith.constant 0 : i32
      %sign3A_421 = vector.broadcast %sign3A_420 : i32 to vector<16xi32>
      %sign3A_422 = arith.cmpi sgt, %add3A_381, %sign3A_421 : vector<16xi32>
      %sign3A_423 = arith.extui %sign3A_422 : vector<16xi1> to vector<16xi32>
      %sign3A_424 = arith.constant 0 : i32
      %sign3A_425 = vector.broadcast %sign3A_424 : i32 to vector<16xi32>
      %sign3A_426 = arith.cmpi slt, %add3A_381, %sign3A_425 : vector<16xi32>
      %sign3A_427 = arith.extui %sign3A_426 : vector<16xi1> to vector<16xi32>
      %sign3A_428 = arith.subi %sign3A_423, %sign3A_427 : vector<16xi32>
      %sign3A_429 = arith.constant 0 : i32
      %sign3A_430 = arith.cmpi sgt, %jit3A_417, %sign3A_429 : i32
      %sign3A_431 = arith.extui %sign3A_430 : i1 to i32
      %sign3A_432 = arith.constant 0 : i32
      %sign3A_433 = arith.cmpi slt, %jit3A_417, %sign3A_432 : i32
      %sign3A_434 = arith.extui %sign3A_433 : i1 to i32
      %sign3A_435 = arith.subi %sign3A_431, %sign3A_434 : i32
      %ne3A_436 = vector.broadcast %sign3A_435 : i32 to vector<16xi32>
      %ne3A_437 = arith.cmpi ne, %sign3A_428, %ne3A_436 : vector<16xi32>
      %rem3A_438 = vector.broadcast %jit3A_417 : i32 to vector<16xi32>
      %rem3A_439 = arith.remsi %add3A_381, %rem3A_438 : vector<16xi32>
      %ne3A_440 = arith.constant 0 : i32
      %ne3A_441 = vector.broadcast %ne3A_440 : i32 to vector<16xi32>
      %ne3A_442 = arith.cmpi ne, %rem3A_439, %ne3A_441 : vector<16xi32>
      %and3A_443 = arith.andi %ne3A_437, %ne3A_442 : vector<16xi1>
      %sub3A_444 = arith.constant 1 : i32
      %sub3A_445 = vector.broadcast %sub3A_444 : i32 to vector<16xi32>
      %sub3A_446 = arith.subi %div3A_419, %sub3A_445 : vector<16xi32>
      %select_n3A_447 = arith.select %and3A_443, %sub3A_446, %div3A_419 : vector<16xi1>, vector<16xi32>
      %rem3A_448 = arith.constant 64 : i32
      %rem3A_449 = vector.broadcast %rem3A_448 : i32 to vector<16xi32>
      %rem3A_450 = arith.remsi %add3A_381, %rem3A_449 : vector<16xi32>
      %broadcast_in_dim3A_451 = arith.constant 10000 : i32
      %broadcast_in_dim3A_452 = vector.broadcast %broadcast_in_dim3A_451 : i32 to vector<16xi32>
      tpu.vector_store_idx %arg12[%select_n3A_447, %rem3A_450], %broadcast_in_dim3A_452 : memref<41x64xi32, #tpu.memory_space<vmem>>[vector<16xi32>, vector<16xi32>], vector<16xi32>,
    } else {
    }
    %gt3A_218 = arith.constant 32 : i32
    %gt3A_219 = arith.cmpi sgt, %rem3A_206, %gt3A_218 : i32
    %convert_element_type3A_220 = arith.extui %gt3A_219 : i1 to i32
    %cond3A_221 = arith.constant 0 : i32
    %cond3A_222 = arith.cmpi ne, %convert_element_type3A_220, %cond3A_221 : i32
    scf.if %cond3A_222 {
      %add3A_378 = arith.constant 32 : i32
      %add3A_379 = arith.addi %scan3A_199, %add3A_378 : i32
      %add3A_380 = vector.broadcast %add3A_379 : i32 to vector<16xi32>
      %add3A_381 = arith.addi %add3A_380, %iota3A_207 : vector<16xi32>
      %jit3A_382 = arith.constant 64 : i32
      %div3A_383 = vector.broadcast %jit3A_382 : i32 to vector<16xi32>
      %div3A_384 = arith.divsi %add3A_381, %div3A_383 : vector<16xi32>
      %sign3A_385 = arith.constant 0 : i32
      %sign3A_386 = vector.broadcast %sign3A_385 : i32 to vector<16xi32>
      %sign3A_387 = arith.cmpi sgt, %add3A_381, %sign3A_386 : vector<16xi32>
      %sign3A_388 = arith.extui %sign3A_387 : vector<16xi1> to vector<16xi32>
      %sign3A_389 = arith.constant 0 : i32
      %sign3A_390 = vector.broadcast %sign3A_389 : i32 to vector<16xi32>
      %sign3A_391 = arith.cmpi slt, %add3A_381, %sign3A_390 : vector<16xi32>
      %sign3A_392 = arith.extui %sign3A_391 : vector<16xi1> to vector<16xi32>
      %sign3A_393 = arith.subi %sign3A_388, %sign3A_392 : vector<16xi32>
      %sign3A_394 = arith.constant 0 : i32
      %sign3A_395 = arith.cmpi sgt, %jit3A_382, %sign3A_394 : i32
      %sign3A_396 = arith.extui %sign3A_395 : i1 to i32
      %sign3A_397 = arith.constant 0 : i32
      %sign3A_398 = arith.cmpi slt, %jit3A_382, %sign3A_397 : i32
      %sign3A_399 = arith.extui %sign3A_398 : i1 to i32
      %sign3A_400 = arith.subi %sign3A_396, %sign3A_399 : i32
      %ne3A_401 = vector.broadcast %sign3A_400 : i32 to vector<16xi32>
      %ne3A_402 = arith.cmpi ne, %sign3A_393, %ne3A_401 : vector<16xi32>
      %rem3A_403 = vector.broadcast %jit3A_382 : i32 to vector<16xi32>
      %rem3A_404 = arith.remsi %add3A_381, %rem3A_403 : vector<16xi32>
      %ne3A_405 = arith.constant 0 : i32
      %ne3A_406 = vector.broadcast %ne3A_405 : i32 to vector<16xi32>
      %ne3A_407 = arith.cmpi ne, %rem3A_404, %ne3A_406 : vector<16xi32>
      %and3A_408 = arith.andi %ne3A_402, %ne3A_407 : vector<16xi1>
      %sub3A_409 = arith.constant 1 : i32
      %sub3A_410 = vector.broadcast %sub3A_409 : i32 to vector<16xi32>
      %sub3A_411 = arith.subi %div3A_384, %sub3A_410 : vector<16xi32>
      %select_n3A_412 = arith.select %and3A_408, %sub3A_411, %div3A_384 : vector<16xi1>, vector<16xi32>
      %rem3A_413 = arith.constant 64 : i32
      %rem3A_414 = vector.broadcast %rem3A_413 : i32 to vector<16xi32>
      %rem3A_415 = arith.remsi %add3A_381, %rem3A_414 : vector<16xi32>
      %broadcast_in_dim3A = arith.constant 0 : i32
      %broadcast_in_dim3A_416 = vector.broadcast %broadcast_in_dim3A : i32 to vector<16xi32>
      tpu.vector_store_idx %arg11[%select_n3A_412, %rem3A_415], %broadcast_in_dim3A_416 : memref<41x64xi32, #tpu.memory_space<vmem>>[vector<16xi32>, vector<16xi32>], vector<16xi32>,
      %jit3A_417 = arith.constant 64 : i32
      %div3A_418 = vector.broadcast %jit3A_417 : i32 to vector<16xi32>
      %div3A_419 = arith.divsi %add3A_381, %div3A_418 : vector<16xi32>
      %sign3A_420 = arith.constant 0 : i32
      %sign3A_421 = vector.broadcast %sign3A_420 : i32 to vector<16xi32>
      %sign3A_422 = arith.cmpi sgt, %add3A_381, %sign3A_421 : vector<16xi32>
      %sign3A_423 = arith.extui %sign3A_422 : vector<16xi1> to vector<16xi32>
      %sign3A_424 = arith.constant 0 : i32
      %sign3A_425 = vector.broadcast %sign3A_424 : i32 to vector<16xi32>
      %sign3A_426 = arith.cmpi slt, %add3A_381, %sign3A_425 : vector<16xi32>
      %sign3A_427 = arith.extui %sign3A_426 : vector<16xi1> to vector<16xi32>
      %sign3A_428 = arith.subi %sign3A_423, %sign3A_427 : vector<16xi32>
      %sign3A_429 = arith.constant 0 : i32
      %sign3A_430 = arith.cmpi sgt, %jit3A_417, %sign3A_429 : i32
      %sign3A_431 = arith.extui %sign3A_430 : i1 to i32
      %sign3A_432 = arith.constant 0 : i32
      %sign3A_433 = arith.cmpi slt, %jit3A_417, %sign3A_432 : i32
      %sign3A_434 = arith.extui %sign3A_433 : i1 to i32
      %sign3A_435 = arith.subi %sign3A_431, %sign3A_434 : i32
      %ne3A_436 = vector.broadcast %sign3A_435 : i32 to vector<16xi32>
      %ne3A_437 = arith.cmpi ne, %sign3A_428, %ne3A_436 : vector<16xi32>
      %rem3A_438 = vector.broadcast %jit3A_417 : i32 to vector<16xi32>
      %rem3A_439 = arith.remsi %add3A_381, %rem3A_438 : vector<16xi32>
      %ne3A_440 = arith.constant 0 : i32
      %ne3A_441 = vector.broadcast %ne3A_440 : i32 to vector<16xi32>
      %ne3A_442 = arith.cmpi ne, %rem3A_439, %ne3A_441 : vector<16xi32>
      %and3A_443 = arith.andi %ne3A_437, %ne3A_442 : vector<16xi1>
      %sub3A_444 = arith.constant 1 : i32
      %sub3A_445 = vector.broadcast %sub3A_444 : i32 to vector<16xi32>
      %sub3A_446 = arith.subi %div3A_419, %sub3A_445 : vector<16xi32>
      %select_n3A_447 = arith.select %and3A_443, %sub3A_446, %div3A_419 : vector<16xi1>, vector<16xi32>
      %rem3A_448 = arith.constant 64 : i32
      %rem3A_449 = vector.broadcast %rem3A_448 : i32 to vector<16xi32>
      %rem3A_450 = arith.remsi %add3A_381, %rem3A_449 : vector<16xi32>
      %broadcast_in_dim3A_451 = arith.constant 10000 : i32
      %broadcast_in_dim3A_452 = vector.broadcast %broadcast_in_dim3A_451 : i32 to vector<16xi32>
      tpu.vector_store_idx %arg12[%select_n3A_447, %rem3A_450], %broadcast_in_dim3A_452 : memref<41x64xi32, #tpu.memory_space<vmem>>[vector<16xi32>, vector<16xi32>], vector<16xi32>,
    } else {
    }
    %gt3A_223 = arith.constant 48 : i32
    %gt3A_224 = arith.cmpi sgt, %rem3A_206, %gt3A_223 : i32
    %convert_element_type3A_225 = arith.extui %gt3A_224 : i1 to i32
    %cond3A_226 = arith.constant 0 : i32
    %cond3A_227 = arith.cmpi ne, %convert_element_type3A_225, %cond3A_226 : i32
    scf.if %cond3A_227 {
      %add3A_378 = arith.constant 48 : i32
      %add3A_379 = arith.addi %scan3A_199, %add3A_378 : i32
      %add3A_380 = vector.broadcast %add3A_379 : i32 to vector<16xi32>
      %add3A_381 = arith.addi %add3A_380, %iota3A_207 : vector<16xi32>
      %jit3A_382 = arith.constant 64 : i32
      %div3A_383 = vector.broadcast %jit3A_382 : i32 to vector<16xi32>
      %div3A_384 = arith.divsi %add3A_381, %div3A_383 : vector<16xi32>
      %sign3A_385 = arith.constant 0 : i32
      %sign3A_386 = vector.broadcast %sign3A_385 : i32 to vector<16xi32>
      %sign3A_387 = arith.cmpi sgt, %add3A_381, %sign3A_386 : vector<16xi32>
      %sign3A_388 = arith.extui %sign3A_387 : vector<16xi1> to vector<16xi32>
      %sign3A_389 = arith.constant 0 : i32
      %sign3A_390 = vector.broadcast %sign3A_389 : i32 to vector<16xi32>
      %sign3A_391 = arith.cmpi slt, %add3A_381, %sign3A_390 : vector<16xi32>
      %sign3A_392 = arith.extui %sign3A_391 : vector<16xi1> to vector<16xi32>
      %sign3A_393 = arith.subi %sign3A_388, %sign3A_392 : vector<16xi32>
      %sign3A_394 = arith.constant 0 : i32
      %sign3A_395 = arith.cmpi sgt, %jit3A_382, %sign3A_394 : i32
      %sign3A_396 = arith.extui %sign3A_395 : i1 to i32
      %sign3A_397 = arith.constant 0 : i32
      %sign3A_398 = arith.cmpi slt, %jit3A_382, %sign3A_397 : i32
      %sign3A_399 = arith.extui %sign3A_398 : i1 to i32
      %sign3A_400 = arith.subi %sign3A_396, %sign3A_399 : i32
      %ne3A_401 = vector.broadcast %sign3A_400 : i32 to vector<16xi32>
      %ne3A_402 = arith.cmpi ne, %sign3A_393, %ne3A_401 : vector<16xi32>
      %rem3A_403 = vector.broadcast %jit3A_382 : i32 to vector<16xi32>
      %rem3A_404 = arith.remsi %add3A_381, %rem3A_403 : vector<16xi32>
      %ne3A_405 = arith.constant 0 : i32
      %ne3A_406 = vector.broadcast %ne3A_405 : i32 to vector<16xi32>
      %ne3A_407 = arith.cmpi ne, %rem3A_404, %ne3A_406 : vector<16xi32>
      %and3A_408 = arith.andi %ne3A_402, %ne3A_407 : vector<16xi1>
      %sub3A_409 = arith.constant 1 : i32
      %sub3A_410 = vector.broadcast %sub3A_409 : i32 to vector<16xi32>
      %sub3A_411 = arith.subi %div3A_384, %sub3A_410 : vector<16xi32>
      %select_n3A_412 = arith.select %and3A_408, %sub3A_411, %div3A_384 : vector<16xi1>, vector<16xi32>
      %rem3A_413 = arith.constant 64 : i32
      %rem3A_414 = vector.broadcast %rem3A_413 : i32 to vector<16xi32>
      %rem3A_415 = arith.remsi %add3A_381, %rem3A_414 : vector<16xi32>
      %broadcast_in_dim3A = arith.constant 0 : i32
      %broadcast_in_dim3A_416 = vector.broadcast %broadcast_in_dim3A : i32 to vector<16xi32>
      tpu.vector_store_idx %arg11[%select_n3A_412, %rem3A_415], %broadcast_in_dim3A_416 : memref<41x64xi32, #tpu.memory_space<vmem>>[vector<16xi32>, vector<16xi32>], vector<16xi32>,
      %jit3A_417 = arith.constant 64 : i32
      %div3A_418 = vector.broadcast %jit3A_417 : i32 to vector<16xi32>
      %div3A_419 = arith.divsi %add3A_381, %div3A_418 : vector<16xi32>
      %sign3A_420 = arith.constant 0 : i32
      %sign3A_421 = vector.broadcast %sign3A_420 : i32 to vector<16xi32>
      %sign3A_422 = arith.cmpi sgt, %add3A_381, %sign3A_421 : vector<16xi32>
      %sign3A_423 = arith.extui %sign3A_422 : vector<16xi1> to vector<16xi32>
      %sign3A_424 = arith.constant 0 : i32
      %sign3A_425 = vector.broadcast %sign3A_424 : i32 to vector<16xi32>
      %sign3A_426 = arith.cmpi slt, %add3A_381, %sign3A_425 : vector<16xi32>
      %sign3A_427 = arith.extui %sign3A_426 : vector<16xi1> to vector<16xi32>
      %sign3A_428 = arith.subi %sign3A_423, %sign3A_427 : vector<16xi32>
      %sign3A_429 = arith.constant 0 : i32
      %sign3A_430 = arith.cmpi sgt, %jit3A_417, %sign3A_429 : i32
      %sign3A_431 = arith.extui %sign3A_430 : i1 to i32
      %sign3A_432 = arith.constant 0 : i32
      %sign3A_433 = arith.cmpi slt, %jit3A_417, %sign3A_432 : i32
      %sign3A_434 = arith.extui %sign3A_433 : i1 to i32
      %sign3A_435 = arith.subi %sign3A_431, %sign3A_434 : i32
      %ne3A_436 = vector.broadcast %sign3A_435 : i32 to vector<16xi32>
      %ne3A_437 = arith.cmpi ne, %sign3A_428, %ne3A_436 : vector<16xi32>
      %rem3A_438 = vector.broadcast %jit3A_417 : i32 to vector<16xi32>
      %rem3A_439 = arith.remsi %add3A_381, %rem3A_438 : vector<16xi32>
      %ne3A_440 = arith.constant 0 : i32
      %ne3A_441 = vector.broadcast %ne3A_440 : i32 to vector<16xi32>
      %ne3A_442 = arith.cmpi ne, %rem3A_439, %ne3A_441 : vector<16xi32>
      %and3A_443 = arith.andi %ne3A_437, %ne3A_442 : vector<16xi1>
      %sub3A_444 = arith.constant 1 : i32
      %sub3A_445 = vector.broadcast %sub3A_444 : i32 to vector<16xi32>
      %sub3A_446 = arith.subi %div3A_419, %sub3A_445 : vector<16xi32>
      %select_n3A_447 = arith.select %and3A_443, %sub3A_446, %div3A_419 : vector<16xi1>, vector<16xi32>
      %rem3A_448 = arith.constant 64 : i32
      %rem3A_449 = vector.broadcast %rem3A_448 : i32 to vector<16xi32>
      %rem3A_450 = arith.remsi %add3A_381, %rem3A_449 : vector<16xi32>
      %broadcast_in_dim3A_451 = arith.constant 10000 : i32
      %broadcast_in_dim3A_452 = vector.broadcast %broadcast_in_dim3A_451 : i32 to vector<16xi32>
      tpu.vector_store_idx %arg12[%select_n3A_447, %rem3A_450], %broadcast_in_dim3A_452 : memref<41x64xi32, #tpu.memory_space<vmem>>[vector<16xi32>, vector<16xi32>], vector<16xi32>,
    } else {
    }
    %add3A_228 = arith.addi %scan3A_199, %rem3A_206 : i32
    %jit3A_229 = arith.constant 64 : i32
    %div3A_230 = arith.divsi %add3A_228, %jit3A_229 : i32
    %sign3A_231 = arith.constant 0 : i32
    %sign3A_232 = arith.cmpi sgt, %add3A_228, %sign3A_231 : i32
    %sign3A_233 = arith.extui %sign3A_232 : i1 to i32
    %sign3A_234 = arith.constant 0 : i32
    %sign3A_235 = arith.cmpi slt, %add3A_228, %sign3A_234 : i32
    %sign3A_236 = arith.extui %sign3A_235 : i1 to i32
    %sign3A_237 = arith.subi %sign3A_233, %sign3A_236 : i32
    %sign3A_238 = arith.constant 0 : i32
    %sign3A_239 = arith.cmpi sgt, %jit3A_229, %sign3A_238 : i32
    %sign3A_240 = arith.extui %sign3A_239 : i1 to i32
    %sign3A_241 = arith.constant 0 : i32
    %sign3A_242 = arith.cmpi slt, %jit3A_229, %sign3A_241 : i32
    %sign3A_243 = arith.extui %sign3A_242 : i1 to i32
    %sign3A_244 = arith.subi %sign3A_240, %sign3A_243 : i32
    %ne3A_245 = arith.cmpi ne, %sign3A_237, %sign3A_244 : i32
    %rem3A_246 = arith.remsi %add3A_228, %jit3A_229 : i32
    %ne3A_247 = arith.constant 0 : i32
    %ne3A_248 = arith.cmpi ne, %rem3A_246, %ne3A_247 : i32
    %and3A_249 = arith.andi %ne3A_245, %ne3A_248 : i1
    %sub3A_250 = arith.constant 1 : i32
    %sub3A_251 = arith.subi %div3A_230, %sub3A_250 : i32
    %select_n3A_252 = arith.select %and3A_249, %sub3A_251, %div3A_230 : i32
    %gt3A_253 = arith.constant 0 : i32
    %gt3A_254 = arith.cmpi sgt, %select_n3A_252, %gt3A_253 : i32
    %convert_element_type3A_255 = arith.extui %gt3A_254 : i1 to i32
    %cond3A_256 = arith.constant 0 : i32
    %cond3A_257 = arith.cmpi ne, %convert_element_type3A_255, %cond3A_256 : i32
    scf.if %cond3A_257 {
      %dma_start3A = arith.constant 0 : i32
      %dma_start3A_378 = arith.constant 0 : i32
      %dma_start3A_379 = tpu.memref_slice %arg11[%dma_start3A, %dma_start3A_378] : memref<41x64xi32, #tpu.memory_space<vmem>> -> memref<1x64xi32, #tpu.memory_space<vmem>>
      %dma_start3A_380 = tpu.memref_squeeze %dma_start3A_379 : memref<1x64xi32, #tpu.memory_space<vmem>> -> memref<64xi32, #tpu.memory_space<vmem>>
      %dma_start3A_381 = arith.constant 0 : i32
      %dma_start3A_382 = arith.constant 0 : i32
      %dma_start3A_383 = tpu.memref_slice %arg4[%dma_start3A_381, %dma_start3A_382] : memref<10000x128xf32, #tpu.memory_space<hbm>> -> memref<10000x128xf32, #tpu.memory_space<hbm>>
      tpu.enqueue_indirect_dma source(%dma_start3A_383 : memref<10000x128xf32, #tpu.memory_space<hbm>>) target(%arg13 : memref<64x128xf32, #tpu.memory_space<vmem>>) offsets(%dma_start3A_380 : memref<64xi32, #tpu.memory_space<vmem>>) semaphore(%arg16 : memref<!tpu.dma_semaphore, #tpu.memory_space<semaphore_mem>>)
    } else {
    }
    %sub3A_258 = arith.constant 0 : i32
    %sub3A_259 = arith.subi %select_n3A_252, %sub3A_258 : i32
    %sub3A_260 = arith.constant 1 : i32
    %sub3A_261 = arith.constant 1 : i32
    %sub3A_262 = arith.subi %sub3A_260, %sub3A_261 : i32
    %add3A_263 = arith.addi %sub3A_259, %sub3A_262 : i32
    %div3A_264 = arith.constant 1 : i32
    %div3A_265 = arith.divsi %add3A_263, %div3A_264 : i32
    %while3A_266 = arith.constant 1 : i32
    %while3A_267 = arith.constant 0 : i32
    %while3A_268 = arith.constant 0 : i32
    %while3A_269 = arith.subi %div3A_265, %while3A_268 : i32
    %while3A_270 = arith.addi %while3A_268, %while3A_269 : i32
    %while3A_271 = arith.constant 1 : i32
    %while3A_272 = arith.divsi %while3A_269, %while3A_271 : i32
    %while3A_273 = arith.muli %while3A_272, %while3A_271 : i32
    %while3A_274 = arith.addi %while3A_268, %while3A_273 : i32
    %while3A_275 = arith.constant 1 : i32
    scf.for %while3A_378 = %while3A_268 to %while3A_274 step %while3A_275  : i32 {
      %mul3A_379 = arith.muli %while3A_378, %while3A_266 : i32
      %add3A_380 = arith.addi %while3A_267, %mul3A_379 : i32
      %rem3A_381 = arith.constant 2 : i32
      %rem3A_382 = arith.remsi %add3A_380, %rem3A_381 : i32
      %add3A_383 = arith.constant 1 : i32
      %add3A_384 = arith.addi %add3A_380, %add3A_383 : i32
      %lt3A = arith.cmpi slt, %add3A_384, %select_n3A_252 : i32
      %eq3A_385 = arith.constant 0 : i32
      %eq3A_386 = arith.cmpi eq, %rem3A_382, %eq3A_385 : i32
      %and3A_387 = arith.andi %lt3A, %eq3A_386 : i1
      %convert_element_type3A_388 = arith.extui %and3A_387 : i1 to i32
      %cond3A_389 = arith.constant 0 : i32
      %cond3A_390 = arith.cmpi ne, %convert_element_type3A_388, %cond3A_389 : i32
      scf.if %cond3A_390 {
        %add3A_407 = arith.constant 1 : i32
        %add3A_408 = arith.addi %add3A_380, %add3A_407 : i32
        %dma_start3A = arith.constant 0 : i32
        %dma_start3A_409 = tpu.memref_slice %arg11[%add3A_408, %dma_start3A] : memref<41x64xi32, #tpu.memory_space<vmem>> -> memref<1x64xi32, #tpu.memory_space<vmem>>
        %dma_start3A_410 = tpu.memref_squeeze %dma_start3A_409 : memref<1x64xi32, #tpu.memory_space<vmem>> -> memref<64xi32, #tpu.memory_space<vmem>>
        %dma_start3A_411 = arith.constant 0 : i32
        %dma_start3A_412 = arith.constant 0 : i32
        %dma_start3A_413 = tpu.memref_slice %arg4[%dma_start3A_411, %dma_start3A_412] : memref<10000x128xf32, #tpu.memory_space<hbm>> -> memref<10000x128xf32, #tpu.memory_space<hbm>>
        tpu.enqueue_indirect_dma source(%dma_start3A_413 : memref<10000x128xf32, #tpu.memory_space<hbm>>) target(%arg14 : memref<64x128xf32, #tpu.memory_space<vmem>>) offsets(%dma_start3A_410 : memref<64xi32, #tpu.memory_space<vmem>>) semaphore(%arg17 : memref<!tpu.dma_semaphore, #tpu.memory_space<semaphore_mem>>)
      } else {
      }
      %eq3A_391 = arith.constant 1 : i32
      %eq3A_392 = arith.cmpi eq, %rem3A_382, %eq3A_391 : i32
      %and3A_393 = arith.andi %lt3A, %eq3A_392 : i1
      %convert_element_type3A_394 = arith.extui %and3A_393 : i1 to i32
      %cond3A_395 = arith.constant 0 : i32
      %cond3A_396 = arith.cmpi ne, %convert_element_type3A_394, %cond3A_395 : i32
      scf.if %cond3A_396 {
        %add3A_407 = arith.constant 1 : i32
        %add3A_408 = arith.addi %add3A_380, %add3A_407 : i32
        %dma_start3A = arith.constant 0 : i32
        %dma_start3A_409 = tpu.memref_slice %arg11[%add3A_408, %dma_start3A] : memref<41x64xi32, #tpu.memory_space<vmem>> -> memref<1x64xi32, #tpu.memory_space<vmem>>
        %dma_start3A_410 = tpu.memref_squeeze %dma_start3A_409 : memref<1x64xi32, #tpu.memory_space<vmem>> -> memref<64xi32, #tpu.memory_space<vmem>>
        %dma_start3A_411 = arith.constant 0 : i32
        %dma_start3A_412 = arith.constant 0 : i32
        %dma_start3A_413 = tpu.memref_slice %arg4[%dma_start3A_411, %dma_start3A_412] : memref<10000x128xf32, #tpu.memory_space<hbm>> -> memref<10000x128xf32, #tpu.memory_space<hbm>>
        tpu.enqueue_indirect_dma source(%dma_start3A_413 : memref<10000x128xf32, #tpu.memory_space<hbm>>) target(%arg13 : memref<64x128xf32, #tpu.memory_space<vmem>>) offsets(%dma_start3A_410 : memref<64xi32, #tpu.memory_space<vmem>>) semaphore(%arg16 : memref<!tpu.dma_semaphore, #tpu.memory_space<semaphore_mem>>)
      } else {
      }
      %eq3A_397 = arith.constant 0 : i32
      %eq3A_398 = arith.cmpi eq, %rem3A_382, %eq3A_397 : i32
      %convert_element_type3A_399 = arith.extui %eq3A_398 : i1 to i32
      %cond3A_400 = arith.constant 0 : i32
      %cond3A_401 = arith.cmpi ne, %convert_element_type3A_399, %cond3A_400 : i32
      scf.if %cond3A_401 {
        %dma_wait3A = arith.constant 0 : i32
        %dma_wait3A_407 = arith.constant 0 : i32
        %dma_wait3A_408 = tpu.memref_slice %arg11[%dma_wait3A, %dma_wait3A_407] : memref<41x64xi32, #tpu.memory_space<vmem>> -> memref<1x64xi32, #tpu.memory_space<vmem>>
        %dma_wait3A_409 = tpu.memref_squeeze %dma_wait3A_408 : memref<1x64xi32, #tpu.memory_space<vmem>> -> memref<64xi32, #tpu.memory_space<vmem>>
        %dma_wait3A_410 = arith.constant 0 : i32
        %dma_wait3A_411 = arith.constant 0 : i32
        %dma_wait3A_412 = tpu.memref_slice %arg4[%dma_wait3A_410, %dma_wait3A_411] : memref<10000x128xf32, #tpu.memory_space<hbm>> -> memref<10000x128xf32, #tpu.memory_space<hbm>>
        tpu.wait_indirect_dma semaphore(%arg16 : memref<!tpu.dma_semaphore, #tpu.memory_space<semaphore_mem>>) src(%dma_wait3A_412 : memref<10000x128xf32, #tpu.memory_space<hbm>>) dst(%arg13 : memref<64x128xf32, #tpu.memory_space<vmem>>)
        "tpu.region"() ({
          %run_scoped3A_413 = tpu.sem_alloc : memref<!tpu.dma_semaphore, #tpu.memory_space<semaphore_mem>>
          %dma_start3A = arith.constant 0 : i32
          %dma_start3A_414 = tpu.memref_slice %arg12[%add3A_380, %dma_start3A] : memref<41x64xi32, #tpu.memory_space<vmem>> -> memref<1x64xi32, #tpu.memory_space<vmem>>
          %dma_start3A_415 = tpu.memref_squeeze %dma_start3A_414 : memref<1x64xi32, #tpu.memory_space<vmem>> -> memref<64xi32, #tpu.memory_space<vmem>>
          %dma_start3A_416 = arith.constant 0 : i32
          %dma_start3A_417 = arith.constant 0 : i32
          %dma_start3A_418 = tpu.memref_slice %arg15[%dma_start3A_416, %dma_start3A_417] : memref<10016x128xf32, #tpu.memory_space<vmem_shared>> -> memref<10016x128xf32, #tpu.memory_space<vmem_shared>>
          tpu.enqueue_indirect_dma source(%arg13 : memref<64x128xf32, #tpu.memory_space<vmem>>) target(%dma_start3A_418 : memref<10016x128xf32, #tpu.memory_space<vmem_shared>>) offsets(%dma_start3A_415 : memref<64xi32, #tpu.memory_space<vmem>>) semaphore(%run_scoped3A_413 : memref<!tpu.dma_semaphore, #tpu.memory_space<semaphore_mem>>) {add = true}
          %dma_wait3A_419 = arith.constant 0 : i32
          %dma_wait3A_420 = tpu.memref_slice %arg12[%add3A_380, %dma_wait3A_419] : memref<41x64xi32, #tpu.memory_space<vmem>> -> memref<1x64xi32, #tpu.memory_space<vmem>>
          %dma_wait3A_421 = tpu.memref_squeeze %dma_wait3A_420 : memref<1x64xi32, #tpu.memory_space<vmem>> -> memref<64xi32, #tpu.memory_space<vmem>>
          %dma_wait3A_422 = arith.constant 0 : i32
          %dma_wait3A_423 = arith.constant 0 : i32
          %dma_wait3A_424 = tpu.memref_slice %arg15[%dma_wait3A_422, %dma_wait3A_423] : memref<10016x128xf32, #tpu.memory_space<vmem_shared>> -> memref<10016x128xf32, #tpu.memory_space<vmem_shared>>
          tpu.wait_indirect_dma semaphore(%run_scoped3A_413 : memref<!tpu.dma_semaphore, #tpu.memory_space<semaphore_mem>>) src(%arg13 : memref<64x128xf32, #tpu.memory_space<vmem>>) dst(%dma_wait3A_424 : memref<10016x128xf32, #tpu.memory_space<vmem_shared>>)
          tpu.yield
        }) : () -> ()
      } else {
      }
      %eq3A_402 = arith.constant 1 : i32
      %eq3A_403 = arith.cmpi eq, %rem3A_382, %eq3A_402 : i32
      %convert_element_type3A_404 = arith.extui %eq3A_403 : i1 to i32
      %cond3A_405 = arith.constant 0 : i32
      %cond3A_406 = arith.cmpi ne, %convert_element_type3A_404, %cond3A_405 : i32
      scf.if %cond3A_406 {
        %dma_wait3A = arith.constant 0 : i32
        %dma_wait3A_407 = arith.constant 0 : i32
        %dma_wait3A_408 = tpu.memref_slice %arg11[%dma_wait3A, %dma_wait3A_407] : memref<41x64xi32, #tpu.memory_space<vmem>> -> memref<1x64xi32, #tpu.memory_space<vmem>>
        %dma_wait3A_409 = tpu.memref_squeeze %dma_wait3A_408 : memref<1x64xi32, #tpu.memory_space<vmem>> -> memref<64xi32, #tpu.memory_space<vmem>>
        %dma_wait3A_410 = arith.constant 0 : i32
        %dma_wait3A_411 = arith.constant 0 : i32
        %dma_wait3A_412 = tpu.memref_slice %arg4[%dma_wait3A_410, %dma_wait3A_411] : memref<10000x128xf32, #tpu.memory_space<hbm>> -> memref<10000x128xf32, #tpu.memory_space<hbm>>
        tpu.wait_indirect_dma semaphore(%arg17 : memref<!tpu.dma_semaphore, #tpu.memory_space<semaphore_mem>>) src(%dma_wait3A_412 : memref<10000x128xf32, #tpu.memory_space<hbm>>) dst(%arg14 : memref<64x128xf32, #tpu.memory_space<vmem>>)
        "tpu.region"() ({
          %run_scoped3A_413 = tpu.sem_alloc : memref<!tpu.dma_semaphore, #tpu.memory_space<semaphore_mem>>
          %dma_start3A = arith.constant 0 : i32
          %dma_start3A_414 = tpu.memref_slice %arg12[%add3A_380, %dma_start3A] : memref<41x64xi32, #tpu.memory_space<vmem>> -> memref<1x64xi32, #tpu.memory_space<vmem>>
          %dma_start3A_415 = tpu.memref_squeeze %dma_start3A_414 : memref<1x64xi32, #tpu.memory_space<vmem>> -> memref<64xi32, #tpu.memory_space<vmem>>
          %dma_start3A_416 = arith.constant 0 : i32
          %dma_start3A_417 = arith.constant 0 : i32
          %dma_start3A_418 = tpu.memref_slice %arg15[%dma_start3A_416, %dma_start3A_417] : memref<10016x128xf32, #tpu.memory_space<vmem_shared>> -> memref<10016x128xf32, #tpu.memory_space<vmem_shared>>
          tpu.enqueue_indirect_dma source(%arg14 : memref<64x128xf32, #tpu.memory_space<vmem>>) target(%dma_start3A_418 : memref<10016x128xf32, #tpu.memory_space<vmem_shared>>) offsets(%dma_start3A_415 : memref<64xi32, #tpu.memory_space<vmem>>) semaphore(%run_scoped3A_413 : memref<!tpu.dma_semaphore, #tpu.memory_space<semaphore_mem>>) {add = true}
          %dma_wait3A_419 = arith.constant 0 : i32
          %dma_wait3A_420 = tpu.memref_slice %arg12[%add3A_380, %dma_wait3A_419] : memref<41x64xi32, #tpu.memory_space<vmem>> -> memref<1x64xi32, #tpu.memory_space<vmem>>
          %dma_wait3A_421 = tpu.memref_squeeze %dma_wait3A_420 : memref<1x64xi32, #tpu.memory_space<vmem>> -> memref<64xi32, #tpu.memory_space<vmem>>
          %dma_wait3A_422 = arith.constant 0 : i32
          %dma_wait3A_423 = arith.constant 0 : i32
          %dma_wait3A_424 = tpu.memref_slice %arg15[%dma_wait3A_422, %dma_wait3A_423] : memref<10016x128xf32, #tpu.memory_space<vmem_shared>> -> memref<10016x128xf32, #tpu.memory_space<vmem_shared>>
          tpu.wait_indirect_dma semaphore(%run_scoped3A_413 : memref<!tpu.dma_semaphore, #tpu.memory_space<semaphore_mem>>) src(%arg14 : memref<64x128xf32, #tpu.memory_space<vmem>>) dst(%dma_wait3A_424 : memref<10016x128xf32, #tpu.memory_space<vmem_shared>>)
          tpu.yield
        }) : () -> ()
      } else {
      }
    }
    %while3A_276 = arith.constant 1 : i32
    scf.for %while3A_378 = %while3A_274 to %while3A_270 step %while3A_276  : i32 {
      %mul3A_379 = arith.muli %while3A_378, %while3A_266 : i32
      %add3A_380 = arith.addi %while3A_267, %mul3A_379 : i32
      %rem3A_381 = arith.constant 2 : i32
      %rem3A_382 = arith.remsi %add3A_380, %rem3A_381 : i32
      %add3A_383 = arith.constant 1 : i32
      %add3A_384 = arith.addi %add3A_380, %add3A_383 : i32
      %lt3A = arith.cmpi slt, %add3A_384, %select_n3A_252 : i32
      %eq3A_385 = arith.constant 0 : i32
      %eq3A_386 = arith.cmpi eq, %rem3A_382, %eq3A_385 : i32
      %and3A_387 = arith.andi %lt3A, %eq3A_386 : i1
      %convert_element_type3A_388 = arith.extui %and3A_387 : i1 to i32
      %cond3A_389 = arith.constant 0 : i32
      %cond3A_390 = arith.cmpi ne, %convert_element_type3A_388, %cond3A_389 : i32
      scf.if %cond3A_390 {
        %add3A_407 = arith.constant 1 : i32
        %add3A_408 = arith.addi %add3A_380, %add3A_407 : i32
        %dma_start3A = arith.constant 0 : i32
        %dma_start3A_409 = tpu.memref_slice %arg11[%add3A_408, %dma_start3A] : memref<41x64xi32, #tpu.memory_space<vmem>> -> memref<1x64xi32, #tpu.memory_space<vmem>>
        %dma_start3A_410 = tpu.memref_squeeze %dma_start3A_409 : memref<1x64xi32, #tpu.memory_space<vmem>> -> memref<64xi32, #tpu.memory_space<vmem>>
        %dma_start3A_411 = arith.constant 0 : i32
        %dma_start3A_412 = arith.constant 0 : i32
        %dma_start3A_413 = tpu.memref_slice %arg4[%dma_start3A_411, %dma_start3A_412] : memref<10000x128xf32, #tpu.memory_space<hbm>> -> memref<10000x128xf32, #tpu.memory_space<hbm>>
        tpu.enqueue_indirect_dma source(%dma_start3A_413 : memref<10000x128xf32, #tpu.memory_space<hbm>>) target(%arg14 : memref<64x128xf32, #tpu.memory_space<vmem>>) offsets(%dma_start3A_410 : memref<64xi32, #tpu.memory_space<vmem>>) semaphore(%arg17 : memref<!tpu.dma_semaphore, #tpu.memory_space<semaphore_mem>>)
      } else {
      }
      %eq3A_391 = arith.constant 1 : i32
      %eq3A_392 = arith.cmpi eq, %rem3A_382, %eq3A_391 : i32
      %and3A_393 = arith.andi %lt3A, %eq3A_392 : i1
      %convert_element_type3A_394 = arith.extui %and3A_393 : i1 to i32
      %cond3A_395 = arith.constant 0 : i32
      %cond3A_396 = arith.cmpi ne, %convert_element_type3A_394, %cond3A_395 : i32
      scf.if %cond3A_396 {
        %add3A_407 = arith.constant 1 : i32
        %add3A_408 = arith.addi %add3A_380, %add3A_407 : i32
        %dma_start3A = arith.constant 0 : i32
        %dma_start3A_409 = tpu.memref_slice %arg11[%add3A_408, %dma_start3A] : memref<41x64xi32, #tpu.memory_space<vmem>> -> memref<1x64xi32, #tpu.memory_space<vmem>>
        %dma_start3A_410 = tpu.memref_squeeze %dma_start3A_409 : memref<1x64xi32, #tpu.memory_space<vmem>> -> memref<64xi32, #tpu.memory_space<vmem>>
        %dma_start3A_411 = arith.constant 0 : i32
        %dma_start3A_412 = arith.constant 0 : i32
        %dma_start3A_413 = tpu.memref_slice %arg4[%dma_start3A_411, %dma_start3A_412] : memref<10000x128xf32, #tpu.memory_space<hbm>> -> memref<10000x128xf32, #tpu.memory_space<hbm>>
        tpu.enqueue_indirect_dma source(%dma_start3A_413 : memref<10000x128xf32, #tpu.memory_space<hbm>>) target(%arg13 : memref<64x128xf32, #tpu.memory_space<vmem>>) offsets(%dma_start3A_410 : memref<64xi32, #tpu.memory_space<vmem>>) semaphore(%arg16 : memref<!tpu.dma_semaphore, #tpu.memory_space<semaphore_mem>>)
      } else {
      }
      %eq3A_397 = arith.constant 0 : i32
      %eq3A_398 = arith.cmpi eq, %rem3A_382, %eq3A_397 : i32
      %convert_element_type3A_399 = arith.extui %eq3A_398 : i1 to i32
      %cond3A_400 = arith.constant 0 : i32
      %cond3A_401 = arith.cmpi ne, %convert_element_type3A_399, %cond3A_400 : i32
      scf.if %cond3A_401 {
        %dma_wait3A = arith.constant 0 : i32
        %dma_wait3A_407 = arith.constant 0 : i32
        %dma_wait3A_408 = tpu.memref_slice %arg11[%dma_wait3A, %dma_wait3A_407] : memref<41x64xi32, #tpu.memory_space<vmem>> -> memref<1x64xi32, #tpu.memory_space<vmem>>
        %dma_wait3A_409 = tpu.memref_squeeze %dma_wait3A_408 : memref<1x64xi32, #tpu.memory_space<vmem>> -> memref<64xi32, #tpu.memory_space<vmem>>
        %dma_wait3A_410 = arith.constant 0 : i32
        %dma_wait3A_411 = arith.constant 0 : i32
        %dma_wait3A_412 = tpu.memref_slice %arg4[%dma_wait3A_410, %dma_wait3A_411] : memref<10000x128xf32, #tpu.memory_space<hbm>> -> memref<10000x128xf32, #tpu.memory_space<hbm>>
        tpu.wait_indirect_dma semaphore(%arg16 : memref<!tpu.dma_semaphore, #tpu.memory_space<semaphore_mem>>) src(%dma_wait3A_412 : memref<10000x128xf32, #tpu.memory_space<hbm>>) dst(%arg13 : memref<64x128xf32, #tpu.memory_space<vmem>>)
        "tpu.region"() ({
          %run_scoped3A_413 = tpu.sem_alloc : memref<!tpu.dma_semaphore, #tpu.memory_space<semaphore_mem>>
          %dma_start3A = arith.constant 0 : i32
          %dma_start3A_414 = tpu.memref_slice %arg12[%add3A_380, %dma_start3A] : memref<41x64xi32, #tpu.memory_space<vmem>> -> memref<1x64xi32, #tpu.memory_space<vmem>>
          %dma_start3A_415 = tpu.memref_squeeze %dma_start3A_414 : memref<1x64xi32, #tpu.memory_space<vmem>> -> memref<64xi32, #tpu.memory_space<vmem>>
          %dma_start3A_416 = arith.constant 0 : i32
          %dma_start3A_417 = arith.constant 0 : i32
          %dma_start3A_418 = tpu.memref_slice %arg15[%dma_start3A_416, %dma_start3A_417] : memref<10016x128xf32, #tpu.memory_space<vmem_shared>> -> memref<10016x128xf32, #tpu.memory_space<vmem_shared>>
          tpu.enqueue_indirect_dma source(%arg13 : memref<64x128xf32, #tpu.memory_space<vmem>>) target(%dma_start3A_418 : memref<10016x128xf32, #tpu.memory_space<vmem_shared>>) offsets(%dma_start3A_415 : memref<64xi32, #tpu.memory_space<vmem>>) semaphore(%run_scoped3A_413 : memref<!tpu.dma_semaphore, #tpu.memory_space<semaphore_mem>>) {add = true}
          %dma_wait3A_419 = arith.constant 0 : i32
          %dma_wait3A_420 = tpu.memref_slice %arg12[%add3A_380, %dma_wait3A_419] : memref<41x64xi32, #tpu.memory_space<vmem>> -> memref<1x64xi32, #tpu.memory_space<vmem>>
          %dma_wait3A_421 = tpu.memref_squeeze %dma_wait3A_420 : memref<1x64xi32, #tpu.memory_space<vmem>> -> memref<64xi32, #tpu.memory_space<vmem>>
          %dma_wait3A_422 = arith.constant 0 : i32
          %dma_wait3A_423 = arith.constant 0 : i32
          %dma_wait3A_424 = tpu.memref_slice %arg15[%dma_wait3A_422, %dma_wait3A_423] : memref<10016x128xf32, #tpu.memory_space<vmem_shared>> -> memref<10016x128xf32, #tpu.memory_space<vmem_shared>>
          tpu.wait_indirect_dma semaphore(%run_scoped3A_413 : memref<!tpu.dma_semaphore, #tpu.memory_space<semaphore_mem>>) src(%arg13 : memref<64x128xf32, #tpu.memory_space<vmem>>) dst(%dma_wait3A_424 : memref<10016x128xf32, #tpu.memory_space<vmem_shared>>)
          tpu.yield
        }) : () -> ()
      } else {
      }
      %eq3A_402 = arith.constant 1 : i32
      %eq3A_403 = arith.cmpi eq, %rem3A_382, %eq3A_402 : i32
      %convert_element_type3A_404 = arith.extui %eq3A_403 : i1 to i32
      %cond3A_405 = arith.constant 0 : i32
      %cond3A_406 = arith.cmpi ne, %convert_element_type3A_404, %cond3A_405 : i32
      scf.if %cond3A_406 {
        %dma_wait3A = arith.constant 0 : i32
        %dma_wait3A_407 = arith.constant 0 : i32
        %dma_wait3A_408 = tpu.memref_slice %arg11[%dma_wait3A, %dma_wait3A_407] : memref<41x64xi32, #tpu.memory_space<vmem>> -> memref<1x64xi32, #tpu.memory_space<vmem>>
        %dma_wait3A_409 = tpu.memref_squeeze %dma_wait3A_408 : memref<1x64xi32, #tpu.memory_space<vmem>> -> memref<64xi32, #tpu.memory_space<vmem>>
        %dma_wait3A_410 = arith.constant 0 : i32
        %dma_wait3A_411 = arith.constant 0 : i32
        %dma_wait3A_412 = tpu.memref_slice %arg4[%dma_wait3A_410, %dma_wait3A_411] : memref<10000x128xf32, #tpu.memory_space<hbm>> -> memref<10000x128xf32, #tpu.memory_space<hbm>>
        tpu.wait_indirect_dma semaphore(%arg17 : memref<!tpu.dma_semaphore, #tpu.memory_space<semaphore_mem>>) src(%dma_wait3A_412 : memref<10000x128xf32, #tpu.memory_space<hbm>>) dst(%arg14 : memref<64x128xf32, #tpu.memory_space<vmem>>)
        "tpu.region"() ({
          %run_scoped3A_413 = tpu.sem_alloc : memref<!tpu.dma_semaphore, #tpu.memory_space<semaphore_mem>>
          %dma_start3A = arith.constant 0 : i32
          %dma_start3A_414 = tpu.memref_slice %arg12[%add3A_380, %dma_start3A] : memref<41x64xi32, #tpu.memory_space<vmem>> -> memref<1x64xi32, #tpu.memory_space<vmem>>
          %dma_start3A_415 = tpu.memref_squeeze %dma_start3A_414 : memref<1x64xi32, #tpu.memory_space<vmem>> -> memref<64xi32, #tpu.memory_space<vmem>>
          %dma_start3A_416 = arith.constant 0 : i32
          %dma_start3A_417 = arith.constant 0 : i32
          %dma_start3A_418 = tpu.memref_slice %arg15[%dma_start3A_416, %dma_start3A_417] : memref<10016x128xf32, #tpu.memory_space<vmem_shared>> -> memref<10016x128xf32, #tpu.memory_space<vmem_shared>>
          tpu.enqueue_indirect_dma source(%arg14 : memref<64x128xf32, #tpu.memory_space<vmem>>) target(%dma_start3A_418 : memref<10016x128xf32, #tpu.memory_space<vmem_shared>>) offsets(%dma_start3A_415 : memref<64xi32, #tpu.memory_space<vmem>>) semaphore(%run_scoped3A_413 : memref<!tpu.dma_semaphore, #tpu.memory_space<semaphore_mem>>) {add = true}
          %dma_wait3A_419 = arith.constant 0 : i32
          %dma_wait3A_420 = tpu.memref_slice %arg12[%add3A_380, %dma_wait3A_419] : memref<41x64xi32, #tpu.memory_space<vmem>> -> memref<1x64xi32, #tpu.memory_space<vmem>>
          %dma_wait3A_421 = tpu.memref_squeeze %dma_wait3A_420 : memref<1x64xi32, #tpu.memory_space<vmem>> -> memref<64xi32, #tpu.memory_space<vmem>>
          %dma_wait3A_422 = arith.constant 0 : i32
          %dma_wait3A_423 = arith.constant 0 : i32
          %dma_wait3A_424 = tpu.memref_slice %arg15[%dma_wait3A_422, %dma_wait3A_423] : memref<10016x128xf32, #tpu.memory_space<vmem_shared>> -> memref<10016x128xf32, #tpu.memory_space<vmem_shared>>
          tpu.wait_indirect_dma semaphore(%run_scoped3A_413 : memref<!tpu.dma_semaphore, #tpu.memory_space<semaphore_mem>>) src(%arg14 : memref<64x128xf32, #tpu.memory_space<vmem>>) dst(%dma_wait3A_424 : memref<10016x128xf32, #tpu.memory_space<vmem_shared>>)
          tpu.yield
        }) : () -> ()
      } else {
      }
    }
    %run_scoped3A_277 = arith.constant 3 : i32
    "tpu.region"() ({
      %run_scoped3A_378 = tpu.sem_alloc : memref<!tpu.dma_semaphore, #tpu.memory_space<semaphore_mem>>
      %dma_start3A = arith.constant 0 : i32
      %dma_start3A_379 = arith.constant 0 : i32
      %dma_start3A_380 = tpu.memref_slice %arg2[%add3A, %run_scoped3A_277, %dma_start3A, %dma_start3A_379] : memref<32x4x20x128xi32, #tpu.memory_space<hbm>> -> memref<1x1x20x128xi32, #tpu.memory_space<hbm>>
      %dma_start3A_381 = tpu.memref_squeeze %dma_start3A_380 : memref<1x1x20x128xi32, #tpu.memory_space<hbm>> -> memref<20x128xi32, #tpu.memory_space<hbm>>
      %dma_start3A_382 = arith.constant 0 : i32
      %dma_start3A_383 = arith.constant 0 : i32
      %dma_start3A_384 = tpu.memref_slice %arg2[%add3A, %run_scoped3A_277, %dma_start3A_382, %dma_start3A_383] : memref<32x4x20x128xi32, #tpu.memory_space<hbm>> -> memref<1x1x20x128xi32, #tpu.memory_space<hbm>>
      %dma_start3A_385 = tpu.memref_squeeze %dma_start3A_384 : memref<1x1x20x128xi32, #tpu.memory_space<hbm>> -> memref<20x128xi32, #tpu.memory_space<hbm>>
      tpu.enqueue_dma source(%dma_start3A_385 : memref<20x128xi32, #tpu.memory_space<hbm>>) target(%arg8 : memref<20x128xi32, #tpu.memory_space<vmem>>) target_semaphore(%run_scoped3A_378 : memref<!tpu.dma_semaphore, #tpu.memory_space<semaphore_mem>>)
      %dma_wait3A = arith.constant 0 : i32
      %dma_wait3A_386 = arith.constant 0 : i32
      %dma_wait3A_387 = tpu.memref_slice %arg2[%add3A, %run_scoped3A_277, %dma_wait3A, %dma_wait3A_386] : memref<32x4x20x128xi32, #tpu.memory_space<hbm>> -> memref<1x1x20x128xi32, #tpu.memory_space<hbm>>
      %dma_wait3A_388 = tpu.memref_squeeze %dma_wait3A_387 : memref<1x1x20x128xi32, #tpu.memory_space<hbm>> -> memref<20x128xi32, #tpu.memory_space<hbm>>
      %dma_wait3A_389 = arith.constant 0 : i32
      %dma_wait3A_390 = arith.constant 0 : i32
      %dma_wait3A_391 = tpu.memref_slice %arg2[%add3A, %run_scoped3A_277, %dma_wait3A_389, %dma_wait3A_390] : memref<32x4x20x128xi32, #tpu.memory_space<hbm>> -> memref<1x1x20x128xi32, #tpu.memory_space<hbm>>
      %dma_wait3A_392 = tpu.memref_squeeze %dma_wait3A_391 : memref<1x1x20x128xi32, #tpu.memory_space<hbm>> -> memref<20x128xi32, #tpu.memory_space<hbm>>
      tpu.wait_dma2 semaphore(%run_scoped3A_378 : memref<!tpu.dma_semaphore, #tpu.memory_space<semaphore_mem>>) src(%dma_wait3A_392 : memref<20x128xi32, #tpu.memory_space<hbm>>) dst(%arg8 : memref<20x128xi32, #tpu.memory_space<vmem>>)
      tpu.yield
    }) : () -> ()
    %run_scoped3A_278 = arith.constant 3 : i32
    "tpu.region"() ({
      %run_scoped3A_378 = tpu.sem_alloc : memref<!tpu.dma_semaphore, #tpu.memory_space<semaphore_mem>>
      %dma_start3A = arith.constant 0 : i32
      %dma_start3A_379 = arith.constant 0 : i32
      %dma_start3A_380 = tpu.memref_slice %arg3[%add3A, %run_scoped3A_278, %dma_start3A, %dma_start3A_379] : memref<32x4x20x128xi32, #tpu.memory_space<hbm>> -> memref<1x1x20x128xi32, #tpu.memory_space<hbm>>
      %dma_start3A_381 = tpu.memref_squeeze %dma_start3A_380 : memref<1x1x20x128xi32, #tpu.memory_space<hbm>> -> memref<20x128xi32, #tpu.memory_space<hbm>>
      %dma_start3A_382 = arith.constant 0 : i32
      %dma_start3A_383 = arith.constant 0 : i32
      %dma_start3A_384 = tpu.memref_slice %arg3[%add3A, %run_scoped3A_278, %dma_start3A_382, %dma_start3A_383] : memref<32x4x20x128xi32, #tpu.memory_space<hbm>> -> memref<1x1x20x128xi32, #tpu.memory_space<hbm>>
      %dma_start3A_385 = tpu.memref_squeeze %dma_start3A_384 : memref<1x1x20x128xi32, #tpu.memory_space<hbm>> -> memref<20x128xi32, #tpu.memory_space<hbm>>
      tpu.enqueue_dma source(%dma_start3A_385 : memref<20x128xi32, #tpu.memory_space<hbm>>) target(%arg9 : memref<20x128xi32, #tpu.memory_space<vmem>>) target_semaphore(%run_scoped3A_378 : memref<!tpu.dma_semaphore, #tpu.memory_space<semaphore_mem>>)
      %dma_wait3A = arith.constant 0 : i32
      %dma_wait3A_386 = arith.constant 0 : i32
      %dma_wait3A_387 = tpu.memref_slice %arg3[%add3A, %run_scoped3A_278, %dma_wait3A, %dma_wait3A_386] : memref<32x4x20x128xi32, #tpu.memory_space<hbm>> -> memref<1x1x20x128xi32, #tpu.memory_space<hbm>>
      %dma_wait3A_388 = tpu.memref_squeeze %dma_wait3A_387 : memref<1x1x20x128xi32, #tpu.memory_space<hbm>> -> memref<20x128xi32, #tpu.memory_space<hbm>>
      %dma_wait3A_389 = arith.constant 0 : i32
      %dma_wait3A_390 = arith.constant 0 : i32
      %dma_wait3A_391 = tpu.memref_slice %arg3[%add3A, %run_scoped3A_278, %dma_wait3A_389, %dma_wait3A_390] : memref<32x4x20x128xi32, #tpu.memory_space<hbm>> -> memref<1x1x20x128xi32, #tpu.memory_space<hbm>>
      %dma_wait3A_392 = tpu.memref_squeeze %dma_wait3A_391 : memref<1x1x20x128xi32, #tpu.memory_space<hbm>> -> memref<20x128xi32, #tpu.memory_space<hbm>>
      tpu.wait_dma2 semaphore(%run_scoped3A_378 : memref<!tpu.dma_semaphore, #tpu.memory_space<semaphore_mem>>) src(%dma_wait3A_392 : memref<20x128xi32, #tpu.memory_space<hbm>>) dst(%arg9 : memref<20x128xi32, #tpu.memory_space<vmem>>)
      tpu.yield
    }) : () -> ()
    %scan3A_279 = arith.constant 0 : i32
    %scan3A_280 = arith.constant 20 : i32
    %scan3A_281 = arith.addi %scan3A_279, %scan3A_280 : i32
    %scan3A_282 = arith.constant 1 : i32
    scf.for %scan3A_378 = %scan3A_279 to %scan3A_281 step %scan3A_282  : i32 {
      %mul3A_379 = arith.constant 1 : i32
      %mul3A_380 = arith.muli %scan3A_378, %mul3A_379 : i32
      %add3A_381 = arith.constant 0 : i32
      %add3A_382 = arith.addi %add3A_381, %mul3A_380 : i32
      %dma_start3A = arith.constant 0 : i32
      %dma_start3A_383 = tpu.memref_slice %arg10[%add3A_382, %dma_start3A] : memref<20x128xf32, #tpu.memory_space<vmem>> -> memref<1x128xf32, #tpu.memory_space<vmem>>
      %dma_start3A_384 = tpu.memref_squeeze %dma_start3A_383 : memref<1x128xf32, #tpu.memory_space<vmem>> -> memref<128xf32, #tpu.memory_space<vmem>>
      %dma_start3A_385 = arith.constant 0 : i32
      %dma_start3A_386 = tpu.memref_slice %arg9[%add3A_382, %dma_start3A_385] : memref<20x128xi32, #tpu.memory_space<vmem>> -> memref<1x128xi32, #tpu.memory_space<vmem>>
      %dma_start3A_387 = tpu.memref_squeeze %dma_start3A_386 : memref<1x128xi32, #tpu.memory_space<vmem>> -> memref<128xi32, #tpu.memory_space<vmem>>
      %dma_start3A_388 = arith.constant 0 : i32
      %dma_start3A_389 = tpu.memref_slice %arg5[%dma_start3A_388] : memref<10016xf32, #tpu.memory_space<hbm>> -> memref<10016xf32, #tpu.memory_space<hbm>>
      tpu.enqueue_indirect_dma source(%dma_start3A_389 : memref<10016xf32, #tpu.memory_space<hbm>>) target(%dma_start3A_384 : memref<128xf32, #tpu.memory_space<vmem>>) offsets(%dma_start3A_387 : memref<128xi32, #tpu.memory_space<vmem>>) semaphore(%arg18 : memref<!tpu.dma_semaphore, #tpu.memory_space<semaphore_mem>>)
    }
    %scan3A_283 = arith.constant 20 : i32
    %scan3A_284 = arith.constant 0 : i32
    %scan3A_285 = arith.constant 20 : i32
    %scan3A_286 = arith.addi %scan3A_284, %scan3A_285 : i32
    %scan3A_287 = arith.constant 1 : i32
    scf.for %scan3A_378 = %scan3A_284 to %scan3A_286 step %scan3A_287  : i32 {
      %mul3A_379 = arith.constant 1 : i32
      %mul3A_380 = arith.muli %scan3A_378, %mul3A_379 : i32
      %add3A_381 = arith.constant 0 : i32
      %add3A_382 = arith.addi %add3A_381, %mul3A_380 : i32
      %dma_wait3A = arith.constant 0 : i32
      %dma_wait3A_383 = arith.constant 0 : i32
      %dma_wait3A_384 = arith.constant 0 : i32
      %dma_wait3A_385 = tpu.memref_slice %arg10[%dma_wait3A_383, %dma_wait3A_384] : memref<20x128xf32, #tpu.memory_space<vmem>> -> memref<1x128xf32, #tpu.memory_space<vmem>>
      %dma_wait3A_386 = tpu.memref_squeeze %dma_wait3A_385 : memref<1x128xf32, #tpu.memory_space<vmem>> -> memref<128xf32, #tpu.memory_space<vmem>>
      %dma_wait3A_387 = arith.constant 0 : i32
      %dma_wait3A_388 = tpu.memref_slice %arg9[%dma_wait3A, %dma_wait3A_387] : memref<20x128xi32, #tpu.memory_space<vmem>> -> memref<1x128xi32, #tpu.memory_space<vmem>>
      %dma_wait3A_389 = tpu.memref_squeeze %dma_wait3A_388 : memref<1x128xi32, #tpu.memory_space<vmem>> -> memref<128xi32, #tpu.memory_space<vmem>>
      %dma_wait3A_390 = arith.constant 0 : i32
      %dma_wait3A_391 = tpu.memref_slice %arg5[%dma_wait3A_390] : memref<10016xf32, #tpu.memory_space<hbm>> -> memref<10016xf32, #tpu.memory_space<hbm>>
      tpu.wait_indirect_dma semaphore(%arg18 : memref<!tpu.dma_semaphore, #tpu.memory_space<semaphore_mem>>) src(%dma_wait3A_391 : memref<10016xf32, #tpu.memory_space<hbm>>) dst(%dma_wait3A_386 : memref<128xf32, #tpu.memory_space<vmem>>)
    }
    %scan3A_288 = arith.constant 20 : i32
    %scan3A_289 = arith.constant 0 : i32
    %scan3A_290 = arith.constant 0 : i32
    %scan3A_291 = arith.constant 160 : i32
    %scan3A_292 = arith.addi %scan3A_290, %scan3A_291 : i32
    %scan3A_293 = arith.constant 1 : i32
    %scan3A_294 = scf.for %scan3A_378 = %scan3A_290 to %scan3A_292 step %scan3A_293 iter_args(%scan3A_379 = %scan3A_289) -> (i32)  : i32 {
      %mul3A_380 = arith.constant 1 : i32
      %mul3A_381 = arith.muli %scan3A_378, %mul3A_380 : i32
      %add3A_382 = arith.constant 0 : i32
      %add3A_383 = arith.addi %add3A_382, %mul3A_381 : i32
      %jit3A_384 = arith.constant 8 : i32
      %div3A_385 = arith.divsi %add3A_383, %jit3A_384 : i32
      %sign3A_386 = arith.constant 0 : i32
      %sign3A_387 = arith.cmpi sgt, %add3A_383, %sign3A_386 : i32
      %sign3A_388 = arith.extui %sign3A_387 : i1 to i32
      %sign3A_389 = arith.constant 0 : i32
      %sign3A_390 = arith.cmpi slt, %add3A_383, %sign3A_389 : i32
      %sign3A_391 = arith.extui %sign3A_390 : i1 to i32
      %sign3A_392 = arith.subi %sign3A_388, %sign3A_391 : i32
      %sign3A_393 = arith.constant 0 : i32
      %sign3A_394 = arith.cmpi sgt, %jit3A_384, %sign3A_393 : i32
      %sign3A_395 = arith.extui %sign3A_394 : i1 to i32
      %sign3A_396 = arith.constant 0 : i32
      %sign3A_397 = arith.cmpi slt, %jit3A_384, %sign3A_396 : i32
      %sign3A_398 = arith.extui %sign3A_397 : i1 to i32
      %sign3A_399 = arith.subi %sign3A_395, %sign3A_398 : i32
      %ne3A_400 = arith.cmpi ne, %sign3A_392, %sign3A_399 : i32
      %rem3A_401 = arith.remsi %add3A_383, %jit3A_384 : i32
      %ne3A_402 = arith.constant 0 : i32
      %ne3A_403 = arith.cmpi ne, %rem3A_401, %ne3A_402 : i32
      %and3A_404 = arith.andi %ne3A_400, %ne3A_403 : i1
      %sub3A_405 = arith.constant 1 : i32
      %sub3A_406 = arith.subi %div3A_385, %sub3A_405 : i32
      %select_n3A_407 = arith.select %and3A_404, %sub3A_406, %div3A_385 : i32
      %rem3A_408 = arith.constant 8 : i32
      %rem3A_409 = arith.remsi %add3A_383, %rem3A_408 : i32
      %mul3A_410 = arith.constant 16 : i32
      %mul3A_411 = arith.muli %mul3A_410, %rem3A_409 : i32
      %get3A = arith.index_cast %select_n3A_407 : i32 to index
      %get3A_412 = arith.index_cast %mul3A_411 : i32 to index
      %get3A_413 = tpu.vector_load %arg10[%get3A, %get3A_412] {strides = array<i32>} : memref<20x128xf32, #tpu.memory_space<vmem>>, vector<16xf32>,
      %gt3A_414 = arith.constant 5.000000e-01 : f32
      %gt3A_415 = vector.broadcast %gt3A_414 : f32 to vector<16xf32>
      %gt3A_416 = arith.cmpf ogt, %get3A_413, %gt3A_415 : vector<16xf32>
      %get3A_417 = arith.index_cast %select_n3A_407 : i32 to index
      %get3A_418 = arith.index_cast %mul3A_411 : i32 to index
      %get3A_419 = tpu.vector_load %arg8[%get3A_417, %get3A_418] {strides = array<i32>} : memref<20x128xi32, #tpu.memory_space<vmem>>, vector<16xi32>,
      %get3A_420 = arith.index_cast %select_n3A_407 : i32 to index
      %get3A_421 = arith.index_cast %mul3A_411 : i32 to index
      %get3A_422 = tpu.vector_load %arg9[%get3A_420, %get3A_421] {strides = array<i32>} : memref<20x128xi32, #tpu.memory_space<vmem>>, vector<16xi32>,
      %convert_element_type3A_423 = arith.extui %gt3A_416 : vector<16xi1> to vector<16xi32>
      %broadcast_in_dim3A = arith.constant true
      %broadcast_in_dim3A_424 = vector.broadcast %broadcast_in_dim3A : i1 to vector<16xi1>
      %masked_cumsum3A = tpu.scan <sum>, %convert_element_type3A_423 masked %broadcast_in_dim3A_424 : vector<16xi32>, vector<16xi1> -> vector<16xi32>
      %add3A_425 = vector.broadcast %scan3A_379 : i32 to vector<16xi32>
      %add3A_426 = arith.addi %add3A_425, %masked_cumsum3A : vector<16xi32>
      %sub3A_427 = arith.subi %add3A_426, %convert_element_type3A_423 : vector<16xi32>
      %jit3A_428 = arith.constant 64 : i32
      %div3A_429 = vector.broadcast %jit3A_428 : i32 to vector<16xi32>
      %div3A_430 = arith.divsi %sub3A_427, %div3A_429 : vector<16xi32>
      %sign3A_431 = arith.constant 0 : i32
      %sign3A_432 = vector.broadcast %sign3A_431 : i32 to vector<16xi32>
      %sign3A_433 = arith.cmpi sgt, %sub3A_427, %sign3A_432 : vector<16xi32>
      %sign3A_434 = arith.extui %sign3A_433 : vector<16xi1> to vector<16xi32>
      %sign3A_435 = arith.constant 0 : i32
      %sign3A_436 = vector.broadcast %sign3A_435 : i32 to vector<16xi32>
      %sign3A_437 = arith.cmpi slt, %sub3A_427, %sign3A_436 : vector<16xi32>
      %sign3A_438 = arith.extui %sign3A_437 : vector<16xi1> to vector<16xi32>
      %sign3A_439 = arith.subi %sign3A_434, %sign3A_438 : vector<16xi32>
      %sign3A_440 = arith.constant 0 : i32
      %sign3A_441 = arith.cmpi sgt, %jit3A_428, %sign3A_440 : i32
      %sign3A_442 = arith.extui %sign3A_441 : i1 to i32
      %sign3A_443 = arith.constant 0 : i32
      %sign3A_444 = arith.cmpi slt, %jit3A_428, %sign3A_443 : i32
      %sign3A_445 = arith.extui %sign3A_444 : i1 to i32
      %sign3A_446 = arith.subi %sign3A_442, %sign3A_445 : i32
      %ne3A_447 = vector.broadcast %sign3A_446 : i32 to vector<16xi32>
      %ne3A_448 = arith.cmpi ne, %sign3A_439, %ne3A_447 : vector<16xi32>
      %rem3A_449 = vector.broadcast %jit3A_428 : i32 to vector<16xi32>
      %rem3A_450 = arith.remsi %sub3A_427, %rem3A_449 : vector<16xi32>
      %ne3A_451 = arith.constant 0 : i32
      %ne3A_452 = vector.broadcast %ne3A_451 : i32 to vector<16xi32>
      %ne3A_453 = arith.cmpi ne, %rem3A_450, %ne3A_452 : vector<16xi32>
      %and3A_454 = arith.andi %ne3A_448, %ne3A_453 : vector<16xi1>
      %sub3A_455 = arith.constant 1 : i32
      %sub3A_456 = vector.broadcast %sub3A_455 : i32 to vector<16xi32>
      %sub3A_457 = arith.subi %div3A_430, %sub3A_456 : vector<16xi32>
      %select_n3A_458 = arith.select %and3A_454, %sub3A_457, %div3A_430 : vector<16xi1>, vector<16xi32>
      %rem3A_459 = arith.constant 64 : i32
      %rem3A_460 = vector.broadcast %rem3A_459 : i32 to vector<16xi32>
      %rem3A_461 = arith.remsi %sub3A_427, %rem3A_460 : vector<16xi32>
      tpu.vector_store_idx %arg11[%select_n3A_458, %rem3A_461], %get3A_419 masked %gt3A_416 : memref<41x64xi32, #tpu.memory_space<vmem>>[vector<16xi32>, vector<16xi32>], vector<16xi32>, vector<16xi1>
      tpu.vector_store_idx %arg12[%select_n3A_458, %rem3A_461], %get3A_422 masked %gt3A_416 : memref<41x64xi32, #tpu.memory_space<vmem>>[vector<16xi32>, vector<16xi32>], vector<16xi32>, vector<16xi1>
      %reduce_sum3A = arith.constant true
      %reduce_sum3A_462 = vector.broadcast %reduce_sum3A : i1 to vector<16xi1>
      %reduce_sum3A_463 = tpu.scan <sum>, %convert_element_type3A_423 masked %reduce_sum3A_462 : vector<16xi32>, vector<16xi1> -> vector<16xi32>
      %reduce_sum3A_464 = vector.extract %reduce_sum3A_463[15] : i32 from vector<16xi32>
      %add3A_465 = arith.addi %scan3A_379, %reduce_sum3A_464 : i32
      scf.yield %add3A_465 : i32
    }
    %scan3A_295 = arith.constant 160 : i32
    %rem3A_296 = arith.constant 64 : i32
    %rem3A_297 = arith.remsi %scan3A_294, %rem3A_296 : i32
    %sub3A_298 = arith.constant 64 : i32
    %sub3A_299 = arith.subi %sub3A_298, %rem3A_297 : i32
    %rem3A_300 = arith.constant 64 : i32
    %rem3A_301 = arith.remsi %sub3A_299, %rem3A_300 : i32
    %iota3A_302 = tpu.iota {dimensions = array<i32: 0>} : vector<16xi32>
    %gt3A_303 = arith.constant 0 : i32
    %gt3A_304 = arith.cmpi sgt, %rem3A_301, %gt3A_303 : i32
    %convert_element_type3A_305 = arith.extui %gt3A_304 : i1 to i32
    %cond3A_306 = arith.constant 0 : i32
    %cond3A_307 = arith.cmpi ne, %convert_element_type3A_305, %cond3A_306 : i32
    scf.if %cond3A_307 {
      %add3A_378 = arith.constant 0 : i32
      %add3A_379 = arith.addi %scan3A_294, %add3A_378 : i32
      %add3A_380 = vector.broadcast %add3A_379 : i32 to vector<16xi32>
      %add3A_381 = arith.addi %add3A_380, %iota3A_302 : vector<16xi32>
      %jit3A_382 = arith.constant 64 : i32
      %div3A_383 = vector.broadcast %jit3A_382 : i32 to vector<16xi32>
      %div3A_384 = arith.divsi %add3A_381, %div3A_383 : vector<16xi32>
      %sign3A_385 = arith.constant 0 : i32
      %sign3A_386 = vector.broadcast %sign3A_385 : i32 to vector<16xi32>
      %sign3A_387 = arith.cmpi sgt, %add3A_381, %sign3A_386 : vector<16xi32>
      %sign3A_388 = arith.extui %sign3A_387 : vector<16xi1> to vector<16xi32>
      %sign3A_389 = arith.constant 0 : i32
      %sign3A_390 = vector.broadcast %sign3A_389 : i32 to vector<16xi32>
      %sign3A_391 = arith.cmpi slt, %add3A_381, %sign3A_390 : vector<16xi32>
      %sign3A_392 = arith.extui %sign3A_391 : vector<16xi1> to vector<16xi32>
      %sign3A_393 = arith.subi %sign3A_388, %sign3A_392 : vector<16xi32>
      %sign3A_394 = arith.constant 0 : i32
      %sign3A_395 = arith.cmpi sgt, %jit3A_382, %sign3A_394 : i32
      %sign3A_396 = arith.extui %sign3A_395 : i1 to i32
      %sign3A_397 = arith.constant 0 : i32
      %sign3A_398 = arith.cmpi slt, %jit3A_382, %sign3A_397 : i32
      %sign3A_399 = arith.extui %sign3A_398 : i1 to i32
      %sign3A_400 = arith.subi %sign3A_396, %sign3A_399 : i32
      %ne3A_401 = vector.broadcast %sign3A_400 : i32 to vector<16xi32>
      %ne3A_402 = arith.cmpi ne, %sign3A_393, %ne3A_401 : vector<16xi32>
      %rem3A_403 = vector.broadcast %jit3A_382 : i32 to vector<16xi32>
      %rem3A_404 = arith.remsi %add3A_381, %rem3A_403 : vector<16xi32>
      %ne3A_405 = arith.constant 0 : i32
      %ne3A_406 = vector.broadcast %ne3A_405 : i32 to vector<16xi32>
      %ne3A_407 = arith.cmpi ne, %rem3A_404, %ne3A_406 : vector<16xi32>
      %and3A_408 = arith.andi %ne3A_402, %ne3A_407 : vector<16xi1>
      %sub3A_409 = arith.constant 1 : i32
      %sub3A_410 = vector.broadcast %sub3A_409 : i32 to vector<16xi32>
      %sub3A_411 = arith.subi %div3A_384, %sub3A_410 : vector<16xi32>
      %select_n3A_412 = arith.select %and3A_408, %sub3A_411, %div3A_384 : vector<16xi1>, vector<16xi32>
      %rem3A_413 = arith.constant 64 : i32
      %rem3A_414 = vector.broadcast %rem3A_413 : i32 to vector<16xi32>
      %rem3A_415 = arith.remsi %add3A_381, %rem3A_414 : vector<16xi32>
      %broadcast_in_dim3A = arith.constant 0 : i32
      %broadcast_in_dim3A_416 = vector.broadcast %broadcast_in_dim3A : i32 to vector<16xi32>
      tpu.vector_store_idx %arg11[%select_n3A_412, %rem3A_415], %broadcast_in_dim3A_416 : memref<41x64xi32, #tpu.memory_space<vmem>>[vector<16xi32>, vector<16xi32>], vector<16xi32>,
      %jit3A_417 = arith.constant 64 : i32
      %div3A_418 = vector.broadcast %jit3A_417 : i32 to vector<16xi32>
      %div3A_419 = arith.divsi %add3A_381, %div3A_418 : vector<16xi32>
      %sign3A_420 = arith.constant 0 : i32
      %sign3A_421 = vector.broadcast %sign3A_420 : i32 to vector<16xi32>
      %sign3A_422 = arith.cmpi sgt, %add3A_381, %sign3A_421 : vector<16xi32>
      %sign3A_423 = arith.extui %sign3A_422 : vector<16xi1> to vector<16xi32>
      %sign3A_424 = arith.constant 0 : i32
      %sign3A_425 = vector.broadcast %sign3A_424 : i32 to vector<16xi32>
      %sign3A_426 = arith.cmpi slt, %add3A_381, %sign3A_425 : vector<16xi32>
      %sign3A_427 = arith.extui %sign3A_426 : vector<16xi1> to vector<16xi32>
      %sign3A_428 = arith.subi %sign3A_423, %sign3A_427 : vector<16xi32>
      %sign3A_429 = arith.constant 0 : i32
      %sign3A_430 = arith.cmpi sgt, %jit3A_417, %sign3A_429 : i32
      %sign3A_431 = arith.extui %sign3A_430 : i1 to i32
      %sign3A_432 = arith.constant 0 : i32
      %sign3A_433 = arith.cmpi slt, %jit3A_417, %sign3A_432 : i32
      %sign3A_434 = arith.extui %sign3A_433 : i1 to i32
      %sign3A_435 = arith.subi %sign3A_431, %sign3A_434 : i32
      %ne3A_436 = vector.broadcast %sign3A_435 : i32 to vector<16xi32>
      %ne3A_437 = arith.cmpi ne, %sign3A_428, %ne3A_436 : vector<16xi32>
      %rem3A_438 = vector.broadcast %jit3A_417 : i32 to vector<16xi32>
      %rem3A_439 = arith.remsi %add3A_381, %rem3A_438 : vector<16xi32>
      %ne3A_440 = arith.constant 0 : i32
      %ne3A_441 = vector.broadcast %ne3A_440 : i32 to vector<16xi32>
      %ne3A_442 = arith.cmpi ne, %rem3A_439, %ne3A_441 : vector<16xi32>
      %and3A_443 = arith.andi %ne3A_437, %ne3A_442 : vector<16xi1>
      %sub3A_444 = arith.constant 1 : i32
      %sub3A_445 = vector.broadcast %sub3A_444 : i32 to vector<16xi32>
      %sub3A_446 = arith.subi %div3A_419, %sub3A_445 : vector<16xi32>
      %select_n3A_447 = arith.select %and3A_443, %sub3A_446, %div3A_419 : vector<16xi1>, vector<16xi32>
      %rem3A_448 = arith.constant 64 : i32
      %rem3A_449 = vector.broadcast %rem3A_448 : i32 to vector<16xi32>
      %rem3A_450 = arith.remsi %add3A_381, %rem3A_449 : vector<16xi32>
      %broadcast_in_dim3A_451 = arith.constant 10000 : i32
      %broadcast_in_dim3A_452 = vector.broadcast %broadcast_in_dim3A_451 : i32 to vector<16xi32>
      tpu.vector_store_idx %arg12[%select_n3A_447, %rem3A_450], %broadcast_in_dim3A_452 : memref<41x64xi32, #tpu.memory_space<vmem>>[vector<16xi32>, vector<16xi32>], vector<16xi32>,
    } else {
    }
    %gt3A_308 = arith.constant 16 : i32
    %gt3A_309 = arith.cmpi sgt, %rem3A_301, %gt3A_308 : i32
    %convert_element_type3A_310 = arith.extui %gt3A_309 : i1 to i32
    %cond3A_311 = arith.constant 0 : i32
    %cond3A_312 = arith.cmpi ne, %convert_element_type3A_310, %cond3A_311 : i32
    scf.if %cond3A_312 {
      %add3A_378 = arith.constant 16 : i32
      %add3A_379 = arith.addi %scan3A_294, %add3A_378 : i32
      %add3A_380 = vector.broadcast %add3A_379 : i32 to vector<16xi32>
      %add3A_381 = arith.addi %add3A_380, %iota3A_302 : vector<16xi32>
      %jit3A_382 = arith.constant 64 : i32
      %div3A_383 = vector.broadcast %jit3A_382 : i32 to vector<16xi32>
      %div3A_384 = arith.divsi %add3A_381, %div3A_383 : vector<16xi32>
      %sign3A_385 = arith.constant 0 : i32
      %sign3A_386 = vector.broadcast %sign3A_385 : i32 to vector<16xi32>
      %sign3A_387 = arith.cmpi sgt, %add3A_381, %sign3A_386 : vector<16xi32>
      %sign3A_388 = arith.extui %sign3A_387 : vector<16xi1> to vector<16xi32>
      %sign3A_389 = arith.constant 0 : i32
      %sign3A_390 = vector.broadcast %sign3A_389 : i32 to vector<16xi32>
      %sign3A_391 = arith.cmpi slt, %add3A_381, %sign3A_390 : vector<16xi32>
      %sign3A_392 = arith.extui %sign3A_391 : vector<16xi1> to vector<16xi32>
      %sign3A_393 = arith.subi %sign3A_388, %sign3A_392 : vector<16xi32>
      %sign3A_394 = arith.constant 0 : i32
      %sign3A_395 = arith.cmpi sgt, %jit3A_382, %sign3A_394 : i32
      %sign3A_396 = arith.extui %sign3A_395 : i1 to i32
      %sign3A_397 = arith.constant 0 : i32
      %sign3A_398 = arith.cmpi slt, %jit3A_382, %sign3A_397 : i32
      %sign3A_399 = arith.extui %sign3A_398 : i1 to i32
      %sign3A_400 = arith.subi %sign3A_396, %sign3A_399 : i32
      %ne3A_401 = vector.broadcast %sign3A_400 : i32 to vector<16xi32>
      %ne3A_402 = arith.cmpi ne, %sign3A_393, %ne3A_401 : vector<16xi32>
      %rem3A_403 = vector.broadcast %jit3A_382 : i32 to vector<16xi32>
      %rem3A_404 = arith.remsi %add3A_381, %rem3A_403 : vector<16xi32>
      %ne3A_405 = arith.constant 0 : i32
      %ne3A_406 = vector.broadcast %ne3A_405 : i32 to vector<16xi32>
      %ne3A_407 = arith.cmpi ne, %rem3A_404, %ne3A_406 : vector<16xi32>
      %and3A_408 = arith.andi %ne3A_402, %ne3A_407 : vector<16xi1>
      %sub3A_409 = arith.constant 1 : i32
      %sub3A_410 = vector.broadcast %sub3A_409 : i32 to vector<16xi32>
      %sub3A_411 = arith.subi %div3A_384, %sub3A_410 : vector<16xi32>
      %select_n3A_412 = arith.select %and3A_408, %sub3A_411, %div3A_384 : vector<16xi1>, vector<16xi32>
      %rem3A_413 = arith.constant 64 : i32
      %rem3A_414 = vector.broadcast %rem3A_413 : i32 to vector<16xi32>
      %rem3A_415 = arith.remsi %add3A_381, %rem3A_414 : vector<16xi32>
      %broadcast_in_dim3A = arith.constant 0 : i32
      %broadcast_in_dim3A_416 = vector.broadcast %broadcast_in_dim3A : i32 to vector<16xi32>
      tpu.vector_store_idx %arg11[%select_n3A_412, %rem3A_415], %broadcast_in_dim3A_416 : memref<41x64xi32, #tpu.memory_space<vmem>>[vector<16xi32>, vector<16xi32>], vector<16xi32>,
      %jit3A_417 = arith.constant 64 : i32
      %div3A_418 = vector.broadcast %jit3A_417 : i32 to vector<16xi32>
      %div3A_419 = arith.divsi %add3A_381, %div3A_418 : vector<16xi32>
      %sign3A_420 = arith.constant 0 : i32
      %sign3A_421 = vector.broadcast %sign3A_420 : i32 to vector<16xi32>
      %sign3A_422 = arith.cmpi sgt, %add3A_381, %sign3A_421 : vector<16xi32>
      %sign3A_423 = arith.extui %sign3A_422 : vector<16xi1> to vector<16xi32>
      %sign3A_424 = arith.constant 0 : i32
      %sign3A_425 = vector.broadcast %sign3A_424 : i32 to vector<16xi32>
      %sign3A_426 = arith.cmpi slt, %add3A_381, %sign3A_425 : vector<16xi32>
      %sign3A_427 = arith.extui %sign3A_426 : vector<16xi1> to vector<16xi32>
      %sign3A_428 = arith.subi %sign3A_423, %sign3A_427 : vector<16xi32>
      %sign3A_429 = arith.constant 0 : i32
      %sign3A_430 = arith.cmpi sgt, %jit3A_417, %sign3A_429 : i32
      %sign3A_431 = arith.extui %sign3A_430 : i1 to i32
      %sign3A_432 = arith.constant 0 : i32
      %sign3A_433 = arith.cmpi slt, %jit3A_417, %sign3A_432 : i32
      %sign3A_434 = arith.extui %sign3A_433 : i1 to i32
      %sign3A_435 = arith.subi %sign3A_431, %sign3A_434 : i32
      %ne3A_436 = vector.broadcast %sign3A_435 : i32 to vector<16xi32>
      %ne3A_437 = arith.cmpi ne, %sign3A_428, %ne3A_436 : vector<16xi32>
      %rem3A_438 = vector.broadcast %jit3A_417 : i32 to vector<16xi32>
      %rem3A_439 = arith.remsi %add3A_381, %rem3A_438 : vector<16xi32>
      %ne3A_440 = arith.constant 0 : i32
      %ne3A_441 = vector.broadcast %ne3A_440 : i32 to vector<16xi32>
      %ne3A_442 = arith.cmpi ne, %rem3A_439, %ne3A_441 : vector<16xi32>
      %and3A_443 = arith.andi %ne3A_437, %ne3A_442 : vector<16xi1>
      %sub3A_444 = arith.constant 1 : i32
      %sub3A_445 = vector.broadcast %sub3A_444 : i32 to vector<16xi32>
      %sub3A_446 = arith.subi %div3A_419, %sub3A_445 : vector<16xi32>
      %select_n3A_447 = arith.select %and3A_443, %sub3A_446, %div3A_419 : vector<16xi1>, vector<16xi32>
      %rem3A_448 = arith.constant 64 : i32
      %rem3A_449 = vector.broadcast %rem3A_448 : i32 to vector<16xi32>
      %rem3A_450 = arith.remsi %add3A_381, %rem3A_449 : vector<16xi32>
      %broadcast_in_dim3A_451 = arith.constant 10000 : i32
      %broadcast_in_dim3A_452 = vector.broadcast %broadcast_in_dim3A_451 : i32 to vector<16xi32>
      tpu.vector_store_idx %arg12[%select_n3A_447, %rem3A_450], %broadcast_in_dim3A_452 : memref<41x64xi32, #tpu.memory_space<vmem>>[vector<16xi32>, vector<16xi32>], vector<16xi32>,
    } else {
    }
    %gt3A_313 = arith.constant 32 : i32
    %gt3A_314 = arith.cmpi sgt, %rem3A_301, %gt3A_313 : i32
    %convert_element_type3A_315 = arith.extui %gt3A_314 : i1 to i32
    %cond3A_316 = arith.constant 0 : i32
    %cond3A_317 = arith.cmpi ne, %convert_element_type3A_315, %cond3A_316 : i32
    scf.if %cond3A_317 {
      %add3A_378 = arith.constant 32 : i32
      %add3A_379 = arith.addi %scan3A_294, %add3A_378 : i32
      %add3A_380 = vector.broadcast %add3A_379 : i32 to vector<16xi32>
      %add3A_381 = arith.addi %add3A_380, %iota3A_302 : vector<16xi32>
      %jit3A_382 = arith.constant 64 : i32
      %div3A_383 = vector.broadcast %jit3A_382 : i32 to vector<16xi32>
      %div3A_384 = arith.divsi %add3A_381, %div3A_383 : vector<16xi32>
      %sign3A_385 = arith.constant 0 : i32
      %sign3A_386 = vector.broadcast %sign3A_385 : i32 to vector<16xi32>
      %sign3A_387 = arith.cmpi sgt, %add3A_381, %sign3A_386 : vector<16xi32>
      %sign3A_388 = arith.extui %sign3A_387 : vector<16xi1> to vector<16xi32>
      %sign3A_389 = arith.constant 0 : i32
      %sign3A_390 = vector.broadcast %sign3A_389 : i32 to vector<16xi32>
      %sign3A_391 = arith.cmpi slt, %add3A_381, %sign3A_390 : vector<16xi32>
      %sign3A_392 = arith.extui %sign3A_391 : vector<16xi1> to vector<16xi32>
      %sign3A_393 = arith.subi %sign3A_388, %sign3A_392 : vector<16xi32>
      %sign3A_394 = arith.constant 0 : i32
      %sign3A_395 = arith.cmpi sgt, %jit3A_382, %sign3A_394 : i32
      %sign3A_396 = arith.extui %sign3A_395 : i1 to i32
      %sign3A_397 = arith.constant 0 : i32
      %sign3A_398 = arith.cmpi slt, %jit3A_382, %sign3A_397 : i32
      %sign3A_399 = arith.extui %sign3A_398 : i1 to i32
      %sign3A_400 = arith.subi %sign3A_396, %sign3A_399 : i32
      %ne3A_401 = vector.broadcast %sign3A_400 : i32 to vector<16xi32>
      %ne3A_402 = arith.cmpi ne, %sign3A_393, %ne3A_401 : vector<16xi32>
      %rem3A_403 = vector.broadcast %jit3A_382 : i32 to vector<16xi32>
      %rem3A_404 = arith.remsi %add3A_381, %rem3A_403 : vector<16xi32>
      %ne3A_405 = arith.constant 0 : i32
      %ne3A_406 = vector.broadcast %ne3A_405 : i32 to vector<16xi32>
      %ne3A_407 = arith.cmpi ne, %rem3A_404, %ne3A_406 : vector<16xi32>
      %and3A_408 = arith.andi %ne3A_402, %ne3A_407 : vector<16xi1>
      %sub3A_409 = arith.constant 1 : i32
      %sub3A_410 = vector.broadcast %sub3A_409 : i32 to vector<16xi32>
      %sub3A_411 = arith.subi %div3A_384, %sub3A_410 : vector<16xi32>
      %select_n3A_412 = arith.select %and3A_408, %sub3A_411, %div3A_384 : vector<16xi1>, vector<16xi32>
      %rem3A_413 = arith.constant 64 : i32
      %rem3A_414 = vector.broadcast %rem3A_413 : i32 to vector<16xi32>
      %rem3A_415 = arith.remsi %add3A_381, %rem3A_414 : vector<16xi32>
      %broadcast_in_dim3A = arith.constant 0 : i32
      %broadcast_in_dim3A_416 = vector.broadcast %broadcast_in_dim3A : i32 to vector<16xi32>
      tpu.vector_store_idx %arg11[%select_n3A_412, %rem3A_415], %broadcast_in_dim3A_416 : memref<41x64xi32, #tpu.memory_space<vmem>>[vector<16xi32>, vector<16xi32>], vector<16xi32>,
      %jit3A_417 = arith.constant 64 : i32
      %div3A_418 = vector.broadcast %jit3A_417 : i32 to vector<16xi32>
      %div3A_419 = arith.divsi %add3A_381, %div3A_418 : vector<16xi32>
      %sign3A_420 = arith.constant 0 : i32
      %sign3A_421 = vector.broadcast %sign3A_420 : i32 to vector<16xi32>
      %sign3A_422 = arith.cmpi sgt, %add3A_381, %sign3A_421 : vector<16xi32>
      %sign3A_423 = arith.extui %sign3A_422 : vector<16xi1> to vector<16xi32>
      %sign3A_424 = arith.constant 0 : i32
      %sign3A_425 = vector.broadcast %sign3A_424 : i32 to vector<16xi32>
      %sign3A_426 = arith.cmpi slt, %add3A_381, %sign3A_425 : vector<16xi32>
      %sign3A_427 = arith.extui %sign3A_426 : vector<16xi1> to vector<16xi32>
      %sign3A_428 = arith.subi %sign3A_423, %sign3A_427 : vector<16xi32>
      %sign3A_429 = arith.constant 0 : i32
      %sign3A_430 = arith.cmpi sgt, %jit3A_417, %sign3A_429 : i32
      %sign3A_431 = arith.extui %sign3A_430 : i1 to i32
      %sign3A_432 = arith.constant 0 : i32
      %sign3A_433 = arith.cmpi slt, %jit3A_417, %sign3A_432 : i32
      %sign3A_434 = arith.extui %sign3A_433 : i1 to i32
      %sign3A_435 = arith.subi %sign3A_431, %sign3A_434 : i32
      %ne3A_436 = vector.broadcast %sign3A_435 : i32 to vector<16xi32>
      %ne3A_437 = arith.cmpi ne, %sign3A_428, %ne3A_436 : vector<16xi32>
      %rem3A_438 = vector.broadcast %jit3A_417 : i32 to vector<16xi32>
      %rem3A_439 = arith.remsi %add3A_381, %rem3A_438 : vector<16xi32>
      %ne3A_440 = arith.constant 0 : i32
      %ne3A_441 = vector.broadcast %ne3A_440 : i32 to vector<16xi32>
      %ne3A_442 = arith.cmpi ne, %rem3A_439, %ne3A_441 : vector<16xi32>
      %and3A_443 = arith.andi %ne3A_437, %ne3A_442 : vector<16xi1>
      %sub3A_444 = arith.constant 1 : i32
      %sub3A_445 = vector.broadcast %sub3A_444 : i32 to vector<16xi32>
      %sub3A_446 = arith.subi %div3A_419, %sub3A_445 : vector<16xi32>
      %select_n3A_447 = arith.select %and3A_443, %sub3A_446, %div3A_419 : vector<16xi1>, vector<16xi32>
      %rem3A_448 = arith.constant 64 : i32
      %rem3A_449 = vector.broadcast %rem3A_448 : i32 to vector<16xi32>
      %rem3A_450 = arith.remsi %add3A_381, %rem3A_449 : vector<16xi32>
      %broadcast_in_dim3A_451 = arith.constant 10000 : i32
      %broadcast_in_dim3A_452 = vector.broadcast %broadcast_in_dim3A_451 : i32 to vector<16xi32>
      tpu.vector_store_idx %arg12[%select_n3A_447, %rem3A_450], %broadcast_in_dim3A_452 : memref<41x64xi32, #tpu.memory_space<vmem>>[vector<16xi32>, vector<16xi32>], vector<16xi32>,
    } else {
    }
    %gt3A_318 = arith.constant 48 : i32
    %gt3A_319 = arith.cmpi sgt, %rem3A_301, %gt3A_318 : i32
    %convert_element_type3A_320 = arith.extui %gt3A_319 : i1 to i32
    %cond3A_321 = arith.constant 0 : i32
    %cond3A_322 = arith.cmpi ne, %convert_element_type3A_320, %cond3A_321 : i32
    scf.if %cond3A_322 {
      %add3A_378 = arith.constant 48 : i32
      %add3A_379 = arith.addi %scan3A_294, %add3A_378 : i32
      %add3A_380 = vector.broadcast %add3A_379 : i32 to vector<16xi32>
      %add3A_381 = arith.addi %add3A_380, %iota3A_302 : vector<16xi32>
      %jit3A_382 = arith.constant 64 : i32
      %div3A_383 = vector.broadcast %jit3A_382 : i32 to vector<16xi32>
      %div3A_384 = arith.divsi %add3A_381, %div3A_383 : vector<16xi32>
      %sign3A_385 = arith.constant 0 : i32
      %sign3A_386 = vector.broadcast %sign3A_385 : i32 to vector<16xi32>
      %sign3A_387 = arith.cmpi sgt, %add3A_381, %sign3A_386 : vector<16xi32>
      %sign3A_388 = arith.extui %sign3A_387 : vector<16xi1> to vector<16xi32>
      %sign3A_389 = arith.constant 0 : i32
      %sign3A_390 = vector.broadcast %sign3A_389 : i32 to vector<16xi32>
      %sign3A_391 = arith.cmpi slt, %add3A_381, %sign3A_390 : vector<16xi32>
      %sign3A_392 = arith.extui %sign3A_391 : vector<16xi1> to vector<16xi32>
      %sign3A_393 = arith.subi %sign3A_388, %sign3A_392 : vector<16xi32>
      %sign3A_394 = arith.constant 0 : i32
      %sign3A_395 = arith.cmpi sgt, %jit3A_382, %sign3A_394 : i32
      %sign3A_396 = arith.extui %sign3A_395 : i1 to i32
      %sign3A_397 = arith.constant 0 : i32
      %sign3A_398 = arith.cmpi slt, %jit3A_382, %sign3A_397 : i32
      %sign3A_399 = arith.extui %sign3A_398 : i1 to i32
      %sign3A_400 = arith.subi %sign3A_396, %sign3A_399 : i32
      %ne3A_401 = vector.broadcast %sign3A_400 : i32 to vector<16xi32>
      %ne3A_402 = arith.cmpi ne, %sign3A_393, %ne3A_401 : vector<16xi32>
      %rem3A_403 = vector.broadcast %jit3A_382 : i32 to vector<16xi32>
      %rem3A_404 = arith.remsi %add3A_381, %rem3A_403 : vector<16xi32>
      %ne3A_405 = arith.constant 0 : i32
      %ne3A_406 = vector.broadcast %ne3A_405 : i32 to vector<16xi32>
      %ne3A_407 = arith.cmpi ne, %rem3A_404, %ne3A_406 : vector<16xi32>
      %and3A_408 = arith.andi %ne3A_402, %ne3A_407 : vector<16xi1>
      %sub3A_409 = arith.constant 1 : i32
      %sub3A_410 = vector.broadcast %sub3A_409 : i32 to vector<16xi32>
      %sub3A_411 = arith.subi %div3A_384, %sub3A_410 : vector<16xi32>
      %select_n3A_412 = arith.select %and3A_408, %sub3A_411, %div3A_384 : vector<16xi1>, vector<16xi32>
      %rem3A_413 = arith.constant 64 : i32
      %rem3A_414 = vector.broadcast %rem3A_413 : i32 to vector<16xi32>
      %rem3A_415 = arith.remsi %add3A_381, %rem3A_414 : vector<16xi32>
      %broadcast_in_dim3A = arith.constant 0 : i32
      %broadcast_in_dim3A_416 = vector.broadcast %broadcast_in_dim3A : i32 to vector<16xi32>
      tpu.vector_store_idx %arg11[%select_n3A_412, %rem3A_415], %broadcast_in_dim3A_416 : memref<41x64xi32, #tpu.memory_space<vmem>>[vector<16xi32>, vector<16xi32>], vector<16xi32>,
      %jit3A_417 = arith.constant 64 : i32
      %div3A_418 = vector.broadcast %jit3A_417 : i32 to vector<16xi32>
      %div3A_419 = arith.divsi %add3A_381, %div3A_418 : vector<16xi32>
      %sign3A_420 = arith.constant 0 : i32
      %sign3A_421 = vector.broadcast %sign3A_420 : i32 to vector<16xi32>
      %sign3A_422 = arith.cmpi sgt, %add3A_381, %sign3A_421 : vector<16xi32>
      %sign3A_423 = arith.extui %sign3A_422 : vector<16xi1> to vector<16xi32>
      %sign3A_424 = arith.constant 0 : i32
      %sign3A_425 = vector.broadcast %sign3A_424 : i32 to vector<16xi32>
      %sign3A_426 = arith.cmpi slt, %add3A_381, %sign3A_425 : vector<16xi32>
      %sign3A_427 = arith.extui %sign3A_426 : vector<16xi1> to vector<16xi32>
      %sign3A_428 = arith.subi %sign3A_423, %sign3A_427 : vector<16xi32>
      %sign3A_429 = arith.constant 0 : i32
      %sign3A_430 = arith.cmpi sgt, %jit3A_417, %sign3A_429 : i32
      %sign3A_431 = arith.extui %sign3A_430 : i1 to i32
      %sign3A_432 = arith.constant 0 : i32
      %sign3A_433 = arith.cmpi slt, %jit3A_417, %sign3A_432 : i32
      %sign3A_434 = arith.extui %sign3A_433 : i1 to i32
      %sign3A_435 = arith.subi %sign3A_431, %sign3A_434 : i32
      %ne3A_436 = vector.broadcast %sign3A_435 : i32 to vector<16xi32>
      %ne3A_437 = arith.cmpi ne, %sign3A_428, %ne3A_436 : vector<16xi32>
      %rem3A_438 = vector.broadcast %jit3A_417 : i32 to vector<16xi32>
      %rem3A_439 = arith.remsi %add3A_381, %rem3A_438 : vector<16xi32>
      %ne3A_440 = arith.constant 0 : i32
      %ne3A_441 = vector.broadcast %ne3A_440 : i32 to vector<16xi32>
      %ne3A_442 = arith.cmpi ne, %rem3A_439, %ne3A_441 : vector<16xi32>
      %and3A_443 = arith.andi %ne3A_437, %ne3A_442 : vector<16xi1>
      %sub3A_444 = arith.constant 1 : i32
      %sub3A_445 = vector.broadcast %sub3A_444 : i32 to vector<16xi32>
      %sub3A_446 = arith.subi %div3A_419, %sub3A_445 : vector<16xi32>
      %select_n3A_447 = arith.select %and3A_443, %sub3A_446, %div3A_419 : vector<16xi1>, vector<16xi32>
      %rem3A_448 = arith.constant 64 : i32
      %rem3A_449 = vector.broadcast %rem3A_448 : i32 to vector<16xi32>
      %rem3A_450 = arith.remsi %add3A_381, %rem3A_449 : vector<16xi32>
      %broadcast_in_dim3A_451 = arith.constant 10000 : i32
      %broadcast_in_dim3A_452 = vector.broadcast %broadcast_in_dim3A_451 : i32 to vector<16xi32>
      tpu.vector_store_idx %arg12[%select_n3A_447, %rem3A_450], %broadcast_in_dim3A_452 : memref<41x64xi32, #tpu.memory_space<vmem>>[vector<16xi32>, vector<16xi32>], vector<16xi32>,
    } else {
    }
    %add3A_323 = arith.addi %scan3A_294, %rem3A_301 : i32
    %jit3A_324 = arith.constant 64 : i32
    %div3A_325 = arith.divsi %add3A_323, %jit3A_324 : i32
    %sign3A_326 = arith.constant 0 : i32
    %sign3A_327 = arith.cmpi sgt, %add3A_323, %sign3A_326 : i32
    %sign3A_328 = arith.extui %sign3A_327 : i1 to i32
    %sign3A_329 = arith.constant 0 : i32
    %sign3A_330 = arith.cmpi slt, %add3A_323, %sign3A_329 : i32
    %sign3A_331 = arith.extui %sign3A_330 : i1 to i32
    %sign3A_332 = arith.subi %sign3A_328, %sign3A_331 : i32
    %sign3A_333 = arith.constant 0 : i32
    %sign3A_334 = arith.cmpi sgt, %jit3A_324, %sign3A_333 : i32
    %sign3A_335 = arith.extui %sign3A_334 : i1 to i32
    %sign3A_336 = arith.constant 0 : i32
    %sign3A_337 = arith.cmpi slt, %jit3A_324, %sign3A_336 : i32
    %sign3A_338 = arith.extui %sign3A_337 : i1 to i32
    %sign3A_339 = arith.subi %sign3A_335, %sign3A_338 : i32
    %ne3A_340 = arith.cmpi ne, %sign3A_332, %sign3A_339 : i32
    %rem3A_341 = arith.remsi %add3A_323, %jit3A_324 : i32
    %ne3A_342 = arith.constant 0 : i32
    %ne3A_343 = arith.cmpi ne, %rem3A_341, %ne3A_342 : i32
    %and3A_344 = arith.andi %ne3A_340, %ne3A_343 : i1
    %sub3A_345 = arith.constant 1 : i32
    %sub3A_346 = arith.subi %div3A_325, %sub3A_345 : i32
    %select_n3A_347 = arith.select %and3A_344, %sub3A_346, %div3A_325 : i32
    %gt3A_348 = arith.constant 0 : i32
    %gt3A_349 = arith.cmpi sgt, %select_n3A_347, %gt3A_348 : i32
    %convert_element_type3A_350 = arith.extui %gt3A_349 : i1 to i32
    %cond3A_351 = arith.constant 0 : i32
    %cond3A_352 = arith.cmpi ne, %convert_element_type3A_350, %cond3A_351 : i32
    scf.if %cond3A_352 {
      %dma_start3A = arith.constant 0 : i32
      %dma_start3A_378 = arith.constant 0 : i32
      %dma_start3A_379 = tpu.memref_slice %arg11[%dma_start3A, %dma_start3A_378] : memref<41x64xi32, #tpu.memory_space<vmem>> -> memref<1x64xi32, #tpu.memory_space<vmem>>
      %dma_start3A_380 = tpu.memref_squeeze %dma_start3A_379 : memref<1x64xi32, #tpu.memory_space<vmem>> -> memref<64xi32, #tpu.memory_space<vmem>>
      %dma_start3A_381 = arith.constant 0 : i32
      %dma_start3A_382 = arith.constant 0 : i32
      %dma_start3A_383 = tpu.memref_slice %arg4[%dma_start3A_381, %dma_start3A_382] : memref<10000x128xf32, #tpu.memory_space<hbm>> -> memref<10000x128xf32, #tpu.memory_space<hbm>>
      tpu.enqueue_indirect_dma source(%dma_start3A_383 : memref<10000x128xf32, #tpu.memory_space<hbm>>) target(%arg13 : memref<64x128xf32, #tpu.memory_space<vmem>>) offsets(%dma_start3A_380 : memref<64xi32, #tpu.memory_space<vmem>>) semaphore(%arg16 : memref<!tpu.dma_semaphore, #tpu.memory_space<semaphore_mem>>)
    } else {
    }
    %sub3A_353 = arith.constant 0 : i32
    %sub3A_354 = arith.subi %select_n3A_347, %sub3A_353 : i32
    %sub3A_355 = arith.constant 1 : i32
    %sub3A_356 = arith.constant 1 : i32
    %sub3A_357 = arith.subi %sub3A_355, %sub3A_356 : i32
    %add3A_358 = arith.addi %sub3A_354, %sub3A_357 : i32
    %div3A_359 = arith.constant 1 : i32
    %div3A_360 = arith.divsi %add3A_358, %div3A_359 : i32
    %while3A_361 = arith.constant 1 : i32
    %while3A_362 = arith.constant 0 : i32
    %while3A_363 = arith.constant 0 : i32
    %while3A_364 = arith.subi %div3A_360, %while3A_363 : i32
    %while3A_365 = arith.addi %while3A_363, %while3A_364 : i32
    %while3A_366 = arith.constant 1 : i32
    %while3A_367 = arith.divsi %while3A_364, %while3A_366 : i32
    %while3A_368 = arith.muli %while3A_367, %while3A_366 : i32
    %while3A_369 = arith.addi %while3A_363, %while3A_368 : i32
    %while3A_370 = arith.constant 1 : i32
    scf.for %while3A_378 = %while3A_363 to %while3A_369 step %while3A_370  : i32 {
      %mul3A_379 = arith.muli %while3A_378, %while3A_361 : i32
      %add3A_380 = arith.addi %while3A_362, %mul3A_379 : i32
      %rem3A_381 = arith.constant 2 : i32
      %rem3A_382 = arith.remsi %add3A_380, %rem3A_381 : i32
      %add3A_383 = arith.constant 1 : i32
      %add3A_384 = arith.addi %add3A_380, %add3A_383 : i32
      %lt3A = arith.cmpi slt, %add3A_384, %select_n3A_347 : i32
      %eq3A_385 = arith.constant 0 : i32
      %eq3A_386 = arith.cmpi eq, %rem3A_382, %eq3A_385 : i32
      %and3A_387 = arith.andi %lt3A, %eq3A_386 : i1
      %convert_element_type3A_388 = arith.extui %and3A_387 : i1 to i32
      %cond3A_389 = arith.constant 0 : i32
      %cond3A_390 = arith.cmpi ne, %convert_element_type3A_388, %cond3A_389 : i32
      scf.if %cond3A_390 {
        %add3A_407 = arith.constant 1 : i32
        %add3A_408 = arith.addi %add3A_380, %add3A_407 : i32
        %dma_start3A = arith.constant 0 : i32
        %dma_start3A_409 = tpu.memref_slice %arg11[%add3A_408, %dma_start3A] : memref<41x64xi32, #tpu.memory_space<vmem>> -> memref<1x64xi32, #tpu.memory_space<vmem>>
        %dma_start3A_410 = tpu.memref_squeeze %dma_start3A_409 : memref<1x64xi32, #tpu.memory_space<vmem>> -> memref<64xi32, #tpu.memory_space<vmem>>
        %dma_start3A_411 = arith.constant 0 : i32
        %dma_start3A_412 = arith.constant 0 : i32
        %dma_start3A_413 = tpu.memref_slice %arg4[%dma_start3A_411, %dma_start3A_412] : memref<10000x128xf32, #tpu.memory_space<hbm>> -> memref<10000x128xf32, #tpu.memory_space<hbm>>
        tpu.enqueue_indirect_dma source(%dma_start3A_413 : memref<10000x128xf32, #tpu.memory_space<hbm>>) target(%arg14 : memref<64x128xf32, #tpu.memory_space<vmem>>) offsets(%dma_start3A_410 : memref<64xi32, #tpu.memory_space<vmem>>) semaphore(%arg17 : memref<!tpu.dma_semaphore, #tpu.memory_space<semaphore_mem>>)
      } else {
      }
      %eq3A_391 = arith.constant 1 : i32
      %eq3A_392 = arith.cmpi eq, %rem3A_382, %eq3A_391 : i32
      %and3A_393 = arith.andi %lt3A, %eq3A_392 : i1
      %convert_element_type3A_394 = arith.extui %and3A_393 : i1 to i32
      %cond3A_395 = arith.constant 0 : i32
      %cond3A_396 = arith.cmpi ne, %convert_element_type3A_394, %cond3A_395 : i32
      scf.if %cond3A_396 {
        %add3A_407 = arith.constant 1 : i32
        %add3A_408 = arith.addi %add3A_380, %add3A_407 : i32
        %dma_start3A = arith.constant 0 : i32
        %dma_start3A_409 = tpu.memref_slice %arg11[%add3A_408, %dma_start3A] : memref<41x64xi32, #tpu.memory_space<vmem>> -> memref<1x64xi32, #tpu.memory_space<vmem>>
        %dma_start3A_410 = tpu.memref_squeeze %dma_start3A_409 : memref<1x64xi32, #tpu.memory_space<vmem>> -> memref<64xi32, #tpu.memory_space<vmem>>
        %dma_start3A_411 = arith.constant 0 : i32
        %dma_start3A_412 = arith.constant 0 : i32
        %dma_start3A_413 = tpu.memref_slice %arg4[%dma_start3A_411, %dma_start3A_412] : memref<10000x128xf32, #tpu.memory_space<hbm>> -> memref<10000x128xf32, #tpu.memory_space<hbm>>
        tpu.enqueue_indirect_dma source(%dma_start3A_413 : memref<10000x128xf32, #tpu.memory_space<hbm>>) target(%arg13 : memref<64x128xf32, #tpu.memory_space<vmem>>) offsets(%dma_start3A_410 : memref<64xi32, #tpu.memory_space<vmem>>) semaphore(%arg16 : memref<!tpu.dma_semaphore, #tpu.memory_space<semaphore_mem>>)
      } else {
      }
      %eq3A_397 = arith.constant 0 : i32
      %eq3A_398 = arith.cmpi eq, %rem3A_382, %eq3A_397 : i32
      %convert_element_type3A_399 = arith.extui %eq3A_398 : i1 to i32
      %cond3A_400 = arith.constant 0 : i32
      %cond3A_401 = arith.cmpi ne, %convert_element_type3A_399, %cond3A_400 : i32
      scf.if %cond3A_401 {
        %dma_wait3A = arith.constant 0 : i32
        %dma_wait3A_407 = arith.constant 0 : i32
        %dma_wait3A_408 = tpu.memref_slice %arg11[%dma_wait3A, %dma_wait3A_407] : memref<41x64xi32, #tpu.memory_space<vmem>> -> memref<1x64xi32, #tpu.memory_space<vmem>>
        %dma_wait3A_409 = tpu.memref_squeeze %dma_wait3A_408 : memref<1x64xi32, #tpu.memory_space<vmem>> -> memref<64xi32, #tpu.memory_space<vmem>>
        %dma_wait3A_410 = arith.constant 0 : i32
        %dma_wait3A_411 = arith.constant 0 : i32
        %dma_wait3A_412 = tpu.memref_slice %arg4[%dma_wait3A_410, %dma_wait3A_411] : memref<10000x128xf32, #tpu.memory_space<hbm>> -> memref<10000x128xf32, #tpu.memory_space<hbm>>
        tpu.wait_indirect_dma semaphore(%arg16 : memref<!tpu.dma_semaphore, #tpu.memory_space<semaphore_mem>>) src(%dma_wait3A_412 : memref<10000x128xf32, #tpu.memory_space<hbm>>) dst(%arg13 : memref<64x128xf32, #tpu.memory_space<vmem>>)
        "tpu.region"() ({
          %run_scoped3A_413 = tpu.sem_alloc : memref<!tpu.dma_semaphore, #tpu.memory_space<semaphore_mem>>
          %dma_start3A = arith.constant 0 : i32
          %dma_start3A_414 = tpu.memref_slice %arg12[%add3A_380, %dma_start3A] : memref<41x64xi32, #tpu.memory_space<vmem>> -> memref<1x64xi32, #tpu.memory_space<vmem>>
          %dma_start3A_415 = tpu.memref_squeeze %dma_start3A_414 : memref<1x64xi32, #tpu.memory_space<vmem>> -> memref<64xi32, #tpu.memory_space<vmem>>
          %dma_start3A_416 = arith.constant 0 : i32
          %dma_start3A_417 = arith.constant 0 : i32
          %dma_start3A_418 = tpu.memref_slice %arg15[%dma_start3A_416, %dma_start3A_417] : memref<10016x128xf32, #tpu.memory_space<vmem_shared>> -> memref<10016x128xf32, #tpu.memory_space<vmem_shared>>
          tpu.enqueue_indirect_dma source(%arg13 : memref<64x128xf32, #tpu.memory_space<vmem>>) target(%dma_start3A_418 : memref<10016x128xf32, #tpu.memory_space<vmem_shared>>) offsets(%dma_start3A_415 : memref<64xi32, #tpu.memory_space<vmem>>) semaphore(%run_scoped3A_413 : memref<!tpu.dma_semaphore, #tpu.memory_space<semaphore_mem>>) {add = true}
          %dma_wait3A_419 = arith.constant 0 : i32
          %dma_wait3A_420 = tpu.memref_slice %arg12[%add3A_380, %dma_wait3A_419] : memref<41x64xi32, #tpu.memory_space<vmem>> -> memref<1x64xi32, #tpu.memory_space<vmem>>
          %dma_wait3A_421 = tpu.memref_squeeze %dma_wait3A_420 : memref<1x64xi32, #tpu.memory_space<vmem>> -> memref<64xi32, #tpu.memory_space<vmem>>
          %dma_wait3A_422 = arith.constant 0 : i32
          %dma_wait3A_423 = arith.constant 0 : i32
          %dma_wait3A_424 = tpu.memref_slice %arg15[%dma_wait3A_422, %dma_wait3A_423] : memref<10016x128xf32, #tpu.memory_space<vmem_shared>> -> memref<10016x128xf32, #tpu.memory_space<vmem_shared>>
          tpu.wait_indirect_dma semaphore(%run_scoped3A_413 : memref<!tpu.dma_semaphore, #tpu.memory_space<semaphore_mem>>) src(%arg13 : memref<64x128xf32, #tpu.memory_space<vmem>>) dst(%dma_wait3A_424 : memref<10016x128xf32, #tpu.memory_space<vmem_shared>>)
          tpu.yield
        }) : () -> ()
      } else {
      }
      %eq3A_402 = arith.constant 1 : i32
      %eq3A_403 = arith.cmpi eq, %rem3A_382, %eq3A_402 : i32
      %convert_element_type3A_404 = arith.extui %eq3A_403 : i1 to i32
      %cond3A_405 = arith.constant 0 : i32
      %cond3A_406 = arith.cmpi ne, %convert_element_type3A_404, %cond3A_405 : i32
      scf.if %cond3A_406 {
        %dma_wait3A = arith.constant 0 : i32
        %dma_wait3A_407 = arith.constant 0 : i32
        %dma_wait3A_408 = tpu.memref_slice %arg11[%dma_wait3A, %dma_wait3A_407] : memref<41x64xi32, #tpu.memory_space<vmem>> -> memref<1x64xi32, #tpu.memory_space<vmem>>
        %dma_wait3A_409 = tpu.memref_squeeze %dma_wait3A_408 : memref<1x64xi32, #tpu.memory_space<vmem>> -> memref<64xi32, #tpu.memory_space<vmem>>
        %dma_wait3A_410 = arith.constant 0 : i32
        %dma_wait3A_411 = arith.constant 0 : i32
        %dma_wait3A_412 = tpu.memref_slice %arg4[%dma_wait3A_410, %dma_wait3A_411] : memref<10000x128xf32, #tpu.memory_space<hbm>> -> memref<10000x128xf32, #tpu.memory_space<hbm>>
        tpu.wait_indirect_dma semaphore(%arg17 : memref<!tpu.dma_semaphore, #tpu.memory_space<semaphore_mem>>) src(%dma_wait3A_412 : memref<10000x128xf32, #tpu.memory_space<hbm>>) dst(%arg14 : memref<64x128xf32, #tpu.memory_space<vmem>>)
        "tpu.region"() ({
          %run_scoped3A_413 = tpu.sem_alloc : memref<!tpu.dma_semaphore, #tpu.memory_space<semaphore_mem>>
          %dma_start3A = arith.constant 0 : i32
          %dma_start3A_414 = tpu.memref_slice %arg12[%add3A_380, %dma_start3A] : memref<41x64xi32, #tpu.memory_space<vmem>> -> memref<1x64xi32, #tpu.memory_space<vmem>>
          %dma_start3A_415 = tpu.memref_squeeze %dma_start3A_414 : memref<1x64xi32, #tpu.memory_space<vmem>> -> memref<64xi32, #tpu.memory_space<vmem>>
          %dma_start3A_416 = arith.constant 0 : i32
          %dma_start3A_417 = arith.constant 0 : i32
          %dma_start3A_418 = tpu.memref_slice %arg15[%dma_start3A_416, %dma_start3A_417] : memref<10016x128xf32, #tpu.memory_space<vmem_shared>> -> memref<10016x128xf32, #tpu.memory_space<vmem_shared>>
          tpu.enqueue_indirect_dma source(%arg14 : memref<64x128xf32, #tpu.memory_space<vmem>>) target(%dma_start3A_418 : memref<10016x128xf32, #tpu.memory_space<vmem_shared>>) offsets(%dma_start3A_415 : memref<64xi32, #tpu.memory_space<vmem>>) semaphore(%run_scoped3A_413 : memref<!tpu.dma_semaphore, #tpu.memory_space<semaphore_mem>>) {add = true}
          %dma_wait3A_419 = arith.constant 0 : i32
          %dma_wait3A_420 = tpu.memref_slice %arg12[%add3A_380, %dma_wait3A_419] : memref<41x64xi32, #tpu.memory_space<vmem>> -> memref<1x64xi32, #tpu.memory_space<vmem>>
          %dma_wait3A_421 = tpu.memref_squeeze %dma_wait3A_420 : memref<1x64xi32, #tpu.memory_space<vmem>> -> memref<64xi32, #tpu.memory_space<vmem>>
          %dma_wait3A_422 = arith.constant 0 : i32
          %dma_wait3A_423 = arith.constant 0 : i32
          %dma_wait3A_424 = tpu.memref_slice %arg15[%dma_wait3A_422, %dma_wait3A_423] : memref<10016x128xf32, #tpu.memory_space<vmem_shared>> -> memref<10016x128xf32, #tpu.memory_space<vmem_shared>>
          tpu.wait_indirect_dma semaphore(%run_scoped3A_413 : memref<!tpu.dma_semaphore, #tpu.memory_space<semaphore_mem>>) src(%arg14 : memref<64x128xf32, #tpu.memory_space<vmem>>) dst(%dma_wait3A_424 : memref<10016x128xf32, #tpu.memory_space<vmem_shared>>)
          tpu.yield
        }) : () -> ()
      } else {
      }
    }
    %while3A_371 = arith.constant 1 : i32
    scf.for %while3A_378 = %while3A_369 to %while3A_365 step %while3A_371  : i32 {
      %mul3A_379 = arith.muli %while3A_378, %while3A_361 : i32
      %add3A_380 = arith.addi %while3A_362, %mul3A_379 : i32
      %rem3A_381 = arith.constant 2 : i32
      %rem3A_382 = arith.remsi %add3A_380, %rem3A_381 : i32
      %add3A_383 = arith.constant 1 : i32
      %add3A_384 = arith.addi %add3A_380, %add3A_383 : i32
      %lt3A = arith.cmpi slt, %add3A_384, %select_n3A_347 : i32
      %eq3A_385 = arith.constant 0 : i32
      %eq3A_386 = arith.cmpi eq, %rem3A_382, %eq3A_385 : i32
      %and3A_387 = arith.andi %lt3A, %eq3A_386 : i1
      %convert_element_type3A_388 = arith.extui %and3A_387 : i1 to i32
      %cond3A_389 = arith.constant 0 : i32
      %cond3A_390 = arith.cmpi ne, %convert_element_type3A_388, %cond3A_389 : i32
      scf.if %cond3A_390 {
        %add3A_407 = arith.constant 1 : i32
        %add3A_408 = arith.addi %add3A_380, %add3A_407 : i32
        %dma_start3A = arith.constant 0 : i32
        %dma_start3A_409 = tpu.memref_slice %arg11[%add3A_408, %dma_start3A] : memref<41x64xi32, #tpu.memory_space<vmem>> -> memref<1x64xi32, #tpu.memory_space<vmem>>
        %dma_start3A_410 = tpu.memref_squeeze %dma_start3A_409 : memref<1x64xi32, #tpu.memory_space<vmem>> -> memref<64xi32, #tpu.memory_space<vmem>>
        %dma_start3A_411 = arith.constant 0 : i32
        %dma_start3A_412 = arith.constant 0 : i32
        %dma_start3A_413 = tpu.memref_slice %arg4[%dma_start3A_411, %dma_start3A_412] : memref<10000x128xf32, #tpu.memory_space<hbm>> -> memref<10000x128xf32, #tpu.memory_space<hbm>>
        tpu.enqueue_indirect_dma source(%dma_start3A_413 : memref<10000x128xf32, #tpu.memory_space<hbm>>) target(%arg14 : memref<64x128xf32, #tpu.memory_space<vmem>>) offsets(%dma_start3A_410 : memref<64xi32, #tpu.memory_space<vmem>>) semaphore(%arg17 : memref<!tpu.dma_semaphore, #tpu.memory_space<semaphore_mem>>)
      } else {
      }
      %eq3A_391 = arith.constant 1 : i32
      %eq3A_392 = arith.cmpi eq, %rem3A_382, %eq3A_391 : i32
      %and3A_393 = arith.andi %lt3A, %eq3A_392 : i1
      %convert_element_type3A_394 = arith.extui %and3A_393 : i1 to i32
      %cond3A_395 = arith.constant 0 : i32
      %cond3A_396 = arith.cmpi ne, %convert_element_type3A_394, %cond3A_395 : i32
      scf.if %cond3A_396 {
        %add3A_407 = arith.constant 1 : i32
        %add3A_408 = arith.addi %add3A_380, %add3A_407 : i32
        %dma_start3A = arith.constant 0 : i32
        %dma_start3A_409 = tpu.memref_slice %arg11[%add3A_408, %dma_start3A] : memref<41x64xi32, #tpu.memory_space<vmem>> -> memref<1x64xi32, #tpu.memory_space<vmem>>
        %dma_start3A_410 = tpu.memref_squeeze %dma_start3A_409 : memref<1x64xi32, #tpu.memory_space<vmem>> -> memref<64xi32, #tpu.memory_space<vmem>>
        %dma_start3A_411 = arith.constant 0 : i32
        %dma_start3A_412 = arith.constant 0 : i32
        %dma_start3A_413 = tpu.memref_slice %arg4[%dma_start3A_411, %dma_start3A_412] : memref<10000x128xf32, #tpu.memory_space<hbm>> -> memref<10000x128xf32, #tpu.memory_space<hbm>>
        tpu.enqueue_indirect_dma source(%dma_start3A_413 : memref<10000x128xf32, #tpu.memory_space<hbm>>) target(%arg13 : memref<64x128xf32, #tpu.memory_space<vmem>>) offsets(%dma_start3A_410 : memref<64xi32, #tpu.memory_space<vmem>>) semaphore(%arg16 : memref<!tpu.dma_semaphore, #tpu.memory_space<semaphore_mem>>)
      } else {
      }
      %eq3A_397 = arith.constant 0 : i32
      %eq3A_398 = arith.cmpi eq, %rem3A_382, %eq3A_397 : i32
      %convert_element_type3A_399 = arith.extui %eq3A_398 : i1 to i32
      %cond3A_400 = arith.constant 0 : i32
      %cond3A_401 = arith.cmpi ne, %convert_element_type3A_399, %cond3A_400 : i32
      scf.if %cond3A_401 {
        %dma_wait3A = arith.constant 0 : i32
        %dma_wait3A_407 = arith.constant 0 : i32
        %dma_wait3A_408 = tpu.memref_slice %arg11[%dma_wait3A, %dma_wait3A_407] : memref<41x64xi32, #tpu.memory_space<vmem>> -> memref<1x64xi32, #tpu.memory_space<vmem>>
        %dma_wait3A_409 = tpu.memref_squeeze %dma_wait3A_408 : memref<1x64xi32, #tpu.memory_space<vmem>> -> memref<64xi32, #tpu.memory_space<vmem>>
        %dma_wait3A_410 = arith.constant 0 : i32
        %dma_wait3A_411 = arith.constant 0 : i32
        %dma_wait3A_412 = tpu.memref_slice %arg4[%dma_wait3A_410, %dma_wait3A_411] : memref<10000x128xf32, #tpu.memory_space<hbm>> -> memref<10000x128xf32, #tpu.memory_space<hbm>>
        tpu.wait_indirect_dma semaphore(%arg16 : memref<!tpu.dma_semaphore, #tpu.memory_space<semaphore_mem>>) src(%dma_wait3A_412 : memref<10000x128xf32, #tpu.memory_space<hbm>>) dst(%arg13 : memref<64x128xf32, #tpu.memory_space<vmem>>)
        "tpu.region"() ({
          %run_scoped3A_413 = tpu.sem_alloc : memref<!tpu.dma_semaphore, #tpu.memory_space<semaphore_mem>>
          %dma_start3A = arith.constant 0 : i32
          %dma_start3A_414 = tpu.memref_slice %arg12[%add3A_380, %dma_start3A] : memref<41x64xi32, #tpu.memory_space<vmem>> -> memref<1x64xi32, #tpu.memory_space<vmem>>
          %dma_start3A_415 = tpu.memref_squeeze %dma_start3A_414 : memref<1x64xi32, #tpu.memory_space<vmem>> -> memref<64xi32, #tpu.memory_space<vmem>>
          %dma_start3A_416 = arith.constant 0 : i32
          %dma_start3A_417 = arith.constant 0 : i32
          %dma_start3A_418 = tpu.memref_slice %arg15[%dma_start3A_416, %dma_start3A_417] : memref<10016x128xf32, #tpu.memory_space<vmem_shared>> -> memref<10016x128xf32, #tpu.memory_space<vmem_shared>>
          tpu.enqueue_indirect_dma source(%arg13 : memref<64x128xf32, #tpu.memory_space<vmem>>) target(%dma_start3A_418 : memref<10016x128xf32, #tpu.memory_space<vmem_shared>>) offsets(%dma_start3A_415 : memref<64xi32, #tpu.memory_space<vmem>>) semaphore(%run_scoped3A_413 : memref<!tpu.dma_semaphore, #tpu.memory_space<semaphore_mem>>) {add = true}
          %dma_wait3A_419 = arith.constant 0 : i32
          %dma_wait3A_420 = tpu.memref_slice %arg12[%add3A_380, %dma_wait3A_419] : memref<41x64xi32, #tpu.memory_space<vmem>> -> memref<1x64xi32, #tpu.memory_space<vmem>>
          %dma_wait3A_421 = tpu.memref_squeeze %dma_wait3A_420 : memref<1x64xi32, #tpu.memory_space<vmem>> -> memref<64xi32, #tpu.memory_space<vmem>>
          %dma_wait3A_422 = arith.constant 0 : i32
          %dma_wait3A_423 = arith.constant 0 : i32
          %dma_wait3A_424 = tpu.memref_slice %arg15[%dma_wait3A_422, %dma_wait3A_423] : memref<10016x128xf32, #tpu.memory_space<vmem_shared>> -> memref<10016x128xf32, #tpu.memory_space<vmem_shared>>
          tpu.wait_indirect_dma semaphore(%run_scoped3A_413 : memref<!tpu.dma_semaphore, #tpu.memory_space<semaphore_mem>>) src(%arg13 : memref<64x128xf32, #tpu.memory_space<vmem>>) dst(%dma_wait3A_424 : memref<10016x128xf32, #tpu.memory_space<vmem_shared>>)
          tpu.yield
        }) : () -> ()
      } else {
      }
      %eq3A_402 = arith.constant 1 : i32
      %eq3A_403 = arith.cmpi eq, %rem3A_382, %eq3A_402 : i32
      %convert_element_type3A_404 = arith.extui %eq3A_403 : i1 to i32
      %cond3A_405 = arith.constant 0 : i32
      %cond3A_406 = arith.cmpi ne, %convert_element_type3A_404, %cond3A_405 : i32
      scf.if %cond3A_406 {
        %dma_wait3A = arith.constant 0 : i32
        %dma_wait3A_407 = arith.constant 0 : i32
        %dma_wait3A_408 = tpu.memref_slice %arg11[%dma_wait3A, %dma_wait3A_407] : memref<41x64xi32, #tpu.memory_space<vmem>> -> memref<1x64xi32, #tpu.memory_space<vmem>>
        %dma_wait3A_409 = tpu.memref_squeeze %dma_wait3A_408 : memref<1x64xi32, #tpu.memory_space<vmem>> -> memref<64xi32, #tpu.memory_space<vmem>>
        %dma_wait3A_410 = arith.constant 0 : i32
        %dma_wait3A_411 = arith.constant 0 : i32
        %dma_wait3A_412 = tpu.memref_slice %arg4[%dma_wait3A_410, %dma_wait3A_411] : memref<10000x128xf32, #tpu.memory_space<hbm>> -> memref<10000x128xf32, #tpu.memory_space<hbm>>
        tpu.wait_indirect_dma semaphore(%arg17 : memref<!tpu.dma_semaphore, #tpu.memory_space<semaphore_mem>>) src(%dma_wait3A_412 : memref<10000x128xf32, #tpu.memory_space<hbm>>) dst(%arg14 : memref<64x128xf32, #tpu.memory_space<vmem>>)
        "tpu.region"() ({
          %run_scoped3A_413 = tpu.sem_alloc : memref<!tpu.dma_semaphore, #tpu.memory_space<semaphore_mem>>
          %dma_start3A = arith.constant 0 : i32
          %dma_start3A_414 = tpu.memref_slice %arg12[%add3A_380, %dma_start3A] : memref<41x64xi32, #tpu.memory_space<vmem>> -> memref<1x64xi32, #tpu.memory_space<vmem>>
          %dma_start3A_415 = tpu.memref_squeeze %dma_start3A_414 : memref<1x64xi32, #tpu.memory_space<vmem>> -> memref<64xi32, #tpu.memory_space<vmem>>
          %dma_start3A_416 = arith.constant 0 : i32
          %dma_start3A_417 = arith.constant 0 : i32
          %dma_start3A_418 = tpu.memref_slice %arg15[%dma_start3A_416, %dma_start3A_417] : memref<10016x128xf32, #tpu.memory_space<vmem_shared>> -> memref<10016x128xf32, #tpu.memory_space<vmem_shared>>
          tpu.enqueue_indirect_dma source(%arg14 : memref<64x128xf32, #tpu.memory_space<vmem>>) target(%dma_start3A_418 : memref<10016x128xf32, #tpu.memory_space<vmem_shared>>) offsets(%dma_start3A_415 : memref<64xi32, #tpu.memory_space<vmem>>) semaphore(%run_scoped3A_413 : memref<!tpu.dma_semaphore, #tpu.memory_space<semaphore_mem>>) {add = true}
          %dma_wait3A_419 = arith.constant 0 : i32
          %dma_wait3A_420 = tpu.memref_slice %arg12[%add3A_380, %dma_wait3A_419] : memref<41x64xi32, #tpu.memory_space<vmem>> -> memref<1x64xi32, #tpu.memory_space<vmem>>
          %dma_wait3A_421 = tpu.memref_squeeze %dma_wait3A_420 : memref<1x64xi32, #tpu.memory_space<vmem>> -> memref<64xi32, #tpu.memory_space<vmem>>
          %dma_wait3A_422 = arith.constant 0 : i32
          %dma_wait3A_423 = arith.constant 0 : i32
          %dma_wait3A_424 = tpu.memref_slice %arg15[%dma_wait3A_422, %dma_wait3A_423] : memref<10016x128xf32, #tpu.memory_space<vmem_shared>> -> memref<10016x128xf32, #tpu.memory_space<vmem_shared>>
          tpu.wait_indirect_dma semaphore(%run_scoped3A_413 : memref<!tpu.dma_semaphore, #tpu.memory_space<semaphore_mem>>) src(%arg14 : memref<64x128xf32, #tpu.memory_space<vmem>>) dst(%dma_wait3A_424 : memref<10016x128xf32, #tpu.memory_space<vmem_shared>>)
          tpu.yield
        }) : () -> ()
      } else {
      }
    }
    %barrier3A_372 = arith.constant 0 : index
    tpu.barrier barrier_id(%barrier3A_372)
    "tpu.region"() ({
      %run_scoped3A_378 = tpu.sem_alloc : memref<!tpu.dma_semaphore, #tpu.memory_space<semaphore_mem>>
      %dma_start3A = arith.constant 0 : i32
      %dma_start3A_379 = arith.constant 0 : i32
      %dma_start3A_380 = tpu.memref_slice %arg7[%arg0, %dma_start3A, %dma_start3A_379] : memref<2x10000x128xf32, #tpu.memory_space<hbm>> -> memref<1x10000x128xf32, #tpu.memory_space<hbm>>
      %dma_start3A_381 = tpu.memref_squeeze %dma_start3A_380 : memref<1x10000x128xf32, #tpu.memory_space<hbm>> -> memref<10000x128xf32, #tpu.memory_space<hbm>>
      %dma_start3A_382 = arith.constant 0 : i32
      %dma_start3A_383 = tpu.memref_slice %dma_start3A_381[%mul3A_2, %dma_start3A_382] : memref<10000x128xf32, #tpu.memory_space<hbm>> -> memref<624x128xf32, #tpu.memory_space<hbm>>
      %dma_start3A_384 = arith.constant 0 : i32
      %dma_start3A_385 = tpu.memref_slice %arg15[%mul3A_2, %dma_start3A_384] : memref<10016x128xf32, #tpu.memory_space<vmem_shared>> -> memref<624x128xf32, #tpu.memory_space<vmem_shared>>
      tpu.enqueue_dma source(%dma_start3A_385 : memref<624x128xf32, #tpu.memory_space<vmem_shared>>) target(%dma_start3A_383 : memref<624x128xf32, #tpu.memory_space<hbm>>) target_semaphore(%run_scoped3A_378 : memref<!tpu.dma_semaphore, #tpu.memory_space<semaphore_mem>>)
      %dma_wait3A = arith.constant 0 : i32
      %dma_wait3A_386 = arith.constant 0 : i32
      %dma_wait3A_387 = tpu.memref_slice %arg7[%arg0, %dma_wait3A, %dma_wait3A_386] : memref<2x10000x128xf32, #tpu.memory_space<hbm>> -> memref<1x10000x128xf32, #tpu.memory_space<hbm>>
      %dma_wait3A_388 = tpu.memref_squeeze %dma_wait3A_387 : memref<1x10000x128xf32, #tpu.memory_space<hbm>> -> memref<10000x128xf32, #tpu.memory_space<hbm>>
      %dma_wait3A_389 = arith.constant 0 : i32
      %dma_wait3A_390 = tpu.memref_slice %dma_wait3A_388[%mul3A_2, %dma_wait3A_389] : memref<10000x128xf32, #tpu.memory_space<hbm>> -> memref<624x128xf32, #tpu.memory_space<hbm>>
      %dma_wait3A_391 = arith.constant 0 : i32
      %dma_wait3A_392 = tpu.memref_slice %arg15[%mul3A_2, %dma_wait3A_391] : memref<10016x128xf32, #tpu.memory_space<vmem_shared>> -> memref<624x128xf32, #tpu.memory_space<vmem_shared>>
      tpu.wait_dma2 semaphore(%run_scoped3A_378 : memref<!tpu.dma_semaphore, #tpu.memory_space<semaphore_mem>>) src(%dma_wait3A_392 : memref<624x128xf32, #tpu.memory_space<vmem_shared>>) dst(%dma_wait3A_390 : memref<624x128xf32, #tpu.memory_space<hbm>>)
      tpu.yield
    }) : () -> ()
    %eq3A_373 = arith.constant 15 : i32
    %eq3A_374 = arith.cmpi eq, %arg1, %eq3A_373 : i32
    %convert_element_type3A_375 = arith.extui %eq3A_374 : i1 to i32
    %cond3A_376 = arith.constant 0 : i32
    %cond3A_377 = arith.cmpi ne, %convert_element_type3A_375, %cond3A_376 : i32
    scf.if %cond3A_377 {
      "tpu.region"() ({
        %run_scoped3A_378 = tpu.sem_alloc : memref<!tpu.dma_semaphore, #tpu.memory_space<semaphore_mem>>
        %dma_start3A = arith.constant 0 : i32
        %dma_start3A_379 = arith.constant 0 : i32
        %dma_start3A_380 = tpu.memref_slice %arg7[%arg0, %dma_start3A, %dma_start3A_379] : memref<2x10000x128xf32, #tpu.memory_space<hbm>> -> memref<1x10000x128xf32, #tpu.memory_space<hbm>>
        %dma_start3A_381 = tpu.memref_squeeze %dma_start3A_380 : memref<1x10000x128xf32, #tpu.memory_space<hbm>> -> memref<10000x128xf32, #tpu.memory_space<hbm>>
        %dma_start3A_382 = arith.constant 9984 : i32
        %dma_start3A_383 = arith.constant 0 : i32
        %dma_start3A_384 = tpu.memref_slice %dma_start3A_381[%dma_start3A_382, %dma_start3A_383] : memref<10000x128xf32, #tpu.memory_space<hbm>> -> memref<16x128xf32, #tpu.memory_space<hbm>>
        %dma_start3A_385 = arith.constant 9984 : i32
        %dma_start3A_386 = arith.constant 0 : i32
        %dma_start3A_387 = tpu.memref_slice %arg15[%dma_start3A_385, %dma_start3A_386] : memref<10016x128xf32, #tpu.memory_space<vmem_shared>> -> memref<16x128xf32, #tpu.memory_space<vmem_shared>>
        tpu.enqueue_dma source(%dma_start3A_387 : memref<16x128xf32, #tpu.memory_space<vmem_shared>>) target(%dma_start3A_384 : memref<16x128xf32, #tpu.memory_space<hbm>>) target_semaphore(%run_scoped3A_378 : memref<!tpu.dma_semaphore, #tpu.memory_space<semaphore_mem>>)
        %dma_wait3A = arith.constant 0 : i32
        %dma_wait3A_388 = arith.constant 0 : i32
        %dma_wait3A_389 = tpu.memref_slice %arg7[%arg0, %dma_wait3A, %dma_wait3A_388] : memref<2x10000x128xf32, #tpu.memory_space<hbm>> -> memref<1x10000x128xf32, #tpu.memory_space<hbm>>
        %dma_wait3A_390 = tpu.memref_squeeze %dma_wait3A_389 : memref<1x10000x128xf32, #tpu.memory_space<hbm>> -> memref<10000x128xf32, #tpu.memory_space<hbm>>
        %dma_wait3A_391 = arith.constant 9984 : i32
        %dma_wait3A_392 = arith.constant 0 : i32
        %dma_wait3A_393 = tpu.memref_slice %dma_wait3A_390[%dma_wait3A_391, %dma_wait3A_392] : memref<10000x128xf32, #tpu.memory_space<hbm>> -> memref<16x128xf32, #tpu.memory_space<hbm>>
        %dma_wait3A_394 = arith.constant 9984 : i32
        %dma_wait3A_395 = arith.constant 0 : i32
        %dma_wait3A_396 = tpu.memref_slice %arg15[%dma_wait3A_394, %dma_wait3A_395] : memref<10016x128xf32, #tpu.memory_space<vmem_shared>> -> memref<16x128xf32, #tpu.memory_space<vmem_shared>>
        tpu.wait_dma2 semaphore(%run_scoped3A_378 : memref<!tpu.dma_semaphore, #tpu.memory_space<semaphore_mem>>) src(%dma_wait3A_396 : memref<16x128xf32, #tpu.memory_space<vmem_shared>>) dst(%dma_wait3A_393 : memref<16x128xf32, #tpu.memory_space<hbm>>)
        tpu.yield
      }) : () -> ()
    } else {
    }
    return
  }
}

#map = affine_map<(d0, d1) -> (0, 0, 0, 0)>
#map1 = affine_map<(d0, d1) -> (0, 0, 0)>
#map2 = affine_map<(d0, d1) -> (0)>
#map3 = affine_map<(d0, d1) -> (0, 0)>
module attributes {stable_mosaic.version = 14 : i64} {
  func.func @_deg_sc(%arg0: i32, %arg1: i32, %arg2: memref<32x4x20x128xi32, #tpu.memory_space<hbm>>, %arg3: memref<32x2x80xi32, #tpu.memory_space<hbm>>, %arg4: memref<10016xf32, #tpu.memory_space<hbm>>, %arg5: memref<2x10016xf32, #tpu.memory_space<hbm>>, %arg6: memref<2x10016xf32, #tpu.memory_space<hbm>>, %arg7: memref<20x128xi32, #tpu.memory_space<vmem>>, %arg8: memref<2x80xi32, #tpu.memory_space<vmem>>, %arg9: memref<128xf32, #tpu.memory_space<vmem>>, %arg10: memref<10016xf32, #tpu.memory_space<vmem_shared>>, %arg11: memref<10016xf32, #tpu.memory_space<vmem_shared>>) attributes {dimension_semantics = [#tpu.dimension_semantics<core_parallel>, #tpu.dimension_semantics<subcore_parallel>], iteration_bounds = array<i64: 2, 16>, scalar_prefetch = 0 : i64, scratch_operands = 5 : i64, tpu.core_type = #tpu.core_type<sc_vector_subcore>, window_params = [{transform_indices = #map}, {transform_indices = #map1}, {transform_indices = #map2}, {transform_indices = #map3}, {transform_indices = #map3}]} {
    %mul3A = arith.constant 16 : i32
    %mul3A_0 = arith.muli %arg0, %mul3A : i32
    %add3A = arith.addi %mul3A_0, %arg1 : i32
    %broadcast_in_dim3A = arith.constant 1.000000e+00 : f32
    %broadcast_in_dim3A_1 = vector.broadcast %broadcast_in_dim3A : f32 to vector<16xf32>
    %swap3A = arith.constant 0 : index
    %swap3A_2 = tpu.vector_load %arg9[%swap3A] {strides = array<i32>} : memref<128xf32, #tpu.memory_space<vmem>>, vector<16xf32>,
    %swap3A_3 = vector.shape_cast %swap3A_2 : vector<16xf32> to vector<16xf32>
    %swap3A_4 = vector.shape_cast %broadcast_in_dim3A_1 : vector<16xf32> to vector<16xf32>
    tpu.vector_store %arg9[%swap3A], %swap3A_4 {strides = array<i32>} : memref<128xf32, #tpu.memory_space<vmem>>, vector<16xf32>,
    %broadcast_in_dim3A_5 = arith.constant 1.000000e+00 : f32
    %broadcast_in_dim3A_6 = vector.broadcast %broadcast_in_dim3A_5 : f32 to vector<16xf32>
    %swap3A_7 = arith.constant 16 : index
    %swap3A_8 = tpu.vector_load %arg9[%swap3A_7] {strides = array<i32>} : memref<128xf32, #tpu.memory_space<vmem>>, vector<16xf32>,
    %swap3A_9 = vector.shape_cast %swap3A_8 : vector<16xf32> to vector<16xf32>
    %swap3A_10 = vector.shape_cast %broadcast_in_dim3A_6 : vector<16xf32> to vector<16xf32>
    tpu.vector_store %arg9[%swap3A_7], %swap3A_10 {strides = array<i32>} : memref<128xf32, #tpu.memory_space<vmem>>, vector<16xf32>,
    %broadcast_in_dim3A_11 = arith.constant 1.000000e+00 : f32
    %broadcast_in_dim3A_12 = vector.broadcast %broadcast_in_dim3A_11 : f32 to vector<16xf32>
    %swap3A_13 = arith.constant 32 : index
    %swap3A_14 = tpu.vector_load %arg9[%swap3A_13] {strides = array<i32>} : memref<128xf32, #tpu.memory_space<vmem>>, vector<16xf32>,
    %swap3A_15 = vector.shape_cast %swap3A_14 : vector<16xf32> to vector<16xf32>
    %swap3A_16 = vector.shape_cast %broadcast_in_dim3A_12 : vector<16xf32> to vector<16xf32>
    tpu.vector_store %arg9[%swap3A_13], %swap3A_16 {strides = array<i32>} : memref<128xf32, #tpu.memory_space<vmem>>, vector<16xf32>,
    %broadcast_in_dim3A_17 = arith.constant 1.000000e+00 : f32
    %broadcast_in_dim3A_18 = vector.broadcast %broadcast_in_dim3A_17 : f32 to vector<16xf32>
    %swap3A_19 = arith.constant 48 : index
    %swap3A_20 = tpu.vector_load %arg9[%swap3A_19] {strides = array<i32>} : memref<128xf32, #tpu.memory_space<vmem>>, vector<16xf32>,
    %swap3A_21 = vector.shape_cast %swap3A_20 : vector<16xf32> to vector<16xf32>
    %swap3A_22 = vector.shape_cast %broadcast_in_dim3A_18 : vector<16xf32> to vector<16xf32>
    tpu.vector_store %arg9[%swap3A_19], %swap3A_22 {strides = array<i32>} : memref<128xf32, #tpu.memory_space<vmem>>, vector<16xf32>,
    %broadcast_in_dim3A_23 = arith.constant 1.000000e+00 : f32
    %broadcast_in_dim3A_24 = vector.broadcast %broadcast_in_dim3A_23 : f32 to vector<16xf32>
    %swap3A_25 = arith.constant 64 : index
    %swap3A_26 = tpu.vector_load %arg9[%swap3A_25] {strides = array<i32>} : memref<128xf32, #tpu.memory_space<vmem>>, vector<16xf32>,
    %swap3A_27 = vector.shape_cast %swap3A_26 : vector<16xf32> to vector<16xf32>
    %swap3A_28 = vector.shape_cast %broadcast_in_dim3A_24 : vector<16xf32> to vector<16xf32>
    tpu.vector_store %arg9[%swap3A_25], %swap3A_28 {strides = array<i32>} : memref<128xf32, #tpu.memory_space<vmem>>, vector<16xf32>,
    %broadcast_in_dim3A_29 = arith.constant 1.000000e+00 : f32
    %broadcast_in_dim3A_30 = vector.broadcast %broadcast_in_dim3A_29 : f32 to vector<16xf32>
    %swap3A_31 = arith.constant 80 : index
    %swap3A_32 = tpu.vector_load %arg9[%swap3A_31] {strides = array<i32>} : memref<128xf32, #tpu.memory_space<vmem>>, vector<16xf32>,
    %swap3A_33 = vector.shape_cast %swap3A_32 : vector<16xf32> to vector<16xf32>
    %swap3A_34 = vector.shape_cast %broadcast_in_dim3A_30 : vector<16xf32> to vector<16xf32>
    tpu.vector_store %arg9[%swap3A_31], %swap3A_34 {strides = array<i32>} : memref<128xf32, #tpu.memory_space<vmem>>, vector<16xf32>,
    %broadcast_in_dim3A_35 = arith.constant 1.000000e+00 : f32
    %broadcast_in_dim3A_36 = vector.broadcast %broadcast_in_dim3A_35 : f32 to vector<16xf32>
    %swap3A_37 = arith.constant 96 : index
    %swap3A_38 = tpu.vector_load %arg9[%swap3A_37] {strides = array<i32>} : memref<128xf32, #tpu.memory_space<vmem>>, vector<16xf32>,
    %swap3A_39 = vector.shape_cast %swap3A_38 : vector<16xf32> to vector<16xf32>
    %swap3A_40 = vector.shape_cast %broadcast_in_dim3A_36 : vector<16xf32> to vector<16xf32>
    tpu.vector_store %arg9[%swap3A_37], %swap3A_40 {strides = array<i32>} : memref<128xf32, #tpu.memory_space<vmem>>, vector<16xf32>,
    %broadcast_in_dim3A_41 = arith.constant 1.000000e+00 : f32
    %broadcast_in_dim3A_42 = vector.broadcast %broadcast_in_dim3A_41 : f32 to vector<16xf32>
    %swap3A_43 = arith.constant 112 : index
    %swap3A_44 = tpu.vector_load %arg9[%swap3A_43] {strides = array<i32>} : memref<128xf32, #tpu.memory_space<vmem>>, vector<16xf32>,
    %swap3A_45 = vector.shape_cast %swap3A_44 : vector<16xf32> to vector<16xf32>
    %swap3A_46 = vector.shape_cast %broadcast_in_dim3A_42 : vector<16xf32> to vector<16xf32>
    tpu.vector_store %arg9[%swap3A_43], %swap3A_46 {strides = array<i32>} : memref<128xf32, #tpu.memory_space<vmem>>, vector<16xf32>,
    %eq3A = arith.constant 0 : i32
    %eq3A_47 = arith.cmpi eq, %arg1, %eq3A : i32
    %convert_element_type3A = arith.extui %eq3A_47 : i1 to i32
    %cond3A = arith.constant 0 : i32
    %cond3A_48 = arith.cmpi ne, %convert_element_type3A, %cond3A : i32
    scf.if %cond3A_48 {
      "tpu.region"() ({
        %run_scoped3A_89 = tpu.sem_alloc : memref<!tpu.dma_semaphore, #tpu.memory_space<semaphore_mem>>
        tpu.enqueue_dma source(%arg4 : memref<10016xf32, #tpu.memory_space<hbm>>) target(%arg10 : memref<10016xf32, #tpu.memory_space<vmem_shared>>) target_semaphore(%run_scoped3A_89 : memref<!tpu.dma_semaphore, #tpu.memory_space<semaphore_mem>>)
        tpu.wait_dma2 semaphore(%run_scoped3A_89 : memref<!tpu.dma_semaphore, #tpu.memory_space<semaphore_mem>>) src(%arg4 : memref<10016xf32, #tpu.memory_space<hbm>>) dst(%arg10 : memref<10016xf32, #tpu.memory_space<vmem_shared>>)
        tpu.yield
      }) : () -> ()
    } else {
    }
    %eq3A_49 = arith.constant 1 : i32
    %eq3A_50 = arith.cmpi eq, %arg1, %eq3A_49 : i32
    %convert_element_type3A_51 = arith.extui %eq3A_50 : i1 to i32
    %cond3A_52 = arith.constant 0 : i32
    %cond3A_53 = arith.cmpi ne, %convert_element_type3A_51, %cond3A_52 : i32
    scf.if %cond3A_53 {
      "tpu.region"() ({
        %run_scoped3A_89 = tpu.sem_alloc : memref<!tpu.dma_semaphore, #tpu.memory_space<semaphore_mem>>
        tpu.enqueue_dma source(%arg4 : memref<10016xf32, #tpu.memory_space<hbm>>) target(%arg11 : memref<10016xf32, #tpu.memory_space<vmem_shared>>) target_semaphore(%run_scoped3A_89 : memref<!tpu.dma_semaphore, #tpu.memory_space<semaphore_mem>>)
        tpu.wait_dma2 semaphore(%run_scoped3A_89 : memref<!tpu.dma_semaphore, #tpu.memory_space<semaphore_mem>>) src(%arg4 : memref<10016xf32, #tpu.memory_space<hbm>>) dst(%arg11 : memref<10016xf32, #tpu.memory_space<vmem_shared>>)
        tpu.yield
      }) : () -> ()
    } else {
    }
    %barrier3A = arith.constant 0 : index
    tpu.barrier barrier_id(%barrier3A)
    "tpu.region"() ({
      %run_scoped3A_89 = tpu.sem_alloc : memref<!tpu.dma_semaphore, #tpu.memory_space<semaphore_mem>>
      %dma_start3A = arith.constant 0 : i32
      %dma_start3A_90 = arith.constant 0 : i32
      %dma_start3A_91 = tpu.memref_slice %arg3[%add3A, %dma_start3A, %dma_start3A_90] : memref<32x2x80xi32, #tpu.memory_space<hbm>> -> memref<1x2x80xi32, #tpu.memory_space<hbm>>
      %dma_start3A_92 = tpu.memref_squeeze %dma_start3A_91 : memref<1x2x80xi32, #tpu.memory_space<hbm>> -> memref<2x80xi32, #tpu.memory_space<hbm>>
      %dma_start3A_93 = arith.constant 0 : i32
      %dma_start3A_94 = arith.constant 0 : i32
      %dma_start3A_95 = tpu.memref_slice %arg3[%add3A, %dma_start3A_93, %dma_start3A_94] : memref<32x2x80xi32, #tpu.memory_space<hbm>> -> memref<1x2x80xi32, #tpu.memory_space<hbm>>
      %dma_start3A_96 = tpu.memref_squeeze %dma_start3A_95 : memref<1x2x80xi32, #tpu.memory_space<hbm>> -> memref<2x80xi32, #tpu.memory_space<hbm>>
      tpu.enqueue_dma source(%dma_start3A_96 : memref<2x80xi32, #tpu.memory_space<hbm>>) target(%arg8 : memref<2x80xi32, #tpu.memory_space<vmem>>) target_semaphore(%run_scoped3A_89 : memref<!tpu.dma_semaphore, #tpu.memory_space<semaphore_mem>>)
      %dma_wait3A = arith.constant 0 : i32
      %dma_wait3A_97 = arith.constant 0 : i32
      %dma_wait3A_98 = tpu.memref_slice %arg3[%add3A, %dma_wait3A, %dma_wait3A_97] : memref<32x2x80xi32, #tpu.memory_space<hbm>> -> memref<1x2x80xi32, #tpu.memory_space<hbm>>
      %dma_wait3A_99 = tpu.memref_squeeze %dma_wait3A_98 : memref<1x2x80xi32, #tpu.memory_space<hbm>> -> memref<2x80xi32, #tpu.memory_space<hbm>>
      %dma_wait3A_100 = arith.constant 0 : i32
      %dma_wait3A_101 = arith.constant 0 : i32
      %dma_wait3A_102 = tpu.memref_slice %arg3[%add3A, %dma_wait3A_100, %dma_wait3A_101] : memref<32x2x80xi32, #tpu.memory_space<hbm>> -> memref<1x2x80xi32, #tpu.memory_space<hbm>>
      %dma_wait3A_103 = tpu.memref_squeeze %dma_wait3A_102 : memref<1x2x80xi32, #tpu.memory_space<hbm>> -> memref<2x80xi32, #tpu.memory_space<hbm>>
      tpu.wait_dma2 semaphore(%run_scoped3A_89 : memref<!tpu.dma_semaphore, #tpu.memory_space<semaphore_mem>>) src(%dma_wait3A_103 : memref<2x80xi32, #tpu.memory_space<hbm>>) dst(%arg8 : memref<2x80xi32, #tpu.memory_space<vmem>>)
      tpu.yield
    }) : () -> ()
    %run_scoped3A = arith.constant 0 : i32
    "tpu.region"() ({
      %run_scoped3A_89 = tpu.sem_alloc : memref<!tpu.dma_semaphore, #tpu.memory_space<semaphore_mem>>
      %dma_start3A = arith.constant 0 : i32
      %dma_start3A_90 = tpu.memref_slice %arg9[%dma_start3A] : memref<128xf32, #tpu.memory_space<vmem>> -> memref<80xf32, #tpu.memory_space<vmem>>
      %dma_start3A_91 = arith.constant 0 : i32
      %dma_start3A_92 = tpu.memref_slice %arg8[%run_scoped3A, %dma_start3A_91] : memref<2x80xi32, #tpu.memory_space<vmem>> -> memref<1x80xi32, #tpu.memory_space<vmem>>
      %dma_start3A_93 = tpu.memref_squeeze %dma_start3A_92 : memref<1x80xi32, #tpu.memory_space<vmem>> -> memref<80xi32, #tpu.memory_space<vmem>>
      %dma_start3A_94 = arith.constant 0 : i32
      %dma_start3A_95 = tpu.memref_slice %arg11[%dma_start3A_94] : memref<10016xf32, #tpu.memory_space<vmem_shared>> -> memref<10016xf32, #tpu.memory_space<vmem_shared>>
      tpu.enqueue_indirect_dma source(%dma_start3A_90 : memref<80xf32, #tpu.memory_space<vmem>>) target(%dma_start3A_95 : memref<10016xf32, #tpu.memory_space<vmem_shared>>) offsets(%dma_start3A_93 : memref<80xi32, #tpu.memory_space<vmem>>) semaphore(%run_scoped3A_89 : memref<!tpu.dma_semaphore, #tpu.memory_space<semaphore_mem>>) {add = true}
      %dma_wait3A = arith.constant 0 : i32
      %dma_wait3A_96 = tpu.memref_slice %arg9[%dma_wait3A] : memref<128xf32, #tpu.memory_space<vmem>> -> memref<80xf32, #tpu.memory_space<vmem>>
      %dma_wait3A_97 = arith.constant 0 : i32
      %dma_wait3A_98 = tpu.memref_slice %arg8[%run_scoped3A, %dma_wait3A_97] : memref<2x80xi32, #tpu.memory_space<vmem>> -> memref<1x80xi32, #tpu.memory_space<vmem>>
      %dma_wait3A_99 = tpu.memref_squeeze %dma_wait3A_98 : memref<1x80xi32, #tpu.memory_space<vmem>> -> memref<80xi32, #tpu.memory_space<vmem>>
      %dma_wait3A_100 = arith.constant 0 : i32
      %dma_wait3A_101 = tpu.memref_slice %arg11[%dma_wait3A_100] : memref<10016xf32, #tpu.memory_space<vmem_shared>> -> memref<10016xf32, #tpu.memory_space<vmem_shared>>
      tpu.wait_indirect_dma semaphore(%run_scoped3A_89 : memref<!tpu.dma_semaphore, #tpu.memory_space<semaphore_mem>>) src(%dma_wait3A_96 : memref<80xf32, #tpu.memory_space<vmem>>) dst(%dma_wait3A_101 : memref<10016xf32, #tpu.memory_space<vmem_shared>>)
      tpu.yield
    }) : () -> ()
    %run_scoped3A_54 = arith.constant 1 : i32
    "tpu.region"() ({
      %run_scoped3A_89 = tpu.sem_alloc : memref<!tpu.dma_semaphore, #tpu.memory_space<semaphore_mem>>
      %dma_start3A = arith.constant 0 : i32
      %dma_start3A_90 = tpu.memref_slice %arg9[%dma_start3A] : memref<128xf32, #tpu.memory_space<vmem>> -> memref<80xf32, #tpu.memory_space<vmem>>
      %dma_start3A_91 = arith.constant 0 : i32
      %dma_start3A_92 = tpu.memref_slice %arg8[%run_scoped3A_54, %dma_start3A_91] : memref<2x80xi32, #tpu.memory_space<vmem>> -> memref<1x80xi32, #tpu.memory_space<vmem>>
      %dma_start3A_93 = tpu.memref_squeeze %dma_start3A_92 : memref<1x80xi32, #tpu.memory_space<vmem>> -> memref<80xi32, #tpu.memory_space<vmem>>
      %dma_start3A_94 = arith.constant 0 : i32
      %dma_start3A_95 = tpu.memref_slice %arg11[%dma_start3A_94] : memref<10016xf32, #tpu.memory_space<vmem_shared>> -> memref<10016xf32, #tpu.memory_space<vmem_shared>>
      tpu.enqueue_indirect_dma source(%dma_start3A_90 : memref<80xf32, #tpu.memory_space<vmem>>) target(%dma_start3A_95 : memref<10016xf32, #tpu.memory_space<vmem_shared>>) offsets(%dma_start3A_93 : memref<80xi32, #tpu.memory_space<vmem>>) semaphore(%run_scoped3A_89 : memref<!tpu.dma_semaphore, #tpu.memory_space<semaphore_mem>>) {add = true}
      %dma_wait3A = arith.constant 0 : i32
      %dma_wait3A_96 = tpu.memref_slice %arg9[%dma_wait3A] : memref<128xf32, #tpu.memory_space<vmem>> -> memref<80xf32, #tpu.memory_space<vmem>>
      %dma_wait3A_97 = arith.constant 0 : i32
      %dma_wait3A_98 = tpu.memref_slice %arg8[%run_scoped3A_54, %dma_wait3A_97] : memref<2x80xi32, #tpu.memory_space<vmem>> -> memref<1x80xi32, #tpu.memory_space<vmem>>
      %dma_wait3A_99 = tpu.memref_squeeze %dma_wait3A_98 : memref<1x80xi32, #tpu.memory_space<vmem>> -> memref<80xi32, #tpu.memory_space<vmem>>
      %dma_wait3A_100 = arith.constant 0 : i32
      %dma_wait3A_101 = tpu.memref_slice %arg11[%dma_wait3A_100] : memref<10016xf32, #tpu.memory_space<vmem_shared>> -> memref<10016xf32, #tpu.memory_space<vmem_shared>>
      tpu.wait_indirect_dma semaphore(%run_scoped3A_89 : memref<!tpu.dma_semaphore, #tpu.memory_space<semaphore_mem>>) src(%dma_wait3A_96 : memref<80xf32, #tpu.memory_space<vmem>>) dst(%dma_wait3A_101 : memref<10016xf32, #tpu.memory_space<vmem_shared>>)
      tpu.yield
    }) : () -> ()
    %run_scoped3A_55 = arith.constant 0 : i32
    "tpu.region"() ({
      %run_scoped3A_89 = tpu.sem_alloc : memref<!tpu.dma_semaphore, #tpu.memory_space<semaphore_mem>>
      %dma_start3A = arith.constant 0 : i32
      %dma_start3A_90 = arith.constant 0 : i32
      %dma_start3A_91 = tpu.memref_slice %arg2[%add3A, %run_scoped3A_55, %dma_start3A, %dma_start3A_90] : memref<32x4x20x128xi32, #tpu.memory_space<hbm>> -> memref<1x1x20x128xi32, #tpu.memory_space<hbm>>
      %dma_start3A_92 = tpu.memref_squeeze %dma_start3A_91 : memref<1x1x20x128xi32, #tpu.memory_space<hbm>> -> memref<20x128xi32, #tpu.memory_space<hbm>>
      %dma_start3A_93 = arith.constant 0 : i32
      %dma_start3A_94 = arith.constant 0 : i32
      %dma_start3A_95 = tpu.memref_slice %arg2[%add3A, %run_scoped3A_55, %dma_start3A_93, %dma_start3A_94] : memref<32x4x20x128xi32, #tpu.memory_space<hbm>> -> memref<1x1x20x128xi32, #tpu.memory_space<hbm>>
      %dma_start3A_96 = tpu.memref_squeeze %dma_start3A_95 : memref<1x1x20x128xi32, #tpu.memory_space<hbm>> -> memref<20x128xi32, #tpu.memory_space<hbm>>
      tpu.enqueue_dma source(%dma_start3A_96 : memref<20x128xi32, #tpu.memory_space<hbm>>) target(%arg7 : memref<20x128xi32, #tpu.memory_space<vmem>>) target_semaphore(%run_scoped3A_89 : memref<!tpu.dma_semaphore, #tpu.memory_space<semaphore_mem>>)
      %dma_wait3A = arith.constant 0 : i32
      %dma_wait3A_97 = arith.constant 0 : i32
      %dma_wait3A_98 = tpu.memref_slice %arg2[%add3A, %run_scoped3A_55, %dma_wait3A, %dma_wait3A_97] : memref<32x4x20x128xi32, #tpu.memory_space<hbm>> -> memref<1x1x20x128xi32, #tpu.memory_space<hbm>>
      %dma_wait3A_99 = tpu.memref_squeeze %dma_wait3A_98 : memref<1x1x20x128xi32, #tpu.memory_space<hbm>> -> memref<20x128xi32, #tpu.memory_space<hbm>>
      %dma_wait3A_100 = arith.constant 0 : i32
      %dma_wait3A_101 = arith.constant 0 : i32
      %dma_wait3A_102 = tpu.memref_slice %arg2[%add3A, %run_scoped3A_55, %dma_wait3A_100, %dma_wait3A_101] : memref<32x4x20x128xi32, #tpu.memory_space<hbm>> -> memref<1x1x20x128xi32, #tpu.memory_space<hbm>>
      %dma_wait3A_103 = tpu.memref_squeeze %dma_wait3A_102 : memref<1x1x20x128xi32, #tpu.memory_space<hbm>> -> memref<20x128xi32, #tpu.memory_space<hbm>>
      tpu.wait_dma2 semaphore(%run_scoped3A_89 : memref<!tpu.dma_semaphore, #tpu.memory_space<semaphore_mem>>) src(%dma_wait3A_103 : memref<20x128xi32, #tpu.memory_space<hbm>>) dst(%arg7 : memref<20x128xi32, #tpu.memory_space<vmem>>)
      tpu.yield
    }) : () -> ()
    %scan3A = arith.constant 0 : i32
    %scan3A_56 = arith.constant 20 : i32
    %scan3A_57 = arith.addi %scan3A, %scan3A_56 : i32
    %scan3A_58 = arith.constant 1 : i32
    scf.for %scan3A_89 = %scan3A to %scan3A_57 step %scan3A_58  : i32 {
      %mul3A_90 = arith.constant 1 : i32
      %mul3A_91 = arith.muli %scan3A_89, %mul3A_90 : i32
      %add3A_92 = arith.constant 0 : i32
      %add3A_93 = arith.addi %add3A_92, %mul3A_91 : i32
      "tpu.region"() ({
        %run_scoped3A_94 = tpu.sem_alloc : memref<!tpu.dma_semaphore, #tpu.memory_space<semaphore_mem>>
        %dma_start3A = arith.constant 0 : i32
        %dma_start3A_95 = tpu.memref_slice %arg7[%add3A_93, %dma_start3A] : memref<20x128xi32, #tpu.memory_space<vmem>> -> memref<1x128xi32, #tpu.memory_space<vmem>>
        %dma_start3A_96 = tpu.memref_squeeze %dma_start3A_95 : memref<1x128xi32, #tpu.memory_space<vmem>> -> memref<128xi32, #tpu.memory_space<vmem>>
        %dma_start3A_97 = arith.constant 0 : i32
        %dma_start3A_98 = tpu.memref_slice %arg10[%dma_start3A_97] : memref<10016xf32, #tpu.memory_space<vmem_shared>> -> memref<10016xf32, #tpu.memory_space<vmem_shared>>
        tpu.enqueue_indirect_dma source(%arg9 : memref<128xf32, #tpu.memory_space<vmem>>) target(%dma_start3A_98 : memref<10016xf32, #tpu.memory_space<vmem_shared>>) offsets(%dma_start3A_96 : memref<128xi32, #tpu.memory_space<vmem>>) semaphore(%run_scoped3A_94 : memref<!tpu.dma_semaphore, #tpu.memory_space<semaphore_mem>>) {add = true}
        %dma_wait3A = arith.constant 0 : i32
        %dma_wait3A_99 = tpu.memref_slice %arg7[%add3A_93, %dma_wait3A] : memref<20x128xi32, #tpu.memory_space<vmem>> -> memref<1x128xi32, #tpu.memory_space<vmem>>
        %dma_wait3A_100 = tpu.memref_squeeze %dma_wait3A_99 : memref<1x128xi32, #tpu.memory_space<vmem>> -> memref<128xi32, #tpu.memory_space<vmem>>
        %dma_wait3A_101 = arith.constant 0 : i32
        %dma_wait3A_102 = tpu.memref_slice %arg10[%dma_wait3A_101] : memref<10016xf32, #tpu.memory_space<vmem_shared>> -> memref<10016xf32, #tpu.memory_space<vmem_shared>>
        tpu.wait_indirect_dma semaphore(%run_scoped3A_94 : memref<!tpu.dma_semaphore, #tpu.memory_space<semaphore_mem>>) src(%arg9 : memref<128xf32, #tpu.memory_space<vmem>>) dst(%dma_wait3A_102 : memref<10016xf32, #tpu.memory_space<vmem_shared>>)
        tpu.yield
      }) : () -> ()
    }
    %scan3A_59 = arith.constant 20 : i32
    %run_scoped3A_60 = arith.constant 1 : i32
    "tpu.region"() ({
      %run_scoped3A_89 = tpu.sem_alloc : memref<!tpu.dma_semaphore, #tpu.memory_space<semaphore_mem>>
      %dma_start3A = arith.constant 0 : i32
      %dma_start3A_90 = arith.constant 0 : i32
      %dma_start3A_91 = tpu.memref_slice %arg2[%add3A, %run_scoped3A_60, %dma_start3A, %dma_start3A_90] : memref<32x4x20x128xi32, #tpu.memory_space<hbm>> -> memref<1x1x20x128xi32, #tpu.memory_space<hbm>>
      %dma_start3A_92 = tpu.memref_squeeze %dma_start3A_91 : memref<1x1x20x128xi32, #tpu.memory_space<hbm>> -> memref<20x128xi32, #tpu.memory_space<hbm>>
      %dma_start3A_93 = arith.constant 0 : i32
      %dma_start3A_94 = arith.constant 0 : i32
      %dma_start3A_95 = tpu.memref_slice %arg2[%add3A, %run_scoped3A_60, %dma_start3A_93, %dma_start3A_94] : memref<32x4x20x128xi32, #tpu.memory_space<hbm>> -> memref<1x1x20x128xi32, #tpu.memory_space<hbm>>
      %dma_start3A_96 = tpu.memref_squeeze %dma_start3A_95 : memref<1x1x20x128xi32, #tpu.memory_space<hbm>> -> memref<20x128xi32, #tpu.memory_space<hbm>>
      tpu.enqueue_dma source(%dma_start3A_96 : memref<20x128xi32, #tpu.memory_space<hbm>>) target(%arg7 : memref<20x128xi32, #tpu.memory_space<vmem>>) target_semaphore(%run_scoped3A_89 : memref<!tpu.dma_semaphore, #tpu.memory_space<semaphore_mem>>)
      %dma_wait3A = arith.constant 0 : i32
      %dma_wait3A_97 = arith.constant 0 : i32
      %dma_wait3A_98 = tpu.memref_slice %arg2[%add3A, %run_scoped3A_60, %dma_wait3A, %dma_wait3A_97] : memref<32x4x20x128xi32, #tpu.memory_space<hbm>> -> memref<1x1x20x128xi32, #tpu.memory_space<hbm>>
      %dma_wait3A_99 = tpu.memref_squeeze %dma_wait3A_98 : memref<1x1x20x128xi32, #tpu.memory_space<hbm>> -> memref<20x128xi32, #tpu.memory_space<hbm>>
      %dma_wait3A_100 = arith.constant 0 : i32
      %dma_wait3A_101 = arith.constant 0 : i32
      %dma_wait3A_102 = tpu.memref_slice %arg2[%add3A, %run_scoped3A_60, %dma_wait3A_100, %dma_wait3A_101] : memref<32x4x20x128xi32, #tpu.memory_space<hbm>> -> memref<1x1x20x128xi32, #tpu.memory_space<hbm>>
      %dma_wait3A_103 = tpu.memref_squeeze %dma_wait3A_102 : memref<1x1x20x128xi32, #tpu.memory_space<hbm>> -> memref<20x128xi32, #tpu.memory_space<hbm>>
      tpu.wait_dma2 semaphore(%run_scoped3A_89 : memref<!tpu.dma_semaphore, #tpu.memory_space<semaphore_mem>>) src(%dma_wait3A_103 : memref<20x128xi32, #tpu.memory_space<hbm>>) dst(%arg7 : memref<20x128xi32, #tpu.memory_space<vmem>>)
      tpu.yield
    }) : () -> ()
    %scan3A_61 = arith.constant 0 : i32
    %scan3A_62 = arith.constant 20 : i32
    %scan3A_63 = arith.addi %scan3A_61, %scan3A_62 : i32
    %scan3A_64 = arith.constant 1 : i32
    scf.for %scan3A_89 = %scan3A_61 to %scan3A_63 step %scan3A_64  : i32 {
      %mul3A_90 = arith.constant 1 : i32
      %mul3A_91 = arith.muli %scan3A_89, %mul3A_90 : i32
      %add3A_92 = arith.constant 0 : i32
      %add3A_93 = arith.addi %add3A_92, %mul3A_91 : i32
      "tpu.region"() ({
        %run_scoped3A_94 = tpu.sem_alloc : memref<!tpu.dma_semaphore, #tpu.memory_space<semaphore_mem>>
        %dma_start3A = arith.constant 0 : i32
        %dma_start3A_95 = tpu.memref_slice %arg7[%add3A_93, %dma_start3A] : memref<20x128xi32, #tpu.memory_space<vmem>> -> memref<1x128xi32, #tpu.memory_space<vmem>>
        %dma_start3A_96 = tpu.memref_squeeze %dma_start3A_95 : memref<1x128xi32, #tpu.memory_space<vmem>> -> memref<128xi32, #tpu.memory_space<vmem>>
        %dma_start3A_97 = arith.constant 0 : i32
        %dma_start3A_98 = tpu.memref_slice %arg10[%dma_start3A_97] : memref<10016xf32, #tpu.memory_space<vmem_shared>> -> memref<10016xf32, #tpu.memory_space<vmem_shared>>
        tpu.enqueue_indirect_dma source(%arg9 : memref<128xf32, #tpu.memory_space<vmem>>) target(%dma_start3A_98 : memref<10016xf32, #tpu.memory_space<vmem_shared>>) offsets(%dma_start3A_96 : memref<128xi32, #tpu.memory_space<vmem>>) semaphore(%run_scoped3A_94 : memref<!tpu.dma_semaphore, #tpu.memory_space<semaphore_mem>>) {add = true}
        %dma_wait3A = arith.constant 0 : i32
        %dma_wait3A_99 = tpu.memref_slice %arg7[%add3A_93, %dma_wait3A] : memref<20x128xi32, #tpu.memory_space<vmem>> -> memref<1x128xi32, #tpu.memory_space<vmem>>
        %dma_wait3A_100 = tpu.memref_squeeze %dma_wait3A_99 : memref<1x128xi32, #tpu.memory_space<vmem>> -> memref<128xi32, #tpu.memory_space<vmem>>
        %dma_wait3A_101 = arith.constant 0 : i32
        %dma_wait3A_102 = tpu.memref_slice %arg10[%dma_wait3A_101] : memref<10016xf32, #tpu.memory_space<vmem_shared>> -> memref<10016xf32, #tpu.memory_space<vmem_shared>>
        tpu.wait_indirect_dma semaphore(%run_scoped3A_94 : memref<!tpu.dma_semaphore, #tpu.memory_space<semaphore_mem>>) src(%arg9 : memref<128xf32, #tpu.memory_space<vmem>>) dst(%dma_wait3A_102 : memref<10016xf32, #tpu.memory_space<vmem_shared>>)
        tpu.yield
      }) : () -> ()
    }
    %scan3A_65 = arith.constant 20 : i32
    %run_scoped3A_66 = arith.constant 2 : i32
    "tpu.region"() ({
      %run_scoped3A_89 = tpu.sem_alloc : memref<!tpu.dma_semaphore, #tpu.memory_space<semaphore_mem>>
      %dma_start3A = arith.constant 0 : i32
      %dma_start3A_90 = arith.constant 0 : i32
      %dma_start3A_91 = tpu.memref_slice %arg2[%add3A, %run_scoped3A_66, %dma_start3A, %dma_start3A_90] : memref<32x4x20x128xi32, #tpu.memory_space<hbm>> -> memref<1x1x20x128xi32, #tpu.memory_space<hbm>>
      %dma_start3A_92 = tpu.memref_squeeze %dma_start3A_91 : memref<1x1x20x128xi32, #tpu.memory_space<hbm>> -> memref<20x128xi32, #tpu.memory_space<hbm>>
      %dma_start3A_93 = arith.constant 0 : i32
      %dma_start3A_94 = arith.constant 0 : i32
      %dma_start3A_95 = tpu.memref_slice %arg2[%add3A, %run_scoped3A_66, %dma_start3A_93, %dma_start3A_94] : memref<32x4x20x128xi32, #tpu.memory_space<hbm>> -> memref<1x1x20x128xi32, #tpu.memory_space<hbm>>
      %dma_start3A_96 = tpu.memref_squeeze %dma_start3A_95 : memref<1x1x20x128xi32, #tpu.memory_space<hbm>> -> memref<20x128xi32, #tpu.memory_space<hbm>>
      tpu.enqueue_dma source(%dma_start3A_96 : memref<20x128xi32, #tpu.memory_space<hbm>>) target(%arg7 : memref<20x128xi32, #tpu.memory_space<vmem>>) target_semaphore(%run_scoped3A_89 : memref<!tpu.dma_semaphore, #tpu.memory_space<semaphore_mem>>)
      %dma_wait3A = arith.constant 0 : i32
      %dma_wait3A_97 = arith.constant 0 : i32
      %dma_wait3A_98 = tpu.memref_slice %arg2[%add3A, %run_scoped3A_66, %dma_wait3A, %dma_wait3A_97] : memref<32x4x20x128xi32, #tpu.memory_space<hbm>> -> memref<1x1x20x128xi32, #tpu.memory_space<hbm>>
      %dma_wait3A_99 = tpu.memref_squeeze %dma_wait3A_98 : memref<1x1x20x128xi32, #tpu.memory_space<hbm>> -> memref<20x128xi32, #tpu.memory_space<hbm>>
      %dma_wait3A_100 = arith.constant 0 : i32
      %dma_wait3A_101 = arith.constant 0 : i32
      %dma_wait3A_102 = tpu.memref_slice %arg2[%add3A, %run_scoped3A_66, %dma_wait3A_100, %dma_wait3A_101] : memref<32x4x20x128xi32, #tpu.memory_space<hbm>> -> memref<1x1x20x128xi32, #tpu.memory_space<hbm>>
      %dma_wait3A_103 = tpu.memref_squeeze %dma_wait3A_102 : memref<1x1x20x128xi32, #tpu.memory_space<hbm>> -> memref<20x128xi32, #tpu.memory_space<hbm>>
      tpu.wait_dma2 semaphore(%run_scoped3A_89 : memref<!tpu.dma_semaphore, #tpu.memory_space<semaphore_mem>>) src(%dma_wait3A_103 : memref<20x128xi32, #tpu.memory_space<hbm>>) dst(%arg7 : memref<20x128xi32, #tpu.memory_space<vmem>>)
      tpu.yield
    }) : () -> ()
    %scan3A_67 = arith.constant 0 : i32
    %scan3A_68 = arith.constant 20 : i32
    %scan3A_69 = arith.addi %scan3A_67, %scan3A_68 : i32
    %scan3A_70 = arith.constant 1 : i32
    scf.for %scan3A_89 = %scan3A_67 to %scan3A_69 step %scan3A_70  : i32 {
      %mul3A_90 = arith.constant 1 : i32
      %mul3A_91 = arith.muli %scan3A_89, %mul3A_90 : i32
      %add3A_92 = arith.constant 0 : i32
      %add3A_93 = arith.addi %add3A_92, %mul3A_91 : i32
      "tpu.region"() ({
        %run_scoped3A_94 = tpu.sem_alloc : memref<!tpu.dma_semaphore, #tpu.memory_space<semaphore_mem>>
        %dma_start3A = arith.constant 0 : i32
        %dma_start3A_95 = tpu.memref_slice %arg7[%add3A_93, %dma_start3A] : memref<20x128xi32, #tpu.memory_space<vmem>> -> memref<1x128xi32, #tpu.memory_space<vmem>>
        %dma_start3A_96 = tpu.memref_squeeze %dma_start3A_95 : memref<1x128xi32, #tpu.memory_space<vmem>> -> memref<128xi32, #tpu.memory_space<vmem>>
        %dma_start3A_97 = arith.constant 0 : i32
        %dma_start3A_98 = tpu.memref_slice %arg10[%dma_start3A_97] : memref<10016xf32, #tpu.memory_space<vmem_shared>> -> memref<10016xf32, #tpu.memory_space<vmem_shared>>
        tpu.enqueue_indirect_dma source(%arg9 : memref<128xf32, #tpu.memory_space<vmem>>) target(%dma_start3A_98 : memref<10016xf32, #tpu.memory_space<vmem_shared>>) offsets(%dma_start3A_96 : memref<128xi32, #tpu.memory_space<vmem>>) semaphore(%run_scoped3A_94 : memref<!tpu.dma_semaphore, #tpu.memory_space<semaphore_mem>>) {add = true}
        %dma_wait3A = arith.constant 0 : i32
        %dma_wait3A_99 = tpu.memref_slice %arg7[%add3A_93, %dma_wait3A] : memref<20x128xi32, #tpu.memory_space<vmem>> -> memref<1x128xi32, #tpu.memory_space<vmem>>
        %dma_wait3A_100 = tpu.memref_squeeze %dma_wait3A_99 : memref<1x128xi32, #tpu.memory_space<vmem>> -> memref<128xi32, #tpu.memory_space<vmem>>
        %dma_wait3A_101 = arith.constant 0 : i32
        %dma_wait3A_102 = tpu.memref_slice %arg10[%dma_wait3A_101] : memref<10016xf32, #tpu.memory_space<vmem_shared>> -> memref<10016xf32, #tpu.memory_space<vmem_shared>>
        tpu.wait_indirect_dma semaphore(%run_scoped3A_94 : memref<!tpu.dma_semaphore, #tpu.memory_space<semaphore_mem>>) src(%arg9 : memref<128xf32, #tpu.memory_space<vmem>>) dst(%dma_wait3A_102 : memref<10016xf32, #tpu.memory_space<vmem_shared>>)
        tpu.yield
      }) : () -> ()
    }
    %scan3A_71 = arith.constant 20 : i32
    %run_scoped3A_72 = arith.constant 3 : i32
    "tpu.region"() ({
      %run_scoped3A_89 = tpu.sem_alloc : memref<!tpu.dma_semaphore, #tpu.memory_space<semaphore_mem>>
      %dma_start3A = arith.constant 0 : i32
      %dma_start3A_90 = arith.constant 0 : i32
      %dma_start3A_91 = tpu.memref_slice %arg2[%add3A, %run_scoped3A_72, %dma_start3A, %dma_start3A_90] : memref<32x4x20x128xi32, #tpu.memory_space<hbm>> -> memref<1x1x20x128xi32, #tpu.memory_space<hbm>>
      %dma_start3A_92 = tpu.memref_squeeze %dma_start3A_91 : memref<1x1x20x128xi32, #tpu.memory_space<hbm>> -> memref<20x128xi32, #tpu.memory_space<hbm>>
      %dma_start3A_93 = arith.constant 0 : i32
      %dma_start3A_94 = arith.constant 0 : i32
      %dma_start3A_95 = tpu.memref_slice %arg2[%add3A, %run_scoped3A_72, %dma_start3A_93, %dma_start3A_94] : memref<32x4x20x128xi32, #tpu.memory_space<hbm>> -> memref<1x1x20x128xi32, #tpu.memory_space<hbm>>
      %dma_start3A_96 = tpu.memref_squeeze %dma_start3A_95 : memref<1x1x20x128xi32, #tpu.memory_space<hbm>> -> memref<20x128xi32, #tpu.memory_space<hbm>>
      tpu.enqueue_dma source(%dma_start3A_96 : memref<20x128xi32, #tpu.memory_space<hbm>>) target(%arg7 : memref<20x128xi32, #tpu.memory_space<vmem>>) target_semaphore(%run_scoped3A_89 : memref<!tpu.dma_semaphore, #tpu.memory_space<semaphore_mem>>)
      %dma_wait3A = arith.constant 0 : i32
      %dma_wait3A_97 = arith.constant 0 : i32
      %dma_wait3A_98 = tpu.memref_slice %arg2[%add3A, %run_scoped3A_72, %dma_wait3A, %dma_wait3A_97] : memref<32x4x20x128xi32, #tpu.memory_space<hbm>> -> memref<1x1x20x128xi32, #tpu.memory_space<hbm>>
      %dma_wait3A_99 = tpu.memref_squeeze %dma_wait3A_98 : memref<1x1x20x128xi32, #tpu.memory_space<hbm>> -> memref<20x128xi32, #tpu.memory_space<hbm>>
      %dma_wait3A_100 = arith.constant 0 : i32
      %dma_wait3A_101 = arith.constant 0 : i32
      %dma_wait3A_102 = tpu.memref_slice %arg2[%add3A, %run_scoped3A_72, %dma_wait3A_100, %dma_wait3A_101] : memref<32x4x20x128xi32, #tpu.memory_space<hbm>> -> memref<1x1x20x128xi32, #tpu.memory_space<hbm>>
      %dma_wait3A_103 = tpu.memref_squeeze %dma_wait3A_102 : memref<1x1x20x128xi32, #tpu.memory_space<hbm>> -> memref<20x128xi32, #tpu.memory_space<hbm>>
      tpu.wait_dma2 semaphore(%run_scoped3A_89 : memref<!tpu.dma_semaphore, #tpu.memory_space<semaphore_mem>>) src(%dma_wait3A_103 : memref<20x128xi32, #tpu.memory_space<hbm>>) dst(%arg7 : memref<20x128xi32, #tpu.memory_space<vmem>>)
      tpu.yield
    }) : () -> ()
    %scan3A_73 = arith.constant 0 : i32
    %scan3A_74 = arith.constant 20 : i32
    %scan3A_75 = arith.addi %scan3A_73, %scan3A_74 : i32
    %scan3A_76 = arith.constant 1 : i32
    scf.for %scan3A_89 = %scan3A_73 to %scan3A_75 step %scan3A_76  : i32 {
      %mul3A_90 = arith.constant 1 : i32
      %mul3A_91 = arith.muli %scan3A_89, %mul3A_90 : i32
      %add3A_92 = arith.constant 0 : i32
      %add3A_93 = arith.addi %add3A_92, %mul3A_91 : i32
      "tpu.region"() ({
        %run_scoped3A_94 = tpu.sem_alloc : memref<!tpu.dma_semaphore, #tpu.memory_space<semaphore_mem>>
        %dma_start3A = arith.constant 0 : i32
        %dma_start3A_95 = tpu.memref_slice %arg7[%add3A_93, %dma_start3A] : memref<20x128xi32, #tpu.memory_space<vmem>> -> memref<1x128xi32, #tpu.memory_space<vmem>>
        %dma_start3A_96 = tpu.memref_squeeze %dma_start3A_95 : memref<1x128xi32, #tpu.memory_space<vmem>> -> memref<128xi32, #tpu.memory_space<vmem>>
        %dma_start3A_97 = arith.constant 0 : i32
        %dma_start3A_98 = tpu.memref_slice %arg10[%dma_start3A_97] : memref<10016xf32, #tpu.memory_space<vmem_shared>> -> memref<10016xf32, #tpu.memory_space<vmem_shared>>
        tpu.enqueue_indirect_dma source(%arg9 : memref<128xf32, #tpu.memory_space<vmem>>) target(%dma_start3A_98 : memref<10016xf32, #tpu.memory_space<vmem_shared>>) offsets(%dma_start3A_96 : memref<128xi32, #tpu.memory_space<vmem>>) semaphore(%run_scoped3A_94 : memref<!tpu.dma_semaphore, #tpu.memory_space<semaphore_mem>>) {add = true}
        %dma_wait3A = arith.constant 0 : i32
        %dma_wait3A_99 = tpu.memref_slice %arg7[%add3A_93, %dma_wait3A] : memref<20x128xi32, #tpu.memory_space<vmem>> -> memref<1x128xi32, #tpu.memory_space<vmem>>
        %dma_wait3A_100 = tpu.memref_squeeze %dma_wait3A_99 : memref<1x128xi32, #tpu.memory_space<vmem>> -> memref<128xi32, #tpu.memory_space<vmem>>
        %dma_wait3A_101 = arith.constant 0 : i32
        %dma_wait3A_102 = tpu.memref_slice %arg10[%dma_wait3A_101] : memref<10016xf32, #tpu.memory_space<vmem_shared>> -> memref<10016xf32, #tpu.memory_space<vmem_shared>>
        tpu.wait_indirect_dma semaphore(%run_scoped3A_94 : memref<!tpu.dma_semaphore, #tpu.memory_space<semaphore_mem>>) src(%arg9 : memref<128xf32, #tpu.memory_space<vmem>>) dst(%dma_wait3A_102 : memref<10016xf32, #tpu.memory_space<vmem_shared>>)
        tpu.yield
      }) : () -> ()
    }
    %scan3A_77 = arith.constant 20 : i32
    %barrier3A_78 = arith.constant 0 : index
    tpu.barrier barrier_id(%barrier3A_78)
    %eq3A_79 = arith.constant 0 : i32
    %eq3A_80 = arith.cmpi eq, %arg1, %eq3A_79 : i32
    %convert_element_type3A_81 = arith.extui %eq3A_80 : i1 to i32
    %cond3A_82 = arith.constant 0 : i32
    %cond3A_83 = arith.cmpi ne, %convert_element_type3A_81, %cond3A_82 : i32
    scf.if %cond3A_83 {
      "tpu.region"() ({
        %run_scoped3A_89 = tpu.sem_alloc : memref<!tpu.dma_semaphore, #tpu.memory_space<semaphore_mem>>
        %dma_start3A = arith.constant 0 : i32
        %dma_start3A_90 = tpu.memref_slice %arg5[%arg0, %dma_start3A] : memref<2x10016xf32, #tpu.memory_space<hbm>> -> memref<1x10016xf32, #tpu.memory_space<hbm>>
        %dma_start3A_91 = tpu.memref_squeeze %dma_start3A_90 : memref<1x10016xf32, #tpu.memory_space<hbm>> -> memref<10016xf32, #tpu.memory_space<hbm>>
        tpu.enqueue_dma source(%arg10 : memref<10016xf32, #tpu.memory_space<vmem_shared>>) target(%dma_start3A_91 : memref<10016xf32, #tpu.memory_space<hbm>>) target_semaphore(%run_scoped3A_89 : memref<!tpu.dma_semaphore, #tpu.memory_space<semaphore_mem>>)
        %dma_wait3A = arith.constant 0 : i32
        %dma_wait3A_92 = tpu.memref_slice %arg5[%arg0, %dma_wait3A] : memref<2x10016xf32, #tpu.memory_space<hbm>> -> memref<1x10016xf32, #tpu.memory_space<hbm>>
        %dma_wait3A_93 = tpu.memref_squeeze %dma_wait3A_92 : memref<1x10016xf32, #tpu.memory_space<hbm>> -> memref<10016xf32, #tpu.memory_space<hbm>>
        tpu.wait_dma2 semaphore(%run_scoped3A_89 : memref<!tpu.dma_semaphore, #tpu.memory_space<semaphore_mem>>) src(%arg10 : memref<10016xf32, #tpu.memory_space<vmem_shared>>) dst(%dma_wait3A_93 : memref<10016xf32, #tpu.memory_space<hbm>>)
        tpu.yield
      }) : () -> ()
    } else {
    }
    %eq3A_84 = arith.constant 1 : i32
    %eq3A_85 = arith.cmpi eq, %arg1, %eq3A_84 : i32
    %convert_element_type3A_86 = arith.extui %eq3A_85 : i1 to i32
    %cond3A_87 = arith.constant 0 : i32
    %cond3A_88 = arith.cmpi ne, %convert_element_type3A_86, %cond3A_87 : i32
    scf.if %cond3A_88 {
      "tpu.region"() ({
        %run_scoped3A_89 = tpu.sem_alloc : memref<!tpu.dma_semaphore, #tpu.memory_space<semaphore_mem>>
        %dma_start3A = arith.constant 0 : i32
        %dma_start3A_90 = tpu.memref_slice %arg6[%arg0, %dma_start3A] : memref<2x10016xf32, #tpu.memory_space<hbm>> -> memref<1x10016xf32, #tpu.memory_space<hbm>>
        %dma_start3A_91 = tpu.memref_squeeze %dma_start3A_90 : memref<1x10016xf32, #tpu.memory_space<hbm>> -> memref<10016xf32, #tpu.memory_space<hbm>>
        tpu.enqueue_dma source(%arg11 : memref<10016xf32, #tpu.memory_space<vmem_shared>>) target(%dma_start3A_91 : memref<10016xf32, #tpu.memory_space<hbm>>) target_semaphore(%run_scoped3A_89 : memref<!tpu.dma_semaphore, #tpu.memory_space<semaphore_mem>>)
        %dma_wait3A = arith.constant 0 : i32
        %dma_wait3A_92 = tpu.memref_slice %arg6[%arg0, %dma_wait3A] : memref<2x10016xf32, #tpu.memory_space<hbm>> -> memref<1x10016xf32, #tpu.memory_space<hbm>>
        %dma_wait3A_93 = tpu.memref_squeeze %dma_wait3A_92 : memref<1x10016xf32, #tpu.memory_space<hbm>> -> memref<10016xf32, #tpu.memory_space<hbm>>
        tpu.wait_dma2 semaphore(%run_scoped3A_89 : memref<!tpu.dma_semaphore, #tpu.memory_space<semaphore_mem>>) src(%arg11 : memref<10016xf32, #tpu.memory_space<vmem_shared>>) dst(%dma_wait3A_93 : memref<10016xf32, #tpu.memory_space<hbm>>)
        tpu.yield
      }) : () -> ()
    } else {
    }
    return
  }
}

module attributes {stable_mosaic.version = 14 : i64} {
  func.func @_gmul_body(%arg0: memref<10000x128xf32, #tpu.memory_space<vmem>>, %arg1: memref<128x128xf32, #tpu.memory_space<vmem>>, %arg2: memref<2x10016xf32, #tpu.memory_space<vmem>>, %arg3: memref<2x10016xf32, #tpu.memory_space<vmem>>, %arg4: memref<10000x128xf32, #tpu.memory_space<vmem>>, %arg5: memref<10016x1xf32, #tpu.memory_space<vmem>>) attributes {dimension_semantics = [], scalar_prefetch = 0 : i64, scratch_operands = 0 : i64, tpu.core_type = #tpu.core_type<tc>} {
    %get3A = arith.constant 0 : index
    %get3A_0 = arith.constant 0 : index
    %get3A_1 = vector.load %arg2[%get3A, %get3A_0] : memref<2x10016xf32, #tpu.memory_space<vmem>>, vector<2x10016xf32>
    %slice3A = vector.extract_strided_slice %get3A_1 {offsets = [0, 0], sizes = [1, 10000], strides = [1, 1]} : vector<2x10016xf32> to vector<1x10000xf32>
    %squeeze3A = vector.shape_cast %slice3A : vector<1x10000xf32> to vector<10000xf32>
    %slice3A_2 = vector.extract_strided_slice %get3A_1 {offsets = [1, 0], sizes = [1, 10000], strides = [1, 1]} : vector<2x10016xf32> to vector<1x10000xf32>
    %squeeze3A_3 = vector.shape_cast %slice3A_2 : vector<1x10000xf32> to vector<10000xf32>
    %add3A = arith.addf %squeeze3A, %squeeze3A_3 : vector<10000xf32>
    %add3A_4 = arith.constant 1.000000e+00 : f32
    %add3A_5 = vector.broadcast %add3A_4 : f32 to vector<10000xf32>
    %add3A_6 = arith.addf %add3A, %add3A_5 : vector<10000xf32>
    %rsqrt3A = math.rsqrt %add3A_6 : vector<10000xf32>
    %broadcast_in_dim3A = vector.shape_cast %rsqrt3A : vector<10000xf32> to vector<10000x1xf32>
    %get3A_7 = arith.constant 0 : index
    %get3A_8 = arith.constant 0 : index
    %get3A_9 = vector.load %arg0[%get3A_7, %get3A_8] : memref<10000x128xf32, #tpu.memory_space<vmem>>, vector<10000x128xf32>
    %get3A_10 = arith.constant 0 : index
    %get3A_11 = arith.constant 0 : index
    %get3A_12 = vector.load %arg1[%get3A_10, %get3A_11] : memref<128x128xf32, #tpu.memory_space<vmem>>, vector<128x128xf32>
    %dot_general3A = arith.constant dense<0.000000e+00> : vector<10000x128xf32>
    %dot_general3A_13 = tpu.matmul %get3A_9, %get3A_12, %dot_general3A {dimension_numbers = #tpu.dot_dimension_numbers<[1], [0], [0], [1], [0, 0, 1, 1], [], []>, transpose_lhs_hint = false} : vector<10000x128xf32>, vector<128x128xf32>, vector<10000x128xf32> -> vector<10000x128xf32>
    %mul3A = vector.broadcast %broadcast_in_dim3A : vector<10000x1xf32> to vector<10000x128xf32>
    %mul3A_14 = arith.mulf %dot_general3A_13, %mul3A : vector<10000x128xf32>
    %swap3A = arith.constant 0 : index
    %swap3A_15 = arith.constant 0 : index
    %swap3A_16 = vector.load %arg4[%swap3A, %swap3A_15] : memref<10000x128xf32, #tpu.memory_space<vmem>>, vector<10000x128xf32>
    tpu.vector_store %arg4[%swap3A, %swap3A_15], %mul3A_14 {strides = array<i32>} : memref<10000x128xf32, #tpu.memory_space<vmem>>, vector<10000x128xf32>,
    %get3A_17 = arith.constant 0 : index
    %get3A_18 = arith.constant 0 : index
    %get3A_19 = vector.load %arg3[%get3A_17, %get3A_18] : memref<2x10016xf32, #tpu.memory_space<vmem>>, vector<2x10016xf32>
    %slice3A_20 = vector.extract_strided_slice %get3A_19 {offsets = [0, 0], sizes = [1, 10016], strides = [1, 1]} : vector<2x10016xf32> to vector<1x10016xf32>
    %squeeze3A_21 = vector.shape_cast %slice3A_20 : vector<1x10016xf32> to vector<10016xf32>
    %slice3A_22 = vector.extract_strided_slice %get3A_19 {offsets = [1, 0], sizes = [1, 10016], strides = [1, 1]} : vector<2x10016xf32> to vector<1x10016xf32>
    %squeeze3A_23 = vector.shape_cast %slice3A_22 : vector<1x10016xf32> to vector<10016xf32>
    %add3A_24 = arith.addf %squeeze3A_21, %squeeze3A_23 : vector<10016xf32>
    %gt3A = arith.constant 0.000000e+00 : f32
    %gt3A_25 = vector.broadcast %gt3A : f32 to vector<10016xf32>
    %gt3A_26 = arith.cmpf ogt, %add3A_24, %gt3A_25 : vector<10016xf32>
    %jit3A = arith.constant 1.000000e+00 : f32
    %jit3A_27 = arith.constant 0.000000e+00 : f32
    %broadcast_in_dim3A_28 = vector.broadcast %jit3A : f32 to vector<10016xf32>
    %broadcast_in_dim3A_29 = vector.broadcast %jit3A_27 : f32 to vector<10016xf32>
    %select_n3A = arith.select %gt3A_26, %broadcast_in_dim3A_28, %broadcast_in_dim3A_29 : vector<10016xi1>, vector<10016xf32>
    %broadcast_in_dim3A_30 = vector.shape_cast %select_n3A : vector<10016xf32> to vector<10016x1xf32>
    %swap3A_31 = arith.constant 0 : index
    %swap3A_32 = arith.constant 0 : index
    %swap3A_33 = vector.load %arg5[%swap3A_31, %swap3A_32] : memref<10016x1xf32, #tpu.memory_space<vmem>>, vector<10016x1xf32>
    tpu.vector_store %arg5[%swap3A_31, %swap3A_32], %broadcast_in_dim3A_30 {strides = array<i32>} : memref<10016x1xf32, #tpu.memory_space<vmem>>, vector<10016x1xf32>,
    return
  }
}

module attributes {stable_mosaic.version = 14 : i64} {
  func.func @_head_body(%arg0: memref<2x10000x128xf32, #tpu.memory_space<vmem>>, %arg1: memref<10000x128xf32, #tpu.memory_space<vmem>>, %arg2: memref<2x10016xf32, #tpu.memory_space<vmem>>, %arg3: memref<128xf32, #tpu.memory_space<vmem>>, %arg4: memref<128x128xf32, #tpu.memory_space<vmem>>, %arg5: memref<128xf32, #tpu.memory_space<vmem>>, %arg6: memref<128x128xf32, #tpu.memory_space<vmem>>, %arg7: memref<128xf32, #tpu.memory_space<vmem>>, %arg8: memref<128x1xf32, #tpu.memory_space<vmem>>, %arg9: memref<1xf32, #tpu.memory_space<vmem>>, %arg10: memref<128x1xf32, #tpu.memory_space<vmem>>, %arg11: memref<1xf32, #tpu.memory_space<vmem>>, %arg12: memref<10000x1xf32, #tpu.memory_space<vmem>>, %arg13: memref<10000x1xf32, #tpu.memory_space<vmem>>) attributes {dimension_semantics = [], scalar_prefetch = 0 : i64, scratch_operands = 0 : i64, tpu.core_type = #tpu.core_type<tc>} {
    %get3A = arith.constant 0 : index
    %get3A_0 = arith.constant 0 : index
    %get3A_1 = vector.load %arg2[%get3A, %get3A_0] : memref<2x10016xf32, #tpu.memory_space<vmem>>, vector<2x10016xf32>
    %slice3A = vector.extract_strided_slice %get3A_1 {offsets = [0, 0], sizes = [1, 10000], strides = [1, 1]} : vector<2x10016xf32> to vector<1x10000xf32>
    %squeeze3A = vector.shape_cast %slice3A : vector<1x10000xf32> to vector<10000xf32>
    %slice3A_2 = vector.extract_strided_slice %get3A_1 {offsets = [1, 0], sizes = [1, 10000], strides = [1, 1]} : vector<2x10016xf32> to vector<1x10000xf32>
    %squeeze3A_3 = vector.shape_cast %slice3A_2 : vector<1x10000xf32> to vector<10000xf32>
    %add3A = arith.addf %squeeze3A, %squeeze3A_3 : vector<10000xf32>
    %add3A_4 = arith.constant 1.000000e+00 : f32
    %add3A_5 = vector.broadcast %add3A_4 : f32 to vector<10000xf32>
    %add3A_6 = arith.addf %add3A, %add3A_5 : vector<10000xf32>
    %rsqrt3A = math.rsqrt %add3A_6 : vector<10000xf32>
    %broadcast_in_dim3A = vector.shape_cast %rsqrt3A : vector<10000xf32> to vector<10000x1xf32>
    %get3A_7 = arith.constant 0 : index
    %get3A_8 = arith.constant 0 : index
    %get3A_9 = arith.constant 0 : index
    %get3A_10 = vector.load %arg0[%get3A_7, %get3A_8, %get3A_9] : memref<2x10000x128xf32, #tpu.memory_space<vmem>>, vector<1x10000x128xf32>
    %get3A_11 = vector.shape_cast %get3A_10 : vector<1x10000x128xf32> to vector<10000x128xf32>
    %get3A_12 = arith.constant 1 : index
    %get3A_13 = arith.constant 0 : index
    %get3A_14 = arith.constant 0 : index
    %get3A_15 = vector.load %arg0[%get3A_12, %get3A_13, %get3A_14] : memref<2x10000x128xf32, #tpu.memory_space<vmem>>, vector<1x10000x128xf32>
    %get3A_16 = vector.shape_cast %get3A_15 : vector<1x10000x128xf32> to vector<10000x128xf32>
    %add3A_17 = arith.addf %get3A_11, %get3A_16 : vector<10000x128xf32>
    %get3A_18 = arith.constant 0 : index
    %get3A_19 = arith.constant 0 : index
    %get3A_20 = vector.load %arg1[%get3A_18, %get3A_19] : memref<10000x128xf32, #tpu.memory_space<vmem>>, vector<10000x128xf32>
    %add3A_21 = arith.addf %add3A_17, %get3A_20 : vector<10000x128xf32>
    %mul3A = vector.broadcast %broadcast_in_dim3A : vector<10000x1xf32> to vector<10000x128xf32>
    %mul3A_22 = arith.mulf %add3A_21, %mul3A : vector<10000x128xf32>
    %get3A_23 = arith.constant 0 : index
    %get3A_24 = vector.load %arg3[%get3A_23] : memref<128xf32, #tpu.memory_space<vmem>>, vector<128xf32>
    %broadcast_in_dim3A_25 = vector.shape_cast %get3A_24 : vector<128xf32> to vector<1x128xf32>
    %add3A_26 = vector.broadcast %broadcast_in_dim3A_25 : vector<1x128xf32> to vector<10000x128xf32>
    %add3A_27 = arith.addf %mul3A_22, %add3A_26 : vector<10000x128xf32>
    %max3A = arith.constant 0.000000e+00 : f32
    %max3A_28 = vector.broadcast %max3A : f32 to vector<10000x128xf32>
    %max3A_29 = arith.maximumf %add3A_27, %max3A_28 : vector<10000x128xf32>
    %get3A_30 = arith.constant 0 : index
    %get3A_31 = arith.constant 0 : index
    %get3A_32 = vector.load %arg4[%get3A_30, %get3A_31] : memref<128x128xf32, #tpu.memory_space<vmem>>, vector<128x128xf32>
    %dot_general3A = arith.constant dense<0.000000e+00> : vector<10000x128xf32>
    %dot_general3A_33 = tpu.matmul %max3A_29, %get3A_32, %dot_general3A {dimension_numbers = #tpu.dot_dimension_numbers<[1], [0], [0], [1], [0, 0, 1, 1], [], []>, transpose_lhs_hint = false} : vector<10000x128xf32>, vector<128x128xf32>, vector<10000x128xf32> -> vector<10000x128xf32>
    %get3A_34 = arith.constant 0 : index
    %get3A_35 = vector.load %arg5[%get3A_34] : memref<128xf32, #tpu.memory_space<vmem>>, vector<128xf32>
    %broadcast_in_dim3A_36 = vector.shape_cast %get3A_35 : vector<128xf32> to vector<1x128xf32>
    %add3A_37 = vector.broadcast %broadcast_in_dim3A_36 : vector<1x128xf32> to vector<10000x128xf32>
    %add3A_38 = arith.addf %dot_general3A_33, %add3A_37 : vector<10000x128xf32>
    %max3A_39 = arith.constant 0.000000e+00 : f32
    %max3A_40 = vector.broadcast %max3A_39 : f32 to vector<10000x128xf32>
    %max3A_41 = arith.maximumf %add3A_38, %max3A_40 : vector<10000x128xf32>
    %get3A_42 = arith.constant 0 : index
    %get3A_43 = arith.constant 0 : index
    %get3A_44 = vector.load %arg6[%get3A_42, %get3A_43] : memref<128x128xf32, #tpu.memory_space<vmem>>, vector<128x128xf32>
    %dot_general3A_45 = arith.constant dense<0.000000e+00> : vector<10000x128xf32>
    %dot_general3A_46 = tpu.matmul %max3A_29, %get3A_44, %dot_general3A_45 {dimension_numbers = #tpu.dot_dimension_numbers<[1], [0], [0], [1], [0, 0, 1, 1], [], []>, transpose_lhs_hint = false} : vector<10000x128xf32>, vector<128x128xf32>, vector<10000x128xf32> -> vector<10000x128xf32>
    %get3A_47 = arith.constant 0 : index
    %get3A_48 = vector.load %arg7[%get3A_47] : memref<128xf32, #tpu.memory_space<vmem>>, vector<128xf32>
    %broadcast_in_dim3A_49 = vector.shape_cast %get3A_48 : vector<128xf32> to vector<1x128xf32>
    %add3A_50 = vector.broadcast %broadcast_in_dim3A_49 : vector<1x128xf32> to vector<10000x128xf32>
    %add3A_51 = arith.addf %dot_general3A_46, %add3A_50 : vector<10000x128xf32>
    %max3A_52 = arith.constant 0.000000e+00 : f32
    %max3A_53 = vector.broadcast %max3A_52 : f32 to vector<10000x128xf32>
    %max3A_54 = arith.maximumf %add3A_51, %max3A_53 : vector<10000x128xf32>
    %get3A_55 = arith.constant 0 : index
    %get3A_56 = arith.constant 0 : index
    %get3A_57 = vector.load %arg8[%get3A_55, %get3A_56] : memref<128x1xf32, #tpu.memory_space<vmem>>, vector<128x1xf32>
    %dot_general3A_58 = arith.constant dense<0.000000e+00> : vector<10000x1xf32>
    %dot_general3A_59 = tpu.matmul %max3A_41, %get3A_57, %dot_general3A_58 {dimension_numbers = #tpu.dot_dimension_numbers<[1], [0], [0], [1], [0, 0, 1, 1], [], []>, transpose_lhs_hint = false} : vector<10000x128xf32>, vector<128x1xf32>, vector<10000x1xf32> -> vector<10000x1xf32>
    %get3A_60 = arith.constant 0 : index
    %get3A_61 = arith.constant 0 : index
    %get3A_62 = vector.load %arg10[%get3A_60, %get3A_61] : memref<128x1xf32, #tpu.memory_space<vmem>>, vector<128x1xf32>
    %dot_general3A_63 = arith.constant dense<0.000000e+00> : vector<10000x1xf32>
    %dot_general3A_64 = tpu.matmul %max3A_54, %get3A_62, %dot_general3A_63 {dimension_numbers = #tpu.dot_dimension_numbers<[1], [0], [0], [1], [0, 0, 1, 1], [], []>, transpose_lhs_hint = false} : vector<10000x128xf32>, vector<128x1xf32>, vector<10000x1xf32> -> vector<10000x1xf32>
    %get3A_65 = arith.constant 0 : index
    %get3A_66 = vector.load %arg9[%get3A_65] : memref<1xf32, #tpu.memory_space<vmem>>, vector<1xf32>
    %broadcast_in_dim3A_67 = vector.shape_cast %get3A_66 : vector<1xf32> to vector<1x1xf32>
    %add3A_68 = vector.broadcast %broadcast_in_dim3A_67 : vector<1x1xf32> to vector<10000x1xf32>
    %add3A_69 = arith.addf %dot_general3A_59, %add3A_68 : vector<10000x1xf32>
    %logistic3A = arith.negf %add3A_69 : vector<10000x1xf32>
    %logistic3A_70 = math.exp %logistic3A : vector<10000x1xf32>
    %logistic3A_71 = arith.constant 1.000000e+00 : f32
    %logistic3A_72 = vector.broadcast %logistic3A_71 : f32 to vector<10000x1xf32>
    %logistic3A_73 = arith.addf %logistic3A_72, %logistic3A_70 : vector<10000x1xf32>
    %logistic3A_74 = arith.divf %logistic3A_72, %logistic3A_73 : vector<10000x1xf32>
    %swap3A = arith.constant 0 : index
    %swap3A_75 = arith.constant 0 : index
    %swap3A_76 = vector.load %arg12[%swap3A, %swap3A_75] : memref<10000x1xf32, #tpu.memory_space<vmem>>, vector<10000x1xf32>
    tpu.vector_store %arg12[%swap3A, %swap3A_75], %logistic3A_74 {strides = array<i32>} : memref<10000x1xf32, #tpu.memory_space<vmem>>, vector<10000x1xf32>,
    %get3A_77 = arith.constant 0 : index
    %get3A_78 = vector.load %arg11[%get3A_77] : memref<1xf32, #tpu.memory_space<vmem>>, vector<1xf32>
    %broadcast_in_dim3A_79 = vector.shape_cast %get3A_78 : vector<1xf32> to vector<1x1xf32>
    %add3A_80 = vector.broadcast %broadcast_in_dim3A_79 : vector<1x1xf32> to vector<10000x1xf32>
    %add3A_81 = arith.addf %dot_general3A_64, %add3A_80 : vector<10000x1xf32>
    %logistic3A_82 = arith.negf %add3A_81 : vector<10000x1xf32>
    %logistic3A_83 = math.exp %logistic3A_82 : vector<10000x1xf32>
    %logistic3A_84 = arith.constant 1.000000e+00 : f32
    %logistic3A_85 = vector.broadcast %logistic3A_84 : f32 to vector<10000x1xf32>
    %logistic3A_86 = arith.addf %logistic3A_85, %logistic3A_83 : vector<10000x1xf32>
    %logistic3A_87 = arith.divf %logistic3A_85, %logistic3A_86 : vector<10000x1xf32>
    %swap3A_88 = arith.constant 0 : index
    %swap3A_89 = arith.constant 0 : index
    %swap3A_90 = vector.load %arg13[%swap3A_88, %swap3A_89] : memref<10000x1xf32, #tpu.memory_space<vmem>>, vector<10000x1xf32>
    tpu.vector_store %arg13[%swap3A_88, %swap3A_89], %logistic3A_87 {strides = array<i32>} : memref<10000x1xf32, #tpu.memory_space<vmem>>, vector<10000x1xf32>,
    return
  }
}

</mosaic_0001>

<sc_bundles>
// kernel: kernel.10.cloned.1.call-start
scs
__scs_entry_jumppad:
0x0: {  	(pc) =	sbr.rel $0x88, $3  }
0x1: {  	(tag) =	ssettag $0x0;
	lr =	simm.s32 $0x1  }
0x2: {  	[smem:$0x3F93] =	sst lr;
	_ =	strace $0xD0000000  }
0x3: {  	_ = 	snop  }
0x4: {  	_ = 	snop  }
0x5: {  	_ = 	snop  }
0x6: {  	_ = 	snop  }
0x7: {  	_ = 	snop  }
__scs_overlays_trampoline_lowered:
0x8: {  	[smem:$0x3FA2] =	sst s0  }
0x9: {  	[smem:$0x3FA3] =	sst s1  }
0xa: {  	[smem:$0x3FA4] =	sst s2  }
0xb: {  	[smem:$0x3FA5] =	sst s3  }
0xc: {  	[smem:$0x3FA6] =	sst s4  }
0xd: {  	[smem:$0x3FA7] =	sst s5  }
0xe: {  	[smem:$0x3FA8] =	sst s6  }
0xf: {  	[smem:$0x3FA9] =	sst s7  }
0x10: {  	[smem:$0x3FAA] =	sst s8  }
0x11: {  	[smem:$0x3FAB] =	sst s9;
	s0 =	simm.s32 @!p0 $0x0  }
0x12: {  	s1 =	sld [smem:$0x3F91];
	s0 =	simm.s32 @p0 $0x1  }
0x13: {  	[smem:$0x3FAC] =	sst s0;
	s0 =	simm.s32 @!p1 $0x0  }
0x14: {  	s2 =	sld [smem:$0x3F90];
	s0 =	simm.s32 @p1 $0x1  }
0x15: {  	[smem:$0x3FAD] =	sst s0;
	s0 =	simm.s32 @!p2 $0x0  }
0x16: {  	s3 =	sld [smem:$0x3FDB];
	s0 =	simm.s32 @p2 $0x1  }
0x17: {  	s4 =	simm.s32 $0x1BF5;
	[smem:$0x3FAF] =	sst s0  }
0x18: {  	s0 =	sld [smem:$0x3F92];
	_ =	swait.ge [sflag:s4], $0x0  }
0x19: {  	s7 =	sld [smem:$0x3F93]  }
0x1a: {  	s8 =	sadd.s32 $0xFFFFE003, lr  }
0x1b: {  	s9 =	sadd.s32 $0xFFFFFEF7, lr;
	s5 =	simm.s32 $0xFFFFFFFF;
	p2 =	slt.u32 s8, $0xFFFFF086  }
0x1c: {  	p1 =	slt.u32 s9, $0xF7A;
	s5 =	simm.s32 @!p2 $0x0  }
0x1d: {  	s5 =	simm.s32 @p1 $0x1;
	p0 =	seq.s32 s7, s2  }
0x1e: {  	s7 =	smul.u32 @!p0 $0xF7A, s2;
	p2 =	seq.s32 @!p0 s5, $0x0  }
0x1f: {  	s9 =	smul.u32 $0xF7A, s1;
	s8 =	simm.s32 @!p0 $0x1BF5;
	p2 =	por !p2, p0  }
0x20: {  	[sflag:s8] =	ssyncset.s32 @!p0 $0xFFFFF086;
	s6 =	sadd.s32 @!p0 s3, s7;
	s7 =	simm.s32 @!p0 $0x108  }
0x21: {  	s3 =	sadd.s32 s3, s9;
	s6 =	sadd.s32 @!p0 $0x88, s6;
	s7 =	simm.s32 @p2 $0x1082  }
0x22: {  	[simem:s7], [sflag:s8] =	dma.local @!p0 [hbm:s6], $0xF7A  }
0x23: {  	s9 =	sor.u32 $0xD0000000, s2;
	s6 =	simm.s32 $0x108;
	_ =	swait.ge @!p0 [sflag:s8], $0x0  }
0x24: {  	s3 =	sadd.s32 $0x88, s3;
	s6 =	simm.s32 @!p1 $0x1082;
	[sflag:s4] =	ssyncset.s32 $0xFFFFF086  }
0x25: {  	[simem:s6], [sflag:s4] =	dma.local [hbm:s3], $0xF7A  }
0x26: {  	[smem:$0x3F93] =	sst s1;
	(tag) =	ssettag s2;
	_ =	strace s9  }
0x27: {  	s1 =	sld [smem:$0x3FA3]  }
0x28: {  	s2 =	sld [smem:$0x3FA4]  }
0x29: {  	s4 =	sld [smem:$0x3FA6]  }
0x2a: {  	p0 =	seq.s32 s5, $0x0;
	s5 =	sld [smem:$0x3FA7]  }
0x2b: {  	s6 =	sld [smem:$0x3FA8]  }
0x2c: {  	s7 =	sld [smem:$0x3FA9]  }
0x2d: {  	s3 =	simm.s32 $0x108;
	s8 =	sld [smem:$0x3FAA]  }
0x2e: {  	s3 =	simm.s32 @!p0 $0x1082;
	s9 =	sld [smem:$0x3FAB]  }
0x2f: {  	lr =	sadd.s32 s0, s3;
	s0 =	sld [smem:$0x3FA2]  }
0x30: {  	s3 =	sld [smem:$0x3FA5]  }
0x31: {  	[smem:$0x3FAE] =	sst s10  }
0x32: {  	s10 =	sld [smem:$0x3FAC];
	_ =	sdelay $0x3  }
0x33: {  	p0 =	seq.s32 s10, $0x1;
	s10 =	sld [smem:$0x3FAE];
	_ =	sdelay $0x3  }
0x34: {  	[smem:$0x3FAE] =	sst s10  }
0x35: {  	s10 =	sld [smem:$0x3FAD];
	_ =	sdelay $0x3  }
0x36: {  	p1 =	seq.s32 s10, $0x1;
	s10 =	sld [smem:$0x3FAE];
	_ =	sdelay $0x3  }
0x37: {  	[smem:$0x3FAE] =	sst s10  }
0x38: {  	s10 =	sld [smem:$0x3FAF]  }
0x39: {  	_ = 	snop;
	(pc) =	sbr.ind lr, $3  }
0x3a: {  	_ = 	snop  }
0x3b: {  	_ = 	snop  }
0x3c: {  	p2 =	seq.s32 s10, $0x1;
	s10 =	sld [smem:$0x3FAE]  }
0x3d: {  	_ =	shalt  }
0x3e: {  	_ =	shalt  }
0x3f: {  	_ =	shalt  }
0x40: {  	_ =	shalt  }
0x41: {  	_ =	shalt  }
0x42: {  	_ =	shalt  }
0x43: {  	_ =	shalt  }
0x44: {  	_ =	shalt  }
0x45: {  	_ =	shalt  }
0x46: {  	_ =	shalt  }
0x47: {  	_ =	shalt  }
0x48: {  	_ =	shalt  }
0x49: {  	_ =	shalt  }
0x4a: {  	_ =	shalt  }
0x4b: {  	_ =	shalt  }
0x4c: {  	_ =	shalt  }
0x4d: {  	_ =	shalt  }
0x4e: {  	_ =	shalt  }
0x4f: {  	_ =	shalt  }
0x50: {  	_ =	shalt  }
0x51: {  	_ =	shalt  }
0x52: {  	_ =	shalt  }
0x53: {  	_ =	shalt  }
0x54: {  	_ =	shalt  }
0x55: {  	_ =	shalt  }
0x56: {  	_ =	shalt  }
0x57: {  	_ =	shalt  }
0x58: {  	_ =	shalt  }
0x59: {  	_ =	shalt  }
0x5a: {  	_ =	shalt  }
0x5b: {  	_ =	shalt  }
0x5c: {  	_ =	shalt  }
0x5d: {  	_ =	shalt  }
0x5e: {  	_ =	shalt  }
0x5f: {  	_ =	shalt  }
0x60: {  	_ =	shalt  }
0x61: {  	_ =	shalt  }
0x62: {  	_ =	shalt  }
0x63: {  	_ =	shalt  }
0x64: {  	_ =	shalt  }
0x65: {  	_ =	shalt  }
0x66: {  	_ =	shalt  }
0x67: {  	_ =	shalt  }
0x68: {  	_ =	shalt  }
0x69: {  	_ =	shalt  }
0x6a: {  	_ =	shalt  }
0x6b: {  	_ =	shalt  }
0x6c: {  	_ =	shalt  }
0x6d: {  	_ =	shalt  }
0x6e: {  	_ =	shalt  }
0x6f: {  	_ =	shalt  }
0x70: {  	_ =	shalt  }
0x71: {  	_ =	shalt  }
0x72: {  	_ =	shalt  }
0x73: {  	_ =	shalt  }
0x74: {  	_ =	shalt  }
0x75: {  	_ =	shalt  }
0x76: {  	_ =	shalt  }
0x77: {  	_ =	shalt  }
0x78: {  	_ =	shalt  }
0x79: {  	_ =	shalt  }
0x7a: {  	_ =	shalt  }
0x7b: {  	_ =	shalt  }
0x7c: {  	_ =	shalt  }
0x7d: {  	_ =	shalt  }
0x7e: {  	_ =	shalt  }
0x7f: {  	_ =	shalt  }
0x80: {  	_ =	shalt  }
0x81: {  	_ =	shalt  }
0x82: {  	_ =	shalt  }
0x83: {  	_ =	shalt  }
0x84: {  	_ =	shalt  }
0x85: {  	_ =	shalt  }
0x86: {  	_ =	shalt  }
0x87: {  	_ =	shalt  }
.Lfunc_end0:
.L_simem_size_0:
called_computation.1_lowered:
.L_overlay_start_0:
0x88: {  	s2 =	sld [smem:$0x3FD9]  }
0x89: {  	s3 =	sld [smem:$0x3FFE];
	_ =	sdelay $0x1  }
0x8a: {  	s1 =	srdreg.scid  }
0x8b: {  	s0 =	sand.u32 $0x1, s1  }
0x8c: {  	s16 =	sshll.u32 s0, $0xA;
	s2 =	sadd.s32 s3, s2  }
0x8d: {  	s2 =	sadd.s32 s2, s16  }
0x8e: {  	[smem:$0x3FBA] =	sst s2  }
0x8f: {  	_ = 	snop  }
0x90: {  	(tm) =	ssettm $0x1  }
0x91: {  	s17 =	sld [smem:$0x3FFB];
	_ =	sdelay $0x3  }
0x92: {  	_ =	strace s17  }
0x93: {  	s2 =	sld [smem:$0x3FFC];
	_ =	sdelay $0x3  }
0x94: {  	_ =	strace s2  }
0x95: {  	s2 =	sld [smem:$0x3FFD];
	_ =	sdelay $0x3  }
0x96: {  	_ =	strace s2  }
0x97: {  	_ =	strace $0x8FFFFFFF  }
0x98: {  	s18 =	sld [smem:$0x3FDB];
	_ =	sdelay $0x1  }
0x99: {  	s19 =	simm.s32 $_scs_section_size  }
0x9a: {  	s4 =	simm.s32 $_size__tile_overlayer_lowered;
	s5 =	simm.s32 $_tile_overlayer_lowered  }
0x9b: {  	s22 =	simm.s32 $0x1BFF;
	s21 =	sshll.u32 s5, $0x1;
	s2 =	sadd.s32 s19, s18  }
0x9c: {  	s6 =	simm.s32 $0x0;
	s20 =	sshll.u32 s4, $0x1;
	s4 =	sadd.s32 s21, s2  }
0x9d: {  	[timem:s6], [sflag:s22] =	dma.local [hbm:s4], s20  }
0x9e: {  	_ =	swait.ge [sflag:s22], s20  }
0x9f: {  	s3 =	ssub.s32 $0x0, s20;
	[sflag:s22] =	ssyncset.done $0x0  }
0xa0: {  	[sflag:s22] =	ssyncadd.s32 s3;
	_ =	sdelay $0x1  }
0xa1: {  	s23 =	simm.s32 $0x1B8B  }
0xa2: {  	_ =	swait.ge [sflag:s23], $0x1  }
0xa3: {  	[sflag:s23] =	ssyncset.done $0x0  }
0xa4: {  	s25 =	simm.s32 $0x1B8E;
	s24 =	sld [smem:$0x3FFE];
	[sflag:s23] =	ssyncadd.s32 $0xFFFFFFFF  }
0xa5: {  	s26 =	simm.s32 $execute0_lowered;
	[smem:$0x3FD2] =	sst s25  }
0xa6: {  	s4 =	sshll.u32 s26, $0x1;
	_ =	strace $0x80000049;
	[dreg:$0x1] =	wrdreg $0xFFFFFFFF  }
0xa7: {  	s28 =	simm.s32 $_size_execute0_lowered;
	s2 =	sadd.s32 s2, s4;
	[dreg:$0x0] =	wrdreg $0x0  }
0xa8: {  	s4 =	sshll.u32 s28, $0x1;
	[dreg:$0x2] =	wrdreg s2  }
0xa9: {  	[dreg:$0x3] =	wrdreg s4  }
0xaa: {  	[dreg:$0x4] =	wrdreg $0xC0  }
0xab: {  	_ =	task [dreg:s6], $0x5FFFF  }
0xac: {  	[dreg:$0x1] =	wrdreg $0xFFFFFFFF  }
0xad: {  	[dreg:$0x0] =	wrdreg $0x60  }
0xae: {  	[dreg:$0x2] =	wrdreg s24  }
0xaf: {  	[dreg:$0x3] =	wrdreg $0x94000  }
0xb0: {  	[dreg:$0x4] =	wrdreg $0x9  }
0xb1: {  	_ =	task.clear_ibuf [dreg:s6], $0x5FFFF;
	_ =	strace $0x90000049  }
0xb2: {  	s29 =	simm.s32 $0x9;
	_ =	strace $0x8000004B  }
0xb3: {  	_ =	swait.ge [sflag:s29], $0x1  }
0xb4: {  	[sflag:s29] =	ssyncadd.s32 $0xFFFFFFFF  }
0xb5: {  	_ =	strace $0x9000004B  }
0xb6: {  	_ =	sfence  }
0xb7: {  	s30 =	sld [smem:$0x0];
	_ =	sdelay $0x2  }
0xb8: {  	s31 =	sshll.u32 s1, $0xD;
	s1 =	sshrl.u32 s1, $0x2  }
0xb9: {  	s3 =	sand.u32 $0x4000, s31;
	s1 =	sadd.s32 s1, s30  }
0xba: {  	s0 =	sor.u32 s3, s0;
	s1 =	sshll.u32 s1, $0x11  }
0xbb: {  	s0 =	sor.u32 s1, s0  }
0xbc: {  	s0 =	sadd.s32 $0x8F2B, s0  }
0xbd: {  	[sflag:s0] =	ssyncadd.remote.s32 $0x1  }
0xbe: {  	_ =	sfence.sel $0xFFFF  }
0xbf: {  	[dreg:$0x0] =	wrdreg $0xFFFFFFFF;
	(pc) =	sbr.abs _section_cstart, $3  }
0xc0: {  	[dreg:$0x1] =	wrdreg $0xFFFFFFFF  }
0xc1: {  	_ =	task.clear_ibuf [dreg:s6], $0x2FFFF;
	_ =	strace $0x9FFFFFFF  }
0xc2: {  	(tm) =	ssettm $0x7FFFFFFF  }
0xc3: {  	_ =	shalt  }
tec
execute0_lowered:
.L_overlay_start_1:
0x0: {  	(tag) =	ssettag $0x1  }
0x1: {  	s0 =	rddreg [dreg:$0x0]  }
0x2: {  	s1 =	rddreg [dreg:$0x1];
	s2 =	simm.s32 $0x0  }
0x3: {  	s12 =	stileid.u32;
	s3 =	srdreg.scid;
	s13 =	simm.s32 $0x2180  }
0x4: {  	s14 =	simm.s32 $0x3;
	s15 =	simm.s32 $0x2400;
	s16 =	simm.s32 $0x3C00  }
0x5: {  	[smem:$0x7FF] =	sst s2;
	s17 =	sadd.s32 $0x10C00, s0;
	s7 =	smul.u32 $0x2700, s12  }
0x6: {  	s4 =	sadd.s32 $0x2A00, s0;
	s5 =	sadd.s32 $0x1CC00, s0;
	s3 =	sand.u32 $0x1, s3  }
0x7: {  	s6 =	sadd.s32 $0xEE00, s0;
	s10 =	smul.u32 $0x4E000, s12;
	s19 =	sshll.u32 s12, $0x6  }
0x8: {  	s20 =	sadd.s32 $0x138000, s1;
	p0 =	sne.s32 s12, $0xF;
	_ =	strace $0x8000004A  }
0x9: {  	s8 =	smul.u32 $0x27100, s3;
	s9 =	ssub.s32 $0x2, s3;
	[dreg:$0x6] =	wrdreg s20  }
0xa: {  	s3 =	sshll.u32 s3, $0x4;
	s20 =	simm.s32 $0x2000;
	[dreg:$0x3] =	wrdreg s7  }
0xb: {  	s7 =	sadd.s32 s7, s0;
	s11 =	sshrl.u32 s9, $0x1;
	s3 =	sor.u32 s12, s3  }
0xc: {  	s18 =	sshrl.u32 s10, $0x2;
	s10 =	simm.s32 $0x1500;
	s12 =	simm.s32 $0x1580  }
0xd: {  	s8 =	sadd.s32 s8, s0;
	s11 =	ssub.s32 s9, s11;
	s9 =	sadd.s32 s18, s1  }
0xe: {  	s3 =	smul.u32 $0x3000, s3;
	s7 =	sadd.s32 $0x43E00, s7;
	[dreg:$0x4] =	wrdreg s9  }
0xf: {  	s0 =	sadd.s32 $0x6AE00, s0;
	[dreg:$0x5] =	wrdreg s7;
	s9 =	sor.u32 $0x1C04, s19  }
0x10: {  	[dreg:$0x7] =	wrdreg s0;
	s30 =	sadd.s32 $0x6B000, s8;
	s31 =	smax.u32 s11, $0x1  }
0x11: {  	s7 =	simm.s32 $0x1480;
	s8 =	simm.s32 $0x2080;
	[dreg:$0x10] =	wrdreg s30  }
0x12: {  	s11 =	simm.s32 $0x2100;
	s3 =	sshrl.u32 s3, $0x3;
	[dreg:$0x11] =	wrdreg s31  }
0x13: {  	s21 =	sadd.s32 s17, s3;
	s22 =	sor.u32 $0x180, s3;
	s23 =	sadd.s32 s4, s3  }
0x14: {  	s25 =	sadd.s32 $0x300, s3;
	s28 =	sadd.s32 $0x480, s3;
	[dreg:$0x8] =	wrdreg s21  }
0x15: {  	s3 =	simm.s32 $0x1400;
	[dreg:$0x9] =	wrdreg s23;
	s24 =	sadd.s32 s17, s22  }
0x16: {  	s0 =	sadd.s32 s4, s22;
	s26 =	sadd.s32 s17, s25;
	[dreg:$0xa] =	wrdreg s24  }
.Ltmp0:
0x17: {  	s29 =	sadd.s32 s4, s25;
	[dreg:$0xb] =	wrdreg s0;
	(pc) =	sbr.rel .LBB2_1-.Ltmp0, $4  }
0x18: {  	s2 =	sadd.s32 s17, s28;
	s22 =	simm.s32 $0x4;
	[dreg:$0xc] =	wrdreg s26  }
0x19: {  	s23 =	simm.s32 $0xC00;
	s17 =	simm.s32 $0x0;
	[dreg:$0xd] =	wrdreg s29  }
0x1a: {  	[dreg:$0xe] =	wrdreg s2;
	s0 =	sadd.s32 s4, s28;
	s24 =	simm.s32 $0x80  }
0x1b: {  	v0 =	vimm.s32 $0x0;
	v1 =	vlaneseq.u32;
	v2 =	vimm.s32 $0x2710;
	s2 =	simm.s32 $0x1F80;
	[dreg:$0xf] =	wrdreg s0;
	s0 =	simm.s32 $0x1380  }
.LBB2_32:
0x1c: {  	_ =	swait.ge @p1 [sflag:s28], $0x2000  }
0x1d: {  	[sflag:s28] =	ssyncset.done @p1 $0x0  }
0x1e: {  	s4 =	simm.s32 @p1 $0x40;
	s25 =	simm.s32 @p1 $0x4;
	[sflag:s28] =	ssyncadd.s32 @p1 $0xFFFFE000  }
0x1f: {  	[spmem:s1] =	stream.indirect.scatter.add.f32 @p1 [tilespmem:s29], [sflag:$0x4], $0x80, s21, s4, $0xb8;
	[tilespmem:$0x1CD00] =	vst v63  }
0x20: {  	_ =	swait.ge @p1 [sflag:s25], $0x2000  }
0x21: {  	[sflag:s25] =	ssyncset.done @p1 $0x0  }
0x22: {  	[sflag:s25] =	ssyncadd.s32 @p1 $0xFFFFE000  }
.LBB2_33:
0x23: {  	[bflag:$0x0] =	sbarrier.arrive $0xFFFF  }
0x24: {  	s4 =	rddreg [dreg:$0x3]  }
0x25: {  	s21 =	rddreg [dreg:$0x10]  }
0x26: {  	s4 =	sadd.s32 s4, s21  }
0x27: {  	[hbm:s4], [sflag:s9] =	dma.local [spmem:s18], $0x2700  }
0x28: {  	_ =	swait.ge [sflag:s22], $0x2700  }
0x29: {  	[sflag:s22] =	ssyncset.done $0x0  }
0x2a: {  	s4 =	sadd.s32 @!p0 $0x27000, s21;
	[sflag:s22] =	ssyncadd.s32 $0xFFFFD900  }
0x2b: {  	[hbm:s4], [sflag:s9] =	dma.local @!p0 [spmem:s19], $0x100  }
0x2c: {  	s4 =	simm.s32 @!p0 $0x4  }
0x2d: {  	_ =	swait.ge @!p0 [sflag:s4], $0x100  }
0x2e: {  	s17 =	sadd.s32 $0x1, s17;
	s31 =	rddreg [dreg:$0x11]  }
0x2f: {  	p1 =	sne.s32 s17, s31  }
.Ltmp1:
0x30: {  	_ = 	snop;
	(pc) =	sbr.rel @!p1 .LBB2_34-.Ltmp1, $3  }
0x31: {  	_ =	sdelay $0x1  }
0x32: {  	[sflag:s4] =	ssyncset.done @!p0 $0x0  }
0x33: {  	[sflag:s4] =	ssyncadd.s32 @!p0 $0xFFFFFF00  }
.LBB2_1:
0x34: {  	s4 =	rddreg [dreg:$0x4]  }
0x35: {  	s30 =	rddreg [dreg:$0x5];
	s18 =	sshrl.u32 s4, $0x3  }
0x36: {  	[spmem:s18], [sflag:s9] =	dma.local [hbm:s30], $0x2700  }
0x37: {  	_ =	swait.ge [sflag:s22], $0x2700  }
0x38: {  	[sflag:s22] =	ssyncset.done $0x0;
	s4 =	rddreg [dreg:$0x6]  }
0x39: {  	[sflag:s22] =	ssyncadd.s32 $0xFFFFD900;
	s19 =	sshrl.u32 @!p0 s4, $0x3;
	s4 =	rddreg [dreg:$0x7]  }
0x3a: {  	[spmem:s19], [sflag:s9] =	dma.local @!p0 [hbm:s4], $0x100  }
0x3b: {  	s4 =	simm.s32 @!p0 $0x4  }
0x3c: {  	_ =	swait.ge @!p0 [sflag:s4], $0x100  }
0x3d: {  	[sflag:s4] =	ssyncset.done @!p0 $0x0  }
0x3e: {  	[sflag:s4] =	ssyncadd.s32 @!p0 $0xFFFFFF00  }
0x3f: {  	[bflag:$0x0] =	sbarrier.arrive $0xFFFF  }
0x40: {  	s31 =	simm.s32 $0x0;
	s21 =	rddreg [dreg:$0x8]  }
0x41: {  	[tilespmem:s31], [sflag:$0x4] =	stream.linear.gather [hbm4b:s21+s31], $0xA00, $0x38;
	[tilespmem:$0x1CD00] =	vst v63  }
0x42: {  	_ =	swait.ge [sflag:s22], $0xA00  }
0x43: {  	[sflag:s22] =	ssyncset.done $0x0  }
0x44: {  	s25 =	rddreg [dreg:$0x9];
	[sflag:s22] =	ssyncadd.s32 $0xFFFFF600  }
0x45: {  	[tilespmem:s23], [sflag:$0x4] =	stream.linear.gather [hbm4b:s25+s31], $0xA00, $0x38;
	[tilespmem:$0x1CD00] =	vst v63  }
0x46: {  	_ =	swait.ge [sflag:s22], $0xA00  }
0x47: {  	[sflag:s22] =	ssyncset.done $0x0  }
0x48: {  	s26 =	simm.s32 $0x1800;
	[sflag:s22] =	ssyncadd.s32 $0xFFFFF600  }
0x49: {  	[tilespmem:s26], [sflag:$0x3] =	stream.indirect.gather [hbm4b:s6+s24], $0x1, s23, s24, $0xb8;
	[tilespmem:$0x1CD00] =	vst v63  }
0x4a: {  	s28 =	simm.s32 $0xC80;
	s29 =	simm.s32 $0x1880  }
0x4b: {  	[tilespmem:s29], [sflag:$0x3] =	stream.indirect.gather [hbm4b:s6+s24], $0x1, s28, s24, $0xb8;
	[tilespmem:$0x1CD00] =	vst v63  }
0x4c: {  	s30 =	simm.s32 $0xD00;
	s31 =	simm.s32 $0x1900  }
0x4d: {  	[tilespmem:s31], [sflag:$0x3] =	stream.indirect.gather [hbm4b:s6+s24], $0x1, s30, s24, $0xb8;
	[tilespmem:$0x1CD00] =	vst v63  }
0x4e: {  	s25 =	simm.s32 $0xD80;
	s26 =	simm.s32 $0x1980  }
0x4f: {  	[tilespmem:s26], [sflag:$0x3] =	stream.indirect.gather [hbm4b:s6+s24], $0x1, s25, s24, $0xb8;
	[tilespmem:$0x1CD00] =	vst v63  }
0x50: {  	s28 =	simm.s32 $0xE00;
	s29 =	simm.s32 $0x1A00  }
0x51: {  	[tilespmem:s29], [sflag:$0x3] =	stream.indirect.gather [hbm4b:s6+s24], $0x1, s28, s24, $0xb8;
	[tilespmem:$0x1CD00] =	vst v63  }
0x52: {  	s30 =	simm.s32 $0xE80;
	s31 =	simm.s32 $0x1A80  }
0x53: {  	[tilespmem:s31], [sflag:$0x3] =	stream.indirect.gather [hbm4b:s6+s24], $0x1, s30, s24, $0xb8;
	[tilespmem:$0x1CD00] =	vst v63  }
0x54: {  	s25 =	simm.s32 $0xF00;
	s26 =	simm.s32 $0x1B00  }
0x55: {  	[tilespmem:s26], [sflag:$0x3] =	stream.indirect.gather [hbm4b:s6+s24], $0x1, s25, s24, $0xb8;
	[tilespmem:$0x1CD00] =	vst v63  }
0x56: {  	s28 =	simm.s32 $0xF80;
	s29 =	simm.s32 $0x1B80  }
0x57: {  	[tilespmem:s29], [sflag:$0x3] =	stream.indirect.gather [hbm4b:s6+s24], $0x1, s28, s24, $0xb8;
	[tilespmem:$0x1CD00] =	vst v63  }
0x58: {  	s30 =	simm.s32 $0x1000;
	s31 =	simm.s32 $0x1C00  }
0x59: {  	[tilespmem:s31], [sflag:$0x3] =	stream.indirect.gather [hbm4b:s6+s24], $0x1, s30, s24, $0xb8;
	[tilespmem:$0x1CD00] =	vst v63  }
0x5a: {  	s25 =	simm.s32 $0x1080;
	s26 =	simm.s32 $0x1C80  }
0x5b: {  	[tilespmem:s26], [sflag:$0x3] =	stream.indirect.gather [hbm4b:s6+s24], $0x1, s25, s24, $0xb8;
	[tilespmem:$0x1CD00] =	vst v63  }
0x5c: {  	s28 =	simm.s32 $0x1100;
	s29 =	simm.s32 $0x1D00  }
0x5d: {  	[tilespmem:s29], [sflag:$0x3] =	stream.indirect.gather [hbm4b:s6+s24], $0x1, s28, s24, $0xb8;
	[tilespmem:$0x1CD00] =	vst v63  }
0x5e: {  	s30 =	simm.s32 $0x1180;
	s31 =	simm.s32 $0x1D80  }
0x5f: {  	[tilespmem:s31], [sflag:$0x3] =	stream.indirect.gather [hbm4b:s6+s24], $0x1, s30, s24, $0xb8;
	[tilespmem:$0x1CD00] =	vst v63  }
0x60: {  	s25 =	simm.s32 $0x1200;
	s26 =	simm.s32 $0x1E00  }
0x61: {  	[tilespmem:s26], [sflag:$0x3] =	stream.indirect.gather [hbm4b:s6+s24], $0x1, s25, s24, $0xb8;
	[tilespmem:$0x1CD00] =	vst v63  }
0x62: {  	s28 =	simm.s32 $0x1280;
	s29 =	simm.s32 $0x1E80  }
0x63: {  	[tilespmem:s29], [sflag:$0x3] =	stream.indirect.gather [hbm4b:s6+s24], $0x1, s28, s24, $0xb8;
	[tilespmem:$0x1CD00] =	vst v63  }
0x64: {  	s30 =	simm.s32 $0x1300;
	s31 =	simm.s32 $0x1F00  }
0x65: {  	[tilespmem:s31], [sflag:$0x3] =	stream.indirect.gather [hbm4b:s6+s24], $0x1, s30, s24, $0xb8;
	[tilespmem:$0x1CD00] =	vst v63  }
0x66: {  	_ = 	snop  }
0x67: {  	[tilespmem:s2], [sflag:$0x3] =	stream.indirect.gather [hbm4b:s6+s24], $0x1, s0, s24, $0xb8;
	[tilespmem:$0x1CD00] =	vst v63  }
0x68: {  	_ = 	snop  }
0x69: {  	[tilespmem:s20], [sflag:$0x3] =	stream.indirect.gather [hbm4b:s6+s24], $0x1, s3, s24, $0xb8;
	[tilespmem:$0x1CD00] =	vst v63  }
0x6a: {  	_ = 	snop  }
0x6b: {  	[tilespmem:s8], [sflag:$0x3] =	stream.indirect.gather [hbm4b:s6+s24], $0x1, s7, s24, $0xb8;
	[tilespmem:$0x1CD00] =	vst v63  }
0x6c: {  	_ = 	snop  }
0x6d: {  	[tilespmem:s11], [sflag:$0x3] =	stream.indirect.gather [hbm4b:s6+s24], $0x1, s10, s24, $0xb8;
	[tilespmem:$0x1CD00] =	vst v63  }
0x6e: {  	_ = 	snop  }
0x6f: {  	[tilespmem:s13], [sflag:$0x3] =	stream.indirect.gather [hbm4b:s6+s24], $0x1, s12, s24, $0xb8;
	[tilespmem:$0x1CD00] =	vst v63  }
0x70: {  	_ =	swait.ge [sflag:s14], $0x80  }
0x71: {  	[sflag:s14] =	ssyncset.done $0x0  }
0x72: {  	[sflag:s14] =	ssyncadd.s32 $0xFFFFFF80  }
0x73: {  	_ =	swait.ge [sflag:s14], $0x80  }
0x74: {  	[sflag:s14] =	ssyncset.done $0x0  }
0x75: {  	[sflag:s14] =	ssyncadd.s32 $0xFFFFFF80  }
0x76: {  	_ =	swait.ge [sflag:s14], $0x80  }
0x77: {  	[sflag:s14] =	ssyncset.done $0x0  }
0x78: {  	[sflag:s14] =	ssyncadd.s32 $0xFFFFFF80  }
0x79: {  	_ =	swait.ge [sflag:s14], $0x80  }
0x7a: {  	[sflag:s14] =	ssyncset.done $0x0  }
0x7b: {  	[sflag:s14] =	ssyncadd.s32 $0xFFFFFF80  }
0x7c: {  	_ =	swait.ge [sflag:s14], $0x80  }
0x7d: {  	[sflag:s14] =	ssyncset.done $0x0  }
0x7e: {  	[sflag:s14] =	ssyncadd.s32 $0xFFFFFF80  }
0x7f: {  	_ =	swait.ge [sflag:s14], $0x80  }
0x80: {  	[sflag:s14] =	ssyncset.done $0x0  }
0x81: {  	[sflag:s14] =	ssyncadd.s32 $0xFFFFFF80  }
0x82: {  	_ =	swait.ge [sflag:s14], $0x80  }
0x83: {  	[sflag:s14] =	ssyncset.done $0x0  }
0x84: {  	[sflag:s14] =	ssyncadd.s32 $0xFFFFFF80  }
0x85: {  	_ =	swait.ge [sflag:s14], $0x80  }
0x86: {  	[sflag:s14] =	ssyncset.done $0x0  }
0x87: {  	[sflag:s14] =	ssyncadd.s32 $0xFFFFFF80  }
0x88: {  	_ =	swait.ge [sflag:s14], $0x80  }
0x89: {  	[sflag:s14] =	ssyncset.done $0x0  }
0x8a: {  	[sflag:s14] =	ssyncadd.s32 $0xFFFFFF80  }
0x8b: {  	_ =	swait.ge [sflag:s14], $0x80  }
0x8c: {  	[sflag:s14] =	ssyncset.done $0x0  }
0x8d: {  	[sflag:s14] =	ssyncadd.s32 $0xFFFFFF80  }
0x8e: {  	_ =	swait.ge [sflag:s14], $0x80  }
0x8f: {  	[sflag:s14] =	ssyncset.done $0x0  }
0x90: {  	[sflag:s14] =	ssyncadd.s32 $0xFFFFFF80  }
0x91: {  	_ =	swait.ge [sflag:s14], $0x80  }
0x92: {  	[sflag:s14] =	ssyncset.done $0x0  }
0x93: {  	[sflag:s14] =	ssyncadd.s32 $0xFFFFFF80  }
0x94: {  	_ =	swait.ge [sflag:s14], $0x80  }
0x95: {  	[sflag:s14] =	ssyncset.done $0x0  }
0x96: {  	[sflag:s14] =	ssyncadd.s32 $0xFFFFFF80  }
0x97: {  	_ =	swait.ge [sflag:s14], $0x80  }
0x98: {  	[sflag:s14] =	ssyncset.done $0x0  }
0x99: {  	[sflag:s14] =	ssyncadd.s32 $0xFFFFFF80  }
0x9a: {  	_ =	swait.ge [sflag:s14], $0x80  }
0x9b: {  	[sflag:s14] =	ssyncset.done $0x0  }
0x9c: {  	[sflag:s14] =	ssyncadd.s32 $0xFFFFFF80  }
0x9d: {  	_ =	swait.ge [sflag:s14], $0x80  }
0x9e: {  	[sflag:s14] =	ssyncset.done $0x0  }
0x9f: {  	[sflag:s14] =	ssyncadd.s32 $0xFFFFFF80  }
0xa0: {  	_ =	swait.ge [sflag:s14], $0x80  }
0xa1: {  	[sflag:s14] =	ssyncset.done $0x0  }
0xa2: {  	[sflag:s14] =	ssyncadd.s32 $0xFFFFFF80  }
0xa3: {  	_ =	swait.ge [sflag:s14], $0x80  }
0xa4: {  	[sflag:s14] =	ssyncset.done $0x0  }
0xa5: {  	[sflag:s14] =	ssyncadd.s32 $0xFFFFFF80  }
0xa6: {  	_ =	swait.ge [sflag:s14], $0x80  }
0xa7: {  	[sflag:s14] =	ssyncset.done $0x0  }
0xa8: {  	[sflag:s14] =	ssyncadd.s32 $0xFFFFFF80  }
0xa9: {  	_ =	swait.ge [sflag:s14], $0x80  }
0xaa: {  	[sflag:s14] =	ssyncset.done $0x0  }
0xab: {  	s25 =	simm.s32 $0x0;
	[sflag:s14] =	ssyncadd.s32 $0xFFFFFF80  }
0xac: {  	s4 =	simm.s32 $0x0;
	s21 =	simm.s32 $0x40;
	v3 =	vld [tilespmem:s25+$0x1800]  }
.LBB2_2:
0xad: {  	p1 =	sne.s32 s21, $0x27C0;
	_ =	sdelay $0x3  }
0xae: {  	vm0 =	vgt.f32 v3, $5.000000000e-01  }
0xaf: {  	v3 =	vsel vm0, $0x1, v0  }
0xb0: {  	(xrf0) =	vadd.scan.msk.s32 $0xffff, v3;
	_ =	sdelay $0x5  }
0xb1: {  	v4, _, _ =	vpop (xrf0)  }
0xb2: {  	v5 =	vadd.s32 s4, v4;
	(v2sf) =	vpush v4, $0xF  }
0xb3: {  	v4 =	vsub.s32 v5, v3  }
0xb4: {  	v6 =	vshra.s32 v4, $0x1F  }
0xb5: {  	v7 =	vshrl.u32 v6, $0x1A  }
0xb6: {  	vm1 =	vne.s32 v5, v3;
	v7 =	vadd.s32 v7, v4  }
0xb7: {  	v5 =	vsel vm1, $0x1, v0;
	v3 =	vshra.s32 v7, $0x6  }
0xb8: {  	v5 =	vor.u32 v5, v6;
	v6 =	vshll.u32 v3, $0x6  }
0xb9: {  	vm1 =	vne.s32 v5, $0x1;
	vm2 =	vne.s32 v4, v6  }
0xba: {  	vm1 =	vmand vm2, vm1  }
0xbb: {  	v5 =	vsel vm1, $0xFFFFFFFF, v0  }
0xbc: {  	v4 =	vsub.s32 v4, v6;
	v3 =	vadd.s32 v5, v3  }
0xbd: {  	v5 =	vand.u32 $0xFFFFFF80, v4;
	v3 =	vshll.u32 v3, $0x7  }
0xbe: {  	v4 =	vand.u32 $0x7F, v4;
	v3 =	vadd.s32 v5, v3  }
0xbf: {  	v5 =	vld [tilespmem:s25+$0x0];
	v3 =	vor.u32 v4, v3  }
0xc0: {  	v4 =	vld [tilespmem:s25+$0xC00]  }
0xc1: {  	s25 =	spop (v2sf)  }
.Ltmp2:
0xc2: {  	s4 =	sadd.s32 s4, s25;
	(pc) =	sbr.rel @p1 .LBB2_2-.Ltmp2, $4  }
0xc3: {  	_ = 	snop  }
0xc4: {  	[tilespmem:v3+s15+$0x0] =	vst.idx.msk vm0, v5  }
0xc5: {  	s25 =	sshra.s32 s21, $0x2;
	[tilespmem:v3+s16+$0x0] =	vst.idx.msk vm0, v4  }
0xc6: {  	s21 =	sadd.s32 $0x40, s21;
	v3 =	vld [tilespmem:s25+$0x1800]  }
0xc7: {  	_ =	sdelay $0x3  }
0xc8: {  	vm0 =	vgt.f32 v3, $5.000000000e-01  }
0xc9: {  	v3 =	vsel vm0, $0x1, v0  }
0xca: {  	(xrf0) =	vadd.scan.msk.s32 $0xffff, v3;
	_ =	sdelay $0x5  }
0xcb: {  	v4, _, _ =	vpop (xrf0)  }
0xcc: {  	(v2sf) =	vpush v4, $0xF;
	_ =	sdelay $0xe  }
0xcd: {  	s21 =	spop (v2sf)  }
0xce: {  	s21 =	sadd.s32 s4, s21  }
0xcf: {  	v4 =	vadd.s32 s4, v4;
	s4 =	ssub.s32 $0x0, s21  }
0xd0: {  	s4 =	sand.u32 $0x3F, s4  }
0xd1: {  	v5 =	vsub.s32 v4, v3;
	p1 =	seq.s32 s4, $0x0  }
0xd2: {  	vm1 =	vne.s32 v4, v3;
	v6 =	vshra.s32 v5, $0x1F;
	v3 =	vlaneseq.u32 @!p1  }
0xd3: {  	v58 =	vsel vm1, $0x1, v0;
	v7 =	vshrl.u32 v6, $0x1A;
	v3 =	vadd.s32 @!p1 s21, v3  }
0xd4: {  	v6 =	vor.u32 v58, v6;
	v7 =	vadd.s32 v7, v5;
	v8 =	vshra.s32 @!p1 v3, $0x1F  }
0xd5: {  	vm15 =	vne.s32 v6, $0x1;
	v57 =	vshra.s32 v7, $0x6;
	v6 =	vshrl.u32 @!p1 v8, $0x1A  }
0xd6: {  	v59 =	vshll.u32 v57, $0x6;
	v6 =	vadd.s32 @!p1 v6, v3  }
0xd7: {  	vm2 =	vne.s32 v5, v59;
	v5 =	vsub.s32 v5, v59;
	v6 =	vshra.s32 @!p1 v6, $0x6  }
0xd8: {  	vm1 =	vmand vm2, vm15;
	v61 =	vand.u32 $0xFFFFFF80, v5;
	v7 =	vshll.u32 @!p1 v6, $0x6  }
0xd9: {  	v60 =	vsel vm1, $0xFFFFFFFF, v0;
	vm1 =	vlt.s32 @!p1 v3, $0x1;
	vm2 =	vne.s32 @!p1 v3, v7  }
0xda: {  	v4 =	vadd.s32 v60, v57;
	v9 =	vimm.s32 @!p1 $0x0;
	vm1 =	vmand @!p1 vm1, vm2  }
0xdb: {  	v5 =	vand.u32 $0x7F, v5;
	v4 =	vshll.u32 v4, $0x7;
	v8 =	vsel @!p1 vm1, $0xFFFFFFFF, v9  }
0xdc: {  	v4 =	vadd.s32 v61, v4;
	v3 =	vsub.s32 @!p1 v3, v7;
	v6 =	vadd.s32 @!p1 v8, v6  }
0xdd: {  	v62 =	vld [tilespmem:s25+$0x0];
	v4 =	vor.u32 v5, v4;
	v5 =	vand.u32 @!p1 $0xFFFFFF80, v3;
	v6 =	vshll.u32 @!p1 v6, $0x7  }
0xde: {  	v63 =	vld [tilespmem:s25+$0xC00];
	v3 =	vand.u32 @!p1 $0x7F, v3;
	v5 =	vadd.s32 @!p1 v5, v6  }
0xdf: {  	p2 =	slt.u32 @!p1 s4, $0x11;
	v3 =	vor.u32 @!p1 v3, v5  }
0xe0: {  	p2 =	por p1, p2  }
.Ltmp3:
0xe1: {  	_ = 	snop;
	(pc) =	sbr.rel @p2 .LBB2_5-.Ltmp3, $4  }
0xe2: {  	[tilespmem:v4+s15+$0x0] =	vst.idx.msk vm0, v62  }
0xe3: {  	[tilespmem:v4+s16+$0x0] =	vst.idx.msk vm0, v63;
	s25 =	simm.s32 @!p1 $0x2400  }
0xe4: {  	v4 =	vimm.s32 @!p1 $0x2710;
	[tilespmem:v3+s25+$0x0] =	vst.idx.msk @!p1 $0xffff, v9;
	s25 =	simm.s32 @!p1 $0x3C00  }
0xe5: {  	[tilespmem:v3+s25+$0x0] =	vst.idx.msk @!p1 $0xffff, v4  }
0xe6: {  	s25 =	sadd.s32 $0x10, s21  }
0xe7: {  	v3 =	vadd.s32 s25, v1  }
0xe8: {  	v4 =	vshra.s32 v3, $0x1F  }
0xe9: {  	v4 =	vshrl.u32 v4, $0x1A  }
0xea: {  	p1 =	slt.u32 s4, $0x21;
	v4 =	vadd.s32 v4, v3  }
0xeb: {  	s25 =	sadd.s32 @!p1 $0x20, s21;
	v6 =	vlaneseq.u32 @!p1;
	p2 =	slt.u32 @!p1 s4, $0x31;
	v11 =	vimm.s32 @!p1 $0x0;
	v4 =	vshra.s32 v4, $0x6  }
0xec: {  	vm0 =	vlt.s32 v3, $0x1;
	v6 =	vadd.s32 @!p1 s25, v6;
	p2 =	por p2, p1;
	v5 =	vshll.u32 v4, $0x6  }
0xed: {  	v8 =	vshra.s32 @!p1 v6, $0x1F;
	v12 =	vimm.s32 @!p2 $0x0;
	vm1 =	vne.s32 v3, v5  }
0xee: {  	v3 =	vsub.s32 v3, v5;
	v5 =	vshrl.u32 @!p1 v8, $0x1A;
	v8 =	vlaneseq.u32 @!p2  }
0xef: {  	s25 =	sadd.s32 @!p2 $0x30, s21;
	vm0 =	vmand vm0, vm1;
	v63 =	vand.u32 $0xFFFFFF80, v3;
	v5 =	vadd.s32 @!p1 v5, v6  }
0xf0: {  	v3 =	vand.u32 $0x7F, v3;
	v8 =	vadd.s32 @!p2 s25, v8;
	v5 =	vshra.s32 @!p1 v5, $0x6  }
0xf1: {  	v7 =	vsel vm0, $0xFFFFFFFF, v0;
	v10 =	vshra.s32 @!p2 v8, $0x1F;
	v9 =	vshll.u32 @!p1 v5, $0x6  }
0xf2: {  	vm0 =	vlt.s32 @!p1 v6, $0x1;
	v10 =	vshrl.u32 @!p2 v10, $0x1A;
	vm1 =	vne.s32 @!p1 v6, v9  }
0xf3: {  	v4 =	vadd.s32 v7, v4;
	v10 =	vadd.s32 @!p2 v10, v8;
	vm0 =	vmand @!p1 vm0, vm1  }
0xf4: {  	v4 =	vshll.u32 v4, $0x7;
	v10 =	vshra.s32 @!p2 v10, $0x6;
	v7 =	vsel @!p1 vm0, $0xFFFFFFFF, v11  }
0xf5: {  	v6 =	vsub.s32 @!p1 v6, v9;
	v5 =	vadd.s32 @!p1 v7, v5;
	v7 =	vshll.u32 @!p2 v10, $0x6  }
0xf6: {  	v4 =	vadd.s32 v63, v4;
	vm0 =	vlt.s32 @!p2 v8, $0x1;
	vm1 =	vne.s32 @!p2 v8, v7  }
0xf7: {  	v9 =	vand.u32 @!p1 $0xFFFFFF80, v6;
	v5 =	vshll.u32 @!p1 v5, $0x7;
	vm0 =	vmand @!p2 vm0, vm1  }
0xf8: {  	v3 =	vor.u32 v3, v4;
	v4 =	vadd.s32 @!p1 v9, v5;
	v5 =	vsel @!p2 vm0, $0xFFFFFFFF, v12  }
0xf9: {  	v6 =	vand.u32 @!p1 $0x7F, v6;
	v7 =	vsub.s32 @!p2 v8, v7;
	v5 =	vadd.s32 @!p2 v5, v10  }
0xfa: {  	v4 =	vor.u32 @!p1 v6, v4;
	v6 =	vand.u32 @!p2 $0xFFFFFF80, v7;
	v5 =	vshll.u32 @!p2 v5, $0x7  }
0xfb: {  	v5 =	vadd.s32 @!p2 v6, v5;
	v6 =	vand.u32 @!p2 $0x7F, v7  }
0xfc: {  	v5 =	vor.u32 @!p2 v6, v5  }
0xfd: {  	[tilespmem:v3+s15+$0x0] =	vst.idx.msk $0xffff, v0  }
0xfe: {  	s25 =	simm.s32 @!p1 $0x2400;
	[tilespmem:v3+s16+$0x0] =	vst.idx.msk $0xffff, v2  }
0xff: {  	v3 =	vimm.s32 @!p1 $0x2710;
	[tilespmem:v4+s25+$0x0] =	vst.idx.msk @!p1 $0xffff, v11;
	s25 =	simm.s32 @!p1 $0x3C00  }
0x100: {  	[tilespmem:v4+s25+$0x0] =	vst.idx.msk @!p1 $0xffff, v3;
	s25 =	simm.s32 @!p2 $0x2400  }
0x101: {  	v3 =	vimm.s32 @!p2 $0x2710;
	[tilespmem:v5+s25+$0x0] =	vst.idx.msk @!p2 $0xffff, v12;
	s25 =	simm.s32 @!p2 $0x3C00  }
0x102: {  	[tilespmem:v5+s25+$0x0] =	vst.idx.msk @!p2 $0xffff, v3  }
.LBB2_5:
0x103: {  	s4 =	sadd.s32 s21, s4  }
0x104: {  	s21 =	sand.u32 $0x3F, s4  }
0x105: {  	s25 =	sshra.s32 s4, $0x1F;
	p1 =	slt.s32 s4, $0x1;
	p2 =	sne.s32 s21, $0x0  }
0x106: {  	s31 =	sshrl.u32 s25, $0x1A;
	p1 =	por !p1, !p2  }
0x107: {  	s21 =	simm.s32 $0x1;
	s4 =	sadd.s32 s31, s4;
	p1 =	por !p1, !p1  }
0x108: {  	s4 =	sshra.s32 s4, $0x6;
	s21 =	simm.s32 @!p1 $0x0  }
0x109: {  	s4 =	ssub.s32 s4, s21  }
0x10a: {  	p1 =	slt.s32 s4, $0x1  }
.Ltmp4:
0x10b: {  	_ = 	snop;
	(pc) =	sbr.rel @p1 .LBB2_9-.Ltmp4, $1  }
0x10c: {  	_ =	sdelay $0x3  }
0x10d: {  	s21 =	simm.s32 $0x40;
	s25 =	simm.s32 $0x5400;
	s31 =	simm.s32 $0x0  }
0x10e: {  	[tilespmem:s25], [sflag:$0x1] =	stream.indirect.gather [hbm4b:s5+s21], $0x80, s15, s21, $0xb8;
	[tilespmem:$0x1CD00] =	vst v63  }
0x10f: {  	p2 =	sle.s32 s4, $0x1;
	s21 =	sand.u32 $0x1, s31  }
0x110: {  	p1 =	sne.s32 @!p2 s21, $0x0  }
0x111: {  	s25 =	simm.s32 $0x2480;
	p6 =	seq.s32 s21, $0x1;
	p3 =	por p1, p2  }
0x112: {  	p4 =	por !p6, p2;
	s26 =	simm.s32 @!p3 $0x40;
	s28 =	simm.s32 @!p3 $0x7400  }
0x113: {  	[tilespmem:s28], [sflag:$0x2] =	stream.indirect.gather @!p3 [hbm4b:s5+s26], $0x80, s25, s26, $0xb8;
	[tilespmem:$0x1CD00] =	vst v63  }
0x114: {  	p2 =	sne.s32 s21, $0x0;
	s26 =	simm.s32 @!p4 $0x40;
	s28 =	simm.s32 @!p4 $0x5400  }
0x115: {  	[tilespmem:s28], [sflag:$0x1] =	stream.indirect.gather @!p4 [hbm4b:s5+s26], $0x80, s25, s26, $0xb8;
	[tilespmem:$0x1CD00] =	vst v63  }
0x116: {  	s25 =	simm.s32 @!p2 $0x1  }
0x117: {  	s21 =	simm.s32 $0x3C00;
	s29 =	simm.s32 @!p2 $0x5;
	_ =	swait.ge @!p2 [sflag:s25], $0x2000  }
0x118: {  	p3 =	sne.s32 s4, $0x1;
	s26 =	simm.s32 @!p2 $0x40;
	[sflag:s25] =	ssyncset.done @!p2 $0x0  }
.Ltmp5:
0x119: {  	s28 =	simm.s32 @!p2 $0x5400;
	[sflag:s25] =	ssyncadd.s32 @!p2 $0xFFFFE000;
	(pc) =	sbr.rel @!p3 .LBB2_8-.Ltmp5, $4  }
0x11a: {  	[spmem:s1] =	stream.indirect.scatter.add.f32 @!p2 [tilespmem:s28], [sflag:$0x5], $0x80, s21, s26, $0xb8;
	[tilespmem:$0x1CD00] =	vst v63  }
0x11b: {  	p1 =	por p6, p6;
	_ =	swait.ge @!p2 [sflag:s29], $0x2000  }
0x11c: {  	s25 =	simm.s32 $0x1;
	s28 =	simm.s32 @p1 $0x2;
	[sflag:s29] =	ssyncset.done @!p2 $0x0  }
0x11d: {  	s26 =	simm.s32 $0x2500;
	[sflag:s29] =	ssyncadd.s32 @!p2 $0xFFFFE000;
	s29 =	simm.s32 @p1 $0x7400  }
.LBB2_7:
0x11e: {  	_ =	swait.ge @p1 [sflag:s28], $0x2000  }
0x11f: {  	s30 =	simm.s32 @p1 $0x40;
	s31 =	smov.u32 s25;
	s25 =	sadd.s32 $0x1, s25  }
0x120: {  	s31 =	sand.u32 $0x1, s31;
	p2 =	sge.s32 s25, s4;
	[sflag:s28] =	ssyncset.done @p1 $0x0  }
0x121: {  	p3 =	sne.s32 @!p2 s31, $0x0;
	[sflag:s28] =	ssyncadd.s32 @p1 $0xFFFFE000;
	s28 =	simm.s32 @p1 $0x4  }
0x122: {  	[spmem:s1] =	stream.indirect.scatter.add.f32 @p1 [tilespmem:s29], [sflag:$0x4], $0x80, s21, s30, $0xb8;
	[tilespmem:$0x1CD00] =	vst v63  }
0x123: {  	p4 =	seq.s32 s31, $0x1;
	p3 =	por p3, p2;
	_ =	swait.ge @p1 [sflag:s28], $0x2000  }
0x124: {  	s29 =	simm.s32 @!p3 $0x40;
	s30 =	simm.s32 @!p3 $0x7400;
	[sflag:s28] =	ssyncset.done @p1 $0x0  }
0x125: {  	p5 =	por !p4, p2;
	p2 =	sne.s32 s4, s25;
	[sflag:s28] =	ssyncadd.s32 @p1 $0xFFFFE000  }
0x126: {  	[tilespmem:s30], [sflag:$0x2] =	stream.indirect.gather @!p3 [hbm4b:s5+s29], $0x80, s26, s29, $0xb8;
	[tilespmem:$0x1CD00] =	vst v63  }
0x127: {  	s28 =	simm.s32 @!p5 $0x40;
	s29 =	simm.s32 @!p5 $0x5400;
	p3 =	sne.s32 s31, $0x0  }
0x128: {  	[tilespmem:s29], [sflag:$0x1] =	stream.indirect.gather @!p5 [hbm4b:s5+s28], $0x80, s26, s28, $0xb8;
	[tilespmem:$0x1CD00] =	vst v63  }
0x129: {  	s21 =	sadd.s32 $0x80, s21;
	p1 =	por p4, p4;
	s28 =	simm.s32 @!p3 $0x1  }
0x12a: {  	_ =	swait.ge @!p3 [sflag:s28], $0x2000  }
0x12b: {  	s30 =	simm.s32 @!p3 $0x5400;
	s29 =	simm.s32 @!p3 $0x40;
	[sflag:s28] =	ssyncset.done @!p3 $0x0  }
.Ltmp6:
0x12c: {  	s31 =	simm.s32 @!p3 $0x5;
	[sflag:s28] =	ssyncadd.s32 @!p3 $0xFFFFE000;
	(pc) =	sbr.rel @p2 .LBB2_7-.Ltmp6, $4  }
0x12d: {  	[spmem:s1] =	stream.indirect.scatter.add.f32 @!p3 [tilespmem:s30], [sflag:$0x5], $0x80, s21, s29, $0xb8;
	[tilespmem:$0x1CD00] =	vst v63  }
0x12e: {  	_ =	swait.ge @!p3 [sflag:s31], $0x2000  }
0x12f: {  	s28 =	simm.s32 @p1 $0x2;
	[sflag:s31] =	ssyncset.done @!p3 $0x0  }
0x130: {  	s26 =	sadd.s32 $0x80, s26;
	s29 =	simm.s32 @p1 $0x7400;
	[sflag:s31] =	ssyncadd.s32 @!p3 $0xFFFFE000  }
.LBB2_8:
0x131: {  	_ =	swait.ge @p1 [sflag:s28], $0x2000  }
0x132: {  	[sflag:s28] =	ssyncset.done @p1 $0x0  }
0x133: {  	s4 =	simm.s32 @p1 $0x40;
	s25 =	simm.s32 @p1 $0x4;
	[sflag:s28] =	ssyncadd.s32 @p1 $0xFFFFE000  }
0x134: {  	[spmem:s1] =	stream.indirect.scatter.add.f32 @p1 [tilespmem:s29], [sflag:$0x4], $0x80, s21, s4, $0xb8;
	[tilespmem:$0x1CD00] =	vst v63  }
0x135: {  	_ =	swait.ge @p1 [sflag:s25], $0x2000  }
0x136: {  	[sflag:s25] =	ssyncset.done @p1 $0x0  }
0x137: {  	[sflag:s25] =	ssyncadd.s32 @p1 $0xFFFFE000  }
.LBB2_9:
0x138: {  	s21 =	simm.s32 $0x0;
	s4 =	rddreg [dreg:$0xa]  }
0x139: {  	[tilespmem:s21], [sflag:$0x4] =	stream.linear.gather [hbm4b:s4+s21], $0xA00, $0x38;
	[tilespmem:$0x1CD00] =	vst v63  }
0x13a: {  	_ =	swait.ge [sflag:s22], $0xA00  }
0x13b: {  	[sflag:s22] =	ssyncset.done $0x0  }
0x13c: {  	s26 =	rddreg [dreg:$0xb];
	[sflag:s22] =	ssyncadd.s32 $0xFFFFF600  }
0x13d: {  	[tilespmem:s23], [sflag:$0x4] =	stream.linear.gather [hbm4b:s26+s21], $0xA00, $0x38;
	[tilespmem:$0x1CD00] =	vst v63  }
0x13e: {  	_ =	swait.ge [sflag:s22], $0xA00  }
0x13f: {  	[sflag:s22] =	ssyncset.done $0x0  }
0x140: {  	s28 =	simm.s32 $0x1800;
	[sflag:s22] =	ssyncadd.s32 $0xFFFFF600  }
0x141: {  	[tilespmem:s28], [sflag:$0x3] =	stream.indirect.gather [hbm4b:s6+s24], $0x1, s23, s24, $0xb8;
	[tilespmem:$0x1CD00] =	vst v63  }
0x142: {  	s29 =	simm.s32 $0xC80;
	s25 =	simm.s32 $0x1880  }
0x143: {  	[tilespmem:s25], [sflag:$0x3] =	stream.indirect.gather [hbm4b:s6+s24], $0x1, s29, s24, $0xb8;
	[tilespmem:$0x1CD00] =	vst v63  }
0x144: {  	s30 =	simm.s32 $0xD00;
	s31 =	simm.s32 $0x1900  }
0x145: {  	[tilespmem:s31], [sflag:$0x3] =	stream.indirect.gather [hbm4b:s6+s24], $0x1, s30, s24, $0xb8;
	[tilespmem:$0x1CD00] =	vst v63  }
0x146: {  	s26 =	simm.s32 $0x1980;
	s25 =	simm.s32 $0xD80  }
0x147: {  	[tilespmem:s26], [sflag:$0x3] =	stream.indirect.gather [hbm4b:s6+s24], $0x1, s25, s24, $0xb8;
	[tilespmem:$0x1CD00] =	vst v63  }
0x148: {  	s28 =	simm.s32 $0xE00;
	s29 =	simm.s32 $0x1A00  }
0x149: {  	[tilespmem:s29], [sflag:$0x3] =	stream.indirect.gather [hbm4b:s6+s24], $0x1, s28, s24, $0xb8;
	[tilespmem:$0x1CD00] =	vst v63  }
0x14a: {  	s30 =	simm.s32 $0xE80;
	s31 =	simm.s32 $0x1A80  }
0x14b: {  	[tilespmem:s31], [sflag:$0x3] =	stream.indirect.gather [hbm4b:s6+s24], $0x1, s30, s24, $0xb8;
	[tilespmem:$0x1CD00] =	vst v63  }
0x14c: {  	s25 =	simm.s32 $0xF00;
	s26 =	simm.s32 $0x1B00  }
0x14d: {  	[tilespmem:s26], [sflag:$0x3] =	stream.indirect.gather [hbm4b:s6+s24], $0x1, s25, s24, $0xb8;
	[tilespmem:$0x1CD00] =	vst v63  }
0x14e: {  	s28 =	simm.s32 $0xF80;
	s29 =	simm.s32 $0x1B80  }
0x14f: {  	[tilespmem:s29], [sflag:$0x3] =	stream.indirect.gather [hbm4b:s6+s24], $0x1, s28, s24, $0xb8;
	[tilespmem:$0x1CD00] =	vst v63  }
0x150: {  	s30 =	simm.s32 $0x1000;
	s31 =	simm.s32 $0x1C00  }
0x151: {  	[tilespmem:s31], [sflag:$0x3] =	stream.indirect.gather [hbm4b:s6+s24], $0x1, s30, s24, $0xb8;
	[tilespmem:$0x1CD00] =	vst v63  }
0x152: {  	s25 =	simm.s32 $0x1080;
	s26 =	simm.s32 $0x1C80  }
0x153: {  	[tilespmem:s26], [sflag:$0x3] =	stream.indirect.gather [hbm4b:s6+s24], $0x1, s25, s24, $0xb8;
	[tilespmem:$0x1CD00] =	vst v63  }
0x154: {  	s28 =	simm.s32 $0x1100;
	s29 =	simm.s32 $0x1D00  }
0x155: {  	[tilespmem:s29], [sflag:$0x3] =	stream.indirect.gather [hbm4b:s6+s24], $0x1, s28, s24, $0xb8;
	[tilespmem:$0x1CD00] =	vst v63  }
0x156: {  	s30 =	simm.s32 $0x1180;
	s31 =	simm.s32 $0x1D80  }
0x157: {  	[tilespmem:s31], [sflag:$0x3] =	stream.indirect.gather [hbm4b:s6+s24], $0x1, s30, s24, $0xb8;
	[tilespmem:$0x1CD00] =	vst v63  }
0x158: {  	s25 =	simm.s32 $0x1200;
	s26 =	simm.s32 $0x1E00  }
0x159: {  	[tilespmem:s26], [sflag:$0x3] =	stream.indirect.gather [hbm4b:s6+s24], $0x1, s25, s24, $0xb8;
	[tilespmem:$0x1CD00] =	vst v63  }
0x15a: {  	s28 =	simm.s32 $0x1280;
	s29 =	simm.s32 $0x1E80  }
0x15b: {  	[tilespmem:s29], [sflag:$0x3] =	stream.indirect.gather [hbm4b:s6+s24], $0x1, s28, s24, $0xb8;
	[tilespmem:$0x1CD00] =	vst v63  }
0x15c: {  	s30 =	simm.s32 $0x1300;
	s31 =	simm.s32 $0x1F00  }
0x15d: {  	[tilespmem:s31], [sflag:$0x3] =	stream.indirect.gather [hbm4b:s6+s24], $0x1, s30, s24, $0xb8;
	[tilespmem:$0x1CD00] =	vst v63  }
0x15e: {  	_ = 	snop  }
0x15f: {  	[tilespmem:s2], [sflag:$0x3] =	stream.indirect.gather [hbm4b:s6+s24], $0x1, s0, s24, $0xb8;
	[tilespmem:$0x1CD00] =	vst v63  }
0x160: {  	_ = 	snop  }
0x161: {  	[tilespmem:s20], [sflag:$0x3] =	stream.indirect.gather [hbm4b:s6+s24], $0x1, s3, s24, $0xb8;
	[tilespmem:$0x1CD00] =	vst v63  }
0x162: {  	_ = 	snop  }
0x163: {  	[tilespmem:s8], [sflag:$0x3] =	stream.indirect.gather [hbm4b:s6+s24], $0x1, s7, s24, $0xb8;
	[tilespmem:$0x1CD00] =	vst v63  }
0x164: {  	_ = 	snop  }
0x165: {  	[tilespmem:s11], [sflag:$0x3] =	stream.indirect.gather [hbm4b:s6+s24], $0x1, s10, s24, $0xb8;
	[tilespmem:$0x1CD00] =	vst v63  }
0x166: {  	_ = 	snop  }
0x167: {  	[tilespmem:s13], [sflag:$0x3] =	stream.indirect.gather [hbm4b:s6+s24], $0x1, s12, s24, $0xb8;
	[tilespmem:$0x1CD00] =	vst v63  }
0x168: {  	_ =	swait.ge [sflag:s14], $0x80  }
0x169: {  	[sflag:s14] =	ssyncset.done $0x0  }
0x16a: {  	[sflag:s14] =	ssyncadd.s32 $0xFFFFFF80  }
0x16b: {  	_ =	swait.ge [sflag:s14], $0x80  }
0x16c: {  	[sflag:s14] =	ssyncset.done $0x0  }
0x16d: {  	[sflag:s14] =	ssyncadd.s32 $0xFFFFFF80  }
0x16e: {  	_ =	swait.ge [sflag:s14], $0x80  }
0x16f: {  	[sflag:s14] =	ssyncset.done $0x0  }
0x170: {  	[sflag:s14] =	ssyncadd.s32 $0xFFFFFF80  }
0x171: {  	_ =	swait.ge [sflag:s14], $0x80  }
0x172: {  	[sflag:s14] =	ssyncset.done $0x0  }
0x173: {  	[sflag:s14] =	ssyncadd.s32 $0xFFFFFF80  }
0x174: {  	_ =	swait.ge [sflag:s14], $0x80  }
0x175: {  	[sflag:s14] =	ssyncset.done $0x0  }
0x176: {  	[sflag:s14] =	ssyncadd.s32 $0xFFFFFF80  }
0x177: {  	_ =	swait.ge [sflag:s14], $0x80  }
0x178: {  	[sflag:s14] =	ssyncset.done $0x0  }
0x179: {  	[sflag:s14] =	ssyncadd.s32 $0xFFFFFF80  }
0x17a: {  	_ =	swait.ge [sflag:s14], $0x80  }
0x17b: {  	[sflag:s14] =	ssyncset.done $0x0  }
0x17c: {  	[sflag:s14] =	ssyncadd.s32 $0xFFFFFF80  }
0x17d: {  	_ =	swait.ge [sflag:s14], $0x80  }
0x17e: {  	[sflag:s14] =	ssyncset.done $0x0  }
0x17f: {  	[sflag:s14] =	ssyncadd.s32 $0xFFFFFF80  }
0x180: {  	_ =	swait.ge [sflag:s14], $0x80  }
0x181: {  	[sflag:s14] =	ssyncset.done $0x0  }
0x182: {  	[sflag:s14] =	ssyncadd.s32 $0xFFFFFF80  }
0x183: {  	_ =	swait.ge [sflag:s14], $0x80  }
0x184: {  	[sflag:s14] =	ssyncset.done $0x0  }
0x185: {  	[sflag:s14] =	ssyncadd.s32 $0xFFFFFF80  }
0x186: {  	_ =	swait.ge [sflag:s14], $0x80  }
0x187: {  	[sflag:s14] =	ssyncset.done $0x0  }
0x188: {  	[sflag:s14] =	ssyncadd.s32 $0xFFFFFF80  }
0x189: {  	_ =	swait.ge [sflag:s14], $0x80  }
0x18a: {  	[sflag:s14] =	ssyncset.done $0x0  }
0x18b: {  	[sflag:s14] =	ssyncadd.s32 $0xFFFFFF80  }
0x18c: {  	_ =	swait.ge [sflag:s14], $0x80  }
0x18d: {  	[sflag:s14] =	ssyncset.done $0x0  }
0x18e: {  	[sflag:s14] =	ssyncadd.s32 $0xFFFFFF80  }
0x18f: {  	_ =	swait.ge [sflag:s14], $0x80  }
0x190: {  	[sflag:s14] =	ssyncset.done $0x0  }
0x191: {  	[sflag:s14] =	ssyncadd.s32 $0xFFFFFF80  }
0x192: {  	_ =	swait.ge [sflag:s14], $0x80  }
0x193: {  	[sflag:s14] =	ssyncset.done $0x0  }
0x194: {  	[sflag:s14] =	ssyncadd.s32 $0xFFFFFF80  }
0x195: {  	_ =	swait.ge [sflag:s14], $0x80  }
0x196: {  	[sflag:s14] =	ssyncset.done $0x0  }
0x197: {  	[sflag:s14] =	ssyncadd.s32 $0xFFFFFF80  }
0x198: {  	_ =	swait.ge [sflag:s14], $0x80  }
0x199: {  	[sflag:s14] =	ssyncset.done $0x0  }
0x19a: {  	[sflag:s14] =	ssyncadd.s32 $0xFFFFFF80  }
0x19b: {  	_ =	swait.ge [sflag:s14], $0x80  }
0x19c: {  	[sflag:s14] =	ssyncset.done $0x0  }
0x19d: {  	[sflag:s14] =	ssyncadd.s32 $0xFFFFFF80  }
0x19e: {  	_ =	swait.ge [sflag:s14], $0x80  }
0x19f: {  	[sflag:s14] =	ssyncset.done $0x0  }
0x1a0: {  	[sflag:s14] =	ssyncadd.s32 $0xFFFFFF80  }
0x1a1: {  	_ =	swait.ge [sflag:s14], $0x80  }
0x1a2: {  	[sflag:s14] =	ssyncset.done $0x0  }
0x1a3: {  	s25 =	simm.s32 $0x0;
	[sflag:s14] =	ssyncadd.s32 $0xFFFFFF80  }
0x1a4: {  	s4 =	simm.s32 $0x40;
	v3 =	vld [tilespmem:s25+$0x1800]  }
.LBB2_10:
0x1a5: {  	p1 =	sne.s32 s4, $0x27C0;
	_ =	sdelay $0x3  }
0x1a6: {  	vm0 =	vgt.f32 v3, $5.000000000e-01  }
0x1a7: {  	v3 =	vsel vm0, $0x1, v0  }
0x1a8: {  	(xrf0) =	vadd.scan.msk.s32 $0xffff, v3;
	_ =	sdelay $0x5  }
0x1a9: {  	v4, _, _ =	vpop (xrf0)  }
0x1aa: {  	v5 =	vadd.s32 s21, v4;
	(v2sf) =	vpush v4, $0xF  }
0x1ab: {  	v4 =	vsub.s32 v5, v3  }
0x1ac: {  	v6 =	vshra.s32 v4, $0x1F  }
0x1ad: {  	v7 =	vshrl.u32 v6, $0x1A  }
0x1ae: {  	vm1 =	vne.s32 v5, v3;
	v7 =	vadd.s32 v7, v4  }
0x1af: {  	v5 =	vsel vm1, $0x1, v0;
	v3 =	vshra.s32 v7, $0x6  }
0x1b0: {  	v5 =	vor.u32 v5, v6;
	v6 =	vshll.u32 v3, $0x6  }
0x1b1: {  	vm1 =	vne.s32 v5, $0x1;
	vm2 =	vne.s32 v4, v6  }
0x1b2: {  	vm1 =	vmand vm2, vm1  }
0x1b3: {  	v5 =	vsel vm1, $0xFFFFFFFF, v0  }
0x1b4: {  	v4 =	vsub.s32 v4, v6;
	v3 =	vadd.s32 v5, v3  }
0x1b5: {  	v5 =	vand.u32 $0xFFFFFF80, v4;
	v3 =	vshll.u32 v3, $0x7  }
0x1b6: {  	v4 =	vand.u32 $0x7F, v4;
	v3 =	vadd.s32 v5, v3  }
0x1b7: {  	v5 =	vld [tilespmem:s25+$0x0];
	v3 =	vor.u32 v4, v3  }
0x1b8: {  	v4 =	vld [tilespmem:s25+$0xC00]  }
0x1b9: {  	s25 =	spop (v2sf)  }
.Ltmp7:
0x1ba: {  	s21 =	sadd.s32 s21, s25;
	(pc) =	sbr.rel @p1 .LBB2_10-.Ltmp7, $4  }
0x1bb: {  	_ = 	snop  }
0x1bc: {  	[tilespmem:v3+s15+$0x0] =	vst.idx.msk vm0, v5  }
0x1bd: {  	s25 =	sshra.s32 s4, $0x2;
	[tilespmem:v3+s16+$0x0] =	vst.idx.msk vm0, v4  }
0x1be: {  	s4 =	sadd.s32 $0x40, s4;
	v3 =	vld [tilespmem:s25+$0x1800]  }
0x1bf: {  	_ =	sdelay $0x3  }
0x1c0: {  	vm0 =	vgt.f32 v3, $5.000000000e-01  }
0x1c1: {  	v3 =	vsel vm0, $0x1, v0  }
0x1c2: {  	(xrf0) =	vadd.scan.msk.s32 $0xffff, v3;
	_ =	sdelay $0x5  }
0x1c3: {  	v4, _, _ =	vpop (xrf0)  }
0x1c4: {  	(v2sf) =	vpush v4, $0xF;
	_ =	sdelay $0xe  }
0x1c5: {  	s4 =	spop (v2sf)  }
0x1c6: {  	v4 =	vadd.s32 s21, v4;
	s21 =	sadd.s32 s21, s4  }
0x1c7: {  	s4 =	ssub.s32 $0x0, s21  }
0x1c8: {  	s4 =	sand.u32 $0x3F, s4  }
0x1c9: {  	v5 =	vsub.s32 v4, v3;
	p1 =	seq.s32 s4, $0x0  }
0x1ca: {  	vm1 =	vne.s32 v4, v3;
	v6 =	vshra.s32 v5, $0x1F;
	v3 =	vlaneseq.u32 @!p1  }
0x1cb: {  	v58 =	vsel vm1, $0x1, v0;
	v7 =	vshrl.u32 v6, $0x1A;
	v3 =	vadd.s32 @!p1 s21, v3  }
0x1cc: {  	v6 =	vor.u32 v58, v6;
	v7 =	vadd.s32 v7, v5;
	v8 =	vshra.s32 @!p1 v3, $0x1F  }
0x1cd: {  	vm15 =	vne.s32 v6, $0x1;
	v57 =	vshra.s32 v7, $0x6;
	v6 =	vshrl.u32 @!p1 v8, $0x1A  }
0x1ce: {  	v59 =	vshll.u32 v57, $0x6;
	v6 =	vadd.s32 @!p1 v6, v3  }
0x1cf: {  	vm2 =	vne.s32 v5, v59;
	v5 =	vsub.s32 v5, v59;
	v6 =	vshra.s32 @!p1 v6, $0x6  }
0x1d0: {  	vm1 =	vmand vm2, vm15;
	v61 =	vand.u32 $0xFFFFFF80, v5;
	v7 =	vshll.u32 @!p1 v6, $0x6  }
0x1d1: {  	v60 =	vsel vm1, $0xFFFFFFFF, v0;
	vm1 =	vlt.s32 @!p1 v3, $0x1;
	vm2 =	vne.s32 @!p1 v3, v7  }
0x1d2: {  	v4 =	vadd.s32 v60, v57;
	v9 =	vimm.s32 @!p1 $0x0;
	vm1 =	vmand @!p1 vm1, vm2  }
0x1d3: {  	v5 =	vand.u32 $0x7F, v5;
	v4 =	vshll.u32 v4, $0x7;
	v8 =	vsel @!p1 vm1, $0xFFFFFFFF, v9  }
0x1d4: {  	v4 =	vadd.s32 v61, v4;
	v3 =	vsub.s32 @!p1 v3, v7;
	v6 =	vadd.s32 @!p1 v8, v6  }
0x1d5: {  	v62 =	vld [tilespmem:s25+$0x0];
	v4 =	vor.u32 v5, v4;
	v5 =	vand.u32 @!p1 $0xFFFFFF80, v3;
	v6 =	vshll.u32 @!p1 v6, $0x7  }
0x1d6: {  	v63 =	vld [tilespmem:s25+$0xC00];
	v3 =	vand.u32 @!p1 $0x7F, v3;
	v5 =	vadd.s32 @!p1 v5, v6  }
0x1d7: {  	p2 =	slt.u32 @!p1 s4, $0x11;
	v3 =	vor.u32 @!p1 v3, v5  }
0x1d8: {  	p2 =	por p1, p2  }
.Ltmp8:
0x1d9: {  	_ = 	snop;
	(pc) =	sbr.rel @p2 .LBB2_13-.Ltmp8, $4  }
0x1da: {  	[tilespmem:v4+s15+$0x0] =	vst.idx.msk vm0, v62  }
0x1db: {  	[tilespmem:v4+s16+$0x0] =	vst.idx.msk vm0, v63;
	s25 =	simm.s32 @!p1 $0x2400  }
0x1dc: {  	v4 =	vimm.s32 @!p1 $0x2710;
	[tilespmem:v3+s25+$0x0] =	vst.idx.msk @!p1 $0xffff, v9;
	s25 =	simm.s32 @!p1 $0x3C00  }
0x1dd: {  	[tilespmem:v3+s25+$0x0] =	vst.idx.msk @!p1 $0xffff, v4  }
0x1de: {  	s25 =	sadd.s32 $0x10, s21  }
0x1df: {  	v3 =	vadd.s32 s25, v1  }
0x1e0: {  	v4 =	vshra.s32 v3, $0x1F  }
0x1e1: {  	v4 =	vshrl.u32 v4, $0x1A  }
0x1e2: {  	p1 =	slt.u32 s4, $0x21;
	v4 =	vadd.s32 v4, v3  }
0x1e3: {  	s25 =	sadd.s32 @!p1 $0x20, s21;
	v6 =	vlaneseq.u32 @!p1;
	p2 =	slt.u32 @!p1 s4, $0x31;
	v11 =	vimm.s32 @!p1 $0x0;
	v4 =	vshra.s32 v4, $0x6  }
0x1e4: {  	vm0 =	vlt.s32 v3, $0x1;
	v6 =	vadd.s32 @!p1 s25, v6;
	p2 =	por p2, p1;
	v5 =	vshll.u32 v4, $0x6  }
0x1e5: {  	v8 =	vshra.s32 @!p1 v6, $0x1F;
	v12 =	vimm.s32 @!p2 $0x0;
	vm1 =	vne.s32 v3, v5  }
0x1e6: {  	v3 =	vsub.s32 v3, v5;
	v5 =	vshrl.u32 @!p1 v8, $0x1A;
	v8 =	vlaneseq.u32 @!p2  }
0x1e7: {  	s25 =	sadd.s32 @!p2 $0x30, s21;
	vm0 =	vmand vm0, vm1;
	v63 =	vand.u32 $0xFFFFFF80, v3;
	v5 =	vadd.s32 @!p1 v5, v6  }
0x1e8: {  	v3 =	vand.u32 $0x7F, v3;
	v8 =	vadd.s32 @!p2 s25, v8;
	v5 =	vshra.s32 @!p1 v5, $0x6  }
0x1e9: {  	v7 =	vsel vm0, $0xFFFFFFFF, v0;
	v10 =	vshra.s32 @!p2 v8, $0x1F;
	v9 =	vshll.u32 @!p1 v5, $0x6  }
0x1ea: {  	vm0 =	vlt.s32 @!p1 v6, $0x1;
	v10 =	vshrl.u32 @!p2 v10, $0x1A;
	vm1 =	vne.s32 @!p1 v6, v9  }
0x1eb: {  	v4 =	vadd.s32 v7, v4;
	v10 =	vadd.s32 @!p2 v10, v8;
	vm0 =	vmand @!p1 vm0, vm1  }
0x1ec: {  	v4 =	vshll.u32 v4, $0x7;
	v10 =	vshra.s32 @!p2 v10, $0x6;
	v7 =	vsel @!p1 vm0, $0xFFFFFFFF, v11  }
0x1ed: {  	v6 =	vsub.s32 @!p1 v6, v9;
	v5 =	vadd.s32 @!p1 v7, v5;
	v7 =	vshll.u32 @!p2 v10, $0x6  }
0x1ee: {  	v4 =	vadd.s32 v63, v4;
	vm0 =	vlt.s32 @!p2 v8, $0x1;
	vm1 =	vne.s32 @!p2 v8, v7  }
0x1ef: {  	v9 =	vand.u32 @!p1 $0xFFFFFF80, v6;
	v5 =	vshll.u32 @!p1 v5, $0x7;
	vm0 =	vmand @!p2 vm0, vm1  }
0x1f0: {  	v3 =	vor.u32 v3, v4;
	v4 =	vadd.s32 @!p1 v9, v5;
	v5 =	vsel @!p2 vm0, $0xFFFFFFFF, v12  }
0x1f1: {  	v6 =	vand.u32 @!p1 $0x7F, v6;
	v7 =	vsub.s32 @!p2 v8, v7;
	v5 =	vadd.s32 @!p2 v5, v10  }
0x1f2: {  	v4 =	vor.u32 @!p1 v6, v4;
	v6 =	vand.u32 @!p2 $0xFFFFFF80, v7;
	v5 =	vshll.u32 @!p2 v5, $0x7  }
0x1f3: {  	v5 =	vadd.s32 @!p2 v6, v5;
	v6 =	vand.u32 @!p2 $0x7F, v7  }
0x1f4: {  	v5 =	vor.u32 @!p2 v6, v5  }
0x1f5: {  	[tilespmem:v3+s15+$0x0] =	vst.idx.msk $0xffff, v0  }
0x1f6: {  	s25 =	simm.s32 @!p1 $0x2400;
	[tilespmem:v3+s16+$0x0] =	vst.idx.msk $0xffff, v2  }
0x1f7: {  	v3 =	vimm.s32 @!p1 $0x2710;
	[tilespmem:v4+s25+$0x0] =	vst.idx.msk @!p1 $0xffff, v11;
	s25 =	simm.s32 @!p1 $0x3C00  }
0x1f8: {  	[tilespmem:v4+s25+$0x0] =	vst.idx.msk @!p1 $0xffff, v3;
	s25 =	simm.s32 @!p2 $0x2400  }
0x1f9: {  	v3 =	vimm.s32 @!p2 $0x2710;
	[tilespmem:v5+s25+$0x0] =	vst.idx.msk @!p2 $0xffff, v12;
	s25 =	simm.s32 @!p2 $0x3C00  }
0x1fa: {  	[tilespmem:v5+s25+$0x0] =	vst.idx.msk @!p2 $0xffff, v3  }
.LBB2_13:
0x1fb: {  	s4 =	sadd.s32 s21, s4  }
0x1fc: {  	s21 =	sand.u32 $0x3F, s4  }
0x1fd: {  	s25 =	sshra.s32 s4, $0x1F;
	p1 =	slt.s32 s4, $0x1;
	p2 =	sne.s32 s21, $0x0  }
0x1fe: {  	s31 =	sshrl.u32 s25, $0x1A;
	p1 =	por !p1, !p2  }
0x1ff: {  	s21 =	simm.s32 $0x1;
	s4 =	sadd.s32 s31, s4;
	p1 =	por !p1, !p1  }
0x200: {  	s4 =	sshra.s32 s4, $0x6;
	s21 =	simm.s32 @!p1 $0x0  }
0x201: {  	s4 =	ssub.s32 s4, s21  }
0x202: {  	p1 =	slt.s32 s4, $0x1  }
.Ltmp9:
0x203: {  	_ = 	snop;
	(pc) =	sbr.rel @p1 .LBB2_17-.Ltmp9, $1  }
0x204: {  	_ =	sdelay $0x3  }
0x205: {  	s21 =	simm.s32 $0x40;
	s25 =	simm.s32 $0x5400;
	s31 =	simm.s32 $0x0  }
0x206: {  	[tilespmem:s25], [sflag:$0x1] =	stream.indirect.gather [hbm4b:s5+s21], $0x80, s15, s21, $0xb8;
	[tilespmem:$0x1CD00] =	vst v63  }
0x207: {  	p2 =	sle.s32 s4, $0x1;
	s21 =	sand.u32 $0x1, s31  }
0x208: {  	p1 =	sne.s32 @!p2 s21, $0x0  }
0x209: {  	s25 =	simm.s32 $0x2480;
	p6 =	seq.s32 s21, $0x1;
	p3 =	por p1, p2  }
0x20a: {  	p4 =	por !p6, p2;
	s26 =	simm.s32 @!p3 $0x40;
	s28 =	simm.s32 @!p3 $0x7400  }
0x20b: {  	[tilespmem:s28], [sflag:$0x2] =	stream.indirect.gather @!p3 [hbm4b:s5+s26], $0x80, s25, s26, $0xb8;
	[tilespmem:$0x1CD00] =	vst v63  }
0x20c: {  	p2 =	sne.s32 s21, $0x0;
	s26 =	simm.s32 @!p4 $0x40;
	s28 =	simm.s32 @!p4 $0x5400  }
0x20d: {  	[tilespmem:s28], [sflag:$0x1] =	stream.indirect.gather @!p4 [hbm4b:s5+s26], $0x80, s25, s26, $0xb8;
	[tilespmem:$0x1CD00] =	vst v63  }
0x20e: {  	s25 =	simm.s32 @!p2 $0x1  }
0x20f: {  	s21 =	simm.s32 $0x3C00;
	s29 =	simm.s32 @!p2 $0x5;
	_ =	swait.ge @!p2 [sflag:s25], $0x2000  }
0x210: {  	p3 =	sne.s32 s4, $0x1;
	s26 =	simm.s32 @!p2 $0x40;
	[sflag:s25] =	ssyncset.done @!p2 $0x0  }
.Ltmp10:
0x211: {  	s28 =	simm.s32 @!p2 $0x5400;
	[sflag:s25] =	ssyncadd.s32 @!p2 $0xFFFFE000;
	(pc) =	sbr.rel @!p3 .LBB2_16-.Ltmp10, $4  }
0x212: {  	[spmem:s1] =	stream.indirect.scatter.add.f32 @!p2 [tilespmem:s28], [sflag:$0x5], $0x80, s21, s26, $0xb8;
	[tilespmem:$0x1CD00] =	vst v63  }
0x213: {  	p1 =	por p6, p6;
	_ =	swait.ge @!p2 [sflag:s29], $0x2000  }
0x214: {  	s25 =	simm.s32 $0x1;
	s28 =	simm.s32 @p1 $0x2;
	[sflag:s29] =	ssyncset.done @!p2 $0x0  }
0x215: {  	s26 =	simm.s32 $0x2500;
	[sflag:s29] =	ssyncadd.s32 @!p2 $0xFFFFE000;
	s29 =	simm.s32 @p1 $0x7400  }
.LBB2_15:
0x216: {  	_ =	swait.ge @p1 [sflag:s28], $0x2000  }
0x217: {  	s30 =	simm.s32 @p1 $0x40;
	s31 =	smov.u32 s25;
	s25 =	sadd.s32 $0x1, s25  }
0x218: {  	s31 =	sand.u32 $0x1, s31;
	p2 =	sge.s32 s25, s4;
	[sflag:s28] =	ssyncset.done @p1 $0x0  }
0x219: {  	p3 =	sne.s32 @!p2 s31, $0x0;
	[sflag:s28] =	ssyncadd.s32 @p1 $0xFFFFE000;
	s28 =	simm.s32 @p1 $0x4  }
0x21a: {  	[spmem:s1] =	stream.indirect.scatter.add.f32 @p1 [tilespmem:s29], [sflag:$0x4], $0x80, s21, s30, $0xb8;
	[tilespmem:$0x1CD00] =	vst v63  }
0x21b: {  	p4 =	seq.s32 s31, $0x1;
	p3 =	por p3, p2;
	_ =	swait.ge @p1 [sflag:s28], $0x2000  }
0x21c: {  	s29 =	simm.s32 @!p3 $0x40;
	s30 =	simm.s32 @!p3 $0x7400;
	[sflag:s28] =	ssyncset.done @p1 $0x0  }
0x21d: {  	p5 =	por !p4, p2;
	p2 =	sne.s32 s4, s25;
	[sflag:s28] =	ssyncadd.s32 @p1 $0xFFFFE000  }
0x21e: {  	[tilespmem:s30], [sflag:$0x2] =	stream.indirect.gather @!p3 [hbm4b:s5+s29], $0x80, s26, s29, $0xb8;
	[tilespmem:$0x1CD00] =	vst v63  }
0x21f: {  	s28 =	simm.s32 @!p5 $0x40;
	s29 =	simm.s32 @!p5 $0x5400;
	p3 =	sne.s32 s31, $0x0  }
0x220: {  	[tilespmem:s29], [sflag:$0x1] =	stream.indirect.gather @!p5 [hbm4b:s5+s28], $0x80, s26, s28, $0xb8;
	[tilespmem:$0x1CD00] =	vst v63  }
0x221: {  	s21 =	sadd.s32 $0x80, s21;
	p1 =	por p4, p4;
	s28 =	simm.s32 @!p3 $0x1  }
0x222: {  	_ =	swait.ge @!p3 [sflag:s28], $0x2000  }
0x223: {  	s30 =	simm.s32 @!p3 $0x5400;
	s29 =	simm.s32 @!p3 $0x40;
	[sflag:s28] =	ssyncset.done @!p3 $0x0  }
.Ltmp11:
0x224: {  	s31 =	simm.s32 @!p3 $0x5;
	[sflag:s28] =	ssyncadd.s32 @!p3 $0xFFFFE000;
	(pc) =	sbr.rel @p2 .LBB2_15-.Ltmp11, $4  }
0x225: {  	[spmem:s1] =	stream.indirect.scatter.add.f32 @!p3 [tilespmem:s30], [sflag:$0x5], $0x80, s21, s29, $0xb8;
	[tilespmem:$0x1CD00] =	vst v63  }
0x226: {  	_ =	swait.ge @!p3 [sflag:s31], $0x2000  }
0x227: {  	s28 =	simm.s32 @p1 $0x2;
	[sflag:s31] =	ssyncset.done @!p3 $0x0  }
0x228: {  	s26 =	sadd.s32 $0x80, s26;
	s29 =	simm.s32 @p1 $0x7400;
	[sflag:s31] =	ssyncadd.s32 @!p3 $0xFFFFE000  }
.LBB2_16:
0x229: {  	_ =	swait.ge @p1 [sflag:s28], $0x2000  }
0x22a: {  	[sflag:s28] =	ssyncset.done @p1 $0x0  }
0x22b: {  	s4 =	simm.s32 @p1 $0x40;
	s25 =	simm.s32 @p1 $0x4;
	[sflag:s28] =	ssyncadd.s32 @p1 $0xFFFFE000  }
0x22c: {  	[spmem:s1] =	stream.indirect.scatter.add.f32 @p1 [tilespmem:s29], [sflag:$0x4], $0x80, s21, s4, $0xb8;
	[tilespmem:$0x1CD00] =	vst v63  }
0x22d: {  	_ =	swait.ge @p1 [sflag:s25], $0x2000  }
0x22e: {  	[sflag:s25] =	ssyncset.done @p1 $0x0  }
0x22f: {  	[sflag:s25] =	ssyncadd.s32 @p1 $0xFFFFE000  }
.LBB2_17:
0x230: {  	s21 =	simm.s32 $0x0;
	s4 =	rddreg [dreg:$0xc]  }
0x231: {  	[tilespmem:s21], [sflag:$0x4] =	stream.linear.gather [hbm4b:s4+s21], $0xA00, $0x38;
	[tilespmem:$0x1CD00] =	vst v63  }
0x232: {  	_ =	swait.ge [sflag:s22], $0xA00  }
0x233: {  	[sflag:s22] =	ssyncset.done $0x0  }
0x234: {  	s26 =	rddreg [dreg:$0xd];
	[sflag:s22] =	ssyncadd.s32 $0xFFFFF600  }
0x235: {  	[tilespmem:s23], [sflag:$0x4] =	stream.linear.gather [hbm4b:s26+s21], $0xA00, $0x38;
	[tilespmem:$0x1CD00] =	vst v63  }
0x236: {  	_ =	swait.ge [sflag:s22], $0xA00  }
0x237: {  	[sflag:s22] =	ssyncset.done $0x0  }
0x238: {  	s28 =	simm.s32 $0x1800;
	[sflag:s22] =	ssyncadd.s32 $0xFFFFF600  }
0x239: {  	[tilespmem:s28], [sflag:$0x3] =	stream.indirect.gather [hbm4b:s6+s24], $0x1, s23, s24, $0xb8;
	[tilespmem:$0x1CD00] =	vst v63  }
0x23a: {  	s29 =	simm.s32 $0xC80;
	s25 =	simm.s32 $0x1880  }
0x23b: {  	[tilespmem:s25], [sflag:$0x3] =	stream.indirect.gather [hbm4b:s6+s24], $0x1, s29, s24, $0xb8;
	[tilespmem:$0x1CD00] =	vst v63  }
0x23c: {  	s30 =	simm.s32 $0xD00;
	s31 =	simm.s32 $0x1900  }
0x23d: {  	[tilespmem:s31], [sflag:$0x3] =	stream.indirect.gather [hbm4b:s6+s24], $0x1, s30, s24, $0xb8;
	[tilespmem:$0x1CD00] =	vst v63  }
0x23e: {  	s26 =	simm.s32 $0x1980;
	s25 =	simm.s32 $0xD80  }
0x23f: {  	[tilespmem:s26], [sflag:$0x3] =	stream.indirect.gather [hbm4b:s6+s24], $0x1, s25, s24, $0xb8;
	[tilespmem:$0x1CD00] =	vst v63  }
0x240: {  	s28 =	simm.s32 $0xE00;
	s29 =	simm.s32 $0x1A00  }
0x241: {  	[tilespmem:s29], [sflag:$0x3] =	stream.indirect.gather [hbm4b:s6+s24], $0x1, s28, s24, $0xb8;
	[tilespmem:$0x1CD00] =	vst v63  }
0x242: {  	s30 =	simm.s32 $0xE80;
	s31 =	simm.s32 $0x1A80  }
0x243: {  	[tilespmem:s31], [sflag:$0x3] =	stream.indirect.gather [hbm4b:s6+s24], $0x1, s30, s24, $0xb8;
	[tilespmem:$0x1CD00] =	vst v63  }
0x244: {  	s25 =	simm.s32 $0xF00;
	s26 =	simm.s32 $0x1B00  }
0x245: {  	[tilespmem:s26], [sflag:$0x3] =	stream.indirect.gather [hbm4b:s6+s24], $0x1, s25, s24, $0xb8;
	[tilespmem:$0x1CD00] =	vst v63  }
0x246: {  	s28 =	simm.s32 $0xF80;
	s29 =	simm.s32 $0x1B80  }
0x247: {  	[tilespmem:s29], [sflag:$0x3] =	stream.indirect.gather [hbm4b:s6+s24], $0x1, s28, s24, $0xb8;
	[tilespmem:$0x1CD00] =	vst v63  }
0x248: {  	s30 =	simm.s32 $0x1000;
	s31 =	simm.s32 $0x1C00  }
0x249: {  	[tilespmem:s31], [sflag:$0x3] =	stream.indirect.gather [hbm4b:s6+s24], $0x1, s30, s24, $0xb8;
	[tilespmem:$0x1CD00] =	vst v63  }
0x24a: {  	s25 =	simm.s32 $0x1080;
	s26 =	simm.s32 $0x1C80  }
0x24b: {  	[tilespmem:s26], [sflag:$0x3] =	stream.indirect.gather [hbm4b:s6+s24], $0x1, s25, s24, $0xb8;
	[tilespmem:$0x1CD00] =	vst v63  }
0x24c: {  	s28 =	simm.s32 $0x1100;
	s29 =	simm.s32 $0x1D00  }
0x24d: {  	[tilespmem:s29], [sflag:$0x3] =	stream.indirect.gather [hbm4b:s6+s24], $0x1, s28, s24, $0xb8;
	[tilespmem:$0x1CD00] =	vst v63  }
0x24e: {  	s30 =	simm.s32 $0x1180;
	s31 =	simm.s32 $0x1D80  }
0x24f: {  	[tilespmem:s31], [sflag:$0x3] =	stream.indirect.gather [hbm4b:s6+s24], $0x1, s30, s24, $0xb8;
	[tilespmem:$0x1CD00] =	vst v63  }
0x250: {  	s25 =	simm.s32 $0x1200;
	s26 =	simm.s32 $0x1E00  }
0x251: {  	[tilespmem:s26], [sflag:$0x3] =	stream.indirect.gather [hbm4b:s6+s24], $0x1, s25, s24, $0xb8;
	[tilespmem:$0x1CD00] =	vst v63  }
0x252: {  	s28 =	simm.s32 $0x1280;
	s29 =	simm.s32 $0x1E80  }
0x253: {  	[tilespmem:s29], [sflag:$0x3] =	stream.indirect.gather [hbm4b:s6+s24], $0x1, s28, s24, $0xb8;
	[tilespmem:$0x1CD00] =	vst v63  }
0x254: {  	s30 =	simm.s32 $0x1300;
	s31 =	simm.s32 $0x1F00  }
0x255: {  	[tilespmem:s31], [sflag:$0x3] =	stream.indirect.gather [hbm4b:s6+s24], $0x1, s30, s24, $0xb8;
	[tilespmem:$0x1CD00] =	vst v63  }
0x256: {  	_ = 	snop  }
0x257: {  	[tilespmem:s2], [sflag:$0x3] =	stream.indirect.gather [hbm4b:s6+s24], $0x1, s0, s24, $0xb8;
	[tilespmem:$0x1CD00] =	vst v63  }
0x258: {  	_ = 	snop  }
0x259: {  	[tilespmem:s20], [sflag:$0x3] =	stream.indirect.gather [hbm4b:s6+s24], $0x1, s3, s24, $0xb8;
	[tilespmem:$0x1CD00] =	vst v63  }
0x25a: {  	_ = 	snop  }
0x25b: {  	[tilespmem:s8], [sflag:$0x3] =	stream.indirect.gather [hbm4b:s6+s24], $0x1, s7, s24, $0xb8;
	[tilespmem:$0x1CD00] =	vst v63  }
0x25c: {  	_ = 	snop  }
0x25d: {  	[tilespmem:s11], [sflag:$0x3] =	stream.indirect.gather [hbm4b:s6+s24], $0x1, s10, s24, $0xb8;
	[tilespmem:$0x1CD00] =	vst v63  }
0x25e: {  	_ = 	snop  }
0x25f: {  	[tilespmem:s13], [sflag:$0x3] =	stream.indirect.gather [hbm4b:s6+s24], $0x1, s12, s24, $0xb8;
	[tilespmem:$0x1CD00] =	vst v63  }
0x260: {  	_ =	swait.ge [sflag:s14], $0x80  }
0x261: {  	[sflag:s14] =	ssyncset.done $0x0  }
0x262: {  	[sflag:s14] =	ssyncadd.s32 $0xFFFFFF80  }
0x263: {  	_ =	swait.ge [sflag:s14], $0x80  }
0x264: {  	[sflag:s14] =	ssyncset.done $0x0  }
0x265: {  	[sflag:s14] =	ssyncadd.s32 $0xFFFFFF80  }
0x266: {  	_ =	swait.ge [sflag:s14], $0x80  }
0x267: {  	[sflag:s14] =	ssyncset.done $0x0  }
0x268: {  	[sflag:s14] =	ssyncadd.s32 $0xFFFFFF80  }
0x269: {  	_ =	swait.ge [sflag:s14], $0x80  }
0x26a: {  	[sflag:s14] =	ssyncset.done $0x0  }
0x26b: {  	[sflag:s14] =	ssyncadd.s32 $0xFFFFFF80  }
0x26c: {  	_ =	swait.ge [sflag:s14], $0x80  }
0x26d: {  	[sflag:s14] =	ssyncset.done $0x0  }
0x26e: {  	[sflag:s14] =	ssyncadd.s32 $0xFFFFFF80  }
0x26f: {  	_ =	swait.ge [sflag:s14], $0x80  }
0x270: {  	[sflag:s14] =	ssyncset.done $0x0  }
0x271: {  	[sflag:s14] =	ssyncadd.s32 $0xFFFFFF80  }
0x272: {  	_ =	swait.ge [sflag:s14], $0x80  }
0x273: {  	[sflag:s14] =	ssyncset.done $0x0  }
0x274: {  	[sflag:s14] =	ssyncadd.s32 $0xFFFFFF80  }
0x275: {  	_ =	swait.ge [sflag:s14], $0x80  }
0x276: {  	[sflag:s14] =	ssyncset.done $0x0  }
0x277: {  	[sflag:s14] =	ssyncadd.s32 $0xFFFFFF80  }
0x278: {  	_ =	swait.ge [sflag:s14], $0x80  }
0x279: {  	[sflag:s14] =	ssyncset.done $0x0  }
0x27a: {  	[sflag:s14] =	ssyncadd.s32 $0xFFFFFF80  }
0x27b: {  	_ =	swait.ge [sflag:s14], $0x80  }
0x27c: {  	[sflag:s14] =	ssyncset.done $0x0  }
0x27d: {  	[sflag:s14] =	ssyncadd.s32 $0xFFFFFF80  }
0x27e: {  	_ =	swait.ge [sflag:s14], $0x80  }
0x27f: {  	[sflag:s14] =	ssyncset.done $0x0  }
0x280: {  	[sflag:s14] =	ssyncadd.s32 $0xFFFFFF80  }
0x281: {  	_ =	swait.ge [sflag:s14], $0x80  }
0x282: {  	[sflag:s14] =	ssyncset.done $0x0  }
0x283: {  	[sflag:s14] =	ssyncadd.s32 $0xFFFFFF80  }
0x284: {  	_ =	swait.ge [sflag:s14], $0x80  }
0x285: {  	[sflag:s14] =	ssyncset.done $0x0  }
0x286: {  	[sflag:s14] =	ssyncadd.s32 $0xFFFFFF80  }
0x287: {  	_ =	swait.ge [sflag:s14], $0x80  }
0x288: {  	[sflag:s14] =	ssyncset.done $0x0  }
0x289: {  	[sflag:s14] =	ssyncadd.s32 $0xFFFFFF80  }
0x28a: {  	_ =	swait.ge [sflag:s14], $0x80  }
0x28b: {  	[sflag:s14] =	ssyncset.done $0x0  }
0x28c: {  	[sflag:s14] =	ssyncadd.s32 $0xFFFFFF80  }
0x28d: {  	_ =	swait.ge [sflag:s14], $0x80  }
0x28e: {  	[sflag:s14] =	ssyncset.done $0x0  }
0x28f: {  	[sflag:s14] =	ssyncadd.s32 $0xFFFFFF80  }
0x290: {  	_ =	swait.ge [sflag:s14], $0x80  }
0x291: {  	[sflag:s14] =	ssyncset.done $0x0  }
0x292: {  	[sflag:s14] =	ssyncadd.s32 $0xFFFFFF80  }
0x293: {  	_ =	swait.ge [sflag:s14], $0x80  }
0x294: {  	[sflag:s14] =	ssyncset.done $0x0  }
0x295: {  	[sflag:s14] =	ssyncadd.s32 $0xFFFFFF80  }
0x296: {  	_ =	swait.ge [sflag:s14], $0x80  }
0x297: {  	[sflag:s14] =	ssyncset.done $0x0  }
0x298: {  	[sflag:s14] =	ssyncadd.s32 $0xFFFFFF80  }
0x299: {  	_ =	swait.ge [sflag:s14], $0x80  }
0x29a: {  	[sflag:s14] =	ssyncset.done $0x0  }
0x29b: {  	s25 =	simm.s32 $0x0;
	[sflag:s14] =	ssyncadd.s32 $0xFFFFFF80  }
0x29c: {  	s4 =	simm.s32 $0x40;
	v3 =	vld [tilespmem:s25+$0x1800]  }
.LBB2_18:
0x29d: {  	p1 =	sne.s32 s4, $0x27C0;
	_ =	sdelay $0x3  }
0x29e: {  	vm0 =	vgt.f32 v3, $5.000000000e-01  }
0x29f: {  	v3 =	vsel vm0, $0x1, v0  }
0x2a0: {  	(xrf0) =	vadd.scan.msk.s32 $0xffff, v3;
	_ =	sdelay $0x5  }
0x2a1: {  	v4, _, _ =	vpop (xrf0)  }
0x2a2: {  	v5 =	vadd.s32 s21, v4;
	(v2sf) =	vpush v4, $0xF  }
0x2a3: {  	v4 =	vsub.s32 v5, v3  }
0x2a4: {  	v6 =	vshra.s32 v4, $0x1F  }
0x2a5: {  	v7 =	vshrl.u32 v6, $0x1A  }
0x2a6: {  	vm1 =	vne.s32 v5, v3;
	v7 =	vadd.s32 v7, v4  }
0x2a7: {  	v5 =	vsel vm1, $0x1, v0;
	v3 =	vshra.s32 v7, $0x6  }
0x2a8: {  	v5 =	vor.u32 v5, v6;
	v6 =	vshll.u32 v3, $0x6  }
0x2a9: {  	vm1 =	vne.s32 v5, $0x1;
	vm2 =	vne.s32 v4, v6  }
0x2aa: {  	vm1 =	vmand vm2, vm1  }
0x2ab: {  	v5 =	vsel vm1, $0xFFFFFFFF, v0  }
0x2ac: {  	v4 =	vsub.s32 v4, v6;
	v3 =	vadd.s32 v5, v3  }
0x2ad: {  	v5 =	vand.u32 $0xFFFFFF80, v4;
	v3 =	vshll.u32 v3, $0x7  }
0x2ae: {  	v4 =	vand.u32 $0x7F, v4;
	v3 =	vadd.s32 v5, v3  }
0x2af: {  	v5 =	vld [tilespmem:s25+$0x0];
	v3 =	vor.u32 v4, v3  }
0x2b0: {  	v4 =	vld [tilespmem:s25+$0xC00]  }
0x2b1: {  	s25 =	spop (v2sf)  }
.Ltmp12:
0x2b2: {  	s21 =	sadd.s32 s21, s25;
	(pc) =	sbr.rel @p1 .LBB2_18-.Ltmp12, $4  }
0x2b3: {  	_ = 	snop  }
0x2b4: {  	[tilespmem:v3+s15+$0x0] =	vst.idx.msk vm0, v5  }
0x2b5: {  	s25 =	sshra.s32 s4, $0x2;
	[tilespmem:v3+s16+$0x0] =	vst.idx.msk vm0, v4  }
0x2b6: {  	s4 =	sadd.s32 $0x40, s4;
	v3 =	vld [tilespmem:s25+$0x1800]  }
0x2b7: {  	_ =	sdelay $0x3  }
0x2b8: {  	vm0 =	vgt.f32 v3, $5.000000000e-01  }
0x2b9: {  	v3 =	vsel vm0, $0x1, v0  }
0x2ba: {  	(xrf0) =	vadd.scan.msk.s32 $0xffff, v3;
	_ =	sdelay $0x5  }
0x2bb: {  	v4, _, _ =	vpop (xrf0)  }
0x2bc: {  	(v2sf) =	vpush v4, $0xF;
	_ =	sdelay $0xe  }
0x2bd: {  	s4 =	spop (v2sf)  }
0x2be: {  	v4 =	vadd.s32 s21, v4;
	s21 =	sadd.s32 s21, s4  }
0x2bf: {  	s4 =	ssub.s32 $0x0, s21  }
0x2c0: {  	s4 =	sand.u32 $0x3F, s4  }
0x2c1: {  	v5 =	vsub.s32 v4, v3;
	p1 =	seq.s32 s4, $0x0  }
0x2c2: {  	vm1 =	vne.s32 v4, v3;
	v6 =	vshra.s32 v5, $0x1F;
	v3 =	vlaneseq.u32 @!p1  }
0x2c3: {  	v58 =	vsel vm1, $0x1, v0;
	v7 =	vshrl.u32 v6, $0x1A;
	v3 =	vadd.s32 @!p1 s21, v3  }
0x2c4: {  	v6 =	vor.u32 v58, v6;
	v7 =	vadd.s32 v7, v5;
	v8 =	vshra.s32 @!p1 v3, $0x1F  }
0x2c5: {  	vm15 =	vne.s32 v6, $0x1;
	v57 =	vshra.s32 v7, $0x6;
	v6 =	vshrl.u32 @!p1 v8, $0x1A  }
0x2c6: {  	v59 =	vshll.u32 v57, $0x6;
	v6 =	vadd.s32 @!p1 v6, v3  }
0x2c7: {  	vm2 =	vne.s32 v5, v59;
	v5 =	vsub.s32 v5, v59;
	v6 =	vshra.s32 @!p1 v6, $0x6  }
0x2c8: {  	vm1 =	vmand vm2, vm15;
	v61 =	vand.u32 $0xFFFFFF80, v5;
	v7 =	vshll.u32 @!p1 v6, $0x6  }
0x2c9: {  	v60 =	vsel vm1, $0xFFFFFFFF, v0;
	vm1 =	vlt.s32 @!p1 v3, $0x1;
	vm2 =	vne.s32 @!p1 v3, v7  }
0x2ca: {  	v4 =	vadd.s32 v60, v57;
	v9 =	vimm.s32 @!p1 $0x0;
	vm1 =	vmand @!p1 vm1, vm2  }
0x2cb: {  	v5 =	vand.u32 $0x7F, v5;
	v4 =	vshll.u32 v4, $0x7;
	v8 =	vsel @!p1 vm1, $0xFFFFFFFF, v9  }
0x2cc: {  	v4 =	vadd.s32 v61, v4;
	v3 =	vsub.s32 @!p1 v3, v7;
	v6 =	vadd.s32 @!p1 v8, v6  }
0x2cd: {  	v62 =	vld [tilespmem:s25+$0x0];
	v4 =	vor.u32 v5, v4;
	v5 =	vand.u32 @!p1 $0xFFFFFF80, v3;
	v6 =	vshll.u32 @!p1 v6, $0x7  }
0x2ce: {  	v63 =	vld [tilespmem:s25+$0xC00];
	v3 =	vand.u32 @!p1 $0x7F, v3;
	v5 =	vadd.s32 @!p1 v5, v6  }
0x2cf: {  	p2 =	slt.u32 @!p1 s4, $0x11;
	v3 =	vor.u32 @!p1 v3, v5  }
0x2d0: {  	p2 =	por p1, p2  }
.Ltmp13:
0x2d1: {  	_ = 	snop;
	(pc) =	sbr.rel @p2 .LBB2_21-.Ltmp13, $4  }
0x2d2: {  	[tilespmem:v4+s15+$0x0] =	vst.idx.msk vm0, v62  }
0x2d3: {  	[tilespmem:v4+s16+$0x0] =	vst.idx.msk vm0, v63;
	s25 =	simm.s32 @!p1 $0x2400  }
0x2d4: {  	v4 =	vimm.s32 @!p1 $0x2710;
	[tilespmem:v3+s25+$0x0] =	vst.idx.msk @!p1 $0xffff, v9;
	s25 =	simm.s32 @!p1 $0x3C00  }
0x2d5: {  	[tilespmem:v3+s25+$0x0] =	vst.idx.msk @!p1 $0xffff, v4  }
0x2d6: {  	s25 =	sadd.s32 $0x10, s21  }
0x2d7: {  	v3 =	vadd.s32 s25, v1  }
0x2d8: {  	v4 =	vshra.s32 v3, $0x1F  }
0x2d9: {  	v4 =	vshrl.u32 v4, $0x1A  }
0x2da: {  	p1 =	slt.u32 s4, $0x21;
	v4 =	vadd.s32 v4, v3  }
0x2db: {  	s25 =	sadd.s32 @!p1 $0x20, s21;
	v6 =	vlaneseq.u32 @!p1;
	p2 =	slt.u32 @!p1 s4, $0x31;
	v11 =	vimm.s32 @!p1 $0x0;
	v4 =	vshra.s32 v4, $0x6  }
0x2dc: {  	vm0 =	vlt.s32 v3, $0x1;
	v6 =	vadd.s32 @!p1 s25, v6;
	p2 =	por p2, p1;
	v5 =	vshll.u32 v4, $0x6  }
0x2dd: {  	v8 =	vshra.s32 @!p1 v6, $0x1F;
	v12 =	vimm.s32 @!p2 $0x0;
	vm1 =	vne.s32 v3, v5  }
0x2de: {  	v3 =	vsub.s32 v3, v5;
	v5 =	vshrl.u32 @!p1 v8, $0x1A;
	v8 =	vlaneseq.u32 @!p2  }
0x2df: {  	s25 =	sadd.s32 @!p2 $0x30, s21;
	vm0 =	vmand vm0, vm1;
	v63 =	vand.u32 $0xFFFFFF80, v3;
	v5 =	vadd.s32 @!p1 v5, v6  }
0x2e0: {  	v3 =	vand.u32 $0x7F, v3;
	v8 =	vadd.s32 @!p2 s25, v8;
	v5 =	vshra.s32 @!p1 v5, $0x6  }
0x2e1: {  	v7 =	vsel vm0, $0xFFFFFFFF, v0;
	v10 =	vshra.s32 @!p2 v8, $0x1F;
	v9 =	vshll.u32 @!p1 v5, $0x6  }
0x2e2: {  	vm0 =	vlt.s32 @!p1 v6, $0x1;
	v10 =	vshrl.u32 @!p2 v10, $0x1A;
	vm1 =	vne.s32 @!p1 v6, v9  }
0x2e3: {  	v4 =	vadd.s32 v7, v4;
	v10 =	vadd.s32 @!p2 v10, v8;
	vm0 =	vmand @!p1 vm0, vm1  }
0x2e4: {  	v4 =	vshll.u32 v4, $0x7;
	v10 =	vshra.s32 @!p2 v10, $0x6;
	v7 =	vsel @!p1 vm0, $0xFFFFFFFF, v11  }
0x2e5: {  	v6 =	vsub.s32 @!p1 v6, v9;
	v5 =	vadd.s32 @!p1 v7, v5;
	v7 =	vshll.u32 @!p2 v10, $0x6  }
0x2e6: {  	v4 =	vadd.s32 v63, v4;
	vm0 =	vlt.s32 @!p2 v8, $0x1;
	vm1 =	vne.s32 @!p2 v8, v7  }
0x2e7: {  	v9 =	vand.u32 @!p1 $0xFFFFFF80, v6;
	v5 =	vshll.u32 @!p1 v5, $0x7;
	vm0 =	vmand @!p2 vm0, vm1  }
0x2e8: {  	v3 =	vor.u32 v3, v4;
	v4 =	vadd.s32 @!p1 v9, v5;
	v5 =	vsel @!p2 vm0, $0xFFFFFFFF, v12  }
0x2e9: {  	v6 =	vand.u32 @!p1 $0x7F, v6;
	v7 =	vsub.s32 @!p2 v8, v7;
	v5 =	vadd.s32 @!p2 v5, v10  }
0x2ea: {  	v4 =	vor.u32 @!p1 v6, v4;
	v6 =	vand.u32 @!p2 $0xFFFFFF80, v7;
	v5 =	vshll.u32 @!p2 v5, $0x7  }
0x2eb: {  	v5 =	vadd.s32 @!p2 v6, v5;
	v6 =	vand.u32 @!p2 $0x7F, v7  }
0x2ec: {  	v5 =	vor.u32 @!p2 v6, v5  }
0x2ed: {  	[tilespmem:v3+s15+$0x0] =	vst.idx.msk $0xffff, v0  }
0x2ee: {  	s25 =	simm.s32 @!p1 $0x2400;
	[tilespmem:v3+s16+$0x0] =	vst.idx.msk $0xffff, v2  }
0x2ef: {  	v3 =	vimm.s32 @!p1 $0x2710;
	[tilespmem:v4+s25+$0x0] =	vst.idx.msk @!p1 $0xffff, v11;
	s25 =	simm.s32 @!p1 $0x3C00  }
0x2f0: {  	[tilespmem:v4+s25+$0x0] =	vst.idx.msk @!p1 $0xffff, v3;
	s25 =	simm.s32 @!p2 $0x2400  }
0x2f1: {  	v3 =	vimm.s32 @!p2 $0x2710;
	[tilespmem:v5+s25+$0x0] =	vst.idx.msk @!p2 $0xffff, v12;
	s25 =	simm.s32 @!p2 $0x3C00  }
0x2f2: {  	[tilespmem:v5+s25+$0x0] =	vst.idx.msk @!p2 $0xffff, v3  }
.LBB2_21:
0x2f3: {  	s4 =	sadd.s32 s21, s4  }
0x2f4: {  	s21 =	sand.u32 $0x3F, s4  }
0x2f5: {  	s25 =	sshra.s32 s4, $0x1F;
	p1 =	slt.s32 s4, $0x1;
	p2 =	sne.s32 s21, $0x0  }
0x2f6: {  	s31 =	sshrl.u32 s25, $0x1A;
	p1 =	por !p1, !p2  }
0x2f7: {  	s21 =	simm.s32 $0x1;
	s4 =	sadd.s32 s31, s4;
	p1 =	por !p1, !p1  }
0x2f8: {  	s4 =	sshra.s32 s4, $0x6;
	s21 =	simm.s32 @!p1 $0x0  }
0x2f9: {  	s4 =	ssub.s32 s4, s21  }
0x2fa: {  	p1 =	slt.s32 s4, $0x1  }
.Ltmp14:
0x2fb: {  	_ = 	snop;
	(pc) =	sbr.rel @p1 .LBB2_25-.Ltmp14, $1  }
0x2fc: {  	_ =	sdelay $0x3  }
0x2fd: {  	s21 =	simm.s32 $0x40;
	s25 =	simm.s32 $0x5400;
	s31 =	simm.s32 $0x0  }
0x2fe: {  	[tilespmem:s25], [sflag:$0x1] =	stream.indirect.gather [hbm4b:s5+s21], $0x80, s15, s21, $0xb8;
	[tilespmem:$0x1CD00] =	vst v63  }
0x2ff: {  	p2 =	sle.s32 s4, $0x1;
	s21 =	sand.u32 $0x1, s31  }
0x300: {  	p1 =	sne.s32 @!p2 s21, $0x0  }
0x301: {  	s25 =	simm.s32 $0x2480;
	p6 =	seq.s32 s21, $0x1;
	p3 =	por p1, p2  }
0x302: {  	p4 =	por !p6, p2;
	s26 =	simm.s32 @!p3 $0x40;
	s28 =	simm.s32 @!p3 $0x7400  }
0x303: {  	[tilespmem:s28], [sflag:$0x2] =	stream.indirect.gather @!p3 [hbm4b:s5+s26], $0x80, s25, s26, $0xb8;
	[tilespmem:$0x1CD00] =	vst v63  }
0x304: {  	p2 =	sne.s32 s21, $0x0;
	s26 =	simm.s32 @!p4 $0x40;
	s28 =	simm.s32 @!p4 $0x5400  }
0x305: {  	[tilespmem:s28], [sflag:$0x1] =	stream.indirect.gather @!p4 [hbm4b:s5+s26], $0x80, s25, s26, $0xb8;
	[tilespmem:$0x1CD00] =	vst v63  }
0x306: {  	s25 =	simm.s32 @!p2 $0x1  }
0x307: {  	s21 =	simm.s32 $0x3C00;
	s29 =	simm.s32 @!p2 $0x5;
	_ =	swait.ge @!p2 [sflag:s25], $0x2000  }
0x308: {  	p3 =	sne.s32 s4, $0x1;
	s26 =	simm.s32 @!p2 $0x40;
	[sflag:s25] =	ssyncset.done @!p2 $0x0  }
.Ltmp15:
0x309: {  	s28 =	simm.s32 @!p2 $0x5400;
	[sflag:s25] =	ssyncadd.s32 @!p2 $0xFFFFE000;
	(pc) =	sbr.rel @!p3 .LBB2_24-.Ltmp15, $4  }
0x30a: {  	[spmem:s1] =	stream.indirect.scatter.add.f32 @!p2 [tilespmem:s28], [sflag:$0x5], $0x80, s21, s26, $0xb8;
	[tilespmem:$0x1CD00] =	vst v63  }
0x30b: {  	p1 =	por p6, p6;
	_ =	swait.ge @!p2 [sflag:s29], $0x2000  }
0x30c: {  	s25 =	simm.s32 $0x1;
	s28 =	simm.s32 @p1 $0x2;
	[sflag:s29] =	ssyncset.done @!p2 $0x0  }
0x30d: {  	s26 =	simm.s32 $0x2500;
	[sflag:s29] =	ssyncadd.s32 @!p2 $0xFFFFE000;
	s29 =	simm.s32 @p1 $0x7400  }
.LBB2_23:
0x30e: {  	_ =	swait.ge @p1 [sflag:s28], $0x2000  }
0x30f: {  	s30 =	simm.s32 @p1 $0x40;
	s31 =	smov.u32 s25;
	s25 =	sadd.s32 $0x1, s25  }
0x310: {  	s31 =	sand.u32 $0x1, s31;
	p2 =	sge.s32 s25, s4;
	[sflag:s28] =	ssyncset.done @p1 $0x0  }
0x311: {  	p3 =	sne.s32 @!p2 s31, $0x0;
	[sflag:s28] =	ssyncadd.s32 @p1 $0xFFFFE000;
	s28 =	simm.s32 @p1 $0x4  }
0x312: {  	[spmem:s1] =	stream.indirect.scatter.add.f32 @p1 [tilespmem:s29], [sflag:$0x4], $0x80, s21, s30, $0xb8;
	[tilespmem:$0x1CD00] =	vst v63  }
0x313: {  	p4 =	seq.s32 s31, $0x1;
	p3 =	por p3, p2;
	_ =	swait.ge @p1 [sflag:s28], $0x2000  }
0x314: {  	s29 =	simm.s32 @!p3 $0x40;
	s30 =	simm.s32 @!p3 $0x7400;
	[sflag:s28] =	ssyncset.done @p1 $0x0  }
0x315: {  	p5 =	por !p4, p2;
	p2 =	sne.s32 s4, s25;
	[sflag:s28] =	ssyncadd.s32 @p1 $0xFFFFE000  }
0x316: {  	[tilespmem:s30], [sflag:$0x2] =	stream.indirect.gather @!p3 [hbm4b:s5+s29], $0x80, s26, s29, $0xb8;
	[tilespmem:$0x1CD00] =	vst v63  }
0x317: {  	s28 =	simm.s32 @!p5 $0x40;
	s29 =	simm.s32 @!p5 $0x5400;
	p3 =	sne.s32 s31, $0x0  }
0x318: {  	[tilespmem:s29], [sflag:$0x1] =	stream.indirect.gather @!p5 [hbm4b:s5+s28], $0x80, s26, s28, $0xb8;
	[tilespmem:$0x1CD00] =	vst v63  }
0x319: {  	s21 =	sadd.s32 $0x80, s21;
	p1 =	por p4, p4;
	s28 =	simm.s32 @!p3 $0x1  }
0x31a: {  	_ =	swait.ge @!p3 [sflag:s28], $0x2000  }
0x31b: {  	s30 =	simm.s32 @!p3 $0x5400;
	s29 =	simm.s32 @!p3 $0x40;
	[sflag:s28] =	ssyncset.done @!p3 $0x0  }
.Ltmp16:
0x31c: {  	s31 =	simm.s32 @!p3 $0x5;
	[sflag:s28] =	ssyncadd.s32 @!p3 $0xFFFFE000;
	(pc) =	sbr.rel @p2 .LBB2_23-.Ltmp16, $4  }
0x31d: {  	[spmem:s1] =	stream.indirect.scatter.add.f32 @!p3 [tilespmem:s30], [sflag:$0x5], $0x80, s21, s29, $0xb8;
	[tilespmem:$0x1CD00] =	vst v63  }
0x31e: {  	_ =	swait.ge @!p3 [sflag:s31], $0x2000  }
0x31f: {  	s28 =	simm.s32 @p1 $0x2;
	[sflag:s31] =	ssyncset.done @!p3 $0x0  }
0x320: {  	s26 =	sadd.s32 $0x80, s26;
	s29 =	simm.s32 @p1 $0x7400;
	[sflag:s31] =	ssyncadd.s32 @!p3 $0xFFFFE000  }
.LBB2_24:
0x321: {  	_ =	swait.ge @p1 [sflag:s28], $0x2000  }
0x322: {  	[sflag:s28] =	ssyncset.done @p1 $0x0  }
0x323: {  	s4 =	simm.s32 @p1 $0x40;
	s25 =	simm.s32 @p1 $0x4;
	[sflag:s28] =	ssyncadd.s32 @p1 $0xFFFFE000  }
0x324: {  	[spmem:s1] =	stream.indirect.scatter.add.f32 @p1 [tilespmem:s29], [sflag:$0x4], $0x80, s21, s4, $0xb8;
	[tilespmem:$0x1CD00] =	vst v63  }
0x325: {  	_ =	swait.ge @p1 [sflag:s25], $0x2000  }
0x326: {  	[sflag:s25] =	ssyncset.done @p1 $0x0  }
0x327: {  	[sflag:s25] =	ssyncadd.s32 @p1 $0xFFFFE000  }
.LBB2_25:
0x328: {  	s21 =	simm.s32 $0x0;
	s4 =	rddreg [dreg:$0xe]  }
0x329: {  	[tilespmem:s21], [sflag:$0x4] =	stream.linear.gather [hbm4b:s4+s21], $0xA00, $0x38;
	[tilespmem:$0x1CD00] =	vst v63  }
0x32a: {  	_ =	swait.ge [sflag:s22], $0xA00  }
0x32b: {  	[sflag:s22] =	ssyncset.done $0x0  }
0x32c: {  	s26 =	rddreg [dreg:$0xf];
	[sflag:s22] =	ssyncadd.s32 $0xFFFFF600  }
0x32d: {  	[tilespmem:s23], [sflag:$0x4] =	stream.linear.gather [hbm4b:s26+s21], $0xA00, $0x38;
	[tilespmem:$0x1CD00] =	vst v63  }
0x32e: {  	_ =	swait.ge [sflag:s22], $0xA00  }
0x32f: {  	[sflag:s22] =	ssyncset.done $0x0  }
0x330: {  	s28 =	simm.s32 $0x1800;
	[sflag:s22] =	ssyncadd.s32 $0xFFFFF600  }
0x331: {  	[tilespmem:s28], [sflag:$0x3] =	stream.indirect.gather [hbm4b:s6+s24], $0x1, s23, s24, $0xb8;
	[tilespmem:$0x1CD00] =	vst v63  }
0x332: {  	s29 =	simm.s32 $0xC80;
	s25 =	simm.s32 $0x1880  }
0x333: {  	[tilespmem:s25], [sflag:$0x3] =	stream.indirect.gather [hbm4b:s6+s24], $0x1, s29, s24, $0xb8;
	[tilespmem:$0x1CD00] =	vst v63  }
0x334: {  	s30 =	simm.s32 $0xD00;
	s31 =	simm.s32 $0x1900  }
0x335: {  	[tilespmem:s31], [sflag:$0x3] =	stream.indirect.gather [hbm4b:s6+s24], $0x1, s30, s24, $0xb8;
	[tilespmem:$0x1CD00] =	vst v63  }
0x336: {  	s26 =	simm.s32 $0x1980;
	s25 =	simm.s32 $0xD80  }
0x337: {  	[tilespmem:s26], [sflag:$0x3] =	stream.indirect.gather [hbm4b:s6+s24], $0x1, s25, s24, $0xb8;
	[tilespmem:$0x1CD00] =	vst v63  }
0x338: {  	s28 =	simm.s32 $0xE00;
	s29 =	simm.s32 $0x1A00  }
0x339: {  	[tilespmem:s29], [sflag:$0x3] =	stream.indirect.gather [hbm4b:s6+s24], $0x1, s28, s24, $0xb8;
	[tilespmem:$0x1CD00] =	vst v63  }
0x33a: {  	s30 =	simm.s32 $0xE80;
	s31 =	simm.s32 $0x1A80  }
0x33b: {  	[tilespmem:s31], [sflag:$0x3] =	stream.indirect.gather [hbm4b:s6+s24], $0x1, s30, s24, $0xb8;
	[tilespmem:$0x1CD00] =	vst v63  }
0x33c: {  	s25 =	simm.s32 $0xF00;
	s26 =	simm.s32 $0x1B00  }
0x33d: {  	[tilespmem:s26], [sflag:$0x3] =	stream.indirect.gather [hbm4b:s6+s24], $0x1, s25, s24, $0xb8;
	[tilespmem:$0x1CD00] =	vst v63  }
0x33e: {  	s28 =	simm.s32 $0xF80;
	s29 =	simm.s32 $0x1B80  }
0x33f: {  	[tilespmem:s29], [sflag:$0x3] =	stream.indirect.gather [hbm4b:s6+s24], $0x1, s28, s24, $0xb8;
	[tilespmem:$0x1CD00] =	vst v63  }
0x340: {  	s30 =	simm.s32 $0x1000;
	s31 =	simm.s32 $0x1C00  }
0x341: {  	[tilespmem:s31], [sflag:$0x3] =	stream.indirect.gather [hbm4b:s6+s24], $0x1, s30, s24, $0xb8;
	[tilespmem:$0x1CD00] =	vst v63  }
0x342: {  	s25 =	simm.s32 $0x1080;
	s26 =	simm.s32 $0x1C80  }
0x343: {  	[tilespmem:s26], [sflag:$0x3] =	stream.indirect.gather [hbm4b:s6+s24], $0x1, s25, s24, $0xb8;
	[tilespmem:$0x1CD00] =	vst v63  }
0x344: {  	s28 =	simm.s32 $0x1100;
	s29 =	simm.s32 $0x1D00  }
0x345: {  	[tilespmem:s29], [sflag:$0x3] =	stream.indirect.gather [hbm4b:s6+s24], $0x1, s28, s24, $0xb8;
	[tilespmem:$0x1CD00] =	vst v63  }
0x346: {  	s30 =	simm.s32 $0x1180;
	s31 =	simm.s32 $0x1D80  }
0x347: {  	[tilespmem:s31], [sflag:$0x3] =	stream.indirect.gather [hbm4b:s6+s24], $0x1, s30, s24, $0xb8;
	[tilespmem:$0x1CD00] =	vst v63  }
0x348: {  	s25 =	simm.s32 $0x1200;
	s26 =	simm.s32 $0x1E00  }
0x349: {  	[tilespmem:s26], [sflag:$0x3] =	stream.indirect.gather [hbm4b:s6+s24], $0x1, s25, s24, $0xb8;
	[tilespmem:$0x1CD00] =	vst v63  }
0x34a: {  	s28 =	simm.s32 $0x1280;
	s29 =	simm.s32 $0x1E80  }
0x34b: {  	[tilespmem:s29], [sflag:$0x3] =	stream.indirect.gather [hbm4b:s6+s24], $0x1, s28, s24, $0xb8;
	[tilespmem:$0x1CD00] =	vst v63  }
0x34c: {  	s30 =	simm.s32 $0x1300;
	s31 =	simm.s32 $0x1F00  }
0x34d: {  	[tilespmem:s31], [sflag:$0x3] =	stream.indirect.gather [hbm4b:s6+s24], $0x1, s30, s24, $0xb8;
	[tilespmem:$0x1CD00] =	vst v63  }
0x34e: {  	_ = 	snop  }
0x34f: {  	[tilespmem:s2], [sflag:$0x3] =	stream.indirect.gather [hbm4b:s6+s24], $0x1, s0, s24, $0xb8;
	[tilespmem:$0x1CD00] =	vst v63  }
0x350: {  	_ = 	snop  }
0x351: {  	[tilespmem:s20], [sflag:$0x3] =	stream.indirect.gather [hbm4b:s6+s24], $0x1, s3, s24, $0xb8;
	[tilespmem:$0x1CD00] =	vst v63  }
0x352: {  	_ = 	snop  }
0x353: {  	[tilespmem:s8], [sflag:$0x3] =	stream.indirect.gather [hbm4b:s6+s24], $0x1, s7, s24, $0xb8;
	[tilespmem:$0x1CD00] =	vst v63  }
0x354: {  	_ = 	snop  }
0x355: {  	[tilespmem:s11], [sflag:$0x3] =	stream.indirect.gather [hbm4b:s6+s24], $0x1, s10, s24, $0xb8;
	[tilespmem:$0x1CD00] =	vst v63  }
0x356: {  	_ = 	snop  }
0x357: {  	[tilespmem:s13], [sflag:$0x3] =	stream.indirect.gather [hbm4b:s6+s24], $0x1, s12, s24, $0xb8;
	[tilespmem:$0x1CD00] =	vst v63  }
0x358: {  	_ =	swait.ge [sflag:s14], $0x80  }
0x359: {  	[sflag:s14] =	ssyncset.done $0x0  }
0x35a: {  	[sflag:s14] =	ssyncadd.s32 $0xFFFFFF80  }
0x35b: {  	_ =	swait.ge [sflag:s14], $0x80  }
0x35c: {  	[sflag:s14] =	ssyncset.done $0x0  }
0x35d: {  	[sflag:s14] =	ssyncadd.s32 $0xFFFFFF80  }
0x35e: {  	_ =	swait.ge [sflag:s14], $0x80  }
0x35f: {  	[sflag:s14] =	ssyncset.done $0x0  }
0x360: {  	[sflag:s14] =	ssyncadd.s32 $0xFFFFFF80  }
0x361: {  	_ =	swait.ge [sflag:s14], $0x80  }
0x362: {  	[sflag:s14] =	ssyncset.done $0x0  }
0x363: {  	[sflag:s14] =	ssyncadd.s32 $0xFFFFFF80  }
0x364: {  	_ =	swait.ge [sflag:s14], $0x80  }
0x365: {  	[sflag:s14] =	ssyncset.done $0x0  }
0x366: {  	[sflag:s14] =	ssyncadd.s32 $0xFFFFFF80  }
0x367: {  	_ =	swait.ge [sflag:s14], $0x80  }
0x368: {  	[sflag:s14] =	ssyncset.done $0x0  }
0x369: {  	[sflag:s14] =	ssyncadd.s32 $0xFFFFFF80  }
0x36a: {  	_ =	swait.ge [sflag:s14], $0x80  }
0x36b: {  	[sflag:s14] =	ssyncset.done $0x0  }
0x36c: {  	[sflag:s14] =	ssyncadd.s32 $0xFFFFFF80  }
0x36d: {  	_ =	swait.ge [sflag:s14], $0x80  }
0x36e: {  	[sflag:s14] =	ssyncset.done $0x0  }
0x36f: {  	[sflag:s14] =	ssyncadd.s32 $0xFFFFFF80  }
0x370: {  	_ =	swait.ge [sflag:s14], $0x80  }
0x371: {  	[sflag:s14] =	ssyncset.done $0x0  }
0x372: {  	[sflag:s14] =	ssyncadd.s32 $0xFFFFFF80  }
0x373: {  	_ =	swait.ge [sflag:s14], $0x80  }
0x374: {  	[sflag:s14] =	ssyncset.done $0x0  }
0x375: {  	[sflag:s14] =	ssyncadd.s32 $0xFFFFFF80  }
0x376: {  	_ =	swait.ge [sflag:s14], $0x80  }
0x377: {  	[sflag:s14] =	ssyncset.done $0x0  }
0x378: {  	[sflag:s14] =	ssyncadd.s32 $0xFFFFFF80  }
0x379: {  	_ =	swait.ge [sflag:s14], $0x80  }
0x37a: {  	[sflag:s14] =	ssyncset.done $0x0  }
0x37b: {  	[sflag:s14] =	ssyncadd.s32 $0xFFFFFF80  }
0x37c: {  	_ =	swait.ge [sflag:s14], $0x80  }
0x37d: {  	[sflag:s14] =	ssyncset.done $0x0  }
0x37e: {  	[sflag:s14] =	ssyncadd.s32 $0xFFFFFF80  }
0x37f: {  	_ =	swait.ge [sflag:s14], $0x80  }
0x380: {  	[sflag:s14] =	ssyncset.done $0x0  }
0x381: {  	[sflag:s14] =	ssyncadd.s32 $0xFFFFFF80  }
0x382: {  	_ =	swait.ge [sflag:s14], $0x80  }
0x383: {  	[sflag:s14] =	ssyncset.done $0x0  }
0x384: {  	[sflag:s14] =	ssyncadd.s32 $0xFFFFFF80  }
0x385: {  	_ =	swait.ge [sflag:s14], $0x80  }
0x386: {  	[sflag:s14] =	ssyncset.done $0x0  }
0x387: {  	[sflag:s14] =	ssyncadd.s32 $0xFFFFFF80  }
0x388: {  	_ =	swait.ge [sflag:s14], $0x80  }
0x389: {  	[sflag:s14] =	ssyncset.done $0x0  }
0x38a: {  	[sflag:s14] =	ssyncadd.s32 $0xFFFFFF80  }
0x38b: {  	_ =	swait.ge [sflag:s14], $0x80  }
0x38c: {  	[sflag:s14] =	ssyncset.done $0x0  }
0x38d: {  	[sflag:s14] =	ssyncadd.s32 $0xFFFFFF80  }
0x38e: {  	_ =	swait.ge [sflag:s14], $0x80  }
0x38f: {  	[sflag:s14] =	ssyncset.done $0x0  }
0x390: {  	[sflag:s14] =	ssyncadd.s32 $0xFFFFFF80  }
0x391: {  	_ =	swait.ge [sflag:s14], $0x80  }
0x392: {  	[sflag:s14] =	ssyncset.done $0x0  }
0x393: {  	s25 =	simm.s32 $0x0;
	[sflag:s14] =	ssyncadd.s32 $0xFFFFFF80  }
0x394: {  	s4 =	simm.s32 $0x40;
	v3 =	vld [tilespmem:s25+$0x1800]  }
.LBB2_26:
0x395: {  	p1 =	sne.s32 s4, $0x27C0;
	_ =	sdelay $0x3  }
0x396: {  	vm0 =	vgt.f32 v3, $5.000000000e-01  }
0x397: {  	v3 =	vsel vm0, $0x1, v0  }
0x398: {  	(xrf0) =	vadd.scan.msk.s32 $0xffff, v3;
	_ =	sdelay $0x5  }
0x399: {  	v4, _, _ =	vpop (xrf0)  }
0x39a: {  	v5 =	vadd.s32 s21, v4;
	(v2sf) =	vpush v4, $0xF  }
0x39b: {  	v4 =	vsub.s32 v5, v3  }
0x39c: {  	v6 =	vshra.s32 v4, $0x1F  }
0x39d: {  	v7 =	vshrl.u32 v6, $0x1A  }
0x39e: {  	vm1 =	vne.s32 v5, v3;
	v7 =	vadd.s32 v7, v4  }
0x39f: {  	v5 =	vsel vm1, $0x1, v0;
	v3 =	vshra.s32 v7, $0x6  }
0x3a0: {  	v5 =	vor.u32 v5, v6;
	v6 =	vshll.u32 v3, $0x6  }
0x3a1: {  	vm1 =	vne.s32 v5, $0x1;
	vm2 =	vne.s32 v4, v6  }
0x3a2: {  	vm1 =	vmand vm2, vm1  }
0x3a3: {  	v5 =	vsel vm1, $0xFFFFFFFF, v0  }
0x3a4: {  	v4 =	vsub.s32 v4, v6;
	v3 =	vadd.s32 v5, v3  }
0x3a5: {  	v5 =	vand.u32 $0xFFFFFF80, v4;
	v3 =	vshll.u32 v3, $0x7  }
0x3a6: {  	v4 =	vand.u32 $0x7F, v4;
	v3 =	vadd.s32 v5, v3  }
0x3a7: {  	v5 =	vld [tilespmem:s25+$0x0];
	v3 =	vor.u32 v4, v3  }
0x3a8: {  	v4 =	vld [tilespmem:s25+$0xC00]  }
0x3a9: {  	s25 =	spop (v2sf)  }
.Ltmp17:
0x3aa: {  	s21 =	sadd.s32 s21, s25;
	(pc) =	sbr.rel @p1 .LBB2_26-.Ltmp17, $4  }
0x3ab: {  	_ = 	snop  }
0x3ac: {  	[tilespmem:v3+s15+$0x0] =	vst.idx.msk vm0, v5  }
0x3ad: {  	s25 =	sshra.s32 s4, $0x2;
	[tilespmem:v3+s16+$0x0] =	vst.idx.msk vm0, v4  }
0x3ae: {  	s4 =	sadd.s32 $0x40, s4;
	v3 =	vld [tilespmem:s25+$0x1800]  }
0x3af: {  	_ =	sdelay $0x3  }
0x3b0: {  	vm0 =	vgt.f32 v3, $5.000000000e-01  }
0x3b1: {  	v3 =	vsel vm0, $0x1, v0  }
0x3b2: {  	(xrf0) =	vadd.scan.msk.s32 $0xffff, v3;
	_ =	sdelay $0x5  }
0x3b3: {  	v4, _, _ =	vpop (xrf0)  }
0x3b4: {  	(v2sf) =	vpush v4, $0xF;
	_ =	sdelay $0xe  }
0x3b5: {  	s4 =	spop (v2sf)  }
0x3b6: {  	v4 =	vadd.s32 s21, v4;
	s21 =	sadd.s32 s21, s4  }
0x3b7: {  	s4 =	ssub.s32 $0x0, s21  }
0x3b8: {  	s4 =	sand.u32 $0x3F, s4  }
0x3b9: {  	v5 =	vsub.s32 v4, v3;
	p1 =	seq.s32 s4, $0x0  }
0x3ba: {  	vm1 =	vne.s32 v4, v3;
	v6 =	vshra.s32 v5, $0x1F;
	v3 =	vlaneseq.u32 @!p1  }
0x3bb: {  	v58 =	vsel vm1, $0x1, v0;
	v7 =	vshrl.u32 v6, $0x1A;
	v3 =	vadd.s32 @!p1 s21, v3  }
0x3bc: {  	v6 =	vor.u32 v58, v6;
	v7 =	vadd.s32 v7, v5;
	v8 =	vshra.s32 @!p1 v3, $0x1F  }
0x3bd: {  	vm15 =	vne.s32 v6, $0x1;
	v57 =	vshra.s32 v7, $0x6;
	v6 =	vshrl.u32 @!p1 v8, $0x1A  }
0x3be: {  	v59 =	vshll.u32 v57, $0x6;
	v6 =	vadd.s32 @!p1 v6, v3  }
0x3bf: {  	vm2 =	vne.s32 v5, v59;
	v5 =	vsub.s32 v5, v59;
	v6 =	vshra.s32 @!p1 v6, $0x6  }
0x3c0: {  	vm1 =	vmand vm2, vm15;
	v61 =	vand.u32 $0xFFFFFF80, v5;
	v7 =	vshll.u32 @!p1 v6, $0x6  }
0x3c1: {  	v60 =	vsel vm1, $0xFFFFFFFF, v0;
	vm1 =	vlt.s32 @!p1 v3, $0x1;
	vm2 =	vne.s32 @!p1 v3, v7  }
0x3c2: {  	v4 =	vadd.s32 v60, v57;
	v9 =	vimm.s32 @!p1 $0x0;
	vm1 =	vmand @!p1 vm1, vm2  }
0x3c3: {  	v5 =	vand.u32 $0x7F, v5;
	v4 =	vshll.u32 v4, $0x7;
	v8 =	vsel @!p1 vm1, $0xFFFFFFFF, v9  }
0x3c4: {  	v4 =	vadd.s32 v61, v4;
	v3 =	vsub.s32 @!p1 v3, v7;
	v6 =	vadd.s32 @!p1 v8, v6  }
0x3c5: {  	v62 =	vld [tilespmem:s25+$0x0];
	v4 =	vor.u32 v5, v4;
	v5 =	vand.u32 @!p1 $0xFFFFFF80, v3;
	v6 =	vshll.u32 @!p1 v6, $0x7  }
0x3c6: {  	v63 =	vld [tilespmem:s25+$0xC00];
	v3 =	vand.u32 @!p1 $0x7F, v3;
	v5 =	vadd.s32 @!p1 v5, v6  }
0x3c7: {  	p2 =	slt.u32 @!p1 s4, $0x11;
	v3 =	vor.u32 @!p1 v3, v5  }
0x3c8: {  	p2 =	por p1, p2  }
.Ltmp18:
0x3c9: {  	_ = 	snop;
	(pc) =	sbr.rel @p2 .LBB2_29-.Ltmp18, $4  }
0x3ca: {  	[tilespmem:v4+s15+$0x0] =	vst.idx.msk vm0, v62  }
0x3cb: {  	[tilespmem:v4+s16+$0x0] =	vst.idx.msk vm0, v63;
	s25 =	simm.s32 @!p1 $0x2400  }
0x3cc: {  	v4 =	vimm.s32 @!p1 $0x2710;
	[tilespmem:v3+s25+$0x0] =	vst.idx.msk @!p1 $0xffff, v9;
	s25 =	simm.s32 @!p1 $0x3C00  }
0x3cd: {  	[tilespmem:v3+s25+$0x0] =	vst.idx.msk @!p1 $0xffff, v4  }
0x3ce: {  	s25 =	sadd.s32 $0x10, s21  }
0x3cf: {  	v3 =	vadd.s32 s25, v1  }
0x3d0: {  	v4 =	vshra.s32 v3, $0x1F  }
0x3d1: {  	v4 =	vshrl.u32 v4, $0x1A  }
0x3d2: {  	p1 =	slt.u32 s4, $0x21;
	v4 =	vadd.s32 v4, v3  }
0x3d3: {  	s25 =	sadd.s32 @!p1 $0x20, s21;
	v6 =	vlaneseq.u32 @!p1;
	p2 =	slt.u32 @!p1 s4, $0x31;
	v11 =	vimm.s32 @!p1 $0x0;
	v4 =	vshra.s32 v4, $0x6  }
0x3d4: {  	vm0 =	vlt.s32 v3, $0x1;
	v6 =	vadd.s32 @!p1 s25, v6;
	p2 =	por p2, p1;
	v5 =	vshll.u32 v4, $0x6  }
0x3d5: {  	v8 =	vshra.s32 @!p1 v6, $0x1F;
	v12 =	vimm.s32 @!p2 $0x0;
	vm1 =	vne.s32 v3, v5  }
0x3d6: {  	v3 =	vsub.s32 v3, v5;
	v5 =	vshrl.u32 @!p1 v8, $0x1A;
	v8 =	vlaneseq.u32 @!p2  }
0x3d7: {  	s25 =	sadd.s32 @!p2 $0x30, s21;
	vm0 =	vmand vm0, vm1;
	v63 =	vand.u32 $0xFFFFFF80, v3;
	v5 =	vadd.s32 @!p1 v5, v6  }
0x3d8: {  	v3 =	vand.u32 $0x7F, v3;
	v8 =	vadd.s32 @!p2 s25, v8;
	v5 =	vshra.s32 @!p1 v5, $0x6  }
0x3d9: {  	v7 =	vsel vm0, $0xFFFFFFFF, v0;
	v10 =	vshra.s32 @!p2 v8, $0x1F;
	v9 =	vshll.u32 @!p1 v5, $0x6  }
0x3da: {  	vm0 =	vlt.s32 @!p1 v6, $0x1;
	v10 =	vshrl.u32 @!p2 v10, $0x1A;
	vm1 =	vne.s32 @!p1 v6, v9  }
0x3db: {  	v4 =	vadd.s32 v7, v4;
	v10 =	vadd.s32 @!p2 v10, v8;
	vm0 =	vmand @!p1 vm0, vm1  }
0x3dc: {  	v4 =	vshll.u32 v4, $0x7;
	v10 =	vshra.s32 @!p2 v10, $0x6;
	v7 =	vsel @!p1 vm0, $0xFFFFFFFF, v11  }
0x3dd: {  	v6 =	vsub.s32 @!p1 v6, v9;
	v5 =	vadd.s32 @!p1 v7, v5;
	v7 =	vshll.u32 @!p2 v10, $0x6  }
0x3de: {  	v4 =	vadd.s32 v63, v4;
	vm0 =	vlt.s32 @!p2 v8, $0x1;
	vm1 =	vne.s32 @!p2 v8, v7  }
0x3df: {  	v9 =	vand.u32 @!p1 $0xFFFFFF80, v6;
	v5 =	vshll.u32 @!p1 v5, $0x7;
	vm0 =	vmand @!p2 vm0, vm1  }
0x3e0: {  	v3 =	vor.u32 v3, v4;
	v4 =	vadd.s32 @!p1 v9, v5;
	v5 =	vsel @!p2 vm0, $0xFFFFFFFF, v12  }
0x3e1: {  	v6 =	vand.u32 @!p1 $0x7F, v6;
	v7 =	vsub.s32 @!p2 v8, v7;
	v5 =	vadd.s32 @!p2 v5, v10  }
0x3e2: {  	v4 =	vor.u32 @!p1 v6, v4;
	v6 =	vand.u32 @!p2 $0xFFFFFF80, v7;
	v5 =	vshll.u32 @!p2 v5, $0x7  }
0x3e3: {  	v5 =	vadd.s32 @!p2 v6, v5;
	v6 =	vand.u32 @!p2 $0x7F, v7  }
0x3e4: {  	v5 =	vor.u32 @!p2 v6, v5  }
0x3e5: {  	[tilespmem:v3+s15+$0x0] =	vst.idx.msk $0xffff, v0  }
0x3e6: {  	s25 =	simm.s32 @!p1 $0x2400;
	[tilespmem:v3+s16+$0x0] =	vst.idx.msk $0xffff, v2  }
0x3e7: {  	v3 =	vimm.s32 @!p1 $0x2710;
	[tilespmem:v4+s25+$0x0] =	vst.idx.msk @!p1 $0xffff, v11;
	s25 =	simm.s32 @!p1 $0x3C00  }
0x3e8: {  	[tilespmem:v4+s25+$0x0] =	vst.idx.msk @!p1 $0xffff, v3;
	s25 =	simm.s32 @!p2 $0x2400  }
0x3e9: {  	v3 =	vimm.s32 @!p2 $0x2710;
	[tilespmem:v5+s25+$0x0] =	vst.idx.msk @!p2 $0xffff, v12;
	s25 =	simm.s32 @!p2 $0x3C00  }
0x3ea: {  	[tilespmem:v5+s25+$0x0] =	vst.idx.msk @!p2 $0xffff, v3  }
.LBB2_29:
0x3eb: {  	s4 =	sadd.s32 s21, s4  }
0x3ec: {  	s21 =	sand.u32 $0x3F, s4  }
0x3ed: {  	s25 =	sshra.s32 s4, $0x1F;
	p1 =	slt.s32 s4, $0x1;
	p2 =	sne.s32 s21, $0x0  }
0x3ee: {  	s31 =	sshrl.u32 s25, $0x1A;
	p1 =	por !p1, !p2  }
0x3ef: {  	s21 =	simm.s32 $0x1;
	s4 =	sadd.s32 s31, s4;
	p1 =	por !p1, !p1  }
0x3f0: {  	s4 =	sshra.s32 s4, $0x6;
	s21 =	simm.s32 @!p1 $0x0  }
0x3f1: {  	s4 =	ssub.s32 s4, s21  }
0x3f2: {  	p1 =	slt.s32 s4, $0x1  }
.Ltmp19:
0x3f3: {  	_ = 	snop;
	(pc) =	sbr.rel @p1 .LBB2_33-.Ltmp19, $1  }
0x3f4: {  	_ =	sdelay $0x3  }
0x3f5: {  	s21 =	simm.s32 $0x40;
	s25 =	simm.s32 $0x5400;
	s31 =	simm.s32 $0x0  }
0x3f6: {  	[tilespmem:s25], [sflag:$0x1] =	stream.indirect.gather [hbm4b:s5+s21], $0x80, s15, s21, $0xb8;
	[tilespmem:$0x1CD00] =	vst v63  }
0x3f7: {  	p2 =	sle.s32 s4, $0x1;
	s21 =	sand.u32 $0x1, s31  }
0x3f8: {  	p1 =	sne.s32 @!p2 s21, $0x0  }
0x3f9: {  	s25 =	simm.s32 $0x2480;
	p6 =	seq.s32 s21, $0x1;
	p3 =	por p1, p2  }
0x3fa: {  	p4 =	por !p6, p2;
	s26 =	simm.s32 @!p3 $0x40;
	s28 =	simm.s32 @!p3 $0x7400  }
0x3fb: {  	[tilespmem:s28], [sflag:$0x2] =	stream.indirect.gather @!p3 [hbm4b:s5+s26], $0x80, s25, s26, $0xb8;
	[tilespmem:$0x1CD00] =	vst v63  }
0x3fc: {  	p2 =	sne.s32 s21, $0x0;
	s26 =	simm.s32 @!p4 $0x40;
	s28 =	simm.s32 @!p4 $0x5400  }
0x3fd: {  	[tilespmem:s28], [sflag:$0x1] =	stream.indirect.gather @!p4 [hbm4b:s5+s26], $0x80, s25, s26, $0xb8;
	[tilespmem:$0x1CD00] =	vst v63  }
0x3fe: {  	s25 =	simm.s32 @!p2 $0x1  }
0x3ff: {  	s21 =	simm.s32 $0x3C00;
	s29 =	simm.s32 @!p2 $0x5;
	_ =	swait.ge @!p2 [sflag:s25], $0x2000  }
0x400: {  	p3 =	sne.s32 s4, $0x1;
	s26 =	simm.s32 @!p2 $0x40;
	[sflag:s25] =	ssyncset.done @!p2 $0x0  }
.Ltmp20:
0x401: {  	s28 =	simm.s32 @!p2 $0x5400;
	[sflag:s25] =	ssyncadd.s32 @!p2 $0xFFFFE000;
	(pc) =	sbr.rel @!p3 .LBB2_32-.Ltmp20, $4  }
0x402: {  	[spmem:s1] =	stream.indirect.scatter.add.f32 @!p2 [tilespmem:s28], [sflag:$0x5], $0x80, s21, s26, $0xb8;
	[tilespmem:$0x1CD00] =	vst v63  }
0x403: {  	p1 =	por p6, p6;
	_ =	swait.ge @!p2 [sflag:s29], $0x2000  }
0x404: {  	s25 =	simm.s32 $0x1;
	s28 =	simm.s32 @p1 $0x2;
	[sflag:s29] =	ssyncset.done @!p2 $0x0  }
0x405: {  	s26 =	simm.s32 $0x2500;
	[sflag:s29] =	ssyncadd.s32 @!p2 $0xFFFFE000;
	s29 =	simm.s32 @p1 $0x7400  }
.LBB2_31:
0x406: {  	_ =	swait.ge @p1 [sflag:s28], $0x2000  }
0x407: {  	s30 =	simm.s32 @p1 $0x40;
	s31 =	smov.u32 s25;
	s25 =	sadd.s32 $0x1, s25  }
0x408: {  	s31 =	sand.u32 $0x1, s31;
	p2 =	sge.s32 s25, s4;
	[sflag:s28] =	ssyncset.done @p1 $0x0  }
0x409: {  	p3 =	sne.s32 @!p2 s31, $0x0;
	[sflag:s28] =	ssyncadd.s32 @p1 $0xFFFFE000;
	s28 =	simm.s32 @p1 $0x4  }
0x40a: {  	[spmem:s1] =	stream.indirect.scatter.add.f32 @p1 [tilespmem:s29], [sflag:$0x4], $0x80, s21, s30, $0xb8;
	[tilespmem:$0x1CD00] =	vst v63  }
0x40b: {  	p4 =	seq.s32 s31, $0x1;
	p3 =	por p3, p2;
	_ =	swait.ge @p1 [sflag:s28], $0x2000  }
0x40c: {  	s29 =	simm.s32 @!p3 $0x40;
	s30 =	simm.s32 @!p3 $0x7400;
	[sflag:s28] =	ssyncset.done @p1 $0x0  }
0x40d: {  	p5 =	por !p4, p2;
	p2 =	sne.s32 s4, s25;
	[sflag:s28] =	ssyncadd.s32 @p1 $0xFFFFE000  }
0x40e: {  	[tilespmem:s30], [sflag:$0x2] =	stream.indirect.gather @!p3 [hbm4b:s5+s29], $0x80, s26, s29, $0xb8;
	[tilespmem:$0x1CD00] =	vst v63  }
0x40f: {  	s28 =	simm.s32 @!p5 $0x40;
	s29 =	simm.s32 @!p5 $0x5400;
	p3 =	sne.s32 s31, $0x0  }
0x410: {  	[tilespmem:s29], [sflag:$0x1] =	stream.indirect.gather @!p5 [hbm4b:s5+s28], $0x80, s26, s28, $0xb8;
	[tilespmem:$0x1CD00] =	vst v63  }
0x411: {  	s21 =	sadd.s32 $0x80, s21;
	p1 =	por p4, p4;
	s28 =	simm.s32 @!p3 $0x1  }
0x412: {  	_ =	swait.ge @!p3 [sflag:s28], $0x2000  }
0x413: {  	s30 =	simm.s32 @!p3 $0x5400;
	s29 =	simm.s32 @!p3 $0x40;
	[sflag:s28] =	ssyncset.done @!p3 $0x0  }
.Ltmp21:
0x414: {  	s31 =	simm.s32 @!p3 $0x5;
	[sflag:s28] =	ssyncadd.s32 @!p3 $0xFFFFE000;
	(pc) =	sbr.rel @p2 .LBB2_31-.Ltmp21, $4  }
0x415: {  	[spmem:s1] =	stream.indirect.scatter.add.f32 @!p3 [tilespmem:s30], [sflag:$0x5], $0x80, s21, s29, $0xb8;
	[tilespmem:$0x1CD00] =	vst v63  }
0x416: {  	_ =	swait.ge @!p3 [sflag:s31], $0x2000  }
0x417: {  	s28 =	simm.s32 @p1 $0x2;
	[sflag:s31] =	ssyncset.done @!p3 $0x0  }
0x418: {  	s26 =	sadd.s32 $0x80, s26;
	s29 =	simm.s32 @p1 $0x7400;
	[sflag:s31] =	ssyncadd.s32 @!p3 $0xFFFFE000  }
.Ltmp22:
0x419: {  	_ = 	snop;
	(pc) =	sbr.rel .LBB2_32-.Ltmp22, $1  }
0x41a: {  	_ =	sdelay $0x3  }
.LBB2_34:
0x41b: {  	_ =	sfence.sel $0x180000  }
0x41c: {  	[bflag:$0x0] =	sbarrier.arrive $0xFFFF  }
0x41d: {  	_ =	strace $0x9000004A  }
0x41e: {  	s0 =	stileid.u32;
	[bflag:$0x2] =	sbarrier.arrive $0xFFFF  }
0x41f: {  	p0 =	sne.s32 s0, $0x0;
	s0 =	rddreg [dreg:$0x2]  }
0x420: {  	s0 =	sadd.s32 @!p0 $0x100000, s0  }
0x421: {  	[sflag:s0] =	ssyncadd.tile.s32 @!p0 $0x1;
	_ =	shalt  }
.Lfunc_end2:
_tile_overlayer_lowered:
.L_overlay_start_2:
0x422: {  	(tag) =	ssettag $0x2  }
0x423: {  	s0 =	rddreg [dreg:$0x0];
	s2 =	stileid.u32  }
0x424: {  	s1 =	rddreg [dreg:$0x1];
	p0 =	sne.s32 s2, $0x0  }
0x425: {  	s3 =	rddreg [dreg:$0x2];
	[bflag:$0x3] =	sbarrier.arrive $0xFFFF;
	s2 =	simm.s32 @!p0 $0x1C04  }
0x426: {  	[timem:s3], [sflag:s2] =	dma.local @!p0 [hbm:s0], s1  }
0x427: {  	s0 =	simm.s32 @!p0 $0x4  }
0x428: {  	_ =	swait.ge @!p0 [sflag:s0], s1  }
0x429: {  	s1 =	ssub.s32 @!p0 $0x0, s1;
	[sflag:s0] =	ssyncset.done @!p0 $0x0  }
0x42a: {  	[sflag:s0] =	ssyncadd.s32 @!p0 s1  }
0x42b: {  	[bflag:$0x3] =	sbarrier.arrive $0xFFFF  }
0x42c: {  	_ =	shalt  }

// kernel: kernel.13.cloned.1.call-start
scs
__scs_entry_jumppad:
0x0: {  	(pc) =	sbr.rel $0x88, $3  }
0x1: {  	(tag) =	ssettag $0x0;
	lr =	simm.s32 $0x1  }
0x2: {  	[smem:$0x3F93] =	sst lr;
	_ =	strace $0xD0000000  }
0x3: {  	_ = 	snop  }
0x4: {  	_ = 	snop  }
0x5: {  	_ = 	snop  }
0x6: {  	_ = 	snop  }
0x7: {  	_ = 	snop  }
__scs_overlays_trampoline_lowered:
0x8: {  	[smem:$0x3FA2] =	sst s0  }
0x9: {  	[smem:$0x3FA3] =	sst s1  }
0xa: {  	[smem:$0x3FA4] =	sst s2  }
0xb: {  	[smem:$0x3FA5] =	sst s3  }
0xc: {  	[smem:$0x3FA6] =	sst s4  }
0xd: {  	[smem:$0x3FA7] =	sst s5  }
0xe: {  	[smem:$0x3FA8] =	sst s6  }
0xf: {  	[smem:$0x3FA9] =	sst s7  }
0x10: {  	[smem:$0x3FAA] =	sst s8  }
0x11: {  	[smem:$0x3FAB] =	sst s9;
	s0 =	simm.s32 @!p0 $0x0  }
0x12: {  	s1 =	sld [smem:$0x3F91];
	s0 =	simm.s32 @p0 $0x1  }
0x13: {  	[smem:$0x3FAC] =	sst s0;
	s0 =	simm.s32 @!p1 $0x0  }
0x14: {  	s2 =	sld [smem:$0x3F90];
	s0 =	simm.s32 @p1 $0x1  }
0x15: {  	[smem:$0x3FAD] =	sst s0;
	s0 =	simm.s32 @!p2 $0x0  }
0x16: {  	s3 =	sld [smem:$0x3FDB];
	s0 =	simm.s32 @p2 $0x1  }
0x17: {  	s4 =	simm.s32 $0x1BF5;
	[smem:$0x3FAF] =	sst s0  }
0x18: {  	s0 =	sld [smem:$0x3F92];
	_ =	swait.ge [sflag:s4], $0x0  }
0x19: {  	s7 =	sld [smem:$0x3F93]  }
0x1a: {  	s8 =	sadd.s32 $0xFFFFE003, lr  }
0x1b: {  	s9 =	sadd.s32 $0xFFFFFEF7, lr;
	s5 =	simm.s32 $0xFFFFFFFF;
	p2 =	slt.u32 s8, $0xFFFFF086  }
0x1c: {  	p1 =	slt.u32 s9, $0xF7A;
	s5 =	simm.s32 @!p2 $0x0  }
0x1d: {  	s5 =	simm.s32 @p1 $0x1;
	p0 =	seq.s32 s7, s2  }
0x1e: {  	s7 =	smul.u32 @!p0 $0xF7A, s2;
	p2 =	seq.s32 @!p0 s5, $0x0  }
0x1f: {  	s9 =	smul.u32 $0xF7A, s1;
	s8 =	simm.s32 @!p0 $0x1BF5;
	p2 =	por !p2, p0  }
0x20: {  	[sflag:s8] =	ssyncset.s32 @!p0 $0xFFFFF086;
	s6 =	sadd.s32 @!p0 s3, s7;
	s7 =	simm.s32 @!p0 $0x108  }
0x21: {  	s3 =	sadd.s32 s3, s9;
	s6 =	sadd.s32 @!p0 $0x88, s6;
	s7 =	simm.s32 @p2 $0x1082  }
0x22: {  	[simem:s7], [sflag:s8] =	dma.local @!p0 [hbm:s6], $0xF7A  }
0x23: {  	s9 =	sor.u32 $0xD0000000, s2;
	s6 =	simm.s32 $0x108;
	_ =	swait.ge @!p0 [sflag:s8], $0x0  }
0x24: {  	s3 =	sadd.s32 $0x88, s3;
	s6 =	simm.s32 @!p1 $0x1082;
	[sflag:s4] =	ssyncset.s32 $0xFFFFF086  }
0x25: {  	[simem:s6], [sflag:s4] =	dma.local [hbm:s3], $0xF7A  }
0x26: {  	[smem:$0x3F93] =	sst s1;
	(tag) =	ssettag s2;
	_ =	strace s9  }
0x27: {  	s1 =	sld [smem:$0x3FA3]  }
0x28: {  	s2 =	sld [smem:$0x3FA4]  }
0x29: {  	s4 =	sld [smem:$0x3FA6]  }
0x2a: {  	p0 =	seq.s32 s5, $0x0;
	s5 =	sld [smem:$0x3FA7]  }
0x2b: {  	s6 =	sld [smem:$0x3FA8]  }
0x2c: {  	s7 =	sld [smem:$0x3FA9]  }
0x2d: {  	s3 =	simm.s32 $0x108;
	s8 =	sld [smem:$0x3FAA]  }
0x2e: {  	s3 =	simm.s32 @!p0 $0x1082;
	s9 =	sld [smem:$0x3FAB]  }
0x2f: {  	lr =	sadd.s32 s0, s3;
	s0 =	sld [smem:$0x3FA2]  }
0x30: {  	s3 =	sld [smem:$0x3FA5]  }
0x31: {  	[smem:$0x3FAE] =	sst s10  }
0x32: {  	s10 =	sld [smem:$0x3FAC];
	_ =	sdelay $0x3  }
0x33: {  	p0 =	seq.s32 s10, $0x1;
	s10 =	sld [smem:$0x3FAE];
	_ =	sdelay $0x3  }
0x34: {  	[smem:$0x3FAE] =	sst s10  }
0x35: {  	s10 =	sld [smem:$0x3FAD];
	_ =	sdelay $0x3  }
0x36: {  	p1 =	seq.s32 s10, $0x1;
	s10 =	sld [smem:$0x3FAE];
	_ =	sdelay $0x3  }
0x37: {  	[smem:$0x3FAE] =	sst s10  }
0x38: {  	s10 =	sld [smem:$0x3FAF]  }
0x39: {  	_ = 	snop;
	(pc) =	sbr.ind lr, $3  }
0x3a: {  	_ = 	snop  }
0x3b: {  	_ = 	snop  }
0x3c: {  	p2 =	seq.s32 s10, $0x1;
	s10 =	sld [smem:$0x3FAE]  }
0x3d: {  	_ =	shalt  }
0x3e: {  	_ =	shalt  }
0x3f: {  	_ =	shalt  }
0x40: {  	_ =	shalt  }
0x41: {  	_ =	shalt  }
0x42: {  	_ =	shalt  }
0x43: {  	_ =	shalt  }
0x44: {  	_ =	shalt  }
0x45: {  	_ =	shalt  }
0x46: {  	_ =	shalt  }
0x47: {  	_ =	shalt  }
0x48: {  	_ =	shalt  }
0x49: {  	_ =	shalt  }
0x4a: {  	_ =	shalt  }
0x4b: {  	_ =	shalt  }
0x4c: {  	_ =	shalt  }
0x4d: {  	_ =	shalt  }
0x4e: {  	_ =	shalt  }
0x4f: {  	_ =	shalt  }
0x50: {  	_ =	shalt  }
0x51: {  	_ =	shalt  }
0x52: {  	_ =	shalt  }
0x53: {  	_ =	shalt  }
0x54: {  	_ =	shalt  }
0x55: {  	_ =	shalt  }
0x56: {  	_ =	shalt  }
0x57: {  	_ =	shalt  }
0x58: {  	_ =	shalt  }
0x59: {  	_ =	shalt  }
0x5a: {  	_ =	shalt  }
0x5b: {  	_ =	shalt  }
0x5c: {  	_ =	shalt  }
0x5d: {  	_ =	shalt  }
0x5e: {  	_ =	shalt  }
0x5f: {  	_ =	shalt  }
0x60: {  	_ =	shalt  }
0x61: {  	_ =	shalt  }
0x62: {  	_ =	shalt  }
0x63: {  	_ =	shalt  }
0x64: {  	_ =	shalt  }
0x65: {  	_ =	shalt  }
0x66: {  	_ =	shalt  }
0x67: {  	_ =	shalt  }
0x68: {  	_ =	shalt  }
0x69: {  	_ =	shalt  }
0x6a: {  	_ =	shalt  }
0x6b: {  	_ =	shalt  }
0x6c: {  	_ =	shalt  }
0x6d: {  	_ =	shalt  }
0x6e: {  	_ =	shalt  }
0x6f: {  	_ =	shalt  }
0x70: {  	_ =	shalt  }
0x71: {  	_ =	shalt  }
0x72: {  	_ =	shalt  }
0x73: {  	_ =	shalt  }
0x74: {  	_ =	shalt  }
0x75: {  	_ =	shalt  }
0x76: {  	_ =	shalt  }
0x77: {  	_ =	shalt  }
0x78: {  	_ =	shalt  }
0x79: {  	_ =	shalt  }
0x7a: {  	_ =	shalt  }
0x7b: {  	_ =	shalt  }
0x7c: {  	_ =	shalt  }
0x7d: {  	_ =	shalt  }
0x7e: {  	_ =	shalt  }
0x7f: {  	_ =	shalt  }
0x80: {  	_ =	shalt  }
0x81: {  	_ =	shalt  }
0x82: {  	_ =	shalt  }
0x83: {  	_ =	shalt  }
0x84: {  	_ =	shalt  }
0x85: {  	_ =	shalt  }
0x86: {  	_ =	shalt  }
0x87: {  	_ =	shalt  }
.Lfunc_end0:
.L_simem_size_0:
called_computation.2_lowered:
.L_overlay_start_0:
0x88: {  	s2 =	sld [smem:$0x3FD9]  }
0x89: {  	s3 =	sld [smem:$0x3FFE];
	_ =	sdelay $0x1  }
0x8a: {  	s1 =	srdreg.scid  }
0x8b: {  	s0 =	sand.u32 $0x1, s1  }
0x8c: {  	s14 =	sshll.u32 s0, $0xA;
	s2 =	sadd.s32 s3, s2  }
0x8d: {  	s2 =	sadd.s32 s2, s14  }
0x8e: {  	[smem:$0x3FBA] =	sst s2  }
0x8f: {  	_ = 	snop  }
0x90: {  	s2 =	sld [smem:$0x3FD0];
	_ =	sdelay $0x2  }
0x91: {  	s15 =	simm.s32 $0xA;
	s4 =	simm.s32 $0x10  }
0x92: {  	[smem:s4], [sflag:s15] =	dma.local [hbm:s2], $0x1  }
0x93: {  	_ =	swait.eq [sflag:s15], $0x1  }
0x94: {  	s16 =	sld [smem:$0x10];
	[sflag:s15] =	ssyncset.done $0x0  }
0x95: {  	s17 =	sld [smem:$0x11];
	[sflag:s15] =	ssyncadd.s32 $0xFFFFFFFF  }
0x96: {  	s18 =	sld [smem:$0x12];
	(tm) =	ssettm $0x1  }
0x97: {  	s5 =	sld [smem:$0x3FFB];
	_ =	sdelay $0x3  }
0x98: {  	_ =	strace s5  }
0x99: {  	s5 =	sld [smem:$0x3FFC];
	_ =	sdelay $0x3  }
0x9a: {  	_ =	strace s5  }
0x9b: {  	s5 =	sld [smem:$0x3FFD];
	_ =	sdelay $0x3  }
0x9c: {  	_ =	strace s5  }
0x9d: {  	_ =	strace $0x8FFFFFFF  }
0x9e: {  	s19 =	sld [smem:$0x3FDB];
	_ =	sdelay $0x1  }
0x9f: {  	s6 =	simm.s32 $_scs_section_size  }
0xa0: {  	s7 =	simm.s32 $_size__tile_overlayer_lowered;
	s8 =	simm.s32 $_tile_overlayer_lowered  }
0xa1: {  	s22 =	simm.s32 $0x1BFF;
	s21 =	sshll.u32 s8, $0x1;
	s5 =	sadd.s32 s6, s19  }
0xa2: {  	s9 =	simm.s32 $0x0;
	s20 =	sshll.u32 s7, $0x1;
	s7 =	sadd.s32 s21, s5  }
0xa3: {  	[timem:s9], [sflag:s22] =	dma.local [hbm:s7], s20  }
0xa4: {  	_ =	swait.ge [sflag:s22], s20  }
0xa5: {  	s6 =	ssub.s32 $0x0, s20;
	[sflag:s22] =	ssyncset.done $0x0  }
0xa6: {  	[sflag:s22] =	ssyncadd.s32 s6;
	_ =	sdelay $0x1  }
0xa7: {  	s23 =	simm.s32 $0x1B8B  }
0xa8: {  	_ =	swait.ge [sflag:s23], $0x1  }
0xa9: {  	[sflag:s23] =	ssyncset.done $0x0  }
0xaa: {  	s25 =	simm.s32 $0x1B8E;
	s24 =	sld [smem:$0x3FFE];
	[sflag:s23] =	ssyncadd.s32 $0xFFFFFFFF  }
0xab: {  	s26 =	simm.s32 $execute0_lowered;
	[smem:$0x3FD2] =	sst s25  }
0xac: {  	s7 =	sshll.u32 s26, $0x1;
	_ =	strace $0x8000004C;
	[dreg:$0x1] =	wrdreg $0xFFFFFFFF  }
0xad: {  	s28 =	simm.s32 $_size_execute0_lowered;
	s5 =	sadd.s32 s5, s7;
	[dreg:$0x0] =	wrdreg $0x0  }
0xae: {  	s7 =	sshll.u32 s28, $0x1;
	[dreg:$0x2] =	wrdreg s5  }
0xaf: {  	[dreg:$0x3] =	wrdreg s7  }
0xb0: {  	[dreg:$0x4] =	wrdreg $0xC0  }
0xb1: {  	_ =	task [dreg:s9], $0x5FFFF  }
0xb2: {  	[dreg:$0x1] =	wrdreg $0xFFFFFFFF  }
0xb3: {  	[dreg:$0x0] =	wrdreg $0x60  }
0xb4: {  	[dreg:$0x2] =	wrdreg s24  }
0xb5: {  	[dreg:$0x3] =	wrdreg s16  }
0xb6: {  	[dreg:$0x4] =	wrdreg s17  }
0xb7: {  	[dreg:$0x5] =	wrdreg s18  }
0xb8: {  	[dreg:$0x6] =	wrdreg $0x9  }
0xb9: {  	_ =	task.clear_ibuf [dreg:s9], $0x7FFFF;
	_ =	strace $0x9000004C  }
0xba: {  	s29 =	simm.s32 $0x9;
	_ =	strace $0x8000004E  }
0xbb: {  	_ =	swait.ge [sflag:s29], $0x1  }
0xbc: {  	[sflag:s29] =	ssyncadd.s32 $0xFFFFFFFF  }
0xbd: {  	_ =	strace $0x9000004E  }
0xbe: {  	_ =	sfence  }
0xbf: {  	s30 =	sld [smem:$0x0];
	_ =	sdelay $0x2  }
0xc0: {  	s31 =	sshll.u32 s1, $0xD;
	s1 =	sshrl.u32 s1, $0x2  }
0xc1: {  	s3 =	sand.u32 $0x4000, s31;
	s1 =	sadd.s32 s1, s30  }
0xc2: {  	s0 =	sor.u32 s3, s0;
	s1 =	sshll.u32 s1, $0x11  }
0xc3: {  	s0 =	sor.u32 s1, s0  }
0xc4: {  	s0 =	sadd.s32 $0x8F2B, s0  }
0xc5: {  	[sflag:s0] =	ssyncadd.remote.s32 $0x1  }
0xc6: {  	_ =	sfence.sel $0xFFFF  }
0xc7: {  	[dreg:$0x0] =	wrdreg $0xFFFFFFFF;
	(pc) =	sbr.abs _section_cstart, $3  }
0xc8: {  	[dreg:$0x1] =	wrdreg $0xFFFFFFFF  }
0xc9: {  	_ =	task.clear_ibuf [dreg:s9], $0x2FFFF;
	_ =	strace $0x9FFFFFFF  }
0xca: {  	(tm) =	ssettm $0x7FFFFFFF  }
0xcb: {  	_ =	shalt  }
tec
execute0_lowered:
.L_overlay_start_1:
0x0: {  	(tag) =	ssettag $0x1  }
0x1: {  	s0 =	srdreg.scid  }
0x2: {  	s7 =	sand.u32 $0x1, s0  }
0x3: {  	s5 =	rddreg [dreg:$0x0];
	s0 =	stileid.u32;
	s1 =	sshll.u32 s7, $0x4  }
0x4: {  	s8 =	rddreg [dreg:$0x1];
	s1 =	sor.u32 s0, s1  }
0x5: {  	s13 =	rddreg [dreg:$0x2];
	s18 =	smul.u32 $0x14, s1  }
0x6: {  	s17 =	rddreg [dreg:$0x3];
	s2 =	simm.s32 $0x0  }
0x7: {  	s3 =	simm.s32 $0x2;
	[smem:$0x7FF] =	sst s2;
	s4 =	sadd.s32 s18, s5  }
0x8: {  	s1 =	rddreg [dreg:$0x4];
	_ =	strace $0x8000004D;
	s6 =	sadd.s32 $0xEA00, s4  }
0x9: {  	[tilespmem:s2], [sflag:$0x2] =	stream.linear.gather [hbm4b:s6+s2], $0xA0, $0x38;
	[tilespmem:$0x500] =	vst v63  }
0xa: {  	_ =	swait.ge [sflag:s3], $0xA0  }
0xb: {  	[sflag:s3] =	ssyncset.done $0x0  }
0xc: {  	s11 =	simm.s32 $0x100;
	s10 =	sadd.s32 $0xF400, s4;
	[sflag:s3] =	ssyncadd.s32 $0xFFFFFF60  }
0xd: {  	[tilespmem:s11], [sflag:$0x2] =	stream.linear.gather [hbm4b:s10+s2], $0xA0, $0x38;
	[tilespmem:$0x500] =	vst v63  }
0xe: {  	_ =	swait.ge [sflag:s3], $0xA0  }
0xf: {  	s14 =	simm.s32 $0xA0;
	s15 =	simm.s32 $0x1;
	[sflag:s3] =	ssyncset.done $0x0  }
0x10: {  	s12 =	sadd.s32 $0xEE00, s5;
	s4 =	simm.s32 $0x200;
	[sflag:s3] =	ssyncadd.s32 $0xFFFFFF60  }
0x11: {  	[tilespmem:s4], [sflag:$0x1] =	stream.indirect.gather [hbm4b:s12+s14], $0x1, s2, s14, $0xb8;
	[tilespmem:$0x500] =	vst v63  }
0x12: {  	_ =	swait.ge [sflag:s15], $0xA0  }
0x13: {  	[sflag:s15] =	ssyncset.done $0x0  }
0x14: {  	s16 =	sadd.s32 $0x2A00, s5;
	s5 =	simm.s32 $0x300;
	[sflag:s15] =	ssyncadd.s32 $0xFFFFFF60  }
0x15: {  	[tilespmem:s5], [sflag:$0x1] =	stream.indirect.gather [hbm4b:s16+s14], $0x1, s2, s14, $0xb8;
	[tilespmem:$0x500] =	vst v63  }
0x16: {  	_ =	swait.ge [sflag:s15], $0xA0  }
0x17: {  	[sflag:s15] =	ssyncset.done $0x0  }
0x18: {  	[sflag:s15] =	ssyncadd.s32 $0xFFFFFF60  }
0x19: {  	v2 =	vld [tilespmem:$0x280]  }
0x1a: {  	v5 =	vld [tilespmem:$0x380]  }
0x1b: {  	v14 =	vld [tilespmem:$0x290]  }
0x1c: {  	v7 =	vld [tilespmem:$0x180]  }
0x1d: {  	v0 =	vld [tilespmem:$0x200]  }
0x1e: {  	v11 =	vld [tilespmem:$0x260]  }
0x1f: {  	v16 =	vld [tilespmem:$0x390]  }
0x20: {  	v12 =	vld [tilespmem:$0x360]  }
0x21: {  	s7 =	ssub.s32 $0x2, s7;
	v8 =	vld [tilespmem:$0x230]  }
0x22: {  	s9 =	sshrl.u32 s7, $0x1;
	v6 =	vld [tilespmem:$0x240]  }
0x23: {  	s7 =	ssub.s32 s7, s9;
	v1 =	vld [tilespmem:$0x250]  }
0x24: {  	s19 =	smax.u32 s7, $0x1;
	v13 =	vld [tilespmem:$0x190]  }
0x25: {  	p0 =	sne.s32 s19, $0x1;
	v3 =	vld [tilespmem:$0x350]  }
.Ltmp0:
0x26: {  	v9 =	vld [tilespmem:$0x340];
	(pc) =	sbr.rel @!p0 .LBB2_2-.Ltmp0, $4  }
0x27: {  	v15 =	vld [tilespmem:$0x160]  }
0x28: {  	v10 =	vld [tilespmem:$0x150]  }
0x29: {  	s9 =	sadd.s32 s8, s18;
	s7 =	sadd.s32 s13, s18;
	v4 =	vld [tilespmem:$0x210];
	vm0 =	vgt.s32 v13, $0x0  }
0x2a: {  	s8 =	sadd.s32 s17, s18;
	s13 =	simm.s32 $0x400;
	s17 =	sadd.s32 $0xFFFFFFFF, s19;
	v13 =	vld [tilespmem:$0x140];
	v14 =	vsel vm0, v16, v14  }
.LBB2_1:
0x2b: {  	p0 =	sne.s32 s17, $0x1;
	s17 =	sadd.s32 $0xFFFFFFFF, s17;
	v16 =	vld [tilespmem:$0x220]  }
0x2c: {  	v17 =	vld [tilespmem:$0x330]  }
0x2d: {  	v18 =	vld [tilespmem:$0x310]  }
0x2e: {  	vm0 =	vgt.s32 v15, $0x0;
	v19 =	vld [tilespmem:$0x130]  }
0x2f: {  	v11 =	vsel vm0, v12, v11;
	v12 =	vld [tilespmem:$0x370]  }
0x30: {  	v15 =	vld [tilespmem:$0x320];
	[tilespmem:$0x460] =	vst v11  }
0x31: {  	v11 =	vld [tilespmem:$0x270]  }
0x32: {  	vm0 =	vgt.s32 v7, $0x0;
	v20 =	vld [tilespmem:$0x120]  }
0x33: {  	v2 =	vsel vm0, v5, v2;
	vm1 =	vgt.s32 v19, $0x0;
	v7 =	vld [tilespmem:$0x170];
	[tilespmem:$0x490] =	vst v14  }
0x34: {  	v5 =	vld [tilespmem:$0x110];
	v8 =	vsel vm1, v17, v8;
	[tilespmem:$0x480] =	vst v2  }
0x35: {  	v2 =	vld [tilespmem:$0x100];
	[tilespmem:$0x430] =	vst v8  }
0x36: {  	vm0 =	vgt.s32 v13, $0x0;
	v8 =	vld [tilespmem:$0x300]  }
0x37: {  	v6 =	vsel vm0, v9, v6;
	vm1 =	vgt.s32 v20, $0x0  }
0x38: {  	vm0 =	vgt.s32 v10, $0x0;
	v9 =	vsel vm1, v15, v16;
	[tilespmem:$0x440] =	vst v6  }
0x39: {  	v1 =	vsel vm0, v3, v1;
	vm0 =	vgt.s32 v7, $0x0;
	[tilespmem:$0x420] =	vst v9  }
0x3a: {  	vm2 =	vgt.s32 v5, $0x0;
	vm1 =	vgt.s32 v2, $0x0;
	[tilespmem:$0x450] =	vst v1;
	v1 =	vsel vm0, v12, v11  }
0x3b: {  	v2 =	vsel vm2, v18, v4;
	v0 =	vsel vm1, v8, v0;
	[tilespmem:$0x470] =	vst v1  }
0x3c: {  	[tilespmem:$0x400] =	vst v0  }
0x3d: {  	[tilespmem:$0x410] =	vst v2  }
0x3e: {  	[hbm4b:s9+s2] =	stream.linear.scatter [tilespmem:s13], [sflag:$0x2], $0xA0, $0x38;
	[tilespmem:$0x500] =	vst v63  }
0x3f: {  	_ =	swait.ge [sflag:s3], $0xA0  }
0x40: {  	[sflag:s3] =	ssyncset.done $0x0  }
0x41: {  	[sflag:s3] =	ssyncadd.s32 $0xFFFFFF60  }
0x42: {  	[hbm4b:s7+s2] =	stream.linear.scatter [tilespmem:s5], [sflag:$0x2], $0xA0, $0x38;
	[tilespmem:$0x500] =	vst v63  }
0x43: {  	_ =	swait.ge [sflag:s3], $0xA0  }
0x44: {  	[sflag:s3] =	ssyncset.done $0x0  }
0x45: {  	[sflag:s3] =	ssyncadd.s32 $0xFFFFFF60  }
0x46: {  	[hbm4b:s8+s2] =	stream.linear.scatter [tilespmem:s4], [sflag:$0x2], $0xA0, $0x38;
	[tilespmem:$0x500] =	vst v63  }
0x47: {  	_ =	swait.ge [sflag:s3], $0xA0  }
0x48: {  	[sflag:s3] =	ssyncset.done $0x0  }
0x49: {  	[sflag:s3] =	ssyncadd.s32 $0xFFFFFF60  }
0x4a: {  	[tilespmem:s2], [sflag:$0x2] =	stream.linear.gather [hbm4b:s6+s2], $0xA0, $0x38;
	[tilespmem:$0x500] =	vst v63  }
0x4b: {  	_ =	swait.ge [sflag:s3], $0xA0  }
0x4c: {  	[sflag:s3] =	ssyncset.done $0x0  }
0x4d: {  	[sflag:s3] =	ssyncadd.s32 $0xFFFFFF60  }
0x4e: {  	[tilespmem:s11], [sflag:$0x2] =	stream.linear.gather [hbm4b:s10+s2], $0xA0, $0x38;
	[tilespmem:$0x500] =	vst v63  }
0x4f: {  	_ =	swait.ge [sflag:s3], $0xA0  }
0x50: {  	[sflag:s3] =	ssyncset.done $0x0  }
0x51: {  	[sflag:s3] =	ssyncadd.s32 $0xFFFFFF60  }
0x52: {  	[tilespmem:s4], [sflag:$0x1] =	stream.indirect.gather [hbm4b:s12+s14], $0x1, s2, s14, $0xb8;
	[tilespmem:$0x500] =	vst v63  }
0x53: {  	_ =	swait.ge [sflag:s15], $0xA0  }
0x54: {  	[sflag:s15] =	ssyncset.done $0x0  }
0x55: {  	[sflag:s15] =	ssyncadd.s32 $0xFFFFFF60  }
0x56: {  	[tilespmem:s5], [sflag:$0x1] =	stream.indirect.gather [hbm4b:s16+s14], $0x1, s2, s14, $0xb8;
	[tilespmem:$0x500] =	vst v63  }
0x57: {  	_ =	swait.ge [sflag:s15], $0xA0  }
0x58: {  	[sflag:s15] =	ssyncset.done $0x0  }
0x59: {  	[sflag:s15] =	ssyncadd.s32 $0xFFFFFF60  }
0x5a: {  	v2 =	vld [tilespmem:$0x280]  }
0x5b: {  	v5 =	vld [tilespmem:$0x380]  }
0x5c: {  	v14 =	vld [tilespmem:$0x290]  }
0x5d: {  	v7 =	vld [tilespmem:$0x180]  }
0x5e: {  	v0 =	vld [tilespmem:$0x200]  }
0x5f: {  	v11 =	vld [tilespmem:$0x260]  }
0x60: {  	v16 =	vld [tilespmem:$0x390]  }
0x61: {  	v12 =	vld [tilespmem:$0x360]  }
0x62: {  	v8 =	vld [tilespmem:$0x230]  }
0x63: {  	v6 =	vld [tilespmem:$0x240]  }
0x64: {  	v1 =	vld [tilespmem:$0x250]  }
0x65: {  	v13 =	vld [tilespmem:$0x190]  }
0x66: {  	v3 =	vld [tilespmem:$0x350]  }
.Ltmp1:
0x67: {  	v9 =	vld [tilespmem:$0x340];
	(pc) =	sbr.rel @p0 .LBB2_1-.Ltmp1, $4  }
0x68: {  	v15 =	vld [tilespmem:$0x160]  }
0x69: {  	v10 =	vld [tilespmem:$0x150]  }
0x6a: {  	v4 =	vld [tilespmem:$0x210];
	vm0 =	vgt.s32 v13, $0x0  }
0x6b: {  	v13 =	vld [tilespmem:$0x140];
	v14 =	vsel vm0, v16, v14  }
.LBB2_2:
0x6c: {  	v16 =	vld [tilespmem:$0x220]  }
0x6d: {  	v17 =	vld [tilespmem:$0x330]  }
0x6e: {  	v18 =	vld [tilespmem:$0x130]  }
0x6f: {  	v19 =	vld [tilespmem:$0x370]  }
0x70: {  	v20 =	vld [tilespmem:$0x320]  }
0x71: {  	v21 =	vld [tilespmem:$0x270]  }
0x72: {  	v55 =	vld [tilespmem:$0x120]  }
0x73: {  	v56 =	vld [tilespmem:$0x170];
	vm9 =	vgt.s32 v7, $0x0  }
0x74: {  	v57 =	vld [tilespmem:$0x110];
	[tilespmem:$0x490] =	vst v14;
	vm0 =	vgt.s32 v15, $0x0;
	v2 =	vsel vm9, v5, v2  }
0x75: {  	v58 =	vld [tilespmem:$0x100];
	v11 =	vsel vm0, v12, v11;
	[tilespmem:$0x480] =	vst v2;
	vm12 =	vgt.s32 v10, $0x0  }
0x76: {  	v59 =	vld [tilespmem:$0x300];
	[tilespmem:$0x460] =	vst v11;
	v1 =	vsel vm12, v3, v1;
	vm10 =	vgt.s32 v13, $0x0  }
0x77: {  	v60 =	vld [tilespmem:$0x310];
	[tilespmem:$0x450] =	vst v1;
	vm1 =	vgt.s32 v18, $0x0;
	v6 =	vsel vm10, v9, v6  }
0x78: {  	vm11 =	vgt.s32 v55, $0x0;
	v8 =	vsel vm1, v17, v8;
	[tilespmem:$0x440] =	vst v6  }
0x79: {  	vm13 =	vgt.s32 v56, $0x0;
	v61 =	vsel vm11, v20, v16;
	[tilespmem:$0x430] =	vst v8  }
0x7a: {  	vm14 =	vgt.s32 v58, $0x0;
	v62 =	vsel vm13, v19, v21;
	[tilespmem:$0x420] =	vst v61  }
0x7b: {  	vm15 =	vgt.s32 v57, $0x0;
	v0 =	vsel vm14, v59, v0;
	[tilespmem:$0x470] =	vst v62  }
0x7c: {  	v63 =	vsel vm15, v60, v4;
	[tilespmem:$0x400] =	vst v0  }
0x7d: {  	[tilespmem:$0x410] =	vst v63  }
0x7e: {  	[hbm4b:s9+s2] =	stream.linear.scatter [tilespmem:s13], [sflag:$0x2], $0xA0, $0x38;
	[tilespmem:$0x500] =	vst v63  }
0x7f: {  	_ =	swait.ge [sflag:s3], $0xA0  }
0x80: {  	[sflag:s3] =	ssyncset.done $0x0  }
0x81: {  	[sflag:s3] =	ssyncadd.s32 $0xFFFFFF60  }
0x82: {  	[hbm4b:s7+s2] =	stream.linear.scatter [tilespmem:s5], [sflag:$0x2], $0xA0, $0x38;
	[tilespmem:$0x500] =	vst v63  }
0x83: {  	_ =	swait.ge [sflag:s3], $0xA0  }
0x84: {  	[sflag:s3] =	ssyncset.done $0x0  }
0x85: {  	[sflag:s3] =	ssyncadd.s32 $0xFFFFFF60  }
0x86: {  	[hbm4b:s8+s2] =	stream.linear.scatter [tilespmem:s4], [sflag:$0x2], $0xA0, $0x38;
	[tilespmem:$0x500] =	vst v63  }
0x87: {  	_ =	swait.ge [sflag:s3], $0xA0  }
0x88: {  	[sflag:s3] =	ssyncset.done $0x0  }
0x89: {  	[sflag:s3] =	ssyncadd.s32 $0xFFFFFF60  }
0x8a: {  	_ =	sfence.sel $0x180000  }
0x8b: {  	[bflag:$0x0] =	sbarrier.arrive $0xFFFF  }
0x8c: {  	p0 =	sne.s32 s0, $0x0;
	_ =	strace $0x9000004D  }
0x8d: {  	s0 =	sadd.s32 @!p0 $0x100000, s1;
	[bflag:$0x2] =	sbarrier.arrive $0xFFFF  }
0x8e: {  	[sflag:s0] =	ssyncadd.tile.s32 @!p0 $0x1;
	_ =	shalt  }
.Lfunc_end2:
_tile_overlayer_lowered:
.L_overlay_start_2:
0x8f: {  	(tag) =	ssettag $0x2  }
0x90: {  	s0 =	rddreg [dreg:$0x0];
	s2 =	stileid.u32  }
0x91: {  	s1 =	rddreg [dreg:$0x1];
	p0 =	sne.s32 s2, $0x0  }
0x92: {  	s3 =	rddreg [dreg:$0x2];
	[bflag:$0x3] =	sbarrier.arrive $0xFFFF;
	s2 =	simm.s32 @!p0 $0x1C02  }
0x93: {  	[timem:s3], [sflag:s2] =	dma.local @!p0 [hbm:s0], s1  }
0x94: {  	s0 =	simm.s32 @!p0 $0x2  }
0x95: {  	_ =	swait.ge @!p0 [sflag:s0], s1  }
0x96: {  	s1 =	ssub.s32 @!p0 $0x0, s1;
	[sflag:s0] =	ssyncset.done @!p0 $0x0  }
0x97: {  	[sflag:s0] =	ssyncadd.s32 @!p0 s1  }
0x98: {  	[bflag:$0x3] =	sbarrier.arrive $0xFFFF  }
0x99: {  	_ =	shalt  }

// kernel: kernel.7.cloned.1.call-start
scs
__scs_entry_jumppad:
0x0: {  	(pc) =	sbr.rel $0x88, $3  }
0x1: {  	(tag) =	ssettag $0x0;
	lr =	simm.s32 $0x1  }
0x2: {  	[smem:$0x3F93] =	sst lr;
	_ =	strace $0xD0000000  }
0x3: {  	_ = 	snop  }
0x4: {  	_ = 	snop  }
0x5: {  	_ = 	snop  }
0x6: {  	_ = 	snop  }
0x7: {  	_ = 	snop  }
__scs_overlays_trampoline_lowered:
0x8: {  	[smem:$0x3FA2] =	sst s0  }
0x9: {  	[smem:$0x3FA3] =	sst s1  }
0xa: {  	[smem:$0x3FA4] =	sst s2  }
0xb: {  	[smem:$0x3FA5] =	sst s3  }
0xc: {  	[smem:$0x3FA6] =	sst s4  }
0xd: {  	[smem:$0x3FA7] =	sst s5  }
0xe: {  	[smem:$0x3FA8] =	sst s6  }
0xf: {  	[smem:$0x3FA9] =	sst s7  }
0x10: {  	[smem:$0x3FAA] =	sst s8  }
0x11: {  	[smem:$0x3FAB] =	sst s9;
	s0 =	simm.s32 @!p0 $0x0  }
0x12: {  	s1 =	sld [smem:$0x3F91];
	s0 =	simm.s32 @p0 $0x1  }
0x13: {  	[smem:$0x3FAC] =	sst s0;
	s0 =	simm.s32 @!p1 $0x0  }
0x14: {  	s2 =	sld [smem:$0x3F90];
	s0 =	simm.s32 @p1 $0x1  }
0x15: {  	[smem:$0x3FAD] =	sst s0;
	s0 =	simm.s32 @!p2 $0x0  }
0x16: {  	s3 =	sld [smem:$0x3FDB];
	s0 =	simm.s32 @p2 $0x1  }
0x17: {  	s4 =	simm.s32 $0x1BF5;
	[smem:$0x3FAF] =	sst s0  }
0x18: {  	s0 =	sld [smem:$0x3F92];
	_ =	swait.ge [sflag:s4], $0x0  }
0x19: {  	s7 =	sld [smem:$0x3F93]  }
0x1a: {  	s8 =	sadd.s32 $0xFFFFE003, lr  }
0x1b: {  	s9 =	sadd.s32 $0xFFFFFEF7, lr;
	s5 =	simm.s32 $0xFFFFFFFF;
	p2 =	slt.u32 s8, $0xFFFFF086  }
0x1c: {  	p1 =	slt.u32 s9, $0xF7A;
	s5 =	simm.s32 @!p2 $0x0  }
0x1d: {  	s5 =	simm.s32 @p1 $0x1;
	p0 =	seq.s32 s7, s2  }
0x1e: {  	s7 =	smul.u32 @!p0 $0xF7A, s2;
	p2 =	seq.s32 @!p0 s5, $0x0  }
0x1f: {  	s9 =	smul.u32 $0xF7A, s1;
	s8 =	simm.s32 @!p0 $0x1BF5;
	p2 =	por !p2, p0  }
0x20: {  	[sflag:s8] =	ssyncset.s32 @!p0 $0xFFFFF086;
	s6 =	sadd.s32 @!p0 s3, s7;
	s7 =	simm.s32 @!p0 $0x108  }
0x21: {  	s3 =	sadd.s32 s3, s9;
	s6 =	sadd.s32 @!p0 $0x88, s6;
	s7 =	simm.s32 @p2 $0x1082  }
0x22: {  	[simem:s7], [sflag:s8] =	dma.local @!p0 [hbm:s6], $0xF7A  }
0x23: {  	s9 =	sor.u32 $0xD0000000, s2;
	s6 =	simm.s32 $0x108;
	_ =	swait.ge @!p0 [sflag:s8], $0x0  }
0x24: {  	s3 =	sadd.s32 $0x88, s3;
	s6 =	simm.s32 @!p1 $0x1082;
	[sflag:s4] =	ssyncset.s32 $0xFFFFF086  }
0x25: {  	[simem:s6], [sflag:s4] =	dma.local [hbm:s3], $0xF7A  }
0x26: {  	[smem:$0x3F93] =	sst s1;
	(tag) =	ssettag s2;
	_ =	strace s9  }
0x27: {  	s1 =	sld [smem:$0x3FA3]  }
0x28: {  	s2 =	sld [smem:$0x3FA4]  }
0x29: {  	s4 =	sld [smem:$0x3FA6]  }
0x2a: {  	p0 =	seq.s32 s5, $0x0;
	s5 =	sld [smem:$0x3FA7]  }
0x2b: {  	s6 =	sld [smem:$0x3FA8]  }
0x2c: {  	s7 =	sld [smem:$0x3FA9]  }
0x2d: {  	s3 =	simm.s32 $0x108;
	s8 =	sld [smem:$0x3FAA]  }
0x2e: {  	s3 =	simm.s32 @!p0 $0x1082;
	s9 =	sld [smem:$0x3FAB]  }
0x2f: {  	lr =	sadd.s32 s0, s3;
	s0 =	sld [smem:$0x3FA2]  }
0x30: {  	s3 =	sld [smem:$0x3FA5]  }
0x31: {  	[smem:$0x3FAE] =	sst s10  }
0x32: {  	s10 =	sld [smem:$0x3FAC];
	_ =	sdelay $0x3  }
0x33: {  	p0 =	seq.s32 s10, $0x1;
	s10 =	sld [smem:$0x3FAE];
	_ =	sdelay $0x3  }
0x34: {  	[smem:$0x3FAE] =	sst s10  }
0x35: {  	s10 =	sld [smem:$0x3FAD];
	_ =	sdelay $0x3  }
0x36: {  	p1 =	seq.s32 s10, $0x1;
	s10 =	sld [smem:$0x3FAE];
	_ =	sdelay $0x3  }
0x37: {  	[smem:$0x3FAE] =	sst s10  }
0x38: {  	s10 =	sld [smem:$0x3FAF]  }
0x39: {  	_ = 	snop;
	(pc) =	sbr.ind lr, $3  }
0x3a: {  	_ = 	snop  }
0x3b: {  	_ = 	snop  }
0x3c: {  	p2 =	seq.s32 s10, $0x1;
	s10 =	sld [smem:$0x3FAE]  }
0x3d: {  	_ =	shalt  }
0x3e: {  	_ =	shalt  }
0x3f: {  	_ =	shalt  }
0x40: {  	_ =	shalt  }
0x41: {  	_ =	shalt  }
0x42: {  	_ =	shalt  }
0x43: {  	_ =	shalt  }
0x44: {  	_ =	shalt  }
0x45: {  	_ =	shalt  }
0x46: {  	_ =	shalt  }
0x47: {  	_ =	shalt  }
0x48: {  	_ =	shalt  }
0x49: {  	_ =	shalt  }
0x4a: {  	_ =	shalt  }
0x4b: {  	_ =	shalt  }
0x4c: {  	_ =	shalt  }
0x4d: {  	_ =	shalt  }
0x4e: {  	_ =	shalt  }
0x4f: {  	_ =	shalt  }
0x50: {  	_ =	shalt  }
0x51: {  	_ =	shalt  }
0x52: {  	_ =	shalt  }
0x53: {  	_ =	shalt  }
0x54: {  	_ =	shalt  }
0x55: {  	_ =	shalt  }
0x56: {  	_ =	shalt  }
0x57: {  	_ =	shalt  }
0x58: {  	_ =	shalt  }
0x59: {  	_ =	shalt  }
0x5a: {  	_ =	shalt  }
0x5b: {  	_ =	shalt  }
0x5c: {  	_ =	shalt  }
0x5d: {  	_ =	shalt  }
0x5e: {  	_ =	shalt  }
0x5f: {  	_ =	shalt  }
0x60: {  	_ =	shalt  }
0x61: {  	_ =	shalt  }
0x62: {  	_ =	shalt  }
0x63: {  	_ =	shalt  }
0x64: {  	_ =	shalt  }
0x65: {  	_ =	shalt  }
0x66: {  	_ =	shalt  }
0x67: {  	_ =	shalt  }
0x68: {  	_ =	shalt  }
0x69: {  	_ =	shalt  }
0x6a: {  	_ =	shalt  }
0x6b: {  	_ =	shalt  }
0x6c: {  	_ =	shalt  }
0x6d: {  	_ =	shalt  }
0x6e: {  	_ =	shalt  }
0x6f: {  	_ =	shalt  }
0x70: {  	_ =	shalt  }
0x71: {  	_ =	shalt  }
0x72: {  	_ =	shalt  }
0x73: {  	_ =	shalt  }
0x74: {  	_ =	shalt  }
0x75: {  	_ =	shalt  }
0x76: {  	_ =	shalt  }
0x77: {  	_ =	shalt  }
0x78: {  	_ =	shalt  }
0x79: {  	_ =	shalt  }
0x7a: {  	_ =	shalt  }
0x7b: {  	_ =	shalt  }
0x7c: {  	_ =	shalt  }
0x7d: {  	_ =	shalt  }
0x7e: {  	_ =	shalt  }
0x7f: {  	_ =	shalt  }
0x80: {  	_ =	shalt  }
0x81: {  	_ =	shalt  }
0x82: {  	_ =	shalt  }
0x83: {  	_ =	shalt  }
0x84: {  	_ =	shalt  }
0x85: {  	_ =	shalt  }
0x86: {  	_ =	shalt  }
0x87: {  	_ =	shalt  }
.Lfunc_end0:
.L_simem_size_0:
called_computation_lowered:
.L_overlay_start_0:
0x88: {  	s2 =	sld [smem:$0x3FD9]  }
0x89: {  	s3 =	sld [smem:$0x3FFE];
	_ =	sdelay $0x1  }
0x8a: {  	s1 =	srdreg.scid  }
0x8b: {  	s0 =	sand.u32 $0x1, s1  }
0x8c: {  	s16 =	sshll.u32 s0, $0xA;
	s2 =	sadd.s32 s3, s2  }
0x8d: {  	s2 =	sadd.s32 s2, s16  }
0x8e: {  	[smem:$0x3FBA] =	sst s2  }
0x8f: {  	_ = 	snop  }
0x90: {  	(tm) =	ssettm $0x1  }
0x91: {  	s17 =	sld [smem:$0x3FFB];
	_ =	sdelay $0x3  }
0x92: {  	_ =	strace s17  }
0x93: {  	s2 =	sld [smem:$0x3FFC];
	_ =	sdelay $0x3  }
0x94: {  	_ =	strace s2  }
0x95: {  	s2 =	sld [smem:$0x3FFD];
	_ =	sdelay $0x3  }
0x96: {  	_ =	strace s2  }
0x97: {  	_ =	strace $0x8FFFFFFF  }
0x98: {  	s18 =	sld [smem:$0x3FDB];
	_ =	sdelay $0x1  }
0x99: {  	s19 =	simm.s32 $_scs_section_size  }
0x9a: {  	s4 =	simm.s32 $_size__tile_overlayer_lowered;
	s5 =	simm.s32 $_tile_overlayer_lowered  }
0x9b: {  	s22 =	simm.s32 $0x1BFF;
	s21 =	sshll.u32 s5, $0x1;
	s2 =	sadd.s32 s19, s18  }
0x9c: {  	s6 =	simm.s32 $0x0;
	s20 =	sshll.u32 s4, $0x1;
	s4 =	sadd.s32 s21, s2  }
0x9d: {  	[timem:s6], [sflag:s22] =	dma.local [hbm:s4], s20  }
0x9e: {  	_ =	swait.ge [sflag:s22], s20  }
0x9f: {  	s3 =	ssub.s32 $0x0, s20;
	[sflag:s22] =	ssyncset.done $0x0  }
0xa0: {  	[sflag:s22] =	ssyncadd.s32 s3;
	_ =	sdelay $0x1  }
0xa1: {  	s23 =	simm.s32 $0x1B8B  }
0xa2: {  	_ =	swait.ge [sflag:s23], $0x1  }
0xa3: {  	[sflag:s23] =	ssyncset.done $0x0  }
0xa4: {  	s25 =	simm.s32 $0x1B8E;
	s24 =	sld [smem:$0x3FFE];
	[sflag:s23] =	ssyncadd.s32 $0xFFFFFFFF  }
0xa5: {  	s26 =	simm.s32 $execute0_lowered;
	[smem:$0x3FD2] =	sst s25  }
0xa6: {  	s4 =	sshll.u32 s26, $0x1;
	_ =	strace $0x80000046;
	[dreg:$0x1] =	wrdreg $0xFFFFFFFF  }
0xa7: {  	s28 =	simm.s32 $_size_execute0_lowered;
	s2 =	sadd.s32 s2, s4;
	[dreg:$0x0] =	wrdreg $0x0  }
0xa8: {  	s4 =	sshll.u32 s28, $0x1;
	[dreg:$0x2] =	wrdreg s2  }
0xa9: {  	[dreg:$0x3] =	wrdreg s4  }
0xaa: {  	[dreg:$0x4] =	wrdreg $0xC0  }
0xab: {  	_ =	task [dreg:s6], $0x5FFFF  }
0xac: {  	[dreg:$0x1] =	wrdreg $0xFFFFFFFF  }
0xad: {  	[dreg:$0x0] =	wrdreg $0x60  }
0xae: {  	[dreg:$0x2] =	wrdreg s24  }
0xaf: {  	[dreg:$0x3] =	wrdreg $0xD800  }
0xb0: {  	[dreg:$0x4] =	wrdreg $0xFF80  }
0xb1: {  	[dreg:$0x5] =	wrdreg $0x9  }
0xb2: {  	_ =	task.clear_ibuf [dreg:s6], $0x6FFFF;
	_ =	strace $0x90000046  }
0xb3: {  	s29 =	simm.s32 $0x9;
	_ =	strace $0x80000048  }
0xb4: {  	_ =	swait.ge [sflag:s29], $0x1  }
0xb5: {  	[sflag:s29] =	ssyncadd.s32 $0xFFFFFFFF  }
0xb6: {  	_ =	strace $0x90000048  }
0xb7: {  	_ =	sfence  }
0xb8: {  	s30 =	sld [smem:$0x0];
	_ =	sdelay $0x2  }
0xb9: {  	s31 =	sshll.u32 s1, $0xD;
	s1 =	sshrl.u32 s1, $0x2  }
0xba: {  	s3 =	sand.u32 $0x4000, s31;
	s1 =	sadd.s32 s1, s30  }
0xbb: {  	s0 =	sor.u32 s3, s0;
	s1 =	sshll.u32 s1, $0x11  }
0xbc: {  	s0 =	sor.u32 s1, s0  }
0xbd: {  	s0 =	sadd.s32 $0x8F2B, s0  }
0xbe: {  	[sflag:s0] =	ssyncadd.remote.s32 $0x1  }
0xbf: {  	_ =	sfence.sel $0xFFFF  }
0xc0: {  	[dreg:$0x0] =	wrdreg $0xFFFFFFFF;
	(pc) =	sbr.abs _section_cstart, $3  }
0xc1: {  	[dreg:$0x1] =	wrdreg $0xFFFFFFFF  }
0xc2: {  	_ =	task.clear_ibuf [dreg:s6], $0x2FFFF;
	_ =	strace $0x9FFFFFFF  }
0xc3: {  	(tm) =	ssettm $0x7FFFFFFF  }
tec
execute0_lowered:
.L_overlay_start_1:
0x0: {  	(tag) =	ssettag $0x1  }
0x1: {  	s1 =	rddreg [dreg:$0x0]  }
0x2: {  	s0 =	srdreg.scid;
	s2 =	rddreg [dreg:$0x1]  }
0x3: {  	s9 =	stileid.u32;
	s3 =	rddreg [dreg:$0x2];
	s4 =	simm.s32 $0x0  }
0x4: {  	s16 =	simm.s32 $0x1;
	s28 =	simm.s32 $0x380;
	s29 =	simm.s32 $0x400  }
0x5: {  	s30 =	simm.s32 $0x480;
	s31 =	simm.s32 $0x500;
	s15 =	simm.s32 $0x600  }
0x6: {  	s14 =	simm.s32 $0x680;
	s0 =	sand.u32 $0x1, s0;
	[smem:$0x7FF] =	sst s4  }
0x7: {  	s8 =	sadd.s32 $0xF200, s1;
	p0 =	sne.s32 s9, $0x0;
	p1 =	seq.s32 s9, $0x1  }
0x8: {  	s26 =	sshrl.u32 s3, $0x3;
	s5 =	sshll.u32 s0, $0x4;
	_ =	strace $0x80000047  }
0x9: {  	s0 =	ssub.s32 $0x2, s0;
	[dreg:$0x4] =	wrdreg s8;
	s6 =	sor.u32 s9, s5  }
0xa: {  	[dreg:$0xc] =	wrdreg s26;
	s26 =	simm.s32 $0x300;
	s7 =	smul.u32 $0x3000, s6  }
0xb: {  	s8 =	simm.s32 $0x980;
	s19 =	sshrl.u32 s0, $0x1;
	s6 =	sshll.u32 s6, $0x5  }
0xc: {  	s0 =	ssub.s32 s0, s19;
	s6 =	sadd.s32 s6, s1;
	s7 =	sshrl.u32 s7, $0x3  }
0xd: {  	s19 =	simm.s32 $0xD00;
	s20 =	sadd.s32 $0xEE00, s6;
	s7 =	sadd.s32 s7, s1  }
0xe: {  	s13 =	smax.u32 s0, $0x1;
	[dreg:$0x5] =	wrdreg s20;
	s21 =	sadd.s32 $0x2A00, s7  }
0xf: {  	s0 =	simm.s32 $0x780;
	s22 =	sadd.s32 $0x2B80, s7;
	[dreg:$0x6] =	wrdreg s21  }
0x10: {  	s6 =	simm.s32 $0x880;
	s23 =	sadd.s32 $0x2D00, s7;
	[dreg:$0x7] =	wrdreg s22  }
0x11: {  	s1 =	sadd.s32 s5, s1;
	s24 =	sadd.s32 $0x2E80, s7;
	[dreg:$0x8] =	wrdreg s23  }
.Ltmp0:
0x12: {  	s25 =	sadd.s32 $0xF800, s1;
	[dreg:$0x9] =	wrdreg s24;
	(pc) =	sbr.rel .LBB2_1-.Ltmp0, $4  }
0x13: {  	s20 =	simm.s32 $0x700;
	s1 =	sadd.s32 $0x10200, s1;
	[dreg:$0xa] =	wrdreg s25  }
0x14: {  	s5 =	simm.s32 $0x800;
	s7 =	simm.s32 $0x900;
	[dreg:$0xb] =	wrdreg s1  }
0x15: {  	s21 =	simm.s32 $0x80;
	s22 =	simm.s32 $0x100;
	s23 =	simm.s32 $0x180  }
0x16: {  	v0 =	vimm.f32 $1.000000000e+00;
	s24 =	simm.s32 $0x200;
	s25 =	simm.s32 $0x280;
	s1 =	simm.s32 $0x580  }
.LBB2_4:
0x17: {  	s9 =	rddreg [dreg:$0x4]  }
0x18: {  	s10 =	rddreg [dreg:$0xc];
	s11 =	simm.s32 $0x1C41  }
0x19: {  	[spmem:s10], [sflag:s11] =	dma.local [hbm:s9], $0x4F0  }
.LBB2_5:
0x1a: {  	_ =	swait.ge [sflag:s16], $0x4F0  }
0x1b: {  	[sflag:s16] =	ssyncset.done $0x0  }
0x1c: {  	p2 =	por p0, p0;
	[sflag:s16] =	ssyncadd.s32 $0xFFFFFB10  }
.LBB2_6:
0x1d: {  	[bflag:$0x0] =	sbarrier.arrive $0xFFFF  }
0x1e: {  	s10 =	simm.s32 $0xC00;
	s9 =	rddreg [dreg:$0x5]  }
0x1f: {  	[tilespmem:s10], [sflag:$0x1] =	stream.linear.gather [hbm4b:s9+s4], $0x100, $0x38;
	[tilespmem:$0x1270] =	vst v63  }
0x20: {  	_ =	swait.ge [sflag:s16], $0x100  }
0x21: {  	[sflag:s16] =	ssyncset.done $0x0  }
0x22: {  	s17 =	simm.s32 $0x50;
	[sflag:s16] =	ssyncadd.s32 $0xFFFFFF00  }
0x23: {  	[spmem:s3] =	stream.indirect.scatter.add.f32 [tilespmem:s19], [sflag:$0x1], $0x1, s10, s17, $0xb8;
	[tilespmem:$0x1270] =	vst v63  }
0x24: {  	_ =	swait.ge [sflag:s16], $0x50  }
0x25: {  	[sflag:s16] =	ssyncset.done $0x0  }
0x26: {  	s18 =	simm.s32 $0xC80;
	[sflag:s16] =	ssyncadd.s32 $0xFFFFFFB0  }
0x27: {  	[spmem:s3] =	stream.indirect.scatter.add.f32 [tilespmem:s19], [sflag:$0x1], $0x1, s18, s17, $0xb8;
	[tilespmem:$0x1270] =	vst v63  }
0x28: {  	_ =	swait.ge [sflag:s16], $0x50  }
0x29: {  	[sflag:s16] =	ssyncset.done $0x0  }
0x2a: {  	s11 =	rddreg [dreg:$0x6];
	[sflag:s16] =	ssyncadd.s32 $0xFFFFFFB0  }
0x2b: {  	[tilespmem:s4], [sflag:$0x1] =	stream.linear.gather [hbm4b:s11+s4], $0xA00, $0x38;
	[tilespmem:$0x1270] =	vst v63  }
0x2c: {  	_ =	swait.ge [sflag:s16], $0xA00  }
0x2d: {  	[sflag:s16] =	ssyncset.done $0x0  }
0x2e: {  	[sflag:s16] =	ssyncadd.s32 $0xFFFFF600  }
0x2f: {  	[spmem:s2] =	stream.indirect.scatter.add.f32 [tilespmem:s19], [sflag:$0x1], $0x1, s4, s21, $0xb8;
	[tilespmem:$0x1270] =	vst v63  }
0x30: {  	_ =	swait.ge [sflag:s16], $0x80  }
0x31: {  	[sflag:s16] =	ssyncset.done $0x0  }
0x32: {  	[sflag:s16] =	ssyncadd.s32 $0xFFFFFF80  }
0x33: {  	[spmem:s2] =	stream.indirect.scatter.add.f32 [tilespmem:s19], [sflag:$0x1], $0x1, s21, s21, $0xb8;
	[tilespmem:$0x1270] =	vst v63  }
0x34: {  	_ =	swait.ge [sflag:s16], $0x80  }
0x35: {  	[sflag:s16] =	ssyncset.done $0x0  }
0x36: {  	[sflag:s16] =	ssyncadd.s32 $0xFFFFFF80  }
0x37: {  	[spmem:s2] =	stream.indirect.scatter.add.f32 [tilespmem:s19], [sflag:$0x1], $0x1, s22, s21, $0xb8;
	[tilespmem:$0x1270] =	vst v63  }
0x38: {  	_ =	swait.ge [sflag:s16], $0x80  }
0x39: {  	[sflag:s16] =	ssyncset.done $0x0  }
0x3a: {  	[sflag:s16] =	ssyncadd.s32 $0xFFFFFF80  }
0x3b: {  	[spmem:s2] =	stream.indirect.scatter.add.f32 [tilespmem:s19], [sflag:$0x1], $0x1, s23, s21, $0xb8;
	[tilespmem:$0x1270] =	vst v63  }
0x3c: {  	_ =	swait.ge [sflag:s16], $0x80  }
0x3d: {  	[sflag:s16] =	ssyncset.done $0x0  }
0x3e: {  	[sflag:s16] =	ssyncadd.s32 $0xFFFFFF80  }
0x3f: {  	[spmem:s2] =	stream.indirect.scatter.add.f32 [tilespmem:s19], [sflag:$0x1], $0x1, s24, s21, $0xb8;
	[tilespmem:$0x1270] =	vst v63  }
0x40: {  	_ =	swait.ge [sflag:s16], $0x80  }
0x41: {  	[sflag:s16] =	ssyncset.done $0x0  }
0x42: {  	[sflag:s16] =	ssyncadd.s32 $0xFFFFFF80  }
0x43: {  	[spmem:s2] =	stream.indirect.scatter.add.f32 [tilespmem:s19], [sflag:$0x1], $0x1, s25, s21, $0xb8;
	[tilespmem:$0x1270] =	vst v63  }
0x44: {  	_ =	swait.ge [sflag:s16], $0x80  }
0x45: {  	[sflag:s16] =	ssyncset.done $0x0  }
0x46: {  	[sflag:s16] =	ssyncadd.s32 $0xFFFFFF80  }
0x47: {  	[spmem:s2] =	stream.indirect.scatter.add.f32 [tilespmem:s19], [sflag:$0x1], $0x1, s26, s21, $0xb8;
	[tilespmem:$0x1270] =	vst v63  }
0x48: {  	_ =	swait.ge [sflag:s16], $0x80  }
0x49: {  	[sflag:s16] =	ssyncset.done $0x0  }
0x4a: {  	[sflag:s16] =	ssyncadd.s32 $0xFFFFFF80  }
0x4b: {  	[spmem:s2] =	stream.indirect.scatter.add.f32 [tilespmem:s19], [sflag:$0x1], $0x1, s28, s21, $0xb8;
	[tilespmem:$0x1270] =	vst v63  }
0x4c: {  	_ =	swait.ge [sflag:s16], $0x80  }
0x4d: {  	[sflag:s16] =	ssyncset.done $0x0  }
0x4e: {  	[sflag:s16] =	ssyncadd.s32 $0xFFFFFF80  }
0x4f: {  	[spmem:s2] =	stream.indirect.scatter.add.f32 [tilespmem:s19], [sflag:$0x1], $0x1, s29, s21, $0xb8;
	[tilespmem:$0x1270] =	vst v63  }
0x50: {  	_ =	swait.ge [sflag:s16], $0x80  }
0x51: {  	[sflag:s16] =	ssyncset.done $0x0  }
0x52: {  	[sflag:s16] =	ssyncadd.s32 $0xFFFFFF80  }
0x53: {  	[spmem:s2] =	stream.indirect.scatter.add.f32 [tilespmem:s19], [sflag:$0x1], $0x1, s30, s21, $0xb8;
	[tilespmem:$0x1270] =	vst v63  }
0x54: {  	_ =	swait.ge [sflag:s16], $0x80  }
0x55: {  	[sflag:s16] =	ssyncset.done $0x0  }
0x56: {  	[sflag:s16] =	ssyncadd.s32 $0xFFFFFF80  }
0x57: {  	[spmem:s2] =	stream.indirect.scatter.add.f32 [tilespmem:s19], [sflag:$0x1], $0x1, s31, s21, $0xb8;
	[tilespmem:$0x1270] =	vst v63  }
0x58: {  	_ =	swait.ge [sflag:s16], $0x80  }
0x59: {  	[sflag:s16] =	ssyncset.done $0x0  }
0x5a: {  	[sflag:s16] =	ssyncadd.s32 $0xFFFFFF80  }
0x5b: {  	[spmem:s2] =	stream.indirect.scatter.add.f32 [tilespmem:s19], [sflag:$0x1], $0x1, s1, s21, $0xb8;
	[tilespmem:$0x1270] =	vst v63  }
0x5c: {  	_ =	swait.ge [sflag:s16], $0x80  }
0x5d: {  	[sflag:s16] =	ssyncset.done $0x0  }
0x5e: {  	[sflag:s16] =	ssyncadd.s32 $0xFFFFFF80  }
0x5f: {  	[spmem:s2] =	stream.indirect.scatter.add.f32 [tilespmem:s19], [sflag:$0x1], $0x1, s15, s21, $0xb8;
	[tilespmem:$0x1270] =	vst v63  }
0x60: {  	_ =	swait.ge [sflag:s16], $0x80  }
0x61: {  	[sflag:s16] =	ssyncset.done $0x0  }
0x62: {  	[sflag:s16] =	ssyncadd.s32 $0xFFFFFF80  }
0x63: {  	[spmem:s2] =	stream.indirect.scatter.add.f32 [tilespmem:s19], [sflag:$0x1], $0x1, s14, s21, $0xb8;
	[tilespmem:$0x1270] =	vst v63  }
0x64: {  	_ =	swait.ge [sflag:s16], $0x80  }
0x65: {  	[sflag:s16] =	ssyncset.done $0x0  }
0x66: {  	[sflag:s16] =	ssyncadd.s32 $0xFFFFFF80  }
0x67: {  	[spmem:s2] =	stream.indirect.scatter.add.f32 [tilespmem:s19], [sflag:$0x1], $0x1, s20, s21, $0xb8;
	[tilespmem:$0x1270] =	vst v63  }
0x68: {  	_ =	swait.ge [sflag:s16], $0x80  }
0x69: {  	[sflag:s16] =	ssyncset.done $0x0  }
0x6a: {  	[sflag:s16] =	ssyncadd.s32 $0xFFFFFF80  }
0x6b: {  	[spmem:s2] =	stream.indirect.scatter.add.f32 [tilespmem:s19], [sflag:$0x1], $0x1, s0, s21, $0xb8;
	[tilespmem:$0x1270] =	vst v63  }
0x6c: {  	_ =	swait.ge [sflag:s16], $0x80  }
0x6d: {  	[sflag:s16] =	ssyncset.done $0x0  }
0x6e: {  	[sflag:s16] =	ssyncadd.s32 $0xFFFFFF80  }
0x6f: {  	[spmem:s2] =	stream.indirect.scatter.add.f32 [tilespmem:s19], [sflag:$0x1], $0x1, s5, s21, $0xb8;
	[tilespmem:$0x1270] =	vst v63  }
0x70: {  	_ =	swait.ge [sflag:s16], $0x80  }
0x71: {  	[sflag:s16] =	ssyncset.done $0x0  }
0x72: {  	[sflag:s16] =	ssyncadd.s32 $0xFFFFFF80  }
0x73: {  	[spmem:s2] =	stream.indirect.scatter.add.f32 [tilespmem:s19], [sflag:$0x1], $0x1, s6, s21, $0xb8;
	[tilespmem:$0x1270] =	vst v63  }
0x74: {  	_ =	swait.ge [sflag:s16], $0x80  }
0x75: {  	[sflag:s16] =	ssyncset.done $0x0  }
0x76: {  	[sflag:s16] =	ssyncadd.s32 $0xFFFFFF80  }
0x77: {  	[spmem:s2] =	stream.indirect.scatter.add.f32 [tilespmem:s19], [sflag:$0x1], $0x1, s7, s21, $0xb8;
	[tilespmem:$0x1270] =	vst v63  }
0x78: {  	_ =	swait.ge [sflag:s16], $0x80  }
0x79: {  	[sflag:s16] =	ssyncset.done $0x0  }
0x7a: {  	[sflag:s16] =	ssyncadd.s32 $0xFFFFFF80  }
0x7b: {  	[spmem:s2] =	stream.indirect.scatter.add.f32 [tilespmem:s19], [sflag:$0x1], $0x1, s8, s21, $0xb8;
	[tilespmem:$0x1270] =	vst v63  }
0x7c: {  	_ =	swait.ge [sflag:s16], $0x80  }
0x7d: {  	[sflag:s16] =	ssyncset.done $0x0  }
0x7e: {  	s12 =	rddreg [dreg:$0x7];
	[sflag:s16] =	ssyncadd.s32 $0xFFFFFF80  }
0x7f: {  	[tilespmem:s4], [sflag:$0x1] =	stream.linear.gather [hbm4b:s12+s4], $0xA00, $0x38;
	[tilespmem:$0x1270] =	vst v63  }
0x80: {  	_ =	swait.ge [sflag:s16], $0xA00  }
0x81: {  	[sflag:s16] =	ssyncset.done $0x0  }
0x82: {  	[sflag:s16] =	ssyncadd.s32 $0xFFFFF600  }
0x83: {  	[spmem:s2] =	stream.indirect.scatter.add.f32 [tilespmem:s19], [sflag:$0x1], $0x1, s4, s21, $0xb8;
	[tilespmem:$0x1270] =	vst v63  }
0x84: {  	_ =	swait.ge [sflag:s16], $0x80  }
0x85: {  	[sflag:s16] =	ssyncset.done $0x0  }
0x86: {  	[sflag:s16] =	ssyncadd.s32 $0xFFFFFF80  }
0x87: {  	[spmem:s2] =	stream.indirect.scatter.add.f32 [tilespmem:s19], [sflag:$0x1], $0x1, s21, s21, $0xb8;
	[tilespmem:$0x1270] =	vst v63  }
0x88: {  	_ =	swait.ge [sflag:s16], $0x80  }
0x89: {  	[sflag:s16] =	ssyncset.done $0x0  }
0x8a: {  	[sflag:s16] =	ssyncadd.s32 $0xFFFFFF80  }
0x8b: {  	[spmem:s2] =	stream.indirect.scatter.add.f32 [tilespmem:s19], [sflag:$0x1], $0x1, s22, s21, $0xb8;
	[tilespmem:$0x1270] =	vst v63  }
0x8c: {  	_ =	swait.ge [sflag:s16], $0x80  }
0x8d: {  	[sflag:s16] =	ssyncset.done $0x0  }
0x8e: {  	[sflag:s16] =	ssyncadd.s32 $0xFFFFFF80  }
0x8f: {  	[spmem:s2] =	stream.indirect.scatter.add.f32 [tilespmem:s19], [sflag:$0x1], $0x1, s23, s21, $0xb8;
	[tilespmem:$0x1270] =	vst v63  }
0x90: {  	_ =	swait.ge [sflag:s16], $0x80  }
0x91: {  	[sflag:s16] =	ssyncset.done $0x0  }
0x92: {  	[sflag:s16] =	ssyncadd.s32 $0xFFFFFF80  }
0x93: {  	[spmem:s2] =	stream.indirect.scatter.add.f32 [tilespmem:s19], [sflag:$0x1], $0x1, s24, s21, $0xb8;
	[tilespmem:$0x1270] =	vst v63  }
0x94: {  	_ =	swait.ge [sflag:s16], $0x80  }
0x95: {  	[sflag:s16] =	ssyncset.done $0x0  }
0x96: {  	[sflag:s16] =	ssyncadd.s32 $0xFFFFFF80  }
0x97: {  	[spmem:s2] =	stream.indirect.scatter.add.f32 [tilespmem:s19], [sflag:$0x1], $0x1, s25, s21, $0xb8;
	[tilespmem:$0x1270] =	vst v63  }
0x98: {  	_ =	swait.ge [sflag:s16], $0x80  }
0x99: {  	[sflag:s16] =	ssyncset.done $0x0  }
0x9a: {  	[sflag:s16] =	ssyncadd.s32 $0xFFFFFF80  }
0x9b: {  	[spmem:s2] =	stream.indirect.scatter.add.f32 [tilespmem:s19], [sflag:$0x1], $0x1, s26, s21, $0xb8;
	[tilespmem:$0x1270] =	vst v63  }
0x9c: {  	_ =	swait.ge [sflag:s16], $0x80  }
0x9d: {  	[sflag:s16] =	ssyncset.done $0x0  }
0x9e: {  	[sflag:s16] =	ssyncadd.s32 $0xFFFFFF80  }
0x9f: {  	[spmem:s2] =	stream.indirect.scatter.add.f32 [tilespmem:s19], [sflag:$0x1], $0x1, s28, s21, $0xb8;
	[tilespmem:$0x1270] =	vst v63  }
0xa0: {  	_ =	swait.ge [sflag:s16], $0x80  }
0xa1: {  	[sflag:s16] =	ssyncset.done $0x0  }
0xa2: {  	[sflag:s16] =	ssyncadd.s32 $0xFFFFFF80  }
0xa3: {  	[spmem:s2] =	stream.indirect.scatter.add.f32 [tilespmem:s19], [sflag:$0x1], $0x1, s29, s21, $0xb8;
	[tilespmem:$0x1270] =	vst v63  }
0xa4: {  	_ =	swait.ge [sflag:s16], $0x80  }
0xa5: {  	[sflag:s16] =	ssyncset.done $0x0  }
0xa6: {  	[sflag:s16] =	ssyncadd.s32 $0xFFFFFF80  }
0xa7: {  	[spmem:s2] =	stream.indirect.scatter.add.f32 [tilespmem:s19], [sflag:$0x1], $0x1, s30, s21, $0xb8;
	[tilespmem:$0x1270] =	vst v63  }
0xa8: {  	_ =	swait.ge [sflag:s16], $0x80  }
0xa9: {  	[sflag:s16] =	ssyncset.done $0x0  }
0xaa: {  	[sflag:s16] =	ssyncadd.s32 $0xFFFFFF80  }
0xab: {  	[spmem:s2] =	stream.indirect.scatter.add.f32 [tilespmem:s19], [sflag:$0x1], $0x1, s31, s21, $0xb8;
	[tilespmem:$0x1270] =	vst v63  }
0xac: {  	_ =	swait.ge [sflag:s16], $0x80  }
0xad: {  	[sflag:s16] =	ssyncset.done $0x0  }
0xae: {  	[sflag:s16] =	ssyncadd.s32 $0xFFFFFF80  }
0xaf: {  	[spmem:s2] =	stream.indirect.scatter.add.f32 [tilespmem:s19], [sflag:$0x1], $0x1, s1, s21, $0xb8;
	[tilespmem:$0x1270] =	vst v63  }
0xb0: {  	_ =	swait.ge [sflag:s16], $0x80  }
0xb1: {  	[sflag:s16] =	ssyncset.done $0x0  }
0xb2: {  	[sflag:s16] =	ssyncadd.s32 $0xFFFFFF80  }
0xb3: {  	[spmem:s2] =	stream.indirect.scatter.add.f32 [tilespmem:s19], [sflag:$0x1], $0x1, s15, s21, $0xb8;
	[tilespmem:$0x1270] =	vst v63  }
0xb4: {  	_ =	swait.ge [sflag:s16], $0x80  }
0xb5: {  	[sflag:s16] =	ssyncset.done $0x0  }
0xb6: {  	[sflag:s16] =	ssyncadd.s32 $0xFFFFFF80  }
0xb7: {  	[spmem:s2] =	stream.indirect.scatter.add.f32 [tilespmem:s19], [sflag:$0x1], $0x1, s14, s21, $0xb8;
	[tilespmem:$0x1270] =	vst v63  }
0xb8: {  	_ =	swait.ge [sflag:s16], $0x80  }
0xb9: {  	[sflag:s16] =	ssyncset.done $0x0  }
0xba: {  	[sflag:s16] =	ssyncadd.s32 $0xFFFFFF80  }
0xbb: {  	[spmem:s2] =	stream.indirect.scatter.add.f32 [tilespmem:s19], [sflag:$0x1], $0x1, s20, s21, $0xb8;
	[tilespmem:$0x1270] =	vst v63  }
0xbc: {  	_ =	swait.ge [sflag:s16], $0x80  }
0xbd: {  	[sflag:s16] =	ssyncset.done $0x0  }
0xbe: {  	[sflag:s16] =	ssyncadd.s32 $0xFFFFFF80  }
0xbf: {  	[spmem:s2] =	stream.indirect.scatter.add.f32 [tilespmem:s19], [sflag:$0x1], $0x1, s0, s21, $0xb8;
	[tilespmem:$0x1270] =	vst v63  }
0xc0: {  	_ =	swait.ge [sflag:s16], $0x80  }
0xc1: {  	[sflag:s16] =	ssyncset.done $0x0  }
0xc2: {  	[sflag:s16] =	ssyncadd.s32 $0xFFFFFF80  }
0xc3: {  	[spmem:s2] =	stream.indirect.scatter.add.f32 [tilespmem:s19], [sflag:$0x1], $0x1, s5, s21, $0xb8;
	[tilespmem:$0x1270] =	vst v63  }
0xc4: {  	_ =	swait.ge [sflag:s16], $0x80  }
0xc5: {  	[sflag:s16] =	ssyncset.done $0x0  }
0xc6: {  	[sflag:s16] =	ssyncadd.s32 $0xFFFFFF80  }
0xc7: {  	[spmem:s2] =	stream.indirect.scatter.add.f32 [tilespmem:s19], [sflag:$0x1], $0x1, s6, s21, $0xb8;
	[tilespmem:$0x1270] =	vst v63  }
0xc8: {  	_ =	swait.ge [sflag:s16], $0x80  }
0xc9: {  	[sflag:s16] =	ssyncset.done $0x0  }
0xca: {  	[sflag:s16] =	ssyncadd.s32 $0xFFFFFF80  }
0xcb: {  	[spmem:s2] =	stream.indirect.scatter.add.f32 [tilespmem:s19], [sflag:$0x1], $0x1, s7, s21, $0xb8;
	[tilespmem:$0x1270] =	vst v63  }
0xcc: {  	_ =	swait.ge [sflag:s16], $0x80  }
0xcd: {  	[sflag:s16] =	ssyncset.done $0x0  }
0xce: {  	[sflag:s16] =	ssyncadd.s32 $0xFFFFFF80  }
0xcf: {  	[spmem:s2] =	stream.indirect.scatter.add.f32 [tilespmem:s19], [sflag:$0x1], $0x1, s8, s21, $0xb8;
	[tilespmem:$0x1270] =	vst v63  }
0xd0: {  	_ =	swait.ge [sflag:s16], $0x80  }
0xd1: {  	[sflag:s16] =	ssyncset.done $0x0  }
0xd2: {  	s17 =	rddreg [dreg:$0x8];
	[sflag:s16] =	ssyncadd.s32 $0xFFFFFF80  }
0xd3: {  	[tilespmem:s4], [sflag:$0x1] =	stream.linear.gather [hbm4b:s17+s4], $0xA00, $0x38;
	[tilespmem:$0x1270] =	vst v63  }
0xd4: {  	_ =	swait.ge [sflag:s16], $0xA00  }
0xd5: {  	[sflag:s16] =	ssyncset.done $0x0  }
0xd6: {  	[sflag:s16] =	ssyncadd.s32 $0xFFFFF600  }
0xd7: {  	[spmem:s2] =	stream.indirect.scatter.add.f32 [tilespmem:s19], [sflag:$0x1], $0x1, s4, s21, $0xb8;
	[tilespmem:$0x1270] =	vst v63  }
0xd8: {  	_ =	swait.ge [sflag:s16], $0x80  }
0xd9: {  	[sflag:s16] =	ssyncset.done $0x0  }
0xda: {  	[sflag:s16] =	ssyncadd.s32 $0xFFFFFF80  }
0xdb: {  	[spmem:s2] =	stream.indirect.scatter.add.f32 [tilespmem:s19], [sflag:$0x1], $0x1, s21, s21, $0xb8;
	[tilespmem:$0x1270] =	vst v63  }
0xdc: {  	_ =	swait.ge [sflag:s16], $0x80  }
0xdd: {  	[sflag:s16] =	ssyncset.done $0x0  }
0xde: {  	[sflag:s16] =	ssyncadd.s32 $0xFFFFFF80  }
0xdf: {  	[spmem:s2] =	stream.indirect.scatter.add.f32 [tilespmem:s19], [sflag:$0x1], $0x1, s22, s21, $0xb8;
	[tilespmem:$0x1270] =	vst v63  }
0xe0: {  	_ =	swait.ge [sflag:s16], $0x80  }
0xe1: {  	[sflag:s16] =	ssyncset.done $0x0  }
0xe2: {  	[sflag:s16] =	ssyncadd.s32 $0xFFFFFF80  }
0xe3: {  	[spmem:s2] =	stream.indirect.scatter.add.f32 [tilespmem:s19], [sflag:$0x1], $0x1, s23, s21, $0xb8;
	[tilespmem:$0x1270] =	vst v63  }
0xe4: {  	_ =	swait.ge [sflag:s16], $0x80  }
0xe5: {  	[sflag:s16] =	ssyncset.done $0x0  }
0xe6: {  	[sflag:s16] =	ssyncadd.s32 $0xFFFFFF80  }
0xe7: {  	[spmem:s2] =	stream.indirect.scatter.add.f32 [tilespmem:s19], [sflag:$0x1], $0x1, s24, s21, $0xb8;
	[tilespmem:$0x1270] =	vst v63  }
0xe8: {  	_ =	swait.ge [sflag:s16], $0x80  }
0xe9: {  	[sflag:s16] =	ssyncset.done $0x0  }
0xea: {  	[sflag:s16] =	ssyncadd.s32 $0xFFFFFF80  }
0xeb: {  	[spmem:s2] =	stream.indirect.scatter.add.f32 [tilespmem:s19], [sflag:$0x1], $0x1, s25, s21, $0xb8;
	[tilespmem:$0x1270] =	vst v63  }
0xec: {  	_ =	swait.ge [sflag:s16], $0x80  }
0xed: {  	[sflag:s16] =	ssyncset.done $0x0  }
0xee: {  	[sflag:s16] =	ssyncadd.s32 $0xFFFFFF80  }
0xef: {  	[spmem:s2] =	stream.indirect.scatter.add.f32 [tilespmem:s19], [sflag:$0x1], $0x1, s26, s21, $0xb8;
	[tilespmem:$0x1270] =	vst v63  }
0xf0: {  	_ =	swait.ge [sflag:s16], $0x80  }
0xf1: {  	[sflag:s16] =	ssyncset.done $0x0  }
0xf2: {  	[sflag:s16] =	ssyncadd.s32 $0xFFFFFF80  }
0xf3: {  	[spmem:s2] =	stream.indirect.scatter.add.f32 [tilespmem:s19], [sflag:$0x1], $0x1, s28, s21, $0xb8;
	[tilespmem:$0x1270] =	vst v63  }
0xf4: {  	_ =	swait.ge [sflag:s16], $0x80  }
0xf5: {  	[sflag:s16] =	ssyncset.done $0x0  }
0xf6: {  	[sflag:s16] =	ssyncadd.s32 $0xFFFFFF80  }
0xf7: {  	[spmem:s2] =	stream.indirect.scatter.add.f32 [tilespmem:s19], [sflag:$0x1], $0x1, s29, s21, $0xb8;
	[tilespmem:$0x1270] =	vst v63  }
0xf8: {  	_ =	swait.ge [sflag:s16], $0x80  }
0xf9: {  	[sflag:s16] =	ssyncset.done $0x0  }
0xfa: {  	[sflag:s16] =	ssyncadd.s32 $0xFFFFFF80  }
0xfb: {  	[spmem:s2] =	stream.indirect.scatter.add.f32 [tilespmem:s19], [sflag:$0x1], $0x1, s30, s21, $0xb8;
	[tilespmem:$0x1270] =	vst v63  }
0xfc: {  	_ =	swait.ge [sflag:s16], $0x80  }
0xfd: {  	[sflag:s16] =	ssyncset.done $0x0  }
0xfe: {  	[sflag:s16] =	ssyncadd.s32 $0xFFFFFF80  }
0xff: {  	[spmem:s2] =	stream.indirect.scatter.add.f32 [tilespmem:s19], [sflag:$0x1], $0x1, s31, s21, $0xb8;
	[tilespmem:$0x1270] =	vst v63  }
0x100: {  	_ =	swait.ge [sflag:s16], $0x80  }
0x101: {  	[sflag:s16] =	ssyncset.done $0x0  }
0x102: {  	[sflag:s16] =	ssyncadd.s32 $0xFFFFFF80  }
0x103: {  	[spmem:s2] =	stream.indirect.scatter.add.f32 [tilespmem:s19], [sflag:$0x1], $0x1, s1, s21, $0xb8;
	[tilespmem:$0x1270] =	vst v63  }
0x104: {  	_ =	swait.ge [sflag:s16], $0x80  }
0x105: {  	[sflag:s16] =	ssyncset.done $0x0  }
0x106: {  	[sflag:s16] =	ssyncadd.s32 $0xFFFFFF80  }
0x107: {  	[spmem:s2] =	stream.indirect.scatter.add.f32 [tilespmem:s19], [sflag:$0x1], $0x1, s15, s21, $0xb8;
	[tilespmem:$0x1270] =	vst v63  }
0x108: {  	_ =	swait.ge [sflag:s16], $0x80  }
0x109: {  	[sflag:s16] =	ssyncset.done $0x0  }
0x10a: {  	[sflag:s16] =	ssyncadd.s32 $0xFFFFFF80  }
0x10b: {  	[spmem:s2] =	stream.indirect.scatter.add.f32 [tilespmem:s19], [sflag:$0x1], $0x1, s14, s21, $0xb8;
	[tilespmem:$0x1270] =	vst v63  }
0x10c: {  	_ =	swait.ge [sflag:s16], $0x80  }
0x10d: {  	[sflag:s16] =	ssyncset.done $0x0  }
0x10e: {  	[sflag:s16] =	ssyncadd.s32 $0xFFFFFF80  }
0x10f: {  	[spmem:s2] =	stream.indirect.scatter.add.f32 [tilespmem:s19], [sflag:$0x1], $0x1, s20, s21, $0xb8;
	[tilespmem:$0x1270] =	vst v63  }
0x110: {  	_ =	swait.ge [sflag:s16], $0x80  }
0x111: {  	[sflag:s16] =	ssyncset.done $0x0  }
0x112: {  	[sflag:s16] =	ssyncadd.s32 $0xFFFFFF80  }
0x113: {  	[spmem:s2] =	stream.indirect.scatter.add.f32 [tilespmem:s19], [sflag:$0x1], $0x1, s0, s21, $0xb8;
	[tilespmem:$0x1270] =	vst v63  }
0x114: {  	_ =	swait.ge [sflag:s16], $0x80  }
0x115: {  	[sflag:s16] =	ssyncset.done $0x0  }
0x116: {  	[sflag:s16] =	ssyncadd.s32 $0xFFFFFF80  }
0x117: {  	[spmem:s2] =	stream.indirect.scatter.add.f32 [tilespmem:s19], [sflag:$0x1], $0x1, s5, s21, $0xb8;
	[tilespmem:$0x1270] =	vst v63  }
0x118: {  	_ =	swait.ge [sflag:s16], $0x80  }
0x119: {  	[sflag:s16] =	ssyncset.done $0x0  }
0x11a: {  	[sflag:s16] =	ssyncadd.s32 $0xFFFFFF80  }
0x11b: {  	[spmem:s2] =	stream.indirect.scatter.add.f32 [tilespmem:s19], [sflag:$0x1], $0x1, s6, s21, $0xb8;
	[tilespmem:$0x1270] =	vst v63  }
0x11c: {  	_ =	swait.ge [sflag:s16], $0x80  }
0x11d: {  	[sflag:s16] =	ssyncset.done $0x0  }
0x11e: {  	[sflag:s16] =	ssyncadd.s32 $0xFFFFFF80  }
0x11f: {  	[spmem:s2] =	stream.indirect.scatter.add.f32 [tilespmem:s19], [sflag:$0x1], $0x1, s7, s21, $0xb8;
	[tilespmem:$0x1270] =	vst v63  }
0x120: {  	_ =	swait.ge [sflag:s16], $0x80  }
0x121: {  	[sflag:s16] =	ssyncset.done $0x0  }
0x122: {  	[sflag:s16] =	ssyncadd.s32 $0xFFFFFF80  }
0x123: {  	[spmem:s2] =	stream.indirect.scatter.add.f32 [tilespmem:s19], [sflag:$0x1], $0x1, s8, s21, $0xb8;
	[tilespmem:$0x1270] =	vst v63  }
0x124: {  	_ =	swait.ge [sflag:s16], $0x80  }
0x125: {  	[sflag:s16] =	ssyncset.done $0x0  }
0x126: {  	s18 =	rddreg [dreg:$0x9];
	[sflag:s16] =	ssyncadd.s32 $0xFFFFFF80  }
0x127: {  	[tilespmem:s4], [sflag:$0x1] =	stream.linear.gather [hbm4b:s18+s4], $0xA00, $0x38;
	[tilespmem:$0x1270] =	vst v63  }
0x128: {  	_ =	swait.ge [sflag:s16], $0xA00  }
0x129: {  	[sflag:s16] =	ssyncset.done $0x0  }
0x12a: {  	[sflag:s16] =	ssyncadd.s32 $0xFFFFF600  }
0x12b: {  	[spmem:s2] =	stream.indirect.scatter.add.f32 [tilespmem:s19], [sflag:$0x1], $0x1, s4, s21, $0xb8;
	[tilespmem:$0x1270] =	vst v63  }
0x12c: {  	_ =	swait.ge [sflag:s16], $0x80  }
0x12d: {  	[sflag:s16] =	ssyncset.done $0x0  }
0x12e: {  	[sflag:s16] =	ssyncadd.s32 $0xFFFFFF80  }
0x12f: {  	[spmem:s2] =	stream.indirect.scatter.add.f32 [tilespmem:s19], [sflag:$0x1], $0x1, s21, s21, $0xb8;
	[tilespmem:$0x1270] =	vst v63  }
0x130: {  	_ =	swait.ge [sflag:s16], $0x80  }
0x131: {  	[sflag:s16] =	ssyncset.done $0x0  }
0x132: {  	[sflag:s16] =	ssyncadd.s32 $0xFFFFFF80  }
0x133: {  	[spmem:s2] =	stream.indirect.scatter.add.f32 [tilespmem:s19], [sflag:$0x1], $0x1, s22, s21, $0xb8;
	[tilespmem:$0x1270] =	vst v63  }
0x134: {  	_ =	swait.ge [sflag:s16], $0x80  }
0x135: {  	[sflag:s16] =	ssyncset.done $0x0  }
0x136: {  	[sflag:s16] =	ssyncadd.s32 $0xFFFFFF80  }
0x137: {  	[spmem:s2] =	stream.indirect.scatter.add.f32 [tilespmem:s19], [sflag:$0x1], $0x1, s23, s21, $0xb8;
	[tilespmem:$0x1270] =	vst v63  }
0x138: {  	_ =	swait.ge [sflag:s16], $0x80  }
0x139: {  	[sflag:s16] =	ssyncset.done $0x0  }
0x13a: {  	[sflag:s16] =	ssyncadd.s32 $0xFFFFFF80  }
0x13b: {  	[spmem:s2] =	stream.indirect.scatter.add.f32 [tilespmem:s19], [sflag:$0x1], $0x1, s24, s21, $0xb8;
	[tilespmem:$0x1270] =	vst v63  }
0x13c: {  	_ =	swait.ge [sflag:s16], $0x80  }
0x13d: {  	[sflag:s16] =	ssyncset.done $0x0  }
0x13e: {  	[sflag:s16] =	ssyncadd.s32 $0xFFFFFF80  }
0x13f: {  	[spmem:s2] =	stream.indirect.scatter.add.f32 [tilespmem:s19], [sflag:$0x1], $0x1, s25, s21, $0xb8;
	[tilespmem:$0x1270] =	vst v63  }
0x140: {  	_ =	swait.ge [sflag:s16], $0x80  }
0x141: {  	[sflag:s16] =	ssyncset.done $0x0  }
0x142: {  	[sflag:s16] =	ssyncadd.s32 $0xFFFFFF80  }
0x143: {  	[spmem:s2] =	stream.indirect.scatter.add.f32 [tilespmem:s19], [sflag:$0x1], $0x1, s26, s21, $0xb8;
	[tilespmem:$0x1270] =	vst v63  }
0x144: {  	_ =	swait.ge [sflag:s16], $0x80  }
0x145: {  	[sflag:s16] =	ssyncset.done $0x0  }
0x146: {  	[sflag:s16] =	ssyncadd.s32 $0xFFFFFF80  }
0x147: {  	[spmem:s2] =	stream.indirect.scatter.add.f32 [tilespmem:s19], [sflag:$0x1], $0x1, s28, s21, $0xb8;
	[tilespmem:$0x1270] =	vst v63  }
0x148: {  	_ =	swait.ge [sflag:s16], $0x80  }
0x149: {  	[sflag:s16] =	ssyncset.done $0x0  }
0x14a: {  	[sflag:s16] =	ssyncadd.s32 $0xFFFFFF80  }
0x14b: {  	[spmem:s2] =	stream.indirect.scatter.add.f32 [tilespmem:s19], [sflag:$0x1], $0x1, s29, s21, $0xb8;
	[tilespmem:$0x1270] =	vst v63  }
0x14c: {  	_ =	swait.ge [sflag:s16], $0x80  }
0x14d: {  	[sflag:s16] =	ssyncset.done $0x0  }
0x14e: {  	[sflag:s16] =	ssyncadd.s32 $0xFFFFFF80  }
0x14f: {  	[spmem:s2] =	stream.indirect.scatter.add.f32 [tilespmem:s19], [sflag:$0x1], $0x1, s30, s21, $0xb8;
	[tilespmem:$0x1270] =	vst v63  }
0x150: {  	_ =	swait.ge [sflag:s16], $0x80  }
0x151: {  	[sflag:s16] =	ssyncset.done $0x0  }
0x152: {  	[sflag:s16] =	ssyncadd.s32 $0xFFFFFF80  }
0x153: {  	[spmem:s2] =	stream.indirect.scatter.add.f32 [tilespmem:s19], [sflag:$0x1], $0x1, s31, s21, $0xb8;
	[tilespmem:$0x1270] =	vst v63  }
0x154: {  	_ =	swait.ge [sflag:s16], $0x80  }
0x155: {  	[sflag:s16] =	ssyncset.done $0x0  }
0x156: {  	[sflag:s16] =	ssyncadd.s32 $0xFFFFFF80  }
0x157: {  	[spmem:s2] =	stream.indirect.scatter.add.f32 [tilespmem:s19], [sflag:$0x1], $0x1, s1, s21, $0xb8;
	[tilespmem:$0x1270] =	vst v63  }
0x158: {  	_ =	swait.ge [sflag:s16], $0x80  }
0x159: {  	[sflag:s16] =	ssyncset.done $0x0  }
0x15a: {  	[sflag:s16] =	ssyncadd.s32 $0xFFFFFF80  }
0x15b: {  	[spmem:s2] =	stream.indirect.scatter.add.f32 [tilespmem:s19], [sflag:$0x1], $0x1, s15, s21, $0xb8;
	[tilespmem:$0x1270] =	vst v63  }
0x15c: {  	_ =	swait.ge [sflag:s16], $0x80  }
0x15d: {  	[sflag:s16] =	ssyncset.done $0x0  }
0x15e: {  	[sflag:s16] =	ssyncadd.s32 $0xFFFFFF80  }
0x15f: {  	[spmem:s2] =	stream.indirect.scatter.add.f32 [tilespmem:s19], [sflag:$0x1], $0x1, s14, s21, $0xb8;
	[tilespmem:$0x1270] =	vst v63  }
0x160: {  	_ =	swait.ge [sflag:s16], $0x80  }
0x161: {  	[sflag:s16] =	ssyncset.done $0x0  }
0x162: {  	[sflag:s16] =	ssyncadd.s32 $0xFFFFFF80  }
0x163: {  	[spmem:s2] =	stream.indirect.scatter.add.f32 [tilespmem:s19], [sflag:$0x1], $0x1, s20, s21, $0xb8;
	[tilespmem:$0x1270] =	vst v63  }
0x164: {  	_ =	swait.ge [sflag:s16], $0x80  }
0x165: {  	[sflag:s16] =	ssyncset.done $0x0  }
0x166: {  	[sflag:s16] =	ssyncadd.s32 $0xFFFFFF80  }
0x167: {  	[spmem:s2] =	stream.indirect.scatter.add.f32 [tilespmem:s19], [sflag:$0x1], $0x1, s0, s21, $0xb8;
	[tilespmem:$0x1270] =	vst v63  }
0x168: {  	_ =	swait.ge [sflag:s16], $0x80  }
0x169: {  	[sflag:s16] =	ssyncset.done $0x0  }
0x16a: {  	[sflag:s16] =	ssyncadd.s32 $0xFFFFFF80  }
0x16b: {  	[spmem:s2] =	stream.indirect.scatter.add.f32 [tilespmem:s19], [sflag:$0x1], $0x1, s5, s21, $0xb8;
	[tilespmem:$0x1270] =	vst v63  }
0x16c: {  	_ =	swait.ge [sflag:s16], $0x80  }
0x16d: {  	[sflag:s16] =	ssyncset.done $0x0  }
0x16e: {  	[sflag:s16] =	ssyncadd.s32 $0xFFFFFF80  }
0x16f: {  	[spmem:s2] =	stream.indirect.scatter.add.f32 [tilespmem:s19], [sflag:$0x1], $0x1, s6, s21, $0xb8;
	[tilespmem:$0x1270] =	vst v63  }
0x170: {  	_ =	swait.ge [sflag:s16], $0x80  }
0x171: {  	[sflag:s16] =	ssyncset.done $0x0  }
0x172: {  	[sflag:s16] =	ssyncadd.s32 $0xFFFFFF80  }
0x173: {  	[spmem:s2] =	stream.indirect.scatter.add.f32 [tilespmem:s19], [sflag:$0x1], $0x1, s7, s21, $0xb8;
	[tilespmem:$0x1270] =	vst v63  }
0x174: {  	_ =	swait.ge [sflag:s16], $0x80  }
0x175: {  	[sflag:s16] =	ssyncset.done $0x0  }
0x176: {  	[sflag:s16] =	ssyncadd.s32 $0xFFFFFF80  }
0x177: {  	[spmem:s2] =	stream.indirect.scatter.add.f32 [tilespmem:s19], [sflag:$0x1], $0x1, s8, s21, $0xb8;
	[tilespmem:$0x1270] =	vst v63  }
0x178: {  	_ =	swait.ge [sflag:s16], $0x80  }
0x179: {  	s13 =	sadd.s32 $0xFFFFFFFF, s13;
	[sflag:s16] =	ssyncset.done $0x0  }
0x17a: {  	p3 =	sne.s32 s13, $0x0;
	s9 =	sshrl.u32 @!p0 s2, $0x3;
	[sflag:s16] =	ssyncadd.s32 $0xFFFFFF80  }
0x17b: {  	s10 =	simm.s32 @!p0 $0x1;
	s11 =	simm.s32 @!p0 $0x20;
	[bflag:$0x0] =	sbarrier.arrive $0xFFFF  }
0x17c: {  	s12 =	simm.s32 @!p0 $0x1C01;
	s17 =	simm.s32 @!p0 $0x10;
	s18 =	rddreg [dreg:$0xa]  }
0x17d: {  	[hbm:s18@s11], [sflag:s12] =	dma.strided @!p0 [spmem:s9@s17], $0x4F0, s10, $0x10   }
0x17e: {  	s9 =	stileid.u32;
	s11 =	simm.s32 @p2 $0x1;
	s12 =	simm.s32 @p2 $0x20  }
0x17f: {  	s17 =	simm.s32 @p2 $0x10;
	_ =	swait.ge @!p0 [sflag:s10], $0x4F0;
	s9 =	sshll.u32 @p2 s9, $0x6  }
0x180: {  	[sflag:s10] =	ssyncset.done @!p0 $0x0;
	s9 =	sor.u32 @p2 $0x1C01, s9;
	s18 =	rddreg [dreg:$0xb]  }
.Ltmp1:
0x181: {  	[sflag:s10] =	ssyncadd.s32 @!p0 $0xFFFFFB10;
	s10 =	sshrl.u32 @p2 s3, $0x3;
	(pc) =	sbr.rel @!p3 .LBB2_7-.Ltmp1, $4  }
0x182: {  	[hbm:s18@s12], [sflag:s9] =	dma.strided @p2 [spmem:s10@s17], $0x4F0, s11, $0x10   }
0x183: {  	_ =	swait.ge @p2 [sflag:s11], $0x4F0  }
0x184: {  	[sflag:s11] =	ssyncset.done @p2 $0x0  }
0x185: {  	[sflag:s11] =	ssyncadd.s32 @p2 $0xFFFFFB10  }
.LBB2_1:
0x186: {  	[tilespmem:$0xD00] =	vst v0  }
0x187: {  	[tilespmem:$0xD10] =	vst v0  }
0x188: {  	[tilespmem:$0xD20] =	vst v0  }
.Ltmp2:
0x189: {  	[tilespmem:$0xD30] =	vst v0;
	(pc) =	sbr.rel @p1 .LBB2_4-.Ltmp2, $4  }
0x18a: {  	[tilespmem:$0xD40] =	vst v0  }
0x18b: {  	[tilespmem:$0xD50] =	vst v0  }
0x18c: {  	[tilespmem:$0xD60] =	vst v0  }
0x18d: {  	[tilespmem:$0xD70] =	vst v0  }
.Ltmp3:
0x18e: {  	(pc) =	sbr.rel @p0 .LBB2_6-.Ltmp3, $2  }
0x18f: {  	_ =	sdelay $0x2  }
0x190: {  	p2 =	por $0x0, $0x0  }
.Ltmp4:
0x191: {  	(pc) =	sbr.rel .LBB2_5-.Ltmp4, $3  }
0x192: {  	_ =	sdelay $0x1  }
0x193: {  	s9 =	sshrl.u32 s2, $0x3;
	s10 =	rddreg [dreg:$0x4];
	s11 =	simm.s32 $0x1C01  }
0x194: {  	[spmem:s9], [sflag:s11] =	dma.local [hbm:s10], $0x4F0  }
.LBB2_7:
0x195: {  	_ =	sfence.sel $0x180000  }
0x196: {  	[bflag:$0x0] =	sbarrier.arrive $0xFFFF  }
0x197: {  	_ =	strace $0x90000047  }
0x198: {  	s0 =	stileid.u32;
	[bflag:$0x2] =	sbarrier.arrive $0xFFFF  }
0x199: {  	p0 =	sne.s32 s0, $0x0;
	s0 =	rddreg [dreg:$0x3]  }
0x19a: {  	s0 =	sadd.s32 @!p0 $0x100000, s0  }
0x19b: {  	[sflag:s0] =	ssyncadd.tile.s32 @!p0 $0x1;
	_ =	shalt  }
.Lfunc_end2:
_tile_overlayer_lowered:
.L_overlay_start_2:
0x19c: {  	(tag) =	ssettag $0x2  }
0x19d: {  	s0 =	rddreg [dreg:$0x0];
	s2 =	stileid.u32  }
0x19e: {  	s1 =	rddreg [dreg:$0x1];
	p0 =	sne.s32 s2, $0x0  }
0x19f: {  	s3 =	rddreg [dreg:$0x2];
	[bflag:$0x3] =	sbarrier.arrive $0xFFFF;
	s2 =	simm.s32 @!p0 $0x1C01  }
0x1a0: {  	[timem:s3], [sflag:s2] =	dma.local @!p0 [hbm:s0], s1  }
0x1a1: {  	s0 =	simm.s32 @!p0 $0x1  }
0x1a2: {  	_ =	swait.ge @!p0 [sflag:s0], s1  }
0x1a3: {  	s1 =	ssub.s32 @!p0 $0x0, s1;
	[sflag:s0] =	ssyncset.done @!p0 $0x0  }
0x1a4: {  	[sflag:s0] =	ssyncadd.s32 @!p0 s1  }
0x1a5: {  	[bflag:$0x3] =	sbarrier.arrive $0xFFFF  }
0x1a6: {  	_ =	shalt  }

</sc_bundles>
